<compile_context>
chip_gen: v7x
topology: tpu7x:2x2x1
jax: 0.10.2.dev20260603
libtpu: 0.0.44.dev20260713+nightly
codegen_flags: <defaults>
</compile_context>

<pallas_src>
import functools

import jax
import jax.numpy as jnp
from jax import lax
from jax.experimental import pallas as pl
from jax.experimental.pallas import tpu as pltpu
from jax.experimental.pallas import tpu_sc as plsc


_P = 64
_K = 2
_L = 16
_D = 768
_B = 1024

_info = plsc.get_sparse_core_info()
_NC, _NS, _LANES = _info.num_cores, _info.num_subcores, _info.num_lanes
_NW = _NC * _NS
_ITEMS = _B // _NW


def _route_kernel(cls_ref, pk_ref, sim_ref, idx_ref, rs_ref):
    pk = pk_ref[...]
    pk_norm = pk * jax.lax.rsqrt(
        jnp.maximum(jnp.sum(pk * pk, axis=1, keepdims=True), 1e-12))
    xc = cls_ref[...]
    x_norm = xc * jax.lax.rsqrt(
        jnp.maximum(jnp.sum(xc * xc, axis=1, keepdims=True), 1e-12))
    sim = jnp.dot(x_norm, pk_norm.T, preferred_element_type=jnp.float32)
    sim_ref[...] = sim

    col = jax.lax.broadcasted_iota(jnp.int32, sim.shape, 1)
    i1 = jnp.argmax(sim, axis=1).astype(jnp.int32)
    v1 = jnp.max(sim, axis=1)
    sim2 = jnp.where(col == i1[:, None], -jnp.inf, sim)
    i2 = jnp.argmax(sim2, axis=1).astype(jnp.int32)
    v2 = jnp.max(sim2, axis=1)

    idx_ref[...] = jnp.concatenate([i1[:, None], i2[:, None]], axis=1)
    rs_ref[...] = (jnp.sum(v1 + v2) / jnp.float32(_B)).reshape(1, 1)


_UNROLL = 8


def _sc_mix(prompt_hbm, idx_hbm, x_hbm, out_hbm, idx_v,
            rows_a, rows_b, xb_a, xb_b, ob_a, ob_b,
            gs_a, gs_b, xs_a, xs_b, os_a, os_b):
    wid = lax.axis_index("s") * _NC + lax.axis_index("c")
    base = wid * _ITEMS
    pltpu.sync_copy(idx_hbm.at[pl.ds(base, _ITEMS)], idx_v)

    def issue_in(i, rows, xb, gsem, xsem):
        pltpu.async_copy(prompt_hbm.at[idx_v.at[i]], rows, gsem)
        pltpu.async_copy(x_hbm.at[base + i], xb, xsem)

    def wait_in(rows, xb, gsem, xsem):
        pltpu.make_async_copy(prompt_hbm.at[pl.ds(0, _K)], rows, gsem).wait()
        pltpu.make_async_copy(x_hbm.at[0], xb, xsem).wait()

    def compute(rows, xb, ob):
        @plsc.parallel_loop(0, _L, 1)
        def _(l):
            for c in range(_D // _LANES):
                ss = c * _LANES
                r0 = rows[0, l, pl.ds(ss, _LANES)]
                r1 = rows[1, l, pl.ds(ss, _LANES)]
                xv = xb[l, pl.ds(ss, _LANES)]
                ob[l, pl.ds(ss, _LANES)] = (r0 + r1) * 0.5 + xv

    npairs = _ITEMS // 2
    issue_in(0, rows_a, xb_a, gs_a, xs_a)
    issue_in(1, rows_b, xb_b, gs_b, xs_b)

    def pair(g, carry):
        i0 = 2 * g
        for (i, rows, xb, ob, gsem, xsem, osem) in (
            (i0, rows_a, xb_a, ob_a, gs_a, xs_a, os_a),
            (i0 + 1, rows_b, xb_b, ob_b, gs_b, xs_b, os_b),
        ):
            wait_in(rows, xb, gsem, xsem)

            @pl.when(g > 0)
            def _():
                pltpu.make_async_copy(ob, x_hbm.at[0], osem).wait()

            compute(rows, xb, ob)
            pltpu.async_copy(ob, out_hbm.at[base + i], osem)

            @pl.when(g < npairs - 1)
            def _():
                issue_in(i + 2, rows, xb, gsem, xsem)
        return carry

    lax.fori_loop(0, npairs, pair, 0)
    pltpu.make_async_copy(ob_a, x_hbm.at[0], os_a).wait()
    pltpu.make_async_copy(ob_b, x_hbm.at[0], os_b).wait()


def kernel(x_embed, cls_features, prompt, prompt_key):
    sim, idx, rs = pl.pallas_call(
        _route_kernel,
        out_shape=(
            jax.ShapeDtypeStruct((_B, _P), jnp.float32),
            jax.ShapeDtypeStruct((_B, _K), jnp.int32),
            jax.ShapeDtypeStruct((1, 1), jnp.float32),
        ),
    )(cls_features, prompt_key)

    mix = pl.kernel(
        _sc_mix,
        out_type=jax.ShapeDtypeStruct((_B, _L, _D), jnp.float32),
        mesh=plsc.VectorSubcoreMesh(core_axis_name="c", subcore_axis_name="s"),
        scratch_types=[
            pltpu.VMEM((_ITEMS, _K), jnp.int32),
            pltpu.VMEM((_K, _L, _D), jnp.float32),
            pltpu.VMEM((_K, _L, _D), jnp.float32),
            pltpu.VMEM((_L, _D), jnp.float32),
            pltpu.VMEM((_L, _D), jnp.float32),
            pltpu.VMEM((_L, _D), jnp.float32),
            pltpu.VMEM((_L, _D), jnp.float32),
            pltpu.SemaphoreType.DMA,
            pltpu.SemaphoreType.DMA,
            pltpu.SemaphoreType.DMA,
            pltpu.SemaphoreType.DMA,
            pltpu.SemaphoreType.DMA,
            pltpu.SemaphoreType.DMA,
        ],
    )
    prompted = mix(prompt, idx, x_embed)

    return prompted, rs[0, 0], sim, idx

# --- scband reference (transcript-rebuilt; emitter-appended) ---
"""Pipeline reference for scband-prompt-47871705481491 (READ-ONLY COPY).

The authoritative reference and input builder live on the scoring server;
editing this copy changes nothing except your own understanding.
"""

import jax, jax.numpy as jnp
import numpy as np

POOL_SIZE = 64
TOP_K = 2
LENGTH = 16
EMBED_DIM = 768
BATCH = 1024


def l2_normalize(x, axis):
    square_sum = jnp.sum(x ** 2, axis=axis, keepdims=True)
    x_inv_norm = jax.lax.rsqrt(jnp.maximum(square_sum, 1e-12))
    return x * x_inv_norm


def setup_inputs(seed: int = 0) -> dict:
    key = jax.random.key(seed)
    k1, k2, k3, k4 = jax.random.split(key, 4)
    x_embed = jax.random.normal(k1, (BATCH, LENGTH, EMBED_DIM), dtype=jnp.float32)
    cls_features = jax.random.normal(k2, (BATCH, EMBED_DIM), dtype=jnp.float32)
    # learned parameters: prompt pool and prompt keys (nn.init.uniform_ -> U[0,1])
    prompt = jax.random.uniform(k3, (POOL_SIZE, LENGTH, EMBED_DIM), dtype=jnp.float32)
    prompt_key = jax.random.uniform(k4, (POOL_SIZE, EMBED_DIM), dtype=jnp.float32)
    return {"x_embed": x_embed, "cls_features": cls_features, "prompt": prompt, "prompt_key": prompt_key}


def reference(x_embed, cls_features, prompt, prompt_key):
    # prompt_pool=True, freeze_previous=False path, embedding_key='query_cls'
    prompt_norm = l2_normalize(prompt_key, axis=1)          # [P, D]
    x_embed_norm = l2_normalize(cls_features, axis=1)       # [B, D]
    similarity = jnp.matmul(x_embed_norm, prompt_norm.T)    # [B, P]
    # decouple_prompting=True branch
    _, idx = jax.lax.top_k(similarity, TOP_K)               # [B, k]
    batched_prompt_raw = jnp.take(prompt, idx, axis=0)      # [B, k, L, D] gather
    # prompt_type == 24: mean over selected prompts
    batched_prompt = jnp.mean(batched_prompt_raw, axis=1)   # [B, L, D]
    batched_key_norm = jnp.take(prompt_norm, idx, axis=0)   # [B, k, D]
    sim = batched_key_norm * x_embed_norm[:, None, :]
    reduce_sim = jnp.sum(sim) / x_embed.shape[0]
    prompted_embedding = batched_prompt + x_embed
    return (prompted_embedding, reduce_sim, similarity, idx)

if __name__ == "__main__":
    import jax
    _d = setup_inputs()
    print(jax.jit(kernel)(*tuple(_d.values())))

</pallas_src>

<mosaic_0001>
#map = affine_map<(d0, d1) -> (0, 0, 0)>
#map1 = affine_map<(d0, d1) -> (0, 0)>
module attributes {stable_mosaic.version = 14 : i64} {
  func.func @_sc_mix(%arg0: i32, %arg1: i32, %arg2: memref<64x16x768xf32, #tpu.memory_space<hbm>>, %arg3: memref<1024x2xi32, #tpu.memory_space<hbm>>, %arg4: memref<1024x16x768xf32, #tpu.memory_space<hbm>>, %arg5: memref<1024x16x768xf32, #tpu.memory_space<hbm>>, %arg6: memref<32x2xi32, #tpu.memory_space<vmem>>, %arg7: memref<2x16x768xf32, #tpu.memory_space<vmem>>, %arg8: memref<2x16x768xf32, #tpu.memory_space<vmem>>, %arg9: memref<16x768xf32, #tpu.memory_space<vmem>>, %arg10: memref<16x768xf32, #tpu.memory_space<vmem>>, %arg11: memref<16x768xf32, #tpu.memory_space<vmem>>, %arg12: memref<16x768xf32, #tpu.memory_space<vmem>>, %arg13: memref<!tpu.dma_semaphore, #tpu.memory_space<semaphore_mem>>, %arg14: memref<!tpu.dma_semaphore, #tpu.memory_space<semaphore_mem>>, %arg15: memref<!tpu.dma_semaphore, #tpu.memory_space<semaphore_mem>>, %arg16: memref<!tpu.dma_semaphore, #tpu.memory_space<semaphore_mem>>, %arg17: memref<!tpu.dma_semaphore, #tpu.memory_space<semaphore_mem>>, %arg18: memref<!tpu.dma_semaphore, #tpu.memory_space<semaphore_mem>>) attributes {dimension_semantics = [#tpu.dimension_semantics<core_parallel>, #tpu.dimension_semantics<subcore_parallel>], iteration_bounds = array<i64: 2, 16>, scalar_prefetch = 0 : i64, scratch_operands = 13 : i64, tpu.core_type = #tpu.core_type<sc_vector_subcore>, window_params = [{transform_indices = #map}, {transform_indices = #map1}, {transform_indices = #map}, {transform_indices = #map}]} {
    %mul3A = arith.constant 2 : i32
    %mul3A_0 = arith.muli %arg1, %mul3A : i32
    %add3A = arith.addi %mul3A_0, %arg0 : i32
    %mul3A_1 = arith.constant 32 : i32
    %mul3A_2 = arith.muli %add3A, %mul3A_1 : i32
    "tpu.region"() ({
      %run_scoped3A = tpu.sem_alloc : memref<!tpu.dma_semaphore, #tpu.memory_space<semaphore_mem>>
      %dma_start3A_60 = arith.constant 0 : i32
      %dma_start3A_61 = tpu.memref_slice %arg3[%mul3A_2, %dma_start3A_60] : memref<1024x2xi32, #tpu.memory_space<hbm>> -> memref<32x2xi32, #tpu.memory_space<hbm>>
      %dma_start3A_62 = arith.constant 0 : i32
      %dma_start3A_63 = tpu.memref_slice %arg3[%mul3A_2, %dma_start3A_62] : memref<1024x2xi32, #tpu.memory_space<hbm>> -> memref<32x2xi32, #tpu.memory_space<hbm>>
      tpu.enqueue_dma source(%dma_start3A_63 : memref<32x2xi32, #tpu.memory_space<hbm>>) target(%arg6 : memref<32x2xi32, #tpu.memory_space<vmem>>) target_semaphore(%run_scoped3A : memref<!tpu.dma_semaphore, #tpu.memory_space<semaphore_mem>>)
      %dma_wait3A_64 = arith.constant 0 : i32
      %dma_wait3A_65 = tpu.memref_slice %arg3[%mul3A_2, %dma_wait3A_64] : memref<1024x2xi32, #tpu.memory_space<hbm>> -> memref<32x2xi32, #tpu.memory_space<hbm>>
      %dma_wait3A_66 = arith.constant 0 : i32
      %dma_wait3A_67 = tpu.memref_slice %arg3[%mul3A_2, %dma_wait3A_66] : memref<1024x2xi32, #tpu.memory_space<hbm>> -> memref<32x2xi32, #tpu.memory_space<hbm>>
      tpu.wait_dma2 semaphore(%run_scoped3A : memref<!tpu.dma_semaphore, #tpu.memory_space<semaphore_mem>>) src(%dma_wait3A_67 : memref<32x2xi32, #tpu.memory_space<hbm>>) dst(%arg6 : memref<32x2xi32, #tpu.memory_space<vmem>>)
      tpu.yield
    }) : () -> ()
    %dma_start3A = arith.constant 0 : i32
    %dma_start3A_3 = arith.constant 0 : i32
    %dma_start3A_4 = tpu.memref_slice %arg6[%dma_start3A, %dma_start3A_3] : memref<32x2xi32, #tpu.memory_space<vmem>> -> memref<1x2xi32, #tpu.memory_space<vmem>>
    %dma_start3A_5 = tpu.memref_squeeze %dma_start3A_4 : memref<1x2xi32, #tpu.memory_space<vmem>> -> memref<2xi32, #tpu.memory_space<vmem>>
    %dma_start3A_6 = arith.constant 0 : i32
    %dma_start3A_7 = arith.constant 0 : i32
    %dma_start3A_8 = arith.constant 0 : i32
    %dma_start3A_9 = tpu.memref_slice %arg2[%dma_start3A_6, %dma_start3A_7, %dma_start3A_8] : memref<64x16x768xf32, #tpu.memory_space<hbm>> -> memref<64x16x768xf32, #tpu.memory_space<hbm>>
    tpu.enqueue_indirect_dma source(%dma_start3A_9 : memref<64x16x768xf32, #tpu.memory_space<hbm>>) target(%arg7 : memref<2x16x768xf32, #tpu.memory_space<vmem>>) offsets(%dma_start3A_5 : memref<2xi32, #tpu.memory_space<vmem>>) semaphore(%arg13 : memref<!tpu.dma_semaphore, #tpu.memory_space<semaphore_mem>>)
    %add3A_10 = arith.constant 0 : i32
    %add3A_11 = arith.addi %mul3A_2, %add3A_10 : i32
    %dma_start3A_12 = arith.constant 0 : i32
    %dma_start3A_13 = arith.constant 0 : i32
    %dma_start3A_14 = tpu.memref_slice %arg4[%add3A_11, %dma_start3A_12, %dma_start3A_13] : memref<1024x16x768xf32, #tpu.memory_space<hbm>> -> memref<1x16x768xf32, #tpu.memory_space<hbm>>
    %dma_start3A_15 = tpu.memref_squeeze %dma_start3A_14 : memref<1x16x768xf32, #tpu.memory_space<hbm>> -> memref<16x768xf32, #tpu.memory_space<hbm>>
    %dma_start3A_16 = arith.constant 0 : i32
    %dma_start3A_17 = arith.constant 0 : i32
    %dma_start3A_18 = tpu.memref_slice %arg4[%add3A_11, %dma_start3A_16, %dma_start3A_17] : memref<1024x16x768xf32, #tpu.memory_space<hbm>> -> memref<1x16x768xf32, #tpu.memory_space<hbm>>
    %dma_start3A_19 = tpu.memref_squeeze %dma_start3A_18 : memref<1x16x768xf32, #tpu.memory_space<hbm>> -> memref<16x768xf32, #tpu.memory_space<hbm>>
    tpu.enqueue_dma source(%dma_start3A_19 : memref<16x768xf32, #tpu.memory_space<hbm>>) target(%arg9 : memref<16x768xf32, #tpu.memory_space<vmem>>) target_semaphore(%arg15 : memref<!tpu.dma_semaphore, #tpu.memory_space<semaphore_mem>>)
    %dma_start3A_20 = arith.constant 1 : i32
    %dma_start3A_21 = arith.constant 0 : i32
    %dma_start3A_22 = tpu.memref_slice %arg6[%dma_start3A_20, %dma_start3A_21] : memref<32x2xi32, #tpu.memory_space<vmem>> -> memref<1x2xi32, #tpu.memory_space<vmem>>
    %dma_start3A_23 = tpu.memref_squeeze %dma_start3A_22 : memref<1x2xi32, #tpu.memory_space<vmem>> -> memref<2xi32, #tpu.memory_space<vmem>>
    %dma_start3A_24 = arith.constant 0 : i32
    %dma_start3A_25 = arith.constant 0 : i32
    %dma_start3A_26 = arith.constant 0 : i32
    %dma_start3A_27 = tpu.memref_slice %arg2[%dma_start3A_24, %dma_start3A_25, %dma_start3A_26] : memref<64x16x768xf32, #tpu.memory_space<hbm>> -> memref<64x16x768xf32, #tpu.memory_space<hbm>>
    tpu.enqueue_indirect_dma source(%dma_start3A_27 : memref<64x16x768xf32, #tpu.memory_space<hbm>>) target(%arg8 : memref<2x16x768xf32, #tpu.memory_space<vmem>>) offsets(%dma_start3A_23 : memref<2xi32, #tpu.memory_space<vmem>>) semaphore(%arg14 : memref<!tpu.dma_semaphore, #tpu.memory_space<semaphore_mem>>)
    %add3A_28 = arith.constant 1 : i32
    %add3A_29 = arith.addi %mul3A_2, %add3A_28 : i32
    %dma_start3A_30 = arith.constant 0 : i32
    %dma_start3A_31 = arith.constant 0 : i32
    %dma_start3A_32 = tpu.memref_slice %arg4[%add3A_29, %dma_start3A_30, %dma_start3A_31] : memref<1024x16x768xf32, #tpu.memory_space<hbm>> -> memref<1x16x768xf32, #tpu.memory_space<hbm>>
    %dma_start3A_33 = tpu.memref_squeeze %dma_start3A_32 : memref<1x16x768xf32, #tpu.memory_space<hbm>> -> memref<16x768xf32, #tpu.memory_space<hbm>>
    %dma_start3A_34 = arith.constant 0 : i32
    %dma_start3A_35 = arith.constant 0 : i32
    %dma_start3A_36 = tpu.memref_slice %arg4[%add3A_29, %dma_start3A_34, %dma_start3A_35] : memref<1024x16x768xf32, #tpu.memory_space<hbm>> -> memref<1x16x768xf32, #tpu.memory_space<hbm>>
    %dma_start3A_37 = tpu.memref_squeeze %dma_start3A_36 : memref<1x16x768xf32, #tpu.memory_space<hbm>> -> memref<16x768xf32, #tpu.memory_space<hbm>>
    tpu.enqueue_dma source(%dma_start3A_37 : memref<16x768xf32, #tpu.memory_space<hbm>>) target(%arg10 : memref<16x768xf32, #tpu.memory_space<vmem>>) target_semaphore(%arg16 : memref<!tpu.dma_semaphore, #tpu.memory_space<semaphore_mem>>)
    %scan3A = arith.constant 0 : i32
    %scan3A_38 = arith.constant 0 : i32
    %scan3A_39 = arith.constant 16 : i32
    %scan3A_40 = arith.addi %scan3A_38, %scan3A_39 : i32
    %scan3A_41 = arith.constant 1 : i32
    scf.for %scan3A_60 = %scan3A_38 to %scan3A_40 step %scan3A_41  : i32 {
      %mul3A_61 = arith.constant 2 : i32
      %mul3A_62 = arith.muli %mul3A_61, %scan3A_60 : i32
      %add3A_63 = arith.constant 1 : i32
      %add3A_64 = arith.addi %mul3A_62, %add3A_63 : i32
      %dma_wait3A_65 = arith.constant 0 : i32
      %dma_wait3A_66 = arith.constant 0 : i32
      %dma_wait3A_67 = arith.constant 0 : i32
      %dma_wait3A_68 = tpu.memref_slice %arg2[%dma_wait3A_65, %dma_wait3A_66, %dma_wait3A_67] : memref<64x16x768xf32, #tpu.memory_space<hbm>> -> memref<2x16x768xf32, #tpu.memory_space<hbm>>
      %dma_wait3A_69 = arith.constant 0 : i32
      %dma_wait3A_70 = arith.constant 0 : i32
      %dma_wait3A_71 = arith.constant 0 : i32
      %dma_wait3A_72 = tpu.memref_slice %arg2[%dma_wait3A_69, %dma_wait3A_70, %dma_wait3A_71] : memref<64x16x768xf32, #tpu.memory_space<hbm>> -> memref<2x16x768xf32, #tpu.memory_space<hbm>>
      tpu.wait_dma2 semaphore(%arg13 : memref<!tpu.dma_semaphore, #tpu.memory_space<semaphore_mem>>) src(%dma_wait3A_72 : memref<2x16x768xf32, #tpu.memory_space<hbm>>) dst(%arg7 : memref<2x16x768xf32, #tpu.memory_space<vmem>>)
      %dma_wait3A_73 = arith.constant 0 : i32
      %dma_wait3A_74 = arith.constant 0 : i32
      %dma_wait3A_75 = arith.constant 0 : i32
      %dma_wait3A_76 = tpu.memref_slice %arg4[%dma_wait3A_73, %dma_wait3A_74, %dma_wait3A_75] : memref<1024x16x768xf32, #tpu.memory_space<hbm>> -> memref<1x16x768xf32, #tpu.memory_space<hbm>>
      %dma_wait3A_77 = tpu.memref_squeeze %dma_wait3A_76 : memref<1x16x768xf32, #tpu.memory_space<hbm>> -> memref<16x768xf32, #tpu.memory_space<hbm>>
      %dma_wait3A_78 = arith.constant 0 : i32
      %dma_wait3A_79 = arith.constant 0 : i32
      %dma_wait3A_80 = tpu.memref_slice %arg4[%dma_wait3A_73, %dma_wait3A_78, %dma_wait3A_79] : memref<1024x16x768xf32, #tpu.memory_space<hbm>> -> memref<1x16x768xf32, #tpu.memory_space<hbm>>
      %dma_wait3A_81 = tpu.memref_squeeze %dma_wait3A_80 : memref<1x16x768xf32, #tpu.memory_space<hbm>> -> memref<16x768xf32, #tpu.memory_space<hbm>>
      tpu.wait_dma2 semaphore(%arg15 : memref<!tpu.dma_semaphore, #tpu.memory_space<semaphore_mem>>) src(%dma_wait3A_81 : memref<16x768xf32, #tpu.memory_space<hbm>>) dst(%arg9 : memref<16x768xf32, #tpu.memory_space<vmem>>)
      %gt3A = arith.constant 0 : i32
      %gt3A_82 = arith.cmpi sgt, %scan3A_60, %gt3A : i32
      %convert_element_type3A = arith.extui %gt3A_82 : i1 to i32
      %cond3A = arith.constant 0 : i32
      %cond3A_83 = arith.cmpi ne, %convert_element_type3A, %cond3A : i32
      scf.if %cond3A_83 {
        %dma_wait3A_138 = arith.constant 0 : i32
        %dma_wait3A_139 = arith.constant 0 : i32
        %dma_wait3A_140 = arith.constant 0 : i32
        %dma_wait3A_141 = tpu.memref_slice %arg4[%dma_wait3A_138, %dma_wait3A_139, %dma_wait3A_140] : memref<1024x16x768xf32, #tpu.memory_space<hbm>> -> memref<1x16x768xf32, #tpu.memory_space<hbm>>
        %dma_wait3A_142 = tpu.memref_squeeze %dma_wait3A_141 : memref<1x16x768xf32, #tpu.memory_space<hbm>> -> memref<16x768xf32, #tpu.memory_space<hbm>>
        %dma_wait3A_143 = arith.constant 0 : i32
        %dma_wait3A_144 = arith.constant 0 : i32
        %dma_wait3A_145 = tpu.memref_slice %arg4[%dma_wait3A_138, %dma_wait3A_143, %dma_wait3A_144] : memref<1024x16x768xf32, #tpu.memory_space<hbm>> -> memref<1x16x768xf32, #tpu.memory_space<hbm>>
        %dma_wait3A_146 = tpu.memref_squeeze %dma_wait3A_145 : memref<1x16x768xf32, #tpu.memory_space<hbm>> -> memref<16x768xf32, #tpu.memory_space<hbm>>
        tpu.wait_dma2 semaphore(%arg17 : memref<!tpu.dma_semaphore, #tpu.memory_space<semaphore_mem>>) src(%arg11 : memref<16x768xf32, #tpu.memory_space<vmem>>) dst(%dma_wait3A_146 : memref<16x768xf32, #tpu.memory_space<hbm>>)
      } else {
      }
      %parallel_loop3A = arith.constant 0 : i32
      %parallel_loop3A_84 = arith.constant 16 : i32
      %parallel_loop3A_85 = arith.constant 1 : i32
      scf.for %parallel_loop3A_138 = %parallel_loop3A to %parallel_loop3A_84 step %parallel_loop3A_85  : i32 {
        %parallel_loop3A_139 = arith.constant 0 : i32
        %parallel_loop3A_140 = arith.index_cast %parallel_loop3A_139 : i32 to index
        %parallel_loop3A_141 = arith.index_cast %parallel_loop3A_138 : i32 to index
        %parallel_loop3A_142 = arith.constant 0 : index
        %parallel_loop3A_143 = tpu.vector_load %arg7[%parallel_loop3A_140, %parallel_loop3A_141, %parallel_loop3A_142] {strides = array<i32>} : memref<2x16x768xf32, #tpu.memory_space<vmem>>, vector<1x1x16xf32>,
        %parallel_loop3A_144 = vector.shape_cast %parallel_loop3A_143 : vector<1x1x16xf32> to vector<16xf32>
        %parallel_loop3A_145 = arith.constant 1 : i32
        %parallel_loop3A_146 = arith.index_cast %parallel_loop3A_145 : i32 to index
        %parallel_loop3A_147 = arith.index_cast %parallel_loop3A_138 : i32 to index
        %parallel_loop3A_148 = arith.constant 0 : index
        %parallel_loop3A_149 = tpu.vector_load %arg7[%parallel_loop3A_146, %parallel_loop3A_147, %parallel_loop3A_148] {strides = array<i32>} : memref<2x16x768xf32, #tpu.memory_space<vmem>>, vector<1x1x16xf32>,
        %parallel_loop3A_150 = vector.shape_cast %parallel_loop3A_149 : vector<1x1x16xf32> to vector<16xf32>
        %parallel_loop3A_151 = arith.index_cast %parallel_loop3A_138 : i32 to index
        %parallel_loop3A_152 = arith.constant 0 : index
        %parallel_loop3A_153 = tpu.vector_load %arg9[%parallel_loop3A_151, %parallel_loop3A_152] {strides = array<i32>} : memref<16x768xf32, #tpu.memory_space<vmem>>, vector<1x16xf32>,
        %parallel_loop3A_154 = vector.shape_cast %parallel_loop3A_153 : vector<1x16xf32> to vector<16xf32>
        %parallel_loop3A_155 = arith.addf %parallel_loop3A_144, %parallel_loop3A_150 : vector<16xf32>
        %parallel_loop3A_156 = arith.constant 5.000000e-01 : f32
        %parallel_loop3A_157 = vector.broadcast %parallel_loop3A_156 : f32 to vector<16xf32>
        %parallel_loop3A_158 = arith.mulf %parallel_loop3A_155, %parallel_loop3A_157 : vector<16xf32>
        %parallel_loop3A_159 = arith.addf %parallel_loop3A_158, %parallel_loop3A_154 : vector<16xf32>
        %parallel_loop3A_160 = arith.index_cast %parallel_loop3A_138 : i32 to index
        %parallel_loop3A_161 = arith.constant 0 : index
        %parallel_loop3A_162 = tpu.vector_load %arg11[%parallel_loop3A_160, %parallel_loop3A_161] {strides = array<i32>} : memref<16x768xf32, #tpu.memory_space<vmem>>, vector<1x16xf32>,
        %parallel_loop3A_163 = vector.shape_cast %parallel_loop3A_162 : vector<1x16xf32> to vector<16xf32>
        %parallel_loop3A_164 = vector.shape_cast %parallel_loop3A_159 : vector<16xf32> to vector<1x16xf32>
        tpu.vector_store %arg11[%parallel_loop3A_160, %parallel_loop3A_161], %parallel_loop3A_164 {strides = array<i32>} : memref<16x768xf32, #tpu.memory_space<vmem>>, vector<1x16xf32>,
        %parallel_loop3A_165 = arith.constant 0 : i32
        %parallel_loop3A_166 = arith.index_cast %parallel_loop3A_165 : i32 to index
        %parallel_loop3A_167 = arith.index_cast %parallel_loop3A_138 : i32 to index
        %parallel_loop3A_168 = arith.constant 16 : index
        %parallel_loop3A_169 = tpu.vector_load %arg7[%parallel_loop3A_166, %parallel_loop3A_167, %parallel_loop3A_168] {strides = array<i32>} : memref<2x16x768xf32, #tpu.memory_space<vmem>>, vector<1x1x16xf32>,
        %parallel_loop3A_170 = vector.shape_cast %parallel_loop3A_169 : vector<1x1x16xf32> to vector<16xf32>
        %parallel_loop3A_171 = arith.constant 1 : i32
        %parallel_loop3A_172 = arith.index_cast %parallel_loop3A_171 : i32 to index
        %parallel_loop3A_173 = arith.index_cast %parallel_loop3A_138 : i32 to index
        %parallel_loop3A_174 = arith.constant 16 : index
        %parallel_loop3A_175 = tpu.vector_load %arg7[%parallel_loop3A_172, %parallel_loop3A_173, %parallel_loop3A_174] {strides = array<i32>} : memref<2x16x768xf32, #tpu.memory_space<vmem>>, vector<1x1x16xf32>,
        %parallel_loop3A_176 = vector.shape_cast %parallel_loop3A_175 : vector<1x1x16xf32> to vector<16xf32>
        %parallel_loop3A_177 = arith.index_cast %parallel_loop3A_138 : i32 to index
        %parallel_loop3A_178 = arith.constant 16 : index
        %parallel_loop3A_179 = tpu.vector_load %arg9[%parallel_loop3A_177, %parallel_loop3A_178] {strides = array<i32>} : memref<16x768xf32, #tpu.memory_space<vmem>>, vector<1x16xf32>,
        %parallel_loop3A_180 = vector.shape_cast %parallel_loop3A_179 : vector<1x16xf32> to vector<16xf32>
        %parallel_loop3A_181 = arith.addf %parallel_loop3A_170, %parallel_loop3A_176 : vector<16xf32>
        %parallel_loop3A_182 = arith.constant 5.000000e-01 : f32
        %parallel_loop3A_183 = vector.broadcast %parallel_loop3A_182 : f32 to vector<16xf32>
        %parallel_loop3A_184 = arith.mulf %parallel_loop3A_181, %parallel_loop3A_183 : vector<16xf32>
        %parallel_loop3A_185 = arith.addf %parallel_loop3A_184, %parallel_loop3A_180 : vector<16xf32>
        %parallel_loop3A_186 = arith.index_cast %parallel_loop3A_138 : i32 to index
        %parallel_loop3A_187 = arith.constant 16 : index
        %parallel_loop3A_188 = tpu.vector_load %arg11[%parallel_loop3A_186, %parallel_loop3A_187] {strides = array<i32>} : memref<16x768xf32, #tpu.memory_space<vmem>>, vector<1x16xf32>,
        %parallel_loop3A_189 = vector.shape_cast %parallel_loop3A_188 : vector<1x16xf32> to vector<16xf32>
        %parallel_loop3A_190 = vector.shape_cast %parallel_loop3A_185 : vector<16xf32> to vector<1x16xf32>
        tpu.vector_store %arg11[%parallel_loop3A_186, %parallel_loop3A_187], %parallel_loop3A_190 {strides = array<i32>} : memref<16x768xf32, #tpu.memory_space<vmem>>, vector<1x16xf32>,
        %parallel_loop3A_191 = arith.constant 0 : i32
        %parallel_loop3A_192 = arith.index_cast %parallel_loop3A_191 : i32 to index
        %parallel_loop3A_193 = arith.index_cast %parallel_loop3A_138 : i32 to index
        %parallel_loop3A_194 = arith.constant 32 : index
        %parallel_loop3A_195 = tpu.vector_load %arg7[%parallel_loop3A_192, %parallel_loop3A_193, %parallel_loop3A_194] {strides = array<i32>} : memref<2x16x768xf32, #tpu.memory_space<vmem>>, vector<1x1x16xf32>,
        %parallel_loop3A_196 = vector.shape_cast %parallel_loop3A_195 : vector<1x1x16xf32> to vector<16xf32>
        %parallel_loop3A_197 = arith.constant 1 : i32
        %parallel_loop3A_198 = arith.index_cast %parallel_loop3A_197 : i32 to index
        %parallel_loop3A_199 = arith.index_cast %parallel_loop3A_138 : i32 to index
        %parallel_loop3A_200 = arith.constant 32 : index
        %parallel_loop3A_201 = tpu.vector_load %arg7[%parallel_loop3A_198, %parallel_loop3A_199, %parallel_loop3A_200] {strides = array<i32>} : memref<2x16x768xf32, #tpu.memory_space<vmem>>, vector<1x1x16xf32>,
        %parallel_loop3A_202 = vector.shape_cast %parallel_loop3A_201 : vector<1x1x16xf32> to vector<16xf32>
        %parallel_loop3A_203 = arith.index_cast %parallel_loop3A_138 : i32 to index
        %parallel_loop3A_204 = arith.constant 32 : index
        %parallel_loop3A_205 = tpu.vector_load %arg9[%parallel_loop3A_203, %parallel_loop3A_204] {strides = array<i32>} : memref<16x768xf32, #tpu.memory_space<vmem>>, vector<1x16xf32>,
        %parallel_loop3A_206 = vector.shape_cast %parallel_loop3A_205 : vector<1x16xf32> to vector<16xf32>
        %parallel_loop3A_207 = arith.addf %parallel_loop3A_196, %parallel_loop3A_202 : vector<16xf32>
        %parallel_loop3A_208 = arith.constant 5.000000e-01 : f32
        %parallel_loop3A_209 = vector.broadcast %parallel_loop3A_208 : f32 to vector<16xf32>
        %parallel_loop3A_210 = arith.mulf %parallel_loop3A_207, %parallel_loop3A_209 : vector<16xf32>
        %parallel_loop3A_211 = arith.addf %parallel_loop3A_210, %parallel_loop3A_206 : vector<16xf32>
        %parallel_loop3A_212 = arith.index_cast %parallel_loop3A_138 : i32 to index
        %parallel_loop3A_213 = arith.constant 32 : index
        %parallel_loop3A_214 = tpu.vector_load %arg11[%parallel_loop3A_212, %parallel_loop3A_213] {strides = array<i32>} : memref<16x768xf32, #tpu.memory_space<vmem>>, vector<1x16xf32>,
        %parallel_loop3A_215 = vector.shape_cast %parallel_loop3A_214 : vector<1x16xf32> to vector<16xf32>
        %parallel_loop3A_216 = vector.shape_cast %parallel_loop3A_211 : vector<16xf32> to vector<1x16xf32>
        tpu.vector_store %arg11[%parallel_loop3A_212, %parallel_loop3A_213], %parallel_loop3A_216 {strides = array<i32>} : memref<16x768xf32, #tpu.memory_space<vmem>>, vector<1x16xf32>,
        %parallel_loop3A_217 = arith.constant 0 : i32
        %parallel_loop3A_218 = arith.index_cast %parallel_loop3A_217 : i32 to index
        %parallel_loop3A_219 = arith.index_cast %parallel_loop3A_138 : i32 to index
        %parallel_loop3A_220 = arith.constant 48 : index
        %parallel_loop3A_221 = tpu.vector_load %arg7[%parallel_loop3A_218, %parallel_loop3A_219, %parallel_loop3A_220] {strides = array<i32>} : memref<2x16x768xf32, #tpu.memory_space<vmem>>, vector<1x1x16xf32>,
        %parallel_loop3A_222 = vector.shape_cast %parallel_loop3A_221 : vector<1x1x16xf32> to vector<16xf32>
        %parallel_loop3A_223 = arith.constant 1 : i32
        %parallel_loop3A_224 = arith.index_cast %parallel_loop3A_223 : i32 to index
        %parallel_loop3A_225 = arith.index_cast %parallel_loop3A_138 : i32 to index
        %parallel_loop3A_226 = arith.constant 48 : index
        %parallel_loop3A_227 = tpu.vector_load %arg7[%parallel_loop3A_224, %parallel_loop3A_225, %parallel_loop3A_226] {strides = array<i32>} : memref<2x16x768xf32, #tpu.memory_space<vmem>>, vector<1x1x16xf32>,
        %parallel_loop3A_228 = vector.shape_cast %parallel_loop3A_227 : vector<1x1x16xf32> to vector<16xf32>
        %parallel_loop3A_229 = arith.index_cast %parallel_loop3A_138 : i32 to index
        %parallel_loop3A_230 = arith.constant 48 : index
        %parallel_loop3A_231 = tpu.vector_load %arg9[%parallel_loop3A_229, %parallel_loop3A_230] {strides = array<i32>} : memref<16x768xf32, #tpu.memory_space<vmem>>, vector<1x16xf32>,
        %parallel_loop3A_232 = vector.shape_cast %parallel_loop3A_231 : vector<1x16xf32> to vector<16xf32>
        %parallel_loop3A_233 = arith.addf %parallel_loop3A_222, %parallel_loop3A_228 : vector<16xf32>
        %parallel_loop3A_234 = arith.constant 5.000000e-01 : f32
        %parallel_loop3A_235 = vector.broadcast %parallel_loop3A_234 : f32 to vector<16xf32>
        %parallel_loop3A_236 = arith.mulf %parallel_loop3A_233, %parallel_loop3A_235 : vector<16xf32>
        %parallel_loop3A_237 = arith.addf %parallel_loop3A_236, %parallel_loop3A_232 : vector<16xf32>
        %parallel_loop3A_238 = arith.index_cast %parallel_loop3A_138 : i32 to index
        %parallel_loop3A_239 = arith.constant 48 : index
        %parallel_loop3A_240 = tpu.vector_load %arg11[%parallel_loop3A_238, %parallel_loop3A_239] {strides = array<i32>} : memref<16x768xf32, #tpu.memory_space<vmem>>, vector<1x16xf32>,
        %parallel_loop3A_241 = vector.shape_cast %parallel_loop3A_240 : vector<1x16xf32> to vector<16xf32>
        %parallel_loop3A_242 = vector.shape_cast %parallel_loop3A_237 : vector<16xf32> to vector<1x16xf32>
        tpu.vector_store %arg11[%parallel_loop3A_238, %parallel_loop3A_239], %parallel_loop3A_242 {strides = array<i32>} : memref<16x768xf32, #tpu.memory_space<vmem>>, vector<1x16xf32>,
        %parallel_loop3A_243 = arith.constant 0 : i32
        %parallel_loop3A_244 = arith.index_cast %parallel_loop3A_243 : i32 to index
        %parallel_loop3A_245 = arith.index_cast %parallel_loop3A_138 : i32 to index
        %parallel_loop3A_246 = arith.constant 64 : index
        %parallel_loop3A_247 = tpu.vector_load %arg7[%parallel_loop3A_244, %parallel_loop3A_245, %parallel_loop3A_246] {strides = array<i32>} : memref<2x16x768xf32, #tpu.memory_space<vmem>>, vector<1x1x16xf32>,
        %parallel_loop3A_248 = vector.shape_cast %parallel_loop3A_247 : vector<1x1x16xf32> to vector<16xf32>
        %parallel_loop3A_249 = arith.constant 1 : i32
        %parallel_loop3A_250 = arith.index_cast %parallel_loop3A_249 : i32 to index
        %parallel_loop3A_251 = arith.index_cast %parallel_loop3A_138 : i32 to index
        %parallel_loop3A_252 = arith.constant 64 : index
        %parallel_loop3A_253 = tpu.vector_load %arg7[%parallel_loop3A_250, %parallel_loop3A_251, %parallel_loop3A_252] {strides = array<i32>} : memref<2x16x768xf32, #tpu.memory_space<vmem>>, vector<1x1x16xf32>,
        %parallel_loop3A_254 = vector.shape_cast %parallel_loop3A_253 : vector<1x1x16xf32> to vector<16xf32>
        %parallel_loop3A_255 = arith.index_cast %parallel_loop3A_138 : i32 to index
        %parallel_loop3A_256 = arith.constant 64 : index
        %parallel_loop3A_257 = tpu.vector_load %arg9[%parallel_loop3A_255, %parallel_loop3A_256] {strides = array<i32>} : memref<16x768xf32, #tpu.memory_space<vmem>>, vector<1x16xf32>,
        %parallel_loop3A_258 = vector.shape_cast %parallel_loop3A_257 : vector<1x16xf32> to vector<16xf32>
        %parallel_loop3A_259 = arith.addf %parallel_loop3A_248, %parallel_loop3A_254 : vector<16xf32>
        %parallel_loop3A_260 = arith.constant 5.000000e-01 : f32
        %parallel_loop3A_261 = vector.broadcast %parallel_loop3A_260 : f32 to vector<16xf32>
        %parallel_loop3A_262 = arith.mulf %parallel_loop3A_259, %parallel_loop3A_261 : vector<16xf32>
        %parallel_loop3A_263 = arith.addf %parallel_loop3A_262, %parallel_loop3A_258 : vector<16xf32>
        %parallel_loop3A_264 = arith.index_cast %parallel_loop3A_138 : i32 to index
        %parallel_loop3A_265 = arith.constant 64 : index
        %parallel_loop3A_266 = tpu.vector_load %arg11[%parallel_loop3A_264, %parallel_loop3A_265] {strides = array<i32>} : memref<16x768xf32, #tpu.memory_space<vmem>>, vector<1x16xf32>,
        %parallel_loop3A_267 = vector.shape_cast %parallel_loop3A_266 : vector<1x16xf32> to vector<16xf32>
        %parallel_loop3A_268 = vector.shape_cast %parallel_loop3A_263 : vector<16xf32> to vector<1x16xf32>
        tpu.vector_store %arg11[%parallel_loop3A_264, %parallel_loop3A_265], %parallel_loop3A_268 {strides = array<i32>} : memref<16x768xf32, #tpu.memory_space<vmem>>, vector<1x16xf32>,
        %parallel_loop3A_269 = arith.constant 0 : i32
        %parallel_loop3A_270 = arith.index_cast %parallel_loop3A_269 : i32 to index
        %parallel_loop3A_271 = arith.index_cast %parallel_loop3A_138 : i32 to index
        %parallel_loop3A_272 = arith.constant 80 : index
        %parallel_loop3A_273 = tpu.vector_load %arg7[%parallel_loop3A_270, %parallel_loop3A_271, %parallel_loop3A_272] {strides = array<i32>} : memref<2x16x768xf32, #tpu.memory_space<vmem>>, vector<1x1x16xf32>,
        %parallel_loop3A_274 = vector.shape_cast %parallel_loop3A_273 : vector<1x1x16xf32> to vector<16xf32>
        %parallel_loop3A_275 = arith.constant 1 : i32
        %parallel_loop3A_276 = arith.index_cast %parallel_loop3A_275 : i32 to index
        %parallel_loop3A_277 = arith.index_cast %parallel_loop3A_138 : i32 to index
        %parallel_loop3A_278 = arith.constant 80 : index
        %parallel_loop3A_279 = tpu.vector_load %arg7[%parallel_loop3A_276, %parallel_loop3A_277, %parallel_loop3A_278] {strides = array<i32>} : memref<2x16x768xf32, #tpu.memory_space<vmem>>, vector<1x1x16xf32>,
        %parallel_loop3A_280 = vector.shape_cast %parallel_loop3A_279 : vector<1x1x16xf32> to vector<16xf32>
        %parallel_loop3A_281 = arith.index_cast %parallel_loop3A_138 : i32 to index
        %parallel_loop3A_282 = arith.constant 80 : index
        %parallel_loop3A_283 = tpu.vector_load %arg9[%parallel_loop3A_281, %parallel_loop3A_282] {strides = array<i32>} : memref<16x768xf32, #tpu.memory_space<vmem>>, vector<1x16xf32>,
        %parallel_loop3A_284 = vector.shape_cast %parallel_loop3A_283 : vector<1x16xf32> to vector<16xf32>
        %parallel_loop3A_285 = arith.addf %parallel_loop3A_274, %parallel_loop3A_280 : vector<16xf32>
        %parallel_loop3A_286 = arith.constant 5.000000e-01 : f32
        %parallel_loop3A_287 = vector.broadcast %parallel_loop3A_286 : f32 to vector<16xf32>
        %parallel_loop3A_288 = arith.mulf %parallel_loop3A_285, %parallel_loop3A_287 : vector<16xf32>
        %parallel_loop3A_289 = arith.addf %parallel_loop3A_288, %parallel_loop3A_284 : vector<16xf32>
        %parallel_loop3A_290 = arith.index_cast %parallel_loop3A_138 : i32 to index
        %parallel_loop3A_291 = arith.constant 80 : index
        %parallel_loop3A_292 = tpu.vector_load %arg11[%parallel_loop3A_290, %parallel_loop3A_291] {strides = array<i32>} : memref<16x768xf32, #tpu.memory_space<vmem>>, vector<1x16xf32>,
        %parallel_loop3A_293 = vector.shape_cast %parallel_loop3A_292 : vector<1x16xf32> to vector<16xf32>
        %parallel_loop3A_294 = vector.shape_cast %parallel_loop3A_289 : vector<16xf32> to vector<1x16xf32>
        tpu.vector_store %arg11[%parallel_loop3A_290, %parallel_loop3A_291], %parallel_loop3A_294 {strides = array<i32>} : memref<16x768xf32, #tpu.memory_space<vmem>>, vector<1x16xf32>,
        %parallel_loop3A_295 = arith.constant 0 : i32
        %parallel_loop3A_296 = arith.index_cast %parallel_loop3A_295 : i32 to index
        %parallel_loop3A_297 = arith.index_cast %parallel_loop3A_138 : i32 to index
        %parallel_loop3A_298 = arith.constant 96 : index
        %parallel_loop3A_299 = tpu.vector_load %arg7[%parallel_loop3A_296, %parallel_loop3A_297, %parallel_loop3A_298] {strides = array<i32>} : memref<2x16x768xf32, #tpu.memory_space<vmem>>, vector<1x1x16xf32>,
        %parallel_loop3A_300 = vector.shape_cast %parallel_loop3A_299 : vector<1x1x16xf32> to vector<16xf32>
        %parallel_loop3A_301 = arith.constant 1 : i32
        %parallel_loop3A_302 = arith.index_cast %parallel_loop3A_301 : i32 to index
        %parallel_loop3A_303 = arith.index_cast %parallel_loop3A_138 : i32 to index
        %parallel_loop3A_304 = arith.constant 96 : index
        %parallel_loop3A_305 = tpu.vector_load %arg7[%parallel_loop3A_302, %parallel_loop3A_303, %parallel_loop3A_304] {strides = array<i32>} : memref<2x16x768xf32, #tpu.memory_space<vmem>>, vector<1x1x16xf32>,
        %parallel_loop3A_306 = vector.shape_cast %parallel_loop3A_305 : vector<1x1x16xf32> to vector<16xf32>
        %parallel_loop3A_307 = arith.index_cast %parallel_loop3A_138 : i32 to index
        %parallel_loop3A_308 = arith.constant 96 : index
        %parallel_loop3A_309 = tpu.vector_load %arg9[%parallel_loop3A_307, %parallel_loop3A_308] {strides = array<i32>} : memref<16x768xf32, #tpu.memory_space<vmem>>, vector<1x16xf32>,
        %parallel_loop3A_310 = vector.shape_cast %parallel_loop3A_309 : vector<1x16xf32> to vector<16xf32>
        %parallel_loop3A_311 = arith.addf %parallel_loop3A_300, %parallel_loop3A_306 : vector<16xf32>
        %parallel_loop3A_312 = arith.constant 5.000000e-01 : f32
        %parallel_loop3A_313 = vector.broadcast %parallel_loop3A_312 : f32 to vector<16xf32>
        %parallel_loop3A_314 = arith.mulf %parallel_loop3A_311, %parallel_loop3A_313 : vector<16xf32>
        %parallel_loop3A_315 = arith.addf %parallel_loop3A_314, %parallel_loop3A_310 : vector<16xf32>
        %parallel_loop3A_316 = arith.index_cast %parallel_loop3A_138 : i32 to index
        %parallel_loop3A_317 = arith.constant 96 : index
        %parallel_loop3A_318 = tpu.vector_load %arg11[%parallel_loop3A_316, %parallel_loop3A_317] {strides = array<i32>} : memref<16x768xf32, #tpu.memory_space<vmem>>, vector<1x16xf32>,
        %parallel_loop3A_319 = vector.shape_cast %parallel_loop3A_318 : vector<1x16xf32> to vector<16xf32>
        %parallel_loop3A_320 = vector.shape_cast %parallel_loop3A_315 : vector<16xf32> to vector<1x16xf32>
        tpu.vector_store %arg11[%parallel_loop3A_316, %parallel_loop3A_317], %parallel_loop3A_320 {strides = array<i32>} : memref<16x768xf32, #tpu.memory_space<vmem>>, vector<1x16xf32>,
        %parallel_loop3A_321 = arith.constant 0 : i32
        %parallel_loop3A_322 = arith.index_cast %parallel_loop3A_321 : i32 to index
        %parallel_loop3A_323 = arith.index_cast %parallel_loop3A_138 : i32 to index
        %parallel_loop3A_324 = arith.constant 112 : index
        %parallel_loop3A_325 = tpu.vector_load %arg7[%parallel_loop3A_322, %parallel_loop3A_323, %parallel_loop3A_324] {strides = array<i32>} : memref<2x16x768xf32, #tpu.memory_space<vmem>>, vector<1x1x16xf32>,
        %parallel_loop3A_326 = vector.shape_cast %parallel_loop3A_325 : vector<1x1x16xf32> to vector<16xf32>
        %parallel_loop3A_327 = arith.constant 1 : i32
        %parallel_loop3A_328 = arith.index_cast %parallel_loop3A_327 : i32 to index
        %parallel_loop3A_329 = arith.index_cast %parallel_loop3A_138 : i32 to index
        %parallel_loop3A_330 = arith.constant 112 : index
        %parallel_loop3A_331 = tpu.vector_load %arg7[%parallel_loop3A_328, %parallel_loop3A_329, %parallel_loop3A_330] {strides = array<i32>} : memref<2x16x768xf32, #tpu.memory_space<vmem>>, vector<1x1x16xf32>,
        %parallel_loop3A_332 = vector.shape_cast %parallel_loop3A_331 : vector<1x1x16xf32> to vector<16xf32>
        %parallel_loop3A_333 = arith.index_cast %parallel_loop3A_138 : i32 to index
        %parallel_loop3A_334 = arith.constant 112 : index
        %parallel_loop3A_335 = tpu.vector_load %arg9[%parallel_loop3A_333, %parallel_loop3A_334] {strides = array<i32>} : memref<16x768xf32, #tpu.memory_space<vmem>>, vector<1x16xf32>,
        %parallel_loop3A_336 = vector.shape_cast %parallel_loop3A_335 : vector<1x16xf32> to vector<16xf32>
        %parallel_loop3A_337 = arith.addf %parallel_loop3A_326, %parallel_loop3A_332 : vector<16xf32>
        %parallel_loop3A_338 = arith.constant 5.000000e-01 : f32
        %parallel_loop3A_339 = vector.broadcast %parallel_loop3A_338 : f32 to vector<16xf32>
        %parallel_loop3A_340 = arith.mulf %parallel_loop3A_337, %parallel_loop3A_339 : vector<16xf32>
        %parallel_loop3A_341 = arith.addf %parallel_loop3A_340, %parallel_loop3A_336 : vector<16xf32>
        %parallel_loop3A_342 = arith.index_cast %parallel_loop3A_138 : i32 to index
        %parallel_loop3A_343 = arith.constant 112 : index
        %parallel_loop3A_344 = tpu.vector_load %arg11[%parallel_loop3A_342, %parallel_loop3A_343] {strides = array<i32>} : memref<16x768xf32, #tpu.memory_space<vmem>>, vector<1x16xf32>,
        %parallel_loop3A_345 = vector.shape_cast %parallel_loop3A_344 : vector<1x16xf32> to vector<16xf32>
        %parallel_loop3A_346 = vector.shape_cast %parallel_loop3A_341 : vector<16xf32> to vector<1x16xf32>
        tpu.vector_store %arg11[%parallel_loop3A_342, %parallel_loop3A_343], %parallel_loop3A_346 {strides = array<i32>} : memref<16x768xf32, #tpu.memory_space<vmem>>, vector<1x16xf32>,
        %parallel_loop3A_347 = arith.constant 0 : i32
        %parallel_loop3A_348 = arith.index_cast %parallel_loop3A_347 : i32 to index
        %parallel_loop3A_349 = arith.index_cast %parallel_loop3A_138 : i32 to index
        %parallel_loop3A_350 = arith.constant 128 : index
        %parallel_loop3A_351 = tpu.vector_load %arg7[%parallel_loop3A_348, %parallel_loop3A_349, %parallel_loop3A_350] {strides = array<i32>} : memref<2x16x768xf32, #tpu.memory_space<vmem>>, vector<1x1x16xf32>,
        %parallel_loop3A_352 = vector.shape_cast %parallel_loop3A_351 : vector<1x1x16xf32> to vector<16xf32>
        %parallel_loop3A_353 = arith.constant 1 : i32
        %parallel_loop3A_354 = arith.index_cast %parallel_loop3A_353 : i32 to index
        %parallel_loop3A_355 = arith.index_cast %parallel_loop3A_138 : i32 to index
        %parallel_loop3A_356 = arith.constant 128 : index
        %parallel_loop3A_357 = tpu.vector_load %arg7[%parallel_loop3A_354, %parallel_loop3A_355, %parallel_loop3A_356] {strides = array<i32>} : memref<2x16x768xf32, #tpu.memory_space<vmem>>, vector<1x1x16xf32>,
        %parallel_loop3A_358 = vector.shape_cast %parallel_loop3A_357 : vector<1x1x16xf32> to vector<16xf32>
        %parallel_loop3A_359 = arith.index_cast %parallel_loop3A_138 : i32 to index
        %parallel_loop3A_360 = arith.constant 128 : index
        %parallel_loop3A_361 = tpu.vector_load %arg9[%parallel_loop3A_359, %parallel_loop3A_360] {strides = array<i32>} : memref<16x768xf32, #tpu.memory_space<vmem>>, vector<1x16xf32>,
        %parallel_loop3A_362 = vector.shape_cast %parallel_loop3A_361 : vector<1x16xf32> to vector<16xf32>
        %parallel_loop3A_363 = arith.addf %parallel_loop3A_352, %parallel_loop3A_358 : vector<16xf32>
        %parallel_loop3A_364 = arith.constant 5.000000e-01 : f32
        %parallel_loop3A_365 = vector.broadcast %parallel_loop3A_364 : f32 to vector<16xf32>
        %parallel_loop3A_366 = arith.mulf %parallel_loop3A_363, %parallel_loop3A_365 : vector<16xf32>
        %parallel_loop3A_367 = arith.addf %parallel_loop3A_366, %parallel_loop3A_362 : vector<16xf32>
        %parallel_loop3A_368 = arith.index_cast %parallel_loop3A_138 : i32 to index
        %parallel_loop3A_369 = arith.constant 128 : index
        %parallel_loop3A_370 = tpu.vector_load %arg11[%parallel_loop3A_368, %parallel_loop3A_369] {strides = array<i32>} : memref<16x768xf32, #tpu.memory_space<vmem>>, vector<1x16xf32>,
        %parallel_loop3A_371 = vector.shape_cast %parallel_loop3A_370 : vector<1x16xf32> to vector<16xf32>
        %parallel_loop3A_372 = vector.shape_cast %parallel_loop3A_367 : vector<16xf32> to vector<1x16xf32>
        tpu.vector_store %arg11[%parallel_loop3A_368, %parallel_loop3A_369], %parallel_loop3A_372 {strides = array<i32>} : memref<16x768xf32, #tpu.memory_space<vmem>>, vector<1x16xf32>,
        %parallel_loop3A_373 = arith.constant 0 : i32
        %parallel_loop3A_374 = arith.index_cast %parallel_loop3A_373 : i32 to index
        %parallel_loop3A_375 = arith.index_cast %parallel_loop3A_138 : i32 to index
        %parallel_loop3A_376 = arith.constant 144 : index
        %parallel_loop3A_377 = tpu.vector_load %arg7[%parallel_loop3A_374, %parallel_loop3A_375, %parallel_loop3A_376] {strides = array<i32>} : memref<2x16x768xf32, #tpu.memory_space<vmem>>, vector<1x1x16xf32>,
        %parallel_loop3A_378 = vector.shape_cast %parallel_loop3A_377 : vector<1x1x16xf32> to vector<16xf32>
        %parallel_loop3A_379 = arith.constant 1 : i32
        %parallel_loop3A_380 = arith.index_cast %parallel_loop3A_379 : i32 to index
        %parallel_loop3A_381 = arith.index_cast %parallel_loop3A_138 : i32 to index
        %parallel_loop3A_382 = arith.constant 144 : index
        %parallel_loop3A_383 = tpu.vector_load %arg7[%parallel_loop3A_380, %parallel_loop3A_381, %parallel_loop3A_382] {strides = array<i32>} : memref<2x16x768xf32, #tpu.memory_space<vmem>>, vector<1x1x16xf32>,
        %parallel_loop3A_384 = vector.shape_cast %parallel_loop3A_383 : vector<1x1x16xf32> to vector<16xf32>
        %parallel_loop3A_385 = arith.index_cast %parallel_loop3A_138 : i32 to index
        %parallel_loop3A_386 = arith.constant 144 : index
        %parallel_loop3A_387 = tpu.vector_load %arg9[%parallel_loop3A_385, %parallel_loop3A_386] {strides = array<i32>} : memref<16x768xf32, #tpu.memory_space<vmem>>, vector<1x16xf32>,
        %parallel_loop3A_388 = vector.shape_cast %parallel_loop3A_387 : vector<1x16xf32> to vector<16xf32>
        %parallel_loop3A_389 = arith.addf %parallel_loop3A_378, %parallel_loop3A_384 : vector<16xf32>
        %parallel_loop3A_390 = arith.constant 5.000000e-01 : f32
        %parallel_loop3A_391 = vector.broadcast %parallel_loop3A_390 : f32 to vector<16xf32>
        %parallel_loop3A_392 = arith.mulf %parallel_loop3A_389, %parallel_loop3A_391 : vector<16xf32>
        %parallel_loop3A_393 = arith.addf %parallel_loop3A_392, %parallel_loop3A_388 : vector<16xf32>
        %parallel_loop3A_394 = arith.index_cast %parallel_loop3A_138 : i32 to index
        %parallel_loop3A_395 = arith.constant 144 : index
        %parallel_loop3A_396 = tpu.vector_load %arg11[%parallel_loop3A_394, %parallel_loop3A_395] {strides = array<i32>} : memref<16x768xf32, #tpu.memory_space<vmem>>, vector<1x16xf32>,
        %parallel_loop3A_397 = vector.shape_cast %parallel_loop3A_396 : vector<1x16xf32> to vector<16xf32>
        %parallel_loop3A_398 = vector.shape_cast %parallel_loop3A_393 : vector<16xf32> to vector<1x16xf32>
        tpu.vector_store %arg11[%parallel_loop3A_394, %parallel_loop3A_395], %parallel_loop3A_398 {strides = array<i32>} : memref<16x768xf32, #tpu.memory_space<vmem>>, vector<1x16xf32>,
        %parallel_loop3A_399 = arith.constant 0 : i32
        %parallel_loop3A_400 = arith.index_cast %parallel_loop3A_399 : i32 to index
        %parallel_loop3A_401 = arith.index_cast %parallel_loop3A_138 : i32 to index
        %parallel_loop3A_402 = arith.constant 160 : index
        %parallel_loop3A_403 = tpu.vector_load %arg7[%parallel_loop3A_400, %parallel_loop3A_401, %parallel_loop3A_402] {strides = array<i32>} : memref<2x16x768xf32, #tpu.memory_space<vmem>>, vector<1x1x16xf32>,
        %parallel_loop3A_404 = vector.shape_cast %parallel_loop3A_403 : vector<1x1x16xf32> to vector<16xf32>
        %parallel_loop3A_405 = arith.constant 1 : i32
        %parallel_loop3A_406 = arith.index_cast %parallel_loop3A_405 : i32 to index
        %parallel_loop3A_407 = arith.index_cast %parallel_loop3A_138 : i32 to index
        %parallel_loop3A_408 = arith.constant 160 : index
        %parallel_loop3A_409 = tpu.vector_load %arg7[%parallel_loop3A_406, %parallel_loop3A_407, %parallel_loop3A_408] {strides = array<i32>} : memref<2x16x768xf32, #tpu.memory_space<vmem>>, vector<1x1x16xf32>,
        %parallel_loop3A_410 = vector.shape_cast %parallel_loop3A_409 : vector<1x1x16xf32> to vector<16xf32>
        %parallel_loop3A_411 = arith.index_cast %parallel_loop3A_138 : i32 to index
        %parallel_loop3A_412 = arith.constant 160 : index
        %parallel_loop3A_413 = tpu.vector_load %arg9[%parallel_loop3A_411, %parallel_loop3A_412] {strides = array<i32>} : memref<16x768xf32, #tpu.memory_space<vmem>>, vector<1x16xf32>,
        %parallel_loop3A_414 = vector.shape_cast %parallel_loop3A_413 : vector<1x16xf32> to vector<16xf32>
        %parallel_loop3A_415 = arith.addf %parallel_loop3A_404, %parallel_loop3A_410 : vector<16xf32>
        %parallel_loop3A_416 = arith.constant 5.000000e-01 : f32
        %parallel_loop3A_417 = vector.broadcast %parallel_loop3A_416 : f32 to vector<16xf32>
        %parallel_loop3A_418 = arith.mulf %parallel_loop3A_415, %parallel_loop3A_417 : vector<16xf32>
        %parallel_loop3A_419 = arith.addf %parallel_loop3A_418, %parallel_loop3A_414 : vector<16xf32>
        %parallel_loop3A_420 = arith.index_cast %parallel_loop3A_138 : i32 to index
        %parallel_loop3A_421 = arith.constant 160 : index
        %parallel_loop3A_422 = tpu.vector_load %arg11[%parallel_loop3A_420, %parallel_loop3A_421] {strides = array<i32>} : memref<16x768xf32, #tpu.memory_space<vmem>>, vector<1x16xf32>,
        %parallel_loop3A_423 = vector.shape_cast %parallel_loop3A_422 : vector<1x16xf32> to vector<16xf32>
        %parallel_loop3A_424 = vector.shape_cast %parallel_loop3A_419 : vector<16xf32> to vector<1x16xf32>
        tpu.vector_store %arg11[%parallel_loop3A_420, %parallel_loop3A_421], %parallel_loop3A_424 {strides = array<i32>} : memref<16x768xf32, #tpu.memory_space<vmem>>, vector<1x16xf32>,
        %parallel_loop3A_425 = arith.constant 0 : i32
        %parallel_loop3A_426 = arith.index_cast %parallel_loop3A_425 : i32 to index
        %parallel_loop3A_427 = arith.index_cast %parallel_loop3A_138 : i32 to index
        %parallel_loop3A_428 = arith.constant 176 : index
        %parallel_loop3A_429 = tpu.vector_load %arg7[%parallel_loop3A_426, %parallel_loop3A_427, %parallel_loop3A_428] {strides = array<i32>} : memref<2x16x768xf32, #tpu.memory_space<vmem>>, vector<1x1x16xf32>,
        %parallel_loop3A_430 = vector.shape_cast %parallel_loop3A_429 : vector<1x1x16xf32> to vector<16xf32>
        %parallel_loop3A_431 = arith.constant 1 : i32
        %parallel_loop3A_432 = arith.index_cast %parallel_loop3A_431 : i32 to index
        %parallel_loop3A_433 = arith.index_cast %parallel_loop3A_138 : i32 to index
        %parallel_loop3A_434 = arith.constant 176 : index
        %parallel_loop3A_435 = tpu.vector_load %arg7[%parallel_loop3A_432, %parallel_loop3A_433, %parallel_loop3A_434] {strides = array<i32>} : memref<2x16x768xf32, #tpu.memory_space<vmem>>, vector<1x1x16xf32>,
        %parallel_loop3A_436 = vector.shape_cast %parallel_loop3A_435 : vector<1x1x16xf32> to vector<16xf32>
        %parallel_loop3A_437 = arith.index_cast %parallel_loop3A_138 : i32 to index
        %parallel_loop3A_438 = arith.constant 176 : index
        %parallel_loop3A_439 = tpu.vector_load %arg9[%parallel_loop3A_437, %parallel_loop3A_438] {strides = array<i32>} : memref<16x768xf32, #tpu.memory_space<vmem>>, vector<1x16xf32>,
        %parallel_loop3A_440 = vector.shape_cast %parallel_loop3A_439 : vector<1x16xf32> to vector<16xf32>
        %parallel_loop3A_441 = arith.addf %parallel_loop3A_430, %parallel_loop3A_436 : vector<16xf32>
        %parallel_loop3A_442 = arith.constant 5.000000e-01 : f32
        %parallel_loop3A_443 = vector.broadcast %parallel_loop3A_442 : f32 to vector<16xf32>
        %parallel_loop3A_444 = arith.mulf %parallel_loop3A_441, %parallel_loop3A_443 : vector<16xf32>
        %parallel_loop3A_445 = arith.addf %parallel_loop3A_444, %parallel_loop3A_440 : vector<16xf32>
        %parallel_loop3A_446 = arith.index_cast %parallel_loop3A_138 : i32 to index
        %parallel_loop3A_447 = arith.constant 176 : index
        %parallel_loop3A_448 = tpu.vector_load %arg11[%parallel_loop3A_446, %parallel_loop3A_447] {strides = array<i32>} : memref<16x768xf32, #tpu.memory_space<vmem>>, vector<1x16xf32>,
        %parallel_loop3A_449 = vector.shape_cast %parallel_loop3A_448 : vector<1x16xf32> to vector<16xf32>
        %parallel_loop3A_450 = vector.shape_cast %parallel_loop3A_445 : vector<16xf32> to vector<1x16xf32>
        tpu.vector_store %arg11[%parallel_loop3A_446, %parallel_loop3A_447], %parallel_loop3A_450 {strides = array<i32>} : memref<16x768xf32, #tpu.memory_space<vmem>>, vector<1x16xf32>,
        %parallel_loop3A_451 = arith.constant 0 : i32
        %parallel_loop3A_452 = arith.index_cast %parallel_loop3A_451 : i32 to index
        %parallel_loop3A_453 = arith.index_cast %parallel_loop3A_138 : i32 to index
        %parallel_loop3A_454 = arith.constant 192 : index
        %parallel_loop3A_455 = tpu.vector_load %arg7[%parallel_loop3A_452, %parallel_loop3A_453, %parallel_loop3A_454] {strides = array<i32>} : memref<2x16x768xf32, #tpu.memory_space<vmem>>, vector<1x1x16xf32>,
        %parallel_loop3A_456 = vector.shape_cast %parallel_loop3A_455 : vector<1x1x16xf32> to vector<16xf32>
        %parallel_loop3A_457 = arith.constant 1 : i32
        %parallel_loop3A_458 = arith.index_cast %parallel_loop3A_457 : i32 to index
        %parallel_loop3A_459 = arith.index_cast %parallel_loop3A_138 : i32 to index
        %parallel_loop3A_460 = arith.constant 192 : index
        %parallel_loop3A_461 = tpu.vector_load %arg7[%parallel_loop3A_458, %parallel_loop3A_459, %parallel_loop3A_460] {strides = array<i32>} : memref<2x16x768xf32, #tpu.memory_space<vmem>>, vector<1x1x16xf32>,
        %parallel_loop3A_462 = vector.shape_cast %parallel_loop3A_461 : vector<1x1x16xf32> to vector<16xf32>
        %parallel_loop3A_463 = arith.index_cast %parallel_loop3A_138 : i32 to index
        %parallel_loop3A_464 = arith.constant 192 : index
        %parallel_loop3A_465 = tpu.vector_load %arg9[%parallel_loop3A_463, %parallel_loop3A_464] {strides = array<i32>} : memref<16x768xf32, #tpu.memory_space<vmem>>, vector<1x16xf32>,
        %parallel_loop3A_466 = vector.shape_cast %parallel_loop3A_465 : vector<1x16xf32> to vector<16xf32>
        %parallel_loop3A_467 = arith.addf %parallel_loop3A_456, %parallel_loop3A_462 : vector<16xf32>
        %parallel_loop3A_468 = arith.constant 5.000000e-01 : f32
        %parallel_loop3A_469 = vector.broadcast %parallel_loop3A_468 : f32 to vector<16xf32>
        %parallel_loop3A_470 = arith.mulf %parallel_loop3A_467, %parallel_loop3A_469 : vector<16xf32>
        %parallel_loop3A_471 = arith.addf %parallel_loop3A_470, %parallel_loop3A_466 : vector<16xf32>
        %parallel_loop3A_472 = arith.index_cast %parallel_loop3A_138 : i32 to index
        %parallel_loop3A_473 = arith.constant 192 : index
        %parallel_loop3A_474 = tpu.vector_load %arg11[%parallel_loop3A_472, %parallel_loop3A_473] {strides = array<i32>} : memref<16x768xf32, #tpu.memory_space<vmem>>, vector<1x16xf32>,
        %parallel_loop3A_475 = vector.shape_cast %parallel_loop3A_474 : vector<1x16xf32> to vector<16xf32>
        %parallel_loop3A_476 = vector.shape_cast %parallel_loop3A_471 : vector<16xf32> to vector<1x16xf32>
        tpu.vector_store %arg11[%parallel_loop3A_472, %parallel_loop3A_473], %parallel_loop3A_476 {strides = array<i32>} : memref<16x768xf32, #tpu.memory_space<vmem>>, vector<1x16xf32>,
        %parallel_loop3A_477 = arith.constant 0 : i32
        %parallel_loop3A_478 = arith.index_cast %parallel_loop3A_477 : i32 to index
        %parallel_loop3A_479 = arith.index_cast %parallel_loop3A_138 : i32 to index
        %parallel_loop3A_480 = arith.constant 208 : index
        %parallel_loop3A_481 = tpu.vector_load %arg7[%parallel_loop3A_478, %parallel_loop3A_479, %parallel_loop3A_480] {strides = array<i32>} : memref<2x16x768xf32, #tpu.memory_space<vmem>>, vector<1x1x16xf32>,
        %parallel_loop3A_482 = vector.shape_cast %parallel_loop3A_481 : vector<1x1x16xf32> to vector<16xf32>
        %parallel_loop3A_483 = arith.constant 1 : i32
        %parallel_loop3A_484 = arith.index_cast %parallel_loop3A_483 : i32 to index
        %parallel_loop3A_485 = arith.index_cast %parallel_loop3A_138 : i32 to index
        %parallel_loop3A_486 = arith.constant 208 : index
        %parallel_loop3A_487 = tpu.vector_load %arg7[%parallel_loop3A_484, %parallel_loop3A_485, %parallel_loop3A_486] {strides = array<i32>} : memref<2x16x768xf32, #tpu.memory_space<vmem>>, vector<1x1x16xf32>,
        %parallel_loop3A_488 = vector.shape_cast %parallel_loop3A_487 : vector<1x1x16xf32> to vector<16xf32>
        %parallel_loop3A_489 = arith.index_cast %parallel_loop3A_138 : i32 to index
        %parallel_loop3A_490 = arith.constant 208 : index
        %parallel_loop3A_491 = tpu.vector_load %arg9[%parallel_loop3A_489, %parallel_loop3A_490] {strides = array<i32>} : memref<16x768xf32, #tpu.memory_space<vmem>>, vector<1x16xf32>,
        %parallel_loop3A_492 = vector.shape_cast %parallel_loop3A_491 : vector<1x16xf32> to vector<16xf32>
        %parallel_loop3A_493 = arith.addf %parallel_loop3A_482, %parallel_loop3A_488 : vector<16xf32>
        %parallel_loop3A_494 = arith.constant 5.000000e-01 : f32
        %parallel_loop3A_495 = vector.broadcast %parallel_loop3A_494 : f32 to vector<16xf32>
        %parallel_loop3A_496 = arith.mulf %parallel_loop3A_493, %parallel_loop3A_495 : vector<16xf32>
        %parallel_loop3A_497 = arith.addf %parallel_loop3A_496, %parallel_loop3A_492 : vector<16xf32>
        %parallel_loop3A_498 = arith.index_cast %parallel_loop3A_138 : i32 to index
        %parallel_loop3A_499 = arith.constant 208 : index
        %parallel_loop3A_500 = tpu.vector_load %arg11[%parallel_loop3A_498, %parallel_loop3A_499] {strides = array<i32>} : memref<16x768xf32, #tpu.memory_space<vmem>>, vector<1x16xf32>,
        %parallel_loop3A_501 = vector.shape_cast %parallel_loop3A_500 : vector<1x16xf32> to vector<16xf32>
        %parallel_loop3A_502 = vector.shape_cast %parallel_loop3A_497 : vector<16xf32> to vector<1x16xf32>
        tpu.vector_store %arg11[%parallel_loop3A_498, %parallel_loop3A_499], %parallel_loop3A_502 {strides = array<i32>} : memref<16x768xf32, #tpu.memory_space<vmem>>, vector<1x16xf32>,
        %parallel_loop3A_503 = arith.constant 0 : i32
        %parallel_loop3A_504 = arith.index_cast %parallel_loop3A_503 : i32 to index
        %parallel_loop3A_505 = arith.index_cast %parallel_loop3A_138 : i32 to index
        %parallel_loop3A_506 = arith.constant 224 : index
        %parallel_loop3A_507 = tpu.vector_load %arg7[%parallel_loop3A_504, %parallel_loop3A_505, %parallel_loop3A_506] {strides = array<i32>} : memref<2x16x768xf32, #tpu.memory_space<vmem>>, vector<1x1x16xf32>,
        %parallel_loop3A_508 = vector.shape_cast %parallel_loop3A_507 : vector<1x1x16xf32> to vector<16xf32>
        %parallel_loop3A_509 = arith.constant 1 : i32
        %parallel_loop3A_510 = arith.index_cast %parallel_loop3A_509 : i32 to index
        %parallel_loop3A_511 = arith.index_cast %parallel_loop3A_138 : i32 to index
        %parallel_loop3A_512 = arith.constant 224 : index
        %parallel_loop3A_513 = tpu.vector_load %arg7[%parallel_loop3A_510, %parallel_loop3A_511, %parallel_loop3A_512] {strides = array<i32>} : memref<2x16x768xf32, #tpu.memory_space<vmem>>, vector<1x1x16xf32>,
        %parallel_loop3A_514 = vector.shape_cast %parallel_loop3A_513 : vector<1x1x16xf32> to vector<16xf32>
        %parallel_loop3A_515 = arith.index_cast %parallel_loop3A_138 : i32 to index
        %parallel_loop3A_516 = arith.constant 224 : index
        %parallel_loop3A_517 = tpu.vector_load %arg9[%parallel_loop3A_515, %parallel_loop3A_516] {strides = array<i32>} : memref<16x768xf32, #tpu.memory_space<vmem>>, vector<1x16xf32>,
        %parallel_loop3A_518 = vector.shape_cast %parallel_loop3A_517 : vector<1x16xf32> to vector<16xf32>
        %parallel_loop3A_519 = arith.addf %parallel_loop3A_508, %parallel_loop3A_514 : vector<16xf32>
        %parallel_loop3A_520 = arith.constant 5.000000e-01 : f32
        %parallel_loop3A_521 = vector.broadcast %parallel_loop3A_520 : f32 to vector<16xf32>
        %parallel_loop3A_522 = arith.mulf %parallel_loop3A_519, %parallel_loop3A_521 : vector<16xf32>
        %parallel_loop3A_523 = arith.addf %parallel_loop3A_522, %parallel_loop3A_518 : vector<16xf32>
        %parallel_loop3A_524 = arith.index_cast %parallel_loop3A_138 : i32 to index
        %parallel_loop3A_525 = arith.constant 224 : index
        %parallel_loop3A_526 = tpu.vector_load %arg11[%parallel_loop3A_524, %parallel_loop3A_525] {strides = array<i32>} : memref<16x768xf32, #tpu.memory_space<vmem>>, vector<1x16xf32>,
        %parallel_loop3A_527 = vector.shape_cast %parallel_loop3A_526 : vector<1x16xf32> to vector<16xf32>
        %parallel_loop3A_528 = vector.shape_cast %parallel_loop3A_523 : vector<16xf32> to vector<1x16xf32>
        tpu.vector_store %arg11[%parallel_loop3A_524, %parallel_loop3A_525], %parallel_loop3A_528 {strides = array<i32>} : memref<16x768xf32, #tpu.memory_space<vmem>>, vector<1x16xf32>,
        %parallel_loop3A_529 = arith.constant 0 : i32
        %parallel_loop3A_530 = arith.index_cast %parallel_loop3A_529 : i32 to index
        %parallel_loop3A_531 = arith.index_cast %parallel_loop3A_138 : i32 to index
        %parallel_loop3A_532 = arith.constant 240 : index
        %parallel_loop3A_533 = tpu.vector_load %arg7[%parallel_loop3A_530, %parallel_loop3A_531, %parallel_loop3A_532] {strides = array<i32>} : memref<2x16x768xf32, #tpu.memory_space<vmem>>, vector<1x1x16xf32>,
        %parallel_loop3A_534 = vector.shape_cast %parallel_loop3A_533 : vector<1x1x16xf32> to vector<16xf32>
        %parallel_loop3A_535 = arith.constant 1 : i32
        %parallel_loop3A_536 = arith.index_cast %parallel_loop3A_535 : i32 to index
        %parallel_loop3A_537 = arith.index_cast %parallel_loop3A_138 : i32 to index
        %parallel_loop3A_538 = arith.constant 240 : index
        %parallel_loop3A_539 = tpu.vector_load %arg7[%parallel_loop3A_536, %parallel_loop3A_537, %parallel_loop3A_538] {strides = array<i32>} : memref<2x16x768xf32, #tpu.memory_space<vmem>>, vector<1x1x16xf32>,
        %parallel_loop3A_540 = vector.shape_cast %parallel_loop3A_539 : vector<1x1x16xf32> to vector<16xf32>
        %parallel_loop3A_541 = arith.index_cast %parallel_loop3A_138 : i32 to index
        %parallel_loop3A_542 = arith.constant 240 : index
        %parallel_loop3A_543 = tpu.vector_load %arg9[%parallel_loop3A_541, %parallel_loop3A_542] {strides = array<i32>} : memref<16x768xf32, #tpu.memory_space<vmem>>, vector<1x16xf32>,
        %parallel_loop3A_544 = vector.shape_cast %parallel_loop3A_543 : vector<1x16xf32> to vector<16xf32>
        %parallel_loop3A_545 = arith.addf %parallel_loop3A_534, %parallel_loop3A_540 : vector<16xf32>
        %parallel_loop3A_546 = arith.constant 5.000000e-01 : f32
        %parallel_loop3A_547 = vector.broadcast %parallel_loop3A_546 : f32 to vector<16xf32>
        %parallel_loop3A_548 = arith.mulf %parallel_loop3A_545, %parallel_loop3A_547 : vector<16xf32>
        %parallel_loop3A_549 = arith.addf %parallel_loop3A_548, %parallel_loop3A_544 : vector<16xf32>
        %parallel_loop3A_550 = arith.index_cast %parallel_loop3A_138 : i32 to index
        %parallel_loop3A_551 = arith.constant 240 : index
        %parallel_loop3A_552 = tpu.vector_load %arg11[%parallel_loop3A_550, %parallel_loop3A_551] {strides = array<i32>} : memref<16x768xf32, #tpu.memory_space<vmem>>, vector<1x16xf32>,
        %parallel_loop3A_553 = vector.shape_cast %parallel_loop3A_552 : vector<1x16xf32> to vector<16xf32>
        %parallel_loop3A_554 = vector.shape_cast %parallel_loop3A_549 : vector<16xf32> to vector<1x16xf32>
        tpu.vector_store %arg11[%parallel_loop3A_550, %parallel_loop3A_551], %parallel_loop3A_554 {strides = array<i32>} : memref<16x768xf32, #tpu.memory_space<vmem>>, vector<1x16xf32>,
        %parallel_loop3A_555 = arith.constant 0 : i32
        %parallel_loop3A_556 = arith.index_cast %parallel_loop3A_555 : i32 to index
        %parallel_loop3A_557 = arith.index_cast %parallel_loop3A_138 : i32 to index
        %parallel_loop3A_558 = arith.constant 256 : index
        %parallel_loop3A_559 = tpu.vector_load %arg7[%parallel_loop3A_556, %parallel_loop3A_557, %parallel_loop3A_558] {strides = array<i32>} : memref<2x16x768xf32, #tpu.memory_space<vmem>>, vector<1x1x16xf32>,
        %parallel_loop3A_560 = vector.shape_cast %parallel_loop3A_559 : vector<1x1x16xf32> to vector<16xf32>
        %parallel_loop3A_561 = arith.constant 1 : i32
        %parallel_loop3A_562 = arith.index_cast %parallel_loop3A_561 : i32 to index
        %parallel_loop3A_563 = arith.index_cast %parallel_loop3A_138 : i32 to index
        %parallel_loop3A_564 = arith.constant 256 : index
        %parallel_loop3A_565 = tpu.vector_load %arg7[%parallel_loop3A_562, %parallel_loop3A_563, %parallel_loop3A_564] {strides = array<i32>} : memref<2x16x768xf32, #tpu.memory_space<vmem>>, vector<1x1x16xf32>,
        %parallel_loop3A_566 = vector.shape_cast %parallel_loop3A_565 : vector<1x1x16xf32> to vector<16xf32>
        %parallel_loop3A_567 = arith.index_cast %parallel_loop3A_138 : i32 to index
        %parallel_loop3A_568 = arith.constant 256 : index
        %parallel_loop3A_569 = tpu.vector_load %arg9[%parallel_loop3A_567, %parallel_loop3A_568] {strides = array<i32>} : memref<16x768xf32, #tpu.memory_space<vmem>>, vector<1x16xf32>,
        %parallel_loop3A_570 = vector.shape_cast %parallel_loop3A_569 : vector<1x16xf32> to vector<16xf32>
        %parallel_loop3A_571 = arith.addf %parallel_loop3A_560, %parallel_loop3A_566 : vector<16xf32>
        %parallel_loop3A_572 = arith.constant 5.000000e-01 : f32
        %parallel_loop3A_573 = vector.broadcast %parallel_loop3A_572 : f32 to vector<16xf32>
        %parallel_loop3A_574 = arith.mulf %parallel_loop3A_571, %parallel_loop3A_573 : vector<16xf32>
        %parallel_loop3A_575 = arith.addf %parallel_loop3A_574, %parallel_loop3A_570 : vector<16xf32>
        %parallel_loop3A_576 = arith.index_cast %parallel_loop3A_138 : i32 to index
        %parallel_loop3A_577 = arith.constant 256 : index
        %parallel_loop3A_578 = tpu.vector_load %arg11[%parallel_loop3A_576, %parallel_loop3A_577] {strides = array<i32>} : memref<16x768xf32, #tpu.memory_space<vmem>>, vector<1x16xf32>,
        %parallel_loop3A_579 = vector.shape_cast %parallel_loop3A_578 : vector<1x16xf32> to vector<16xf32>
        %parallel_loop3A_580 = vector.shape_cast %parallel_loop3A_575 : vector<16xf32> to vector<1x16xf32>
        tpu.vector_store %arg11[%parallel_loop3A_576, %parallel_loop3A_577], %parallel_loop3A_580 {strides = array<i32>} : memref<16x768xf32, #tpu.memory_space<vmem>>, vector<1x16xf32>,
        %parallel_loop3A_581 = arith.constant 0 : i32
        %parallel_loop3A_582 = arith.index_cast %parallel_loop3A_581 : i32 to index
        %parallel_loop3A_583 = arith.index_cast %parallel_loop3A_138 : i32 to index
        %parallel_loop3A_584 = arith.constant 272 : index
        %parallel_loop3A_585 = tpu.vector_load %arg7[%parallel_loop3A_582, %parallel_loop3A_583, %parallel_loop3A_584] {strides = array<i32>} : memref<2x16x768xf32, #tpu.memory_space<vmem>>, vector<1x1x16xf32>,
        %parallel_loop3A_586 = vector.shape_cast %parallel_loop3A_585 : vector<1x1x16xf32> to vector<16xf32>
        %parallel_loop3A_587 = arith.constant 1 : i32
        %parallel_loop3A_588 = arith.index_cast %parallel_loop3A_587 : i32 to index
        %parallel_loop3A_589 = arith.index_cast %parallel_loop3A_138 : i32 to index
        %parallel_loop3A_590 = arith.constant 272 : index
        %parallel_loop3A_591 = tpu.vector_load %arg7[%parallel_loop3A_588, %parallel_loop3A_589, %parallel_loop3A_590] {strides = array<i32>} : memref<2x16x768xf32, #tpu.memory_space<vmem>>, vector<1x1x16xf32>,
        %parallel_loop3A_592 = vector.shape_cast %parallel_loop3A_591 : vector<1x1x16xf32> to vector<16xf32>
        %parallel_loop3A_593 = arith.index_cast %parallel_loop3A_138 : i32 to index
        %parallel_loop3A_594 = arith.constant 272 : index
        %parallel_loop3A_595 = tpu.vector_load %arg9[%parallel_loop3A_593, %parallel_loop3A_594] {strides = array<i32>} : memref<16x768xf32, #tpu.memory_space<vmem>>, vector<1x16xf32>,
        %parallel_loop3A_596 = vector.shape_cast %parallel_loop3A_595 : vector<1x16xf32> to vector<16xf32>
        %parallel_loop3A_597 = arith.addf %parallel_loop3A_586, %parallel_loop3A_592 : vector<16xf32>
        %parallel_loop3A_598 = arith.constant 5.000000e-01 : f32
        %parallel_loop3A_599 = vector.broadcast %parallel_loop3A_598 : f32 to vector<16xf32>
        %parallel_loop3A_600 = arith.mulf %parallel_loop3A_597, %parallel_loop3A_599 : vector<16xf32>
        %parallel_loop3A_601 = arith.addf %parallel_loop3A_600, %parallel_loop3A_596 : vector<16xf32>
        %parallel_loop3A_602 = arith.index_cast %parallel_loop3A_138 : i32 to index
        %parallel_loop3A_603 = arith.constant 272 : index
        %parallel_loop3A_604 = tpu.vector_load %arg11[%parallel_loop3A_602, %parallel_loop3A_603] {strides = array<i32>} : memref<16x768xf32, #tpu.memory_space<vmem>>, vector<1x16xf32>,
        %parallel_loop3A_605 = vector.shape_cast %parallel_loop3A_604 : vector<1x16xf32> to vector<16xf32>
        %parallel_loop3A_606 = vector.shape_cast %parallel_loop3A_601 : vector<16xf32> to vector<1x16xf32>
        tpu.vector_store %arg11[%parallel_loop3A_602, %parallel_loop3A_603], %parallel_loop3A_606 {strides = array<i32>} : memref<16x768xf32, #tpu.memory_space<vmem>>, vector<1x16xf32>,
        %parallel_loop3A_607 = arith.constant 0 : i32
        %parallel_loop3A_608 = arith.index_cast %parallel_loop3A_607 : i32 to index
        %parallel_loop3A_609 = arith.index_cast %parallel_loop3A_138 : i32 to index
        %parallel_loop3A_610 = arith.constant 288 : index
        %parallel_loop3A_611 = tpu.vector_load %arg7[%parallel_loop3A_608, %parallel_loop3A_609, %parallel_loop3A_610] {strides = array<i32>} : memref<2x16x768xf32, #tpu.memory_space<vmem>>, vector<1x1x16xf32>,
        %parallel_loop3A_612 = vector.shape_cast %parallel_loop3A_611 : vector<1x1x16xf32> to vector<16xf32>
        %parallel_loop3A_613 = arith.constant 1 : i32
        %parallel_loop3A_614 = arith.index_cast %parallel_loop3A_613 : i32 to index
        %parallel_loop3A_615 = arith.index_cast %parallel_loop3A_138 : i32 to index
        %parallel_loop3A_616 = arith.constant 288 : index
        %parallel_loop3A_617 = tpu.vector_load %arg7[%parallel_loop3A_614, %parallel_loop3A_615, %parallel_loop3A_616] {strides = array<i32>} : memref<2x16x768xf32, #tpu.memory_space<vmem>>, vector<1x1x16xf32>,
        %parallel_loop3A_618 = vector.shape_cast %parallel_loop3A_617 : vector<1x1x16xf32> to vector<16xf32>
        %parallel_loop3A_619 = arith.index_cast %parallel_loop3A_138 : i32 to index
        %parallel_loop3A_620 = arith.constant 288 : index
        %parallel_loop3A_621 = tpu.vector_load %arg9[%parallel_loop3A_619, %parallel_loop3A_620] {strides = array<i32>} : memref<16x768xf32, #tpu.memory_space<vmem>>, vector<1x16xf32>,
        %parallel_loop3A_622 = vector.shape_cast %parallel_loop3A_621 : vector<1x16xf32> to vector<16xf32>
        %parallel_loop3A_623 = arith.addf %parallel_loop3A_612, %parallel_loop3A_618 : vector<16xf32>
        %parallel_loop3A_624 = arith.constant 5.000000e-01 : f32
        %parallel_loop3A_625 = vector.broadcast %parallel_loop3A_624 : f32 to vector<16xf32>
        %parallel_loop3A_626 = arith.mulf %parallel_loop3A_623, %parallel_loop3A_625 : vector<16xf32>
        %parallel_loop3A_627 = arith.addf %parallel_loop3A_626, %parallel_loop3A_622 : vector<16xf32>
        %parallel_loop3A_628 = arith.index_cast %parallel_loop3A_138 : i32 to index
        %parallel_loop3A_629 = arith.constant 288 : index
        %parallel_loop3A_630 = tpu.vector_load %arg11[%parallel_loop3A_628, %parallel_loop3A_629] {strides = array<i32>} : memref<16x768xf32, #tpu.memory_space<vmem>>, vector<1x16xf32>,
        %parallel_loop3A_631 = vector.shape_cast %parallel_loop3A_630 : vector<1x16xf32> to vector<16xf32>
        %parallel_loop3A_632 = vector.shape_cast %parallel_loop3A_627 : vector<16xf32> to vector<1x16xf32>
        tpu.vector_store %arg11[%parallel_loop3A_628, %parallel_loop3A_629], %parallel_loop3A_632 {strides = array<i32>} : memref<16x768xf32, #tpu.memory_space<vmem>>, vector<1x16xf32>,
        %parallel_loop3A_633 = arith.constant 0 : i32
        %parallel_loop3A_634 = arith.index_cast %parallel_loop3A_633 : i32 to index
        %parallel_loop3A_635 = arith.index_cast %parallel_loop3A_138 : i32 to index
        %parallel_loop3A_636 = arith.constant 304 : index
        %parallel_loop3A_637 = tpu.vector_load %arg7[%parallel_loop3A_634, %parallel_loop3A_635, %parallel_loop3A_636] {strides = array<i32>} : memref<2x16x768xf32, #tpu.memory_space<vmem>>, vector<1x1x16xf32>,
        %parallel_loop3A_638 = vector.shape_cast %parallel_loop3A_637 : vector<1x1x16xf32> to vector<16xf32>
        %parallel_loop3A_639 = arith.constant 1 : i32
        %parallel_loop3A_640 = arith.index_cast %parallel_loop3A_639 : i32 to index
        %parallel_loop3A_641 = arith.index_cast %parallel_loop3A_138 : i32 to index
        %parallel_loop3A_642 = arith.constant 304 : index
        %parallel_loop3A_643 = tpu.vector_load %arg7[%parallel_loop3A_640, %parallel_loop3A_641, %parallel_loop3A_642] {strides = array<i32>} : memref<2x16x768xf32, #tpu.memory_space<vmem>>, vector<1x1x16xf32>,
        %parallel_loop3A_644 = vector.shape_cast %parallel_loop3A_643 : vector<1x1x16xf32> to vector<16xf32>
        %parallel_loop3A_645 = arith.index_cast %parallel_loop3A_138 : i32 to index
        %parallel_loop3A_646 = arith.constant 304 : index
        %parallel_loop3A_647 = tpu.vector_load %arg9[%parallel_loop3A_645, %parallel_loop3A_646] {strides = array<i32>} : memref<16x768xf32, #tpu.memory_space<vmem>>, vector<1x16xf32>,
        %parallel_loop3A_648 = vector.shape_cast %parallel_loop3A_647 : vector<1x16xf32> to vector<16xf32>
        %parallel_loop3A_649 = arith.addf %parallel_loop3A_638, %parallel_loop3A_644 : vector<16xf32>
        %parallel_loop3A_650 = arith.constant 5.000000e-01 : f32
        %parallel_loop3A_651 = vector.broadcast %parallel_loop3A_650 : f32 to vector<16xf32>
        %parallel_loop3A_652 = arith.mulf %parallel_loop3A_649, %parallel_loop3A_651 : vector<16xf32>
        %parallel_loop3A_653 = arith.addf %parallel_loop3A_652, %parallel_loop3A_648 : vector<16xf32>
        %parallel_loop3A_654 = arith.index_cast %parallel_loop3A_138 : i32 to index
        %parallel_loop3A_655 = arith.constant 304 : index
        %parallel_loop3A_656 = tpu.vector_load %arg11[%parallel_loop3A_654, %parallel_loop3A_655] {strides = array<i32>} : memref<16x768xf32, #tpu.memory_space<vmem>>, vector<1x16xf32>,
        %parallel_loop3A_657 = vector.shape_cast %parallel_loop3A_656 : vector<1x16xf32> to vector<16xf32>
        %parallel_loop3A_658 = vector.shape_cast %parallel_loop3A_653 : vector<16xf32> to vector<1x16xf32>
        tpu.vector_store %arg11[%parallel_loop3A_654, %parallel_loop3A_655], %parallel_loop3A_658 {strides = array<i32>} : memref<16x768xf32, #tpu.memory_space<vmem>>, vector<1x16xf32>,
        %parallel_loop3A_659 = arith.constant 0 : i32
        %parallel_loop3A_660 = arith.index_cast %parallel_loop3A_659 : i32 to index
        %parallel_loop3A_661 = arith.index_cast %parallel_loop3A_138 : i32 to index
        %parallel_loop3A_662 = arith.constant 320 : index
        %parallel_loop3A_663 = tpu.vector_load %arg7[%parallel_loop3A_660, %parallel_loop3A_661, %parallel_loop3A_662] {strides = array<i32>} : memref<2x16x768xf32, #tpu.memory_space<vmem>>, vector<1x1x16xf32>,
        %parallel_loop3A_664 = vector.shape_cast %parallel_loop3A_663 : vector<1x1x16xf32> to vector<16xf32>
        %parallel_loop3A_665 = arith.constant 1 : i32
        %parallel_loop3A_666 = arith.index_cast %parallel_loop3A_665 : i32 to index
        %parallel_loop3A_667 = arith.index_cast %parallel_loop3A_138 : i32 to index
        %parallel_loop3A_668 = arith.constant 320 : index
        %parallel_loop3A_669 = tpu.vector_load %arg7[%parallel_loop3A_666, %parallel_loop3A_667, %parallel_loop3A_668] {strides = array<i32>} : memref<2x16x768xf32, #tpu.memory_space<vmem>>, vector<1x1x16xf32>,
        %parallel_loop3A_670 = vector.shape_cast %parallel_loop3A_669 : vector<1x1x16xf32> to vector<16xf32>
        %parallel_loop3A_671 = arith.index_cast %parallel_loop3A_138 : i32 to index
        %parallel_loop3A_672 = arith.constant 320 : index
        %parallel_loop3A_673 = tpu.vector_load %arg9[%parallel_loop3A_671, %parallel_loop3A_672] {strides = array<i32>} : memref<16x768xf32, #tpu.memory_space<vmem>>, vector<1x16xf32>,
        %parallel_loop3A_674 = vector.shape_cast %parallel_loop3A_673 : vector<1x16xf32> to vector<16xf32>
        %parallel_loop3A_675 = arith.addf %parallel_loop3A_664, %parallel_loop3A_670 : vector<16xf32>
        %parallel_loop3A_676 = arith.constant 5.000000e-01 : f32
        %parallel_loop3A_677 = vector.broadcast %parallel_loop3A_676 : f32 to vector<16xf32>
        %parallel_loop3A_678 = arith.mulf %parallel_loop3A_675, %parallel_loop3A_677 : vector<16xf32>
        %parallel_loop3A_679 = arith.addf %parallel_loop3A_678, %parallel_loop3A_674 : vector<16xf32>
        %parallel_loop3A_680 = arith.index_cast %parallel_loop3A_138 : i32 to index
        %parallel_loop3A_681 = arith.constant 320 : index
        %parallel_loop3A_682 = tpu.vector_load %arg11[%parallel_loop3A_680, %parallel_loop3A_681] {strides = array<i32>} : memref<16x768xf32, #tpu.memory_space<vmem>>, vector<1x16xf32>,
        %parallel_loop3A_683 = vector.shape_cast %parallel_loop3A_682 : vector<1x16xf32> to vector<16xf32>
        %parallel_loop3A_684 = vector.shape_cast %parallel_loop3A_679 : vector<16xf32> to vector<1x16xf32>
        tpu.vector_store %arg11[%parallel_loop3A_680, %parallel_loop3A_681], %parallel_loop3A_684 {strides = array<i32>} : memref<16x768xf32, #tpu.memory_space<vmem>>, vector<1x16xf32>,
        %parallel_loop3A_685 = arith.constant 0 : i32
        %parallel_loop3A_686 = arith.index_cast %parallel_loop3A_685 : i32 to index
        %parallel_loop3A_687 = arith.index_cast %parallel_loop3A_138 : i32 to index
        %parallel_loop3A_688 = arith.constant 336 : index
        %parallel_loop3A_689 = tpu.vector_load %arg7[%parallel_loop3A_686, %parallel_loop3A_687, %parallel_loop3A_688] {strides = array<i32>} : memref<2x16x768xf32, #tpu.memory_space<vmem>>, vector<1x1x16xf32>,
        %parallel_loop3A_690 = vector.shape_cast %parallel_loop3A_689 : vector<1x1x16xf32> to vector<16xf32>
        %parallel_loop3A_691 = arith.constant 1 : i32
        %parallel_loop3A_692 = arith.index_cast %parallel_loop3A_691 : i32 to index
        %parallel_loop3A_693 = arith.index_cast %parallel_loop3A_138 : i32 to index
        %parallel_loop3A_694 = arith.constant 336 : index
        %parallel_loop3A_695 = tpu.vector_load %arg7[%parallel_loop3A_692, %parallel_loop3A_693, %parallel_loop3A_694] {strides = array<i32>} : memref<2x16x768xf32, #tpu.memory_space<vmem>>, vector<1x1x16xf32>,
        %parallel_loop3A_696 = vector.shape_cast %parallel_loop3A_695 : vector<1x1x16xf32> to vector<16xf32>
        %parallel_loop3A_697 = arith.index_cast %parallel_loop3A_138 : i32 to index
        %parallel_loop3A_698 = arith.constant 336 : index
        %parallel_loop3A_699 = tpu.vector_load %arg9[%parallel_loop3A_697, %parallel_loop3A_698] {strides = array<i32>} : memref<16x768xf32, #tpu.memory_space<vmem>>, vector<1x16xf32>,
        %parallel_loop3A_700 = vector.shape_cast %parallel_loop3A_699 : vector<1x16xf32> to vector<16xf32>
        %parallel_loop3A_701 = arith.addf %parallel_loop3A_690, %parallel_loop3A_696 : vector<16xf32>
        %parallel_loop3A_702 = arith.constant 5.000000e-01 : f32
        %parallel_loop3A_703 = vector.broadcast %parallel_loop3A_702 : f32 to vector<16xf32>
        %parallel_loop3A_704 = arith.mulf %parallel_loop3A_701, %parallel_loop3A_703 : vector<16xf32>
        %parallel_loop3A_705 = arith.addf %parallel_loop3A_704, %parallel_loop3A_700 : vector<16xf32>
        %parallel_loop3A_706 = arith.index_cast %parallel_loop3A_138 : i32 to index
        %parallel_loop3A_707 = arith.constant 336 : index
        %parallel_loop3A_708 = tpu.vector_load %arg11[%parallel_loop3A_706, %parallel_loop3A_707] {strides = array<i32>} : memref<16x768xf32, #tpu.memory_space<vmem>>, vector<1x16xf32>,
        %parallel_loop3A_709 = vector.shape_cast %parallel_loop3A_708 : vector<1x16xf32> to vector<16xf32>
        %parallel_loop3A_710 = vector.shape_cast %parallel_loop3A_705 : vector<16xf32> to vector<1x16xf32>
        tpu.vector_store %arg11[%parallel_loop3A_706, %parallel_loop3A_707], %parallel_loop3A_710 {strides = array<i32>} : memref<16x768xf32, #tpu.memory_space<vmem>>, vector<1x16xf32>,
        %parallel_loop3A_711 = arith.constant 0 : i32
        %parallel_loop3A_712 = arith.index_cast %parallel_loop3A_711 : i32 to index
        %parallel_loop3A_713 = arith.index_cast %parallel_loop3A_138 : i32 to index
        %parallel_loop3A_714 = arith.constant 352 : index
        %parallel_loop3A_715 = tpu.vector_load %arg7[%parallel_loop3A_712, %parallel_loop3A_713, %parallel_loop3A_714] {strides = array<i32>} : memref<2x16x768xf32, #tpu.memory_space<vmem>>, vector<1x1x16xf32>,
        %parallel_loop3A_716 = vector.shape_cast %parallel_loop3A_715 : vector<1x1x16xf32> to vector<16xf32>
        %parallel_loop3A_717 = arith.constant 1 : i32
        %parallel_loop3A_718 = arith.index_cast %parallel_loop3A_717 : i32 to index
        %parallel_loop3A_719 = arith.index_cast %parallel_loop3A_138 : i32 to index
        %parallel_loop3A_720 = arith.constant 352 : index
        %parallel_loop3A_721 = tpu.vector_load %arg7[%parallel_loop3A_718, %parallel_loop3A_719, %parallel_loop3A_720] {strides = array<i32>} : memref<2x16x768xf32, #tpu.memory_space<vmem>>, vector<1x1x16xf32>,
        %parallel_loop3A_722 = vector.shape_cast %parallel_loop3A_721 : vector<1x1x16xf32> to vector<16xf32>
        %parallel_loop3A_723 = arith.index_cast %parallel_loop3A_138 : i32 to index
        %parallel_loop3A_724 = arith.constant 352 : index
        %parallel_loop3A_725 = tpu.vector_load %arg9[%parallel_loop3A_723, %parallel_loop3A_724] {strides = array<i32>} : memref<16x768xf32, #tpu.memory_space<vmem>>, vector<1x16xf32>,
        %parallel_loop3A_726 = vector.shape_cast %parallel_loop3A_725 : vector<1x16xf32> to vector<16xf32>
        %parallel_loop3A_727 = arith.addf %parallel_loop3A_716, %parallel_loop3A_722 : vector<16xf32>
        %parallel_loop3A_728 = arith.constant 5.000000e-01 : f32
        %parallel_loop3A_729 = vector.broadcast %parallel_loop3A_728 : f32 to vector<16xf32>
        %parallel_loop3A_730 = arith.mulf %parallel_loop3A_727, %parallel_loop3A_729 : vector<16xf32>
        %parallel_loop3A_731 = arith.addf %parallel_loop3A_730, %parallel_loop3A_726 : vector<16xf32>
        %parallel_loop3A_732 = arith.index_cast %parallel_loop3A_138 : i32 to index
        %parallel_loop3A_733 = arith.constant 352 : index
        %parallel_loop3A_734 = tpu.vector_load %arg11[%parallel_loop3A_732, %parallel_loop3A_733] {strides = array<i32>} : memref<16x768xf32, #tpu.memory_space<vmem>>, vector<1x16xf32>,
        %parallel_loop3A_735 = vector.shape_cast %parallel_loop3A_734 : vector<1x16xf32> to vector<16xf32>
        %parallel_loop3A_736 = vector.shape_cast %parallel_loop3A_731 : vector<16xf32> to vector<1x16xf32>
        tpu.vector_store %arg11[%parallel_loop3A_732, %parallel_loop3A_733], %parallel_loop3A_736 {strides = array<i32>} : memref<16x768xf32, #tpu.memory_space<vmem>>, vector<1x16xf32>,
        %parallel_loop3A_737 = arith.constant 0 : i32
        %parallel_loop3A_738 = arith.index_cast %parallel_loop3A_737 : i32 to index
        %parallel_loop3A_739 = arith.index_cast %parallel_loop3A_138 : i32 to index
        %parallel_loop3A_740 = arith.constant 368 : index
        %parallel_loop3A_741 = tpu.vector_load %arg7[%parallel_loop3A_738, %parallel_loop3A_739, %parallel_loop3A_740] {strides = array<i32>} : memref<2x16x768xf32, #tpu.memory_space<vmem>>, vector<1x1x16xf32>,
        %parallel_loop3A_742 = vector.shape_cast %parallel_loop3A_741 : vector<1x1x16xf32> to vector<16xf32>
        %parallel_loop3A_743 = arith.constant 1 : i32
        %parallel_loop3A_744 = arith.index_cast %parallel_loop3A_743 : i32 to index
        %parallel_loop3A_745 = arith.index_cast %parallel_loop3A_138 : i32 to index
        %parallel_loop3A_746 = arith.constant 368 : index
        %parallel_loop3A_747 = tpu.vector_load %arg7[%parallel_loop3A_744, %parallel_loop3A_745, %parallel_loop3A_746] {strides = array<i32>} : memref<2x16x768xf32, #tpu.memory_space<vmem>>, vector<1x1x16xf32>,
        %parallel_loop3A_748 = vector.shape_cast %parallel_loop3A_747 : vector<1x1x16xf32> to vector<16xf32>
        %parallel_loop3A_749 = arith.index_cast %parallel_loop3A_138 : i32 to index
        %parallel_loop3A_750 = arith.constant 368 : index
        %parallel_loop3A_751 = tpu.vector_load %arg9[%parallel_loop3A_749, %parallel_loop3A_750] {strides = array<i32>} : memref<16x768xf32, #tpu.memory_space<vmem>>, vector<1x16xf32>,
        %parallel_loop3A_752 = vector.shape_cast %parallel_loop3A_751 : vector<1x16xf32> to vector<16xf32>
        %parallel_loop3A_753 = arith.addf %parallel_loop3A_742, %parallel_loop3A_748 : vector<16xf32>
        %parallel_loop3A_754 = arith.constant 5.000000e-01 : f32
        %parallel_loop3A_755 = vector.broadcast %parallel_loop3A_754 : f32 to vector<16xf32>
        %parallel_loop3A_756 = arith.mulf %parallel_loop3A_753, %parallel_loop3A_755 : vector<16xf32>
        %parallel_loop3A_757 = arith.addf %parallel_loop3A_756, %parallel_loop3A_752 : vector<16xf32>
        %parallel_loop3A_758 = arith.index_cast %parallel_loop3A_138 : i32 to index
        %parallel_loop3A_759 = arith.constant 368 : index
        %parallel_loop3A_760 = tpu.vector_load %arg11[%parallel_loop3A_758, %parallel_loop3A_759] {strides = array<i32>} : memref<16x768xf32, #tpu.memory_space<vmem>>, vector<1x16xf32>,
        %parallel_loop3A_761 = vector.shape_cast %parallel_loop3A_760 : vector<1x16xf32> to vector<16xf32>
        %parallel_loop3A_762 = vector.shape_cast %parallel_loop3A_757 : vector<16xf32> to vector<1x16xf32>
        tpu.vector_store %arg11[%parallel_loop3A_758, %parallel_loop3A_759], %parallel_loop3A_762 {strides = array<i32>} : memref<16x768xf32, #tpu.memory_space<vmem>>, vector<1x16xf32>,
        %parallel_loop3A_763 = arith.constant 0 : i32
        %parallel_loop3A_764 = arith.index_cast %parallel_loop3A_763 : i32 to index
        %parallel_loop3A_765 = arith.index_cast %parallel_loop3A_138 : i32 to index
        %parallel_loop3A_766 = arith.constant 384 : index
        %parallel_loop3A_767 = tpu.vector_load %arg7[%parallel_loop3A_764, %parallel_loop3A_765, %parallel_loop3A_766] {strides = array<i32>} : memref<2x16x768xf32, #tpu.memory_space<vmem>>, vector<1x1x16xf32>,
        %parallel_loop3A_768 = vector.shape_cast %parallel_loop3A_767 : vector<1x1x16xf32> to vector<16xf32>
        %parallel_loop3A_769 = arith.constant 1 : i32
        %parallel_loop3A_770 = arith.index_cast %parallel_loop3A_769 : i32 to index
        %parallel_loop3A_771 = arith.index_cast %parallel_loop3A_138 : i32 to index
        %parallel_loop3A_772 = arith.constant 384 : index
        %parallel_loop3A_773 = tpu.vector_load %arg7[%parallel_loop3A_770, %parallel_loop3A_771, %parallel_loop3A_772] {strides = array<i32>} : memref<2x16x768xf32, #tpu.memory_space<vmem>>, vector<1x1x16xf32>,
        %parallel_loop3A_774 = vector.shape_cast %parallel_loop3A_773 : vector<1x1x16xf32> to vector<16xf32>
        %parallel_loop3A_775 = arith.index_cast %parallel_loop3A_138 : i32 to index
        %parallel_loop3A_776 = arith.constant 384 : index
        %parallel_loop3A_777 = tpu.vector_load %arg9[%parallel_loop3A_775, %parallel_loop3A_776] {strides = array<i32>} : memref<16x768xf32, #tpu.memory_space<vmem>>, vector<1x16xf32>,
        %parallel_loop3A_778 = vector.shape_cast %parallel_loop3A_777 : vector<1x16xf32> to vector<16xf32>
        %parallel_loop3A_779 = arith.addf %parallel_loop3A_768, %parallel_loop3A_774 : vector<16xf32>
        %parallel_loop3A_780 = arith.constant 5.000000e-01 : f32
        %parallel_loop3A_781 = vector.broadcast %parallel_loop3A_780 : f32 to vector<16xf32>
        %parallel_loop3A_782 = arith.mulf %parallel_loop3A_779, %parallel_loop3A_781 : vector<16xf32>
        %parallel_loop3A_783 = arith.addf %parallel_loop3A_782, %parallel_loop3A_778 : vector<16xf32>
        %parallel_loop3A_784 = arith.index_cast %parallel_loop3A_138 : i32 to index
        %parallel_loop3A_785 = arith.constant 384 : index
        %parallel_loop3A_786 = tpu.vector_load %arg11[%parallel_loop3A_784, %parallel_loop3A_785] {strides = array<i32>} : memref<16x768xf32, #tpu.memory_space<vmem>>, vector<1x16xf32>,
        %parallel_loop3A_787 = vector.shape_cast %parallel_loop3A_786 : vector<1x16xf32> to vector<16xf32>
        %parallel_loop3A_788 = vector.shape_cast %parallel_loop3A_783 : vector<16xf32> to vector<1x16xf32>
        tpu.vector_store %arg11[%parallel_loop3A_784, %parallel_loop3A_785], %parallel_loop3A_788 {strides = array<i32>} : memref<16x768xf32, #tpu.memory_space<vmem>>, vector<1x16xf32>,
        %parallel_loop3A_789 = arith.constant 0 : i32
        %parallel_loop3A_790 = arith.index_cast %parallel_loop3A_789 : i32 to index
        %parallel_loop3A_791 = arith.index_cast %parallel_loop3A_138 : i32 to index
        %parallel_loop3A_792 = arith.constant 400 : index
        %parallel_loop3A_793 = tpu.vector_load %arg7[%parallel_loop3A_790, %parallel_loop3A_791, %parallel_loop3A_792] {strides = array<i32>} : memref<2x16x768xf32, #tpu.memory_space<vmem>>, vector<1x1x16xf32>,
        %parallel_loop3A_794 = vector.shape_cast %parallel_loop3A_793 : vector<1x1x16xf32> to vector<16xf32>
        %parallel_loop3A_795 = arith.constant 1 : i32
        %parallel_loop3A_796 = arith.index_cast %parallel_loop3A_795 : i32 to index
        %parallel_loop3A_797 = arith.index_cast %parallel_loop3A_138 : i32 to index
        %parallel_loop3A_798 = arith.constant 400 : index
        %parallel_loop3A_799 = tpu.vector_load %arg7[%parallel_loop3A_796, %parallel_loop3A_797, %parallel_loop3A_798] {strides = array<i32>} : memref<2x16x768xf32, #tpu.memory_space<vmem>>, vector<1x1x16xf32>,
        %parallel_loop3A_800 = vector.shape_cast %parallel_loop3A_799 : vector<1x1x16xf32> to vector<16xf32>
        %parallel_loop3A_801 = arith.index_cast %parallel_loop3A_138 : i32 to index
        %parallel_loop3A_802 = arith.constant 400 : index
        %parallel_loop3A_803 = tpu.vector_load %arg9[%parallel_loop3A_801, %parallel_loop3A_802] {strides = array<i32>} : memref<16x768xf32, #tpu.memory_space<vmem>>, vector<1x16xf32>,
        %parallel_loop3A_804 = vector.shape_cast %parallel_loop3A_803 : vector<1x16xf32> to vector<16xf32>
        %parallel_loop3A_805 = arith.addf %parallel_loop3A_794, %parallel_loop3A_800 : vector<16xf32>
        %parallel_loop3A_806 = arith.constant 5.000000e-01 : f32
        %parallel_loop3A_807 = vector.broadcast %parallel_loop3A_806 : f32 to vector<16xf32>
        %parallel_loop3A_808 = arith.mulf %parallel_loop3A_805, %parallel_loop3A_807 : vector<16xf32>
        %parallel_loop3A_809 = arith.addf %parallel_loop3A_808, %parallel_loop3A_804 : vector<16xf32>
        %parallel_loop3A_810 = arith.index_cast %parallel_loop3A_138 : i32 to index
        %parallel_loop3A_811 = arith.constant 400 : index
        %parallel_loop3A_812 = tpu.vector_load %arg11[%parallel_loop3A_810, %parallel_loop3A_811] {strides = array<i32>} : memref<16x768xf32, #tpu.memory_space<vmem>>, vector<1x16xf32>,
        %parallel_loop3A_813 = vector.shape_cast %parallel_loop3A_812 : vector<1x16xf32> to vector<16xf32>
        %parallel_loop3A_814 = vector.shape_cast %parallel_loop3A_809 : vector<16xf32> to vector<1x16xf32>
        tpu.vector_store %arg11[%parallel_loop3A_810, %parallel_loop3A_811], %parallel_loop3A_814 {strides = array<i32>} : memref<16x768xf32, #tpu.memory_space<vmem>>, vector<1x16xf32>,
        %parallel_loop3A_815 = arith.constant 0 : i32
        %parallel_loop3A_816 = arith.index_cast %parallel_loop3A_815 : i32 to index
        %parallel_loop3A_817 = arith.index_cast %parallel_loop3A_138 : i32 to index
        %parallel_loop3A_818 = arith.constant 416 : index
        %parallel_loop3A_819 = tpu.vector_load %arg7[%parallel_loop3A_816, %parallel_loop3A_817, %parallel_loop3A_818] {strides = array<i32>} : memref<2x16x768xf32, #tpu.memory_space<vmem>>, vector<1x1x16xf32>,
        %parallel_loop3A_820 = vector.shape_cast %parallel_loop3A_819 : vector<1x1x16xf32> to vector<16xf32>
        %parallel_loop3A_821 = arith.constant 1 : i32
        %parallel_loop3A_822 = arith.index_cast %parallel_loop3A_821 : i32 to index
        %parallel_loop3A_823 = arith.index_cast %parallel_loop3A_138 : i32 to index
        %parallel_loop3A_824 = arith.constant 416 : index
        %parallel_loop3A_825 = tpu.vector_load %arg7[%parallel_loop3A_822, %parallel_loop3A_823, %parallel_loop3A_824] {strides = array<i32>} : memref<2x16x768xf32, #tpu.memory_space<vmem>>, vector<1x1x16xf32>,
        %parallel_loop3A_826 = vector.shape_cast %parallel_loop3A_825 : vector<1x1x16xf32> to vector<16xf32>
        %parallel_loop3A_827 = arith.index_cast %parallel_loop3A_138 : i32 to index
        %parallel_loop3A_828 = arith.constant 416 : index
        %parallel_loop3A_829 = tpu.vector_load %arg9[%parallel_loop3A_827, %parallel_loop3A_828] {strides = array<i32>} : memref<16x768xf32, #tpu.memory_space<vmem>>, vector<1x16xf32>,
        %parallel_loop3A_830 = vector.shape_cast %parallel_loop3A_829 : vector<1x16xf32> to vector<16xf32>
        %parallel_loop3A_831 = arith.addf %parallel_loop3A_820, %parallel_loop3A_826 : vector<16xf32>
        %parallel_loop3A_832 = arith.constant 5.000000e-01 : f32
        %parallel_loop3A_833 = vector.broadcast %parallel_loop3A_832 : f32 to vector<16xf32>
        %parallel_loop3A_834 = arith.mulf %parallel_loop3A_831, %parallel_loop3A_833 : vector<16xf32>
        %parallel_loop3A_835 = arith.addf %parallel_loop3A_834, %parallel_loop3A_830 : vector<16xf32>
        %parallel_loop3A_836 = arith.index_cast %parallel_loop3A_138 : i32 to index
        %parallel_loop3A_837 = arith.constant 416 : index
        %parallel_loop3A_838 = tpu.vector_load %arg11[%parallel_loop3A_836, %parallel_loop3A_837] {strides = array<i32>} : memref<16x768xf32, #tpu.memory_space<vmem>>, vector<1x16xf32>,
        %parallel_loop3A_839 = vector.shape_cast %parallel_loop3A_838 : vector<1x16xf32> to vector<16xf32>
        %parallel_loop3A_840 = vector.shape_cast %parallel_loop3A_835 : vector<16xf32> to vector<1x16xf32>
        tpu.vector_store %arg11[%parallel_loop3A_836, %parallel_loop3A_837], %parallel_loop3A_840 {strides = array<i32>} : memref<16x768xf32, #tpu.memory_space<vmem>>, vector<1x16xf32>,
        %parallel_loop3A_841 = arith.constant 0 : i32
        %parallel_loop3A_842 = arith.index_cast %parallel_loop3A_841 : i32 to index
        %parallel_loop3A_843 = arith.index_cast %parallel_loop3A_138 : i32 to index
        %parallel_loop3A_844 = arith.constant 432 : index
        %parallel_loop3A_845 = tpu.vector_load %arg7[%parallel_loop3A_842, %parallel_loop3A_843, %parallel_loop3A_844] {strides = array<i32>} : memref<2x16x768xf32, #tpu.memory_space<vmem>>, vector<1x1x16xf32>,
        %parallel_loop3A_846 = vector.shape_cast %parallel_loop3A_845 : vector<1x1x16xf32> to vector<16xf32>
        %parallel_loop3A_847 = arith.constant 1 : i32
        %parallel_loop3A_848 = arith.index_cast %parallel_loop3A_847 : i32 to index
        %parallel_loop3A_849 = arith.index_cast %parallel_loop3A_138 : i32 to index
        %parallel_loop3A_850 = arith.constant 432 : index
        %parallel_loop3A_851 = tpu.vector_load %arg7[%parallel_loop3A_848, %parallel_loop3A_849, %parallel_loop3A_850] {strides = array<i32>} : memref<2x16x768xf32, #tpu.memory_space<vmem>>, vector<1x1x16xf32>,
        %parallel_loop3A_852 = vector.shape_cast %parallel_loop3A_851 : vector<1x1x16xf32> to vector<16xf32>
        %parallel_loop3A_853 = arith.index_cast %parallel_loop3A_138 : i32 to index
        %parallel_loop3A_854 = arith.constant 432 : index
        %parallel_loop3A_855 = tpu.vector_load %arg9[%parallel_loop3A_853, %parallel_loop3A_854] {strides = array<i32>} : memref<16x768xf32, #tpu.memory_space<vmem>>, vector<1x16xf32>,
        %parallel_loop3A_856 = vector.shape_cast %parallel_loop3A_855 : vector<1x16xf32> to vector<16xf32>
        %parallel_loop3A_857 = arith.addf %parallel_loop3A_846, %parallel_loop3A_852 : vector<16xf32>
        %parallel_loop3A_858 = arith.constant 5.000000e-01 : f32
        %parallel_loop3A_859 = vector.broadcast %parallel_loop3A_858 : f32 to vector<16xf32>
        %parallel_loop3A_860 = arith.mulf %parallel_loop3A_857, %parallel_loop3A_859 : vector<16xf32>
        %parallel_loop3A_861 = arith.addf %parallel_loop3A_860, %parallel_loop3A_856 : vector<16xf32>
        %parallel_loop3A_862 = arith.index_cast %parallel_loop3A_138 : i32 to index
        %parallel_loop3A_863 = arith.constant 432 : index
        %parallel_loop3A_864 = tpu.vector_load %arg11[%parallel_loop3A_862, %parallel_loop3A_863] {strides = array<i32>} : memref<16x768xf32, #tpu.memory_space<vmem>>, vector<1x16xf32>,
        %parallel_loop3A_865 = vector.shape_cast %parallel_loop3A_864 : vector<1x16xf32> to vector<16xf32>
        %parallel_loop3A_866 = vector.shape_cast %parallel_loop3A_861 : vector<16xf32> to vector<1x16xf32>
        tpu.vector_store %arg11[%parallel_loop3A_862, %parallel_loop3A_863], %parallel_loop3A_866 {strides = array<i32>} : memref<16x768xf32, #tpu.memory_space<vmem>>, vector<1x16xf32>,
        %parallel_loop3A_867 = arith.constant 0 : i32
        %parallel_loop3A_868 = arith.index_cast %parallel_loop3A_867 : i32 to index
        %parallel_loop3A_869 = arith.index_cast %parallel_loop3A_138 : i32 to index
        %parallel_loop3A_870 = arith.constant 448 : index
        %parallel_loop3A_871 = tpu.vector_load %arg7[%parallel_loop3A_868, %parallel_loop3A_869, %parallel_loop3A_870] {strides = array<i32>} : memref<2x16x768xf32, #tpu.memory_space<vmem>>, vector<1x1x16xf32>,
        %parallel_loop3A_872 = vector.shape_cast %parallel_loop3A_871 : vector<1x1x16xf32> to vector<16xf32>
        %parallel_loop3A_873 = arith.constant 1 : i32
        %parallel_loop3A_874 = arith.index_cast %parallel_loop3A_873 : i32 to index
        %parallel_loop3A_875 = arith.index_cast %parallel_loop3A_138 : i32 to index
        %parallel_loop3A_876 = arith.constant 448 : index
        %parallel_loop3A_877 = tpu.vector_load %arg7[%parallel_loop3A_874, %parallel_loop3A_875, %parallel_loop3A_876] {strides = array<i32>} : memref<2x16x768xf32, #tpu.memory_space<vmem>>, vector<1x1x16xf32>,
        %parallel_loop3A_878 = vector.shape_cast %parallel_loop3A_877 : vector<1x1x16xf32> to vector<16xf32>
        %parallel_loop3A_879 = arith.index_cast %parallel_loop3A_138 : i32 to index
        %parallel_loop3A_880 = arith.constant 448 : index
        %parallel_loop3A_881 = tpu.vector_load %arg9[%parallel_loop3A_879, %parallel_loop3A_880] {strides = array<i32>} : memref<16x768xf32, #tpu.memory_space<vmem>>, vector<1x16xf32>,
        %parallel_loop3A_882 = vector.shape_cast %parallel_loop3A_881 : vector<1x16xf32> to vector<16xf32>
        %parallel_loop3A_883 = arith.addf %parallel_loop3A_872, %parallel_loop3A_878 : vector<16xf32>
        %parallel_loop3A_884 = arith.constant 5.000000e-01 : f32
        %parallel_loop3A_885 = vector.broadcast %parallel_loop3A_884 : f32 to vector<16xf32>
        %parallel_loop3A_886 = arith.mulf %parallel_loop3A_883, %parallel_loop3A_885 : vector<16xf32>
        %parallel_loop3A_887 = arith.addf %parallel_loop3A_886, %parallel_loop3A_882 : vector<16xf32>
        %parallel_loop3A_888 = arith.index_cast %parallel_loop3A_138 : i32 to index
        %parallel_loop3A_889 = arith.constant 448 : index
        %parallel_loop3A_890 = tpu.vector_load %arg11[%parallel_loop3A_888, %parallel_loop3A_889] {strides = array<i32>} : memref<16x768xf32, #tpu.memory_space<vmem>>, vector<1x16xf32>,
        %parallel_loop3A_891 = vector.shape_cast %parallel_loop3A_890 : vector<1x16xf32> to vector<16xf32>
        %parallel_loop3A_892 = vector.shape_cast %parallel_loop3A_887 : vector<16xf32> to vector<1x16xf32>
        tpu.vector_store %arg11[%parallel_loop3A_888, %parallel_loop3A_889], %parallel_loop3A_892 {strides = array<i32>} : memref<16x768xf32, #tpu.memory_space<vmem>>, vector<1x16xf32>,
        %parallel_loop3A_893 = arith.constant 0 : i32
        %parallel_loop3A_894 = arith.index_cast %parallel_loop3A_893 : i32 to index
        %parallel_loop3A_895 = arith.index_cast %parallel_loop3A_138 : i32 to index
        %parallel_loop3A_896 = arith.constant 464 : index
        %parallel_loop3A_897 = tpu.vector_load %arg7[%parallel_loop3A_894, %parallel_loop3A_895, %parallel_loop3A_896] {strides = array<i32>} : memref<2x16x768xf32, #tpu.memory_space<vmem>>, vector<1x1x16xf32>,
        %parallel_loop3A_898 = vector.shape_cast %parallel_loop3A_897 : vector<1x1x16xf32> to vector<16xf32>
        %parallel_loop3A_899 = arith.constant 1 : i32
        %parallel_loop3A_900 = arith.index_cast %parallel_loop3A_899 : i32 to index
        %parallel_loop3A_901 = arith.index_cast %parallel_loop3A_138 : i32 to index
        %parallel_loop3A_902 = arith.constant 464 : index
        %parallel_loop3A_903 = tpu.vector_load %arg7[%parallel_loop3A_900, %parallel_loop3A_901, %parallel_loop3A_902] {strides = array<i32>} : memref<2x16x768xf32, #tpu.memory_space<vmem>>, vector<1x1x16xf32>,
        %parallel_loop3A_904 = vector.shape_cast %parallel_loop3A_903 : vector<1x1x16xf32> to vector<16xf32>
        %parallel_loop3A_905 = arith.index_cast %parallel_loop3A_138 : i32 to index
        %parallel_loop3A_906 = arith.constant 464 : index
        %parallel_loop3A_907 = tpu.vector_load %arg9[%parallel_loop3A_905, %parallel_loop3A_906] {strides = array<i32>} : memref<16x768xf32, #tpu.memory_space<vmem>>, vector<1x16xf32>,
        %parallel_loop3A_908 = vector.shape_cast %parallel_loop3A_907 : vector<1x16xf32> to vector<16xf32>
        %parallel_loop3A_909 = arith.addf %parallel_loop3A_898, %parallel_loop3A_904 : vector<16xf32>
        %parallel_loop3A_910 = arith.constant 5.000000e-01 : f32
        %parallel_loop3A_911 = vector.broadcast %parallel_loop3A_910 : f32 to vector<16xf32>
        %parallel_loop3A_912 = arith.mulf %parallel_loop3A_909, %parallel_loop3A_911 : vector<16xf32>
        %parallel_loop3A_913 = arith.addf %parallel_loop3A_912, %parallel_loop3A_908 : vector<16xf32>
        %parallel_loop3A_914 = arith.index_cast %parallel_loop3A_138 : i32 to index
        %parallel_loop3A_915 = arith.constant 464 : index
        %parallel_loop3A_916 = tpu.vector_load %arg11[%parallel_loop3A_914, %parallel_loop3A_915] {strides = array<i32>} : memref<16x768xf32, #tpu.memory_space<vmem>>, vector<1x16xf32>,
        %parallel_loop3A_917 = vector.shape_cast %parallel_loop3A_916 : vector<1x16xf32> to vector<16xf32>
        %parallel_loop3A_918 = vector.shape_cast %parallel_loop3A_913 : vector<16xf32> to vector<1x16xf32>
        tpu.vector_store %arg11[%parallel_loop3A_914, %parallel_loop3A_915], %parallel_loop3A_918 {strides = array<i32>} : memref<16x768xf32, #tpu.memory_space<vmem>>, vector<1x16xf32>,
        %parallel_loop3A_919 = arith.constant 0 : i32
        %parallel_loop3A_920 = arith.index_cast %parallel_loop3A_919 : i32 to index
        %parallel_loop3A_921 = arith.index_cast %parallel_loop3A_138 : i32 to index
        %parallel_loop3A_922 = arith.constant 480 : index
        %parallel_loop3A_923 = tpu.vector_load %arg7[%parallel_loop3A_920, %parallel_loop3A_921, %parallel_loop3A_922] {strides = array<i32>} : memref<2x16x768xf32, #tpu.memory_space<vmem>>, vector<1x1x16xf32>,
        %parallel_loop3A_924 = vector.shape_cast %parallel_loop3A_923 : vector<1x1x16xf32> to vector<16xf32>
        %parallel_loop3A_925 = arith.constant 1 : i32
        %parallel_loop3A_926 = arith.index_cast %parallel_loop3A_925 : i32 to index
        %parallel_loop3A_927 = arith.index_cast %parallel_loop3A_138 : i32 to index
        %parallel_loop3A_928 = arith.constant 480 : index
        %parallel_loop3A_929 = tpu.vector_load %arg7[%parallel_loop3A_926, %parallel_loop3A_927, %parallel_loop3A_928] {strides = array<i32>} : memref<2x16x768xf32, #tpu.memory_space<vmem>>, vector<1x1x16xf32>,
        %parallel_loop3A_930 = vector.shape_cast %parallel_loop3A_929 : vector<1x1x16xf32> to vector<16xf32>
        %parallel_loop3A_931 = arith.index_cast %parallel_loop3A_138 : i32 to index
        %parallel_loop3A_932 = arith.constant 480 : index
        %parallel_loop3A_933 = tpu.vector_load %arg9[%parallel_loop3A_931, %parallel_loop3A_932] {strides = array<i32>} : memref<16x768xf32, #tpu.memory_space<vmem>>, vector<1x16xf32>,
        %parallel_loop3A_934 = vector.shape_cast %parallel_loop3A_933 : vector<1x16xf32> to vector<16xf32>
        %parallel_loop3A_935 = arith.addf %parallel_loop3A_924, %parallel_loop3A_930 : vector<16xf32>
        %parallel_loop3A_936 = arith.constant 5.000000e-01 : f32
        %parallel_loop3A_937 = vector.broadcast %parallel_loop3A_936 : f32 to vector<16xf32>
        %parallel_loop3A_938 = arith.mulf %parallel_loop3A_935, %parallel_loop3A_937 : vector<16xf32>
        %parallel_loop3A_939 = arith.addf %parallel_loop3A_938, %parallel_loop3A_934 : vector<16xf32>
        %parallel_loop3A_940 = arith.index_cast %parallel_loop3A_138 : i32 to index
        %parallel_loop3A_941 = arith.constant 480 : index
        %parallel_loop3A_942 = tpu.vector_load %arg11[%parallel_loop3A_940, %parallel_loop3A_941] {strides = array<i32>} : memref<16x768xf32, #tpu.memory_space<vmem>>, vector<1x16xf32>,
        %parallel_loop3A_943 = vector.shape_cast %parallel_loop3A_942 : vector<1x16xf32> to vector<16xf32>
        %parallel_loop3A_944 = vector.shape_cast %parallel_loop3A_939 : vector<16xf32> to vector<1x16xf32>
        tpu.vector_store %arg11[%parallel_loop3A_940, %parallel_loop3A_941], %parallel_loop3A_944 {strides = array<i32>} : memref<16x768xf32, #tpu.memory_space<vmem>>, vector<1x16xf32>,
        %parallel_loop3A_945 = arith.constant 0 : i32
        %parallel_loop3A_946 = arith.index_cast %parallel_loop3A_945 : i32 to index
        %parallel_loop3A_947 = arith.index_cast %parallel_loop3A_138 : i32 to index
        %parallel_loop3A_948 = arith.constant 496 : index
        %parallel_loop3A_949 = tpu.vector_load %arg7[%parallel_loop3A_946, %parallel_loop3A_947, %parallel_loop3A_948] {strides = array<i32>} : memref<2x16x768xf32, #tpu.memory_space<vmem>>, vector<1x1x16xf32>,
        %parallel_loop3A_950 = vector.shape_cast %parallel_loop3A_949 : vector<1x1x16xf32> to vector<16xf32>
        %parallel_loop3A_951 = arith.constant 1 : i32
        %parallel_loop3A_952 = arith.index_cast %parallel_loop3A_951 : i32 to index
        %parallel_loop3A_953 = arith.index_cast %parallel_loop3A_138 : i32 to index
        %parallel_loop3A_954 = arith.constant 496 : index
        %parallel_loop3A_955 = tpu.vector_load %arg7[%parallel_loop3A_952, %parallel_loop3A_953, %parallel_loop3A_954] {strides = array<i32>} : memref<2x16x768xf32, #tpu.memory_space<vmem>>, vector<1x1x16xf32>,
        %parallel_loop3A_956 = vector.shape_cast %parallel_loop3A_955 : vector<1x1x16xf32> to vector<16xf32>
        %parallel_loop3A_957 = arith.index_cast %parallel_loop3A_138 : i32 to index
        %parallel_loop3A_958 = arith.constant 496 : index
        %parallel_loop3A_959 = tpu.vector_load %arg9[%parallel_loop3A_957, %parallel_loop3A_958] {strides = array<i32>} : memref<16x768xf32, #tpu.memory_space<vmem>>, vector<1x16xf32>,
        %parallel_loop3A_960 = vector.shape_cast %parallel_loop3A_959 : vector<1x16xf32> to vector<16xf32>
        %parallel_loop3A_961 = arith.addf %parallel_loop3A_950, %parallel_loop3A_956 : vector<16xf32>
        %parallel_loop3A_962 = arith.constant 5.000000e-01 : f32
        %parallel_loop3A_963 = vector.broadcast %parallel_loop3A_962 : f32 to vector<16xf32>
        %parallel_loop3A_964 = arith.mulf %parallel_loop3A_961, %parallel_loop3A_963 : vector<16xf32>
        %parallel_loop3A_965 = arith.addf %parallel_loop3A_964, %parallel_loop3A_960 : vector<16xf32>
        %parallel_loop3A_966 = arith.index_cast %parallel_loop3A_138 : i32 to index
        %parallel_loop3A_967 = arith.constant 496 : index
        %parallel_loop3A_968 = tpu.vector_load %arg11[%parallel_loop3A_966, %parallel_loop3A_967] {strides = array<i32>} : memref<16x768xf32, #tpu.memory_space<vmem>>, vector<1x16xf32>,
        %parallel_loop3A_969 = vector.shape_cast %parallel_loop3A_968 : vector<1x16xf32> to vector<16xf32>
        %parallel_loop3A_970 = vector.shape_cast %parallel_loop3A_965 : vector<16xf32> to vector<1x16xf32>
        tpu.vector_store %arg11[%parallel_loop3A_966, %parallel_loop3A_967], %parallel_loop3A_970 {strides = array<i32>} : memref<16x768xf32, #tpu.memory_space<vmem>>, vector<1x16xf32>,
        %parallel_loop3A_971 = arith.constant 0 : i32
        %parallel_loop3A_972 = arith.index_cast %parallel_loop3A_971 : i32 to index
        %parallel_loop3A_973 = arith.index_cast %parallel_loop3A_138 : i32 to index
        %parallel_loop3A_974 = arith.constant 512 : index
        %parallel_loop3A_975 = tpu.vector_load %arg7[%parallel_loop3A_972, %parallel_loop3A_973, %parallel_loop3A_974] {strides = array<i32>} : memref<2x16x768xf32, #tpu.memory_space<vmem>>, vector<1x1x16xf32>,
        %parallel_loop3A_976 = vector.shape_cast %parallel_loop3A_975 : vector<1x1x16xf32> to vector<16xf32>
        %parallel_loop3A_977 = arith.constant 1 : i32
        %parallel_loop3A_978 = arith.index_cast %parallel_loop3A_977 : i32 to index
        %parallel_loop3A_979 = arith.index_cast %parallel_loop3A_138 : i32 to index
        %parallel_loop3A_980 = arith.constant 512 : index
        %parallel_loop3A_981 = tpu.vector_load %arg7[%parallel_loop3A_978, %parallel_loop3A_979, %parallel_loop3A_980] {strides = array<i32>} : memref<2x16x768xf32, #tpu.memory_space<vmem>>, vector<1x1x16xf32>,
        %parallel_loop3A_982 = vector.shape_cast %parallel_loop3A_981 : vector<1x1x16xf32> to vector<16xf32>
        %parallel_loop3A_983 = arith.index_cast %parallel_loop3A_138 : i32 to index
        %parallel_loop3A_984 = arith.constant 512 : index
        %parallel_loop3A_985 = tpu.vector_load %arg9[%parallel_loop3A_983, %parallel_loop3A_984] {strides = array<i32>} : memref<16x768xf32, #tpu.memory_space<vmem>>, vector<1x16xf32>,
        %parallel_loop3A_986 = vector.shape_cast %parallel_loop3A_985 : vector<1x16xf32> to vector<16xf32>
        %parallel_loop3A_987 = arith.addf %parallel_loop3A_976, %parallel_loop3A_982 : vector<16xf32>
        %parallel_loop3A_988 = arith.constant 5.000000e-01 : f32
        %parallel_loop3A_989 = vector.broadcast %parallel_loop3A_988 : f32 to vector<16xf32>
        %parallel_loop3A_990 = arith.mulf %parallel_loop3A_987, %parallel_loop3A_989 : vector<16xf32>
        %parallel_loop3A_991 = arith.addf %parallel_loop3A_990, %parallel_loop3A_986 : vector<16xf32>
        %parallel_loop3A_992 = arith.index_cast %parallel_loop3A_138 : i32 to index
        %parallel_loop3A_993 = arith.constant 512 : index
        %parallel_loop3A_994 = tpu.vector_load %arg11[%parallel_loop3A_992, %parallel_loop3A_993] {strides = array<i32>} : memref<16x768xf32, #tpu.memory_space<vmem>>, vector<1x16xf32>,
        %parallel_loop3A_995 = vector.shape_cast %parallel_loop3A_994 : vector<1x16xf32> to vector<16xf32>
        %parallel_loop3A_996 = vector.shape_cast %parallel_loop3A_991 : vector<16xf32> to vector<1x16xf32>
        tpu.vector_store %arg11[%parallel_loop3A_992, %parallel_loop3A_993], %parallel_loop3A_996 {strides = array<i32>} : memref<16x768xf32, #tpu.memory_space<vmem>>, vector<1x16xf32>,
        %parallel_loop3A_997 = arith.constant 0 : i32
        %parallel_loop3A_998 = arith.index_cast %parallel_loop3A_997 : i32 to index
        %parallel_loop3A_999 = arith.index_cast %parallel_loop3A_138 : i32 to index
        %parallel_loop3A_1000 = arith.constant 528 : index
        %parallel_loop3A_1001 = tpu.vector_load %arg7[%parallel_loop3A_998, %parallel_loop3A_999, %parallel_loop3A_1000] {strides = array<i32>} : memref<2x16x768xf32, #tpu.memory_space<vmem>>, vector<1x1x16xf32>,
        %parallel_loop3A_1002 = vector.shape_cast %parallel_loop3A_1001 : vector<1x1x16xf32> to vector<16xf32>
        %parallel_loop3A_1003 = arith.constant 1 : i32
        %parallel_loop3A_1004 = arith.index_cast %parallel_loop3A_1003 : i32 to index
        %parallel_loop3A_1005 = arith.index_cast %parallel_loop3A_138 : i32 to index
        %parallel_loop3A_1006 = arith.constant 528 : index
        %parallel_loop3A_1007 = tpu.vector_load %arg7[%parallel_loop3A_1004, %parallel_loop3A_1005, %parallel_loop3A_1006] {strides = array<i32>} : memref<2x16x768xf32, #tpu.memory_space<vmem>>, vector<1x1x16xf32>,
        %parallel_loop3A_1008 = vector.shape_cast %parallel_loop3A_1007 : vector<1x1x16xf32> to vector<16xf32>
        %parallel_loop3A_1009 = arith.index_cast %parallel_loop3A_138 : i32 to index
        %parallel_loop3A_1010 = arith.constant 528 : index
        %parallel_loop3A_1011 = tpu.vector_load %arg9[%parallel_loop3A_1009, %parallel_loop3A_1010] {strides = array<i32>} : memref<16x768xf32, #tpu.memory_space<vmem>>, vector<1x16xf32>,
        %parallel_loop3A_1012 = vector.shape_cast %parallel_loop3A_1011 : vector<1x16xf32> to vector<16xf32>
        %parallel_loop3A_1013 = arith.addf %parallel_loop3A_1002, %parallel_loop3A_1008 : vector<16xf32>
        %parallel_loop3A_1014 = arith.constant 5.000000e-01 : f32
        %parallel_loop3A_1015 = vector.broadcast %parallel_loop3A_1014 : f32 to vector<16xf32>
        %parallel_loop3A_1016 = arith.mulf %parallel_loop3A_1013, %parallel_loop3A_1015 : vector<16xf32>
        %parallel_loop3A_1017 = arith.addf %parallel_loop3A_1016, %parallel_loop3A_1012 : vector<16xf32>
        %parallel_loop3A_1018 = arith.index_cast %parallel_loop3A_138 : i32 to index
        %parallel_loop3A_1019 = arith.constant 528 : index
        %parallel_loop3A_1020 = tpu.vector_load %arg11[%parallel_loop3A_1018, %parallel_loop3A_1019] {strides = array<i32>} : memref<16x768xf32, #tpu.memory_space<vmem>>, vector<1x16xf32>,
        %parallel_loop3A_1021 = vector.shape_cast %parallel_loop3A_1020 : vector<1x16xf32> to vector<16xf32>
        %parallel_loop3A_1022 = vector.shape_cast %parallel_loop3A_1017 : vector<16xf32> to vector<1x16xf32>
        tpu.vector_store %arg11[%parallel_loop3A_1018, %parallel_loop3A_1019], %parallel_loop3A_1022 {strides = array<i32>} : memref<16x768xf32, #tpu.memory_space<vmem>>, vector<1x16xf32>,
        %parallel_loop3A_1023 = arith.constant 0 : i32
        %parallel_loop3A_1024 = arith.index_cast %parallel_loop3A_1023 : i32 to index
        %parallel_loop3A_1025 = arith.index_cast %parallel_loop3A_138 : i32 to index
        %parallel_loop3A_1026 = arith.constant 544 : index
        %parallel_loop3A_1027 = tpu.vector_load %arg7[%parallel_loop3A_1024, %parallel_loop3A_1025, %parallel_loop3A_1026] {strides = array<i32>} : memref<2x16x768xf32, #tpu.memory_space<vmem>>, vector<1x1x16xf32>,
        %parallel_loop3A_1028 = vector.shape_cast %parallel_loop3A_1027 : vector<1x1x16xf32> to vector<16xf32>
        %parallel_loop3A_1029 = arith.constant 1 : i32
        %parallel_loop3A_1030 = arith.index_cast %parallel_loop3A_1029 : i32 to index
        %parallel_loop3A_1031 = arith.index_cast %parallel_loop3A_138 : i32 to index
        %parallel_loop3A_1032 = arith.constant 544 : index
        %parallel_loop3A_1033 = tpu.vector_load %arg7[%parallel_loop3A_1030, %parallel_loop3A_1031, %parallel_loop3A_1032] {strides = array<i32>} : memref<2x16x768xf32, #tpu.memory_space<vmem>>, vector<1x1x16xf32>,
        %parallel_loop3A_1034 = vector.shape_cast %parallel_loop3A_1033 : vector<1x1x16xf32> to vector<16xf32>
        %parallel_loop3A_1035 = arith.index_cast %parallel_loop3A_138 : i32 to index
        %parallel_loop3A_1036 = arith.constant 544 : index
        %parallel_loop3A_1037 = tpu.vector_load %arg9[%parallel_loop3A_1035, %parallel_loop3A_1036] {strides = array<i32>} : memref<16x768xf32, #tpu.memory_space<vmem>>, vector<1x16xf32>,
        %parallel_loop3A_1038 = vector.shape_cast %parallel_loop3A_1037 : vector<1x16xf32> to vector<16xf32>
        %parallel_loop3A_1039 = arith.addf %parallel_loop3A_1028, %parallel_loop3A_1034 : vector<16xf32>
        %parallel_loop3A_1040 = arith.constant 5.000000e-01 : f32
        %parallel_loop3A_1041 = vector.broadcast %parallel_loop3A_1040 : f32 to vector<16xf32>
        %parallel_loop3A_1042 = arith.mulf %parallel_loop3A_1039, %parallel_loop3A_1041 : vector<16xf32>
        %parallel_loop3A_1043 = arith.addf %parallel_loop3A_1042, %parallel_loop3A_1038 : vector<16xf32>
        %parallel_loop3A_1044 = arith.index_cast %parallel_loop3A_138 : i32 to index
        %parallel_loop3A_1045 = arith.constant 544 : index
        %parallel_loop3A_1046 = tpu.vector_load %arg11[%parallel_loop3A_1044, %parallel_loop3A_1045] {strides = array<i32>} : memref<16x768xf32, #tpu.memory_space<vmem>>, vector<1x16xf32>,
        %parallel_loop3A_1047 = vector.shape_cast %parallel_loop3A_1046 : vector<1x16xf32> to vector<16xf32>
        %parallel_loop3A_1048 = vector.shape_cast %parallel_loop3A_1043 : vector<16xf32> to vector<1x16xf32>
        tpu.vector_store %arg11[%parallel_loop3A_1044, %parallel_loop3A_1045], %parallel_loop3A_1048 {strides = array<i32>} : memref<16x768xf32, #tpu.memory_space<vmem>>, vector<1x16xf32>,
        %parallel_loop3A_1049 = arith.constant 0 : i32
        %parallel_loop3A_1050 = arith.index_cast %parallel_loop3A_1049 : i32 to index
        %parallel_loop3A_1051 = arith.index_cast %parallel_loop3A_138 : i32 to index
        %parallel_loop3A_1052 = arith.constant 560 : index
        %parallel_loop3A_1053 = tpu.vector_load %arg7[%parallel_loop3A_1050, %parallel_loop3A_1051, %parallel_loop3A_1052] {strides = array<i32>} : memref<2x16x768xf32, #tpu.memory_space<vmem>>, vector<1x1x16xf32>,
        %parallel_loop3A_1054 = vector.shape_cast %parallel_loop3A_1053 : vector<1x1x16xf32> to vector<16xf32>
        %parallel_loop3A_1055 = arith.constant 1 : i32
        %parallel_loop3A_1056 = arith.index_cast %parallel_loop3A_1055 : i32 to index
        %parallel_loop3A_1057 = arith.index_cast %parallel_loop3A_138 : i32 to index
        %parallel_loop3A_1058 = arith.constant 560 : index
        %parallel_loop3A_1059 = tpu.vector_load %arg7[%parallel_loop3A_1056, %parallel_loop3A_1057, %parallel_loop3A_1058] {strides = array<i32>} : memref<2x16x768xf32, #tpu.memory_space<vmem>>, vector<1x1x16xf32>,
        %parallel_loop3A_1060 = vector.shape_cast %parallel_loop3A_1059 : vector<1x1x16xf32> to vector<16xf32>
        %parallel_loop3A_1061 = arith.index_cast %parallel_loop3A_138 : i32 to index
        %parallel_loop3A_1062 = arith.constant 560 : index
        %parallel_loop3A_1063 = tpu.vector_load %arg9[%parallel_loop3A_1061, %parallel_loop3A_1062] {strides = array<i32>} : memref<16x768xf32, #tpu.memory_space<vmem>>, vector<1x16xf32>,
        %parallel_loop3A_1064 = vector.shape_cast %parallel_loop3A_1063 : vector<1x16xf32> to vector<16xf32>
        %parallel_loop3A_1065 = arith.addf %parallel_loop3A_1054, %parallel_loop3A_1060 : vector<16xf32>
        %parallel_loop3A_1066 = arith.constant 5.000000e-01 : f32
        %parallel_loop3A_1067 = vector.broadcast %parallel_loop3A_1066 : f32 to vector<16xf32>
        %parallel_loop3A_1068 = arith.mulf %parallel_loop3A_1065, %parallel_loop3A_1067 : vector<16xf32>
        %parallel_loop3A_1069 = arith.addf %parallel_loop3A_1068, %parallel_loop3A_1064 : vector<16xf32>
        %parallel_loop3A_1070 = arith.index_cast %parallel_loop3A_138 : i32 to index
        %parallel_loop3A_1071 = arith.constant 560 : index
        %parallel_loop3A_1072 = tpu.vector_load %arg11[%parallel_loop3A_1070, %parallel_loop3A_1071] {strides = array<i32>} : memref<16x768xf32, #tpu.memory_space<vmem>>, vector<1x16xf32>,
        %parallel_loop3A_1073 = vector.shape_cast %parallel_loop3A_1072 : vector<1x16xf32> to vector<16xf32>
        %parallel_loop3A_1074 = vector.shape_cast %parallel_loop3A_1069 : vector<16xf32> to vector<1x16xf32>
        tpu.vector_store %arg11[%parallel_loop3A_1070, %parallel_loop3A_1071], %parallel_loop3A_1074 {strides = array<i32>} : memref<16x768xf32, #tpu.memory_space<vmem>>, vector<1x16xf32>,
        %parallel_loop3A_1075 = arith.constant 0 : i32
        %parallel_loop3A_1076 = arith.index_cast %parallel_loop3A_1075 : i32 to index
        %parallel_loop3A_1077 = arith.index_cast %parallel_loop3A_138 : i32 to index
        %parallel_loop3A_1078 = arith.constant 576 : index
        %parallel_loop3A_1079 = tpu.vector_load %arg7[%parallel_loop3A_1076, %parallel_loop3A_1077, %parallel_loop3A_1078] {strides = array<i32>} : memref<2x16x768xf32, #tpu.memory_space<vmem>>, vector<1x1x16xf32>,
        %parallel_loop3A_1080 = vector.shape_cast %parallel_loop3A_1079 : vector<1x1x16xf32> to vector<16xf32>
        %parallel_loop3A_1081 = arith.constant 1 : i32
        %parallel_loop3A_1082 = arith.index_cast %parallel_loop3A_1081 : i32 to index
        %parallel_loop3A_1083 = arith.index_cast %parallel_loop3A_138 : i32 to index
        %parallel_loop3A_1084 = arith.constant 576 : index
        %parallel_loop3A_1085 = tpu.vector_load %arg7[%parallel_loop3A_1082, %parallel_loop3A_1083, %parallel_loop3A_1084] {strides = array<i32>} : memref<2x16x768xf32, #tpu.memory_space<vmem>>, vector<1x1x16xf32>,
        %parallel_loop3A_1086 = vector.shape_cast %parallel_loop3A_1085 : vector<1x1x16xf32> to vector<16xf32>
        %parallel_loop3A_1087 = arith.index_cast %parallel_loop3A_138 : i32 to index
        %parallel_loop3A_1088 = arith.constant 576 : index
        %parallel_loop3A_1089 = tpu.vector_load %arg9[%parallel_loop3A_1087, %parallel_loop3A_1088] {strides = array<i32>} : memref<16x768xf32, #tpu.memory_space<vmem>>, vector<1x16xf32>,
        %parallel_loop3A_1090 = vector.shape_cast %parallel_loop3A_1089 : vector<1x16xf32> to vector<16xf32>
        %parallel_loop3A_1091 = arith.addf %parallel_loop3A_1080, %parallel_loop3A_1086 : vector<16xf32>
        %parallel_loop3A_1092 = arith.constant 5.000000e-01 : f32
        %parallel_loop3A_1093 = vector.broadcast %parallel_loop3A_1092 : f32 to vector<16xf32>
        %parallel_loop3A_1094 = arith.mulf %parallel_loop3A_1091, %parallel_loop3A_1093 : vector<16xf32>
        %parallel_loop3A_1095 = arith.addf %parallel_loop3A_1094, %parallel_loop3A_1090 : vector<16xf32>
        %parallel_loop3A_1096 = arith.index_cast %parallel_loop3A_138 : i32 to index
        %parallel_loop3A_1097 = arith.constant 576 : index
        %parallel_loop3A_1098 = tpu.vector_load %arg11[%parallel_loop3A_1096, %parallel_loop3A_1097] {strides = array<i32>} : memref<16x768xf32, #tpu.memory_space<vmem>>, vector<1x16xf32>,
        %parallel_loop3A_1099 = vector.shape_cast %parallel_loop3A_1098 : vector<1x16xf32> to vector<16xf32>
        %parallel_loop3A_1100 = vector.shape_cast %parallel_loop3A_1095 : vector<16xf32> to vector<1x16xf32>
        tpu.vector_store %arg11[%parallel_loop3A_1096, %parallel_loop3A_1097], %parallel_loop3A_1100 {strides = array<i32>} : memref<16x768xf32, #tpu.memory_space<vmem>>, vector<1x16xf32>,
        %parallel_loop3A_1101 = arith.constant 0 : i32
        %parallel_loop3A_1102 = arith.index_cast %parallel_loop3A_1101 : i32 to index
        %parallel_loop3A_1103 = arith.index_cast %parallel_loop3A_138 : i32 to index
        %parallel_loop3A_1104 = arith.constant 592 : index
        %parallel_loop3A_1105 = tpu.vector_load %arg7[%parallel_loop3A_1102, %parallel_loop3A_1103, %parallel_loop3A_1104] {strides = array<i32>} : memref<2x16x768xf32, #tpu.memory_space<vmem>>, vector<1x1x16xf32>,
        %parallel_loop3A_1106 = vector.shape_cast %parallel_loop3A_1105 : vector<1x1x16xf32> to vector<16xf32>
        %parallel_loop3A_1107 = arith.constant 1 : i32
        %parallel_loop3A_1108 = arith.index_cast %parallel_loop3A_1107 : i32 to index
        %parallel_loop3A_1109 = arith.index_cast %parallel_loop3A_138 : i32 to index
        %parallel_loop3A_1110 = arith.constant 592 : index
        %parallel_loop3A_1111 = tpu.vector_load %arg7[%parallel_loop3A_1108, %parallel_loop3A_1109, %parallel_loop3A_1110] {strides = array<i32>} : memref<2x16x768xf32, #tpu.memory_space<vmem>>, vector<1x1x16xf32>,
        %parallel_loop3A_1112 = vector.shape_cast %parallel_loop3A_1111 : vector<1x1x16xf32> to vector<16xf32>
        %parallel_loop3A_1113 = arith.index_cast %parallel_loop3A_138 : i32 to index
        %parallel_loop3A_1114 = arith.constant 592 : index
        %parallel_loop3A_1115 = tpu.vector_load %arg9[%parallel_loop3A_1113, %parallel_loop3A_1114] {strides = array<i32>} : memref<16x768xf32, #tpu.memory_space<vmem>>, vector<1x16xf32>,
        %parallel_loop3A_1116 = vector.shape_cast %parallel_loop3A_1115 : vector<1x16xf32> to vector<16xf32>
        %parallel_loop3A_1117 = arith.addf %parallel_loop3A_1106, %parallel_loop3A_1112 : vector<16xf32>
        %parallel_loop3A_1118 = arith.constant 5.000000e-01 : f32
        %parallel_loop3A_1119 = vector.broadcast %parallel_loop3A_1118 : f32 to vector<16xf32>
        %parallel_loop3A_1120 = arith.mulf %parallel_loop3A_1117, %parallel_loop3A_1119 : vector<16xf32>
        %parallel_loop3A_1121 = arith.addf %parallel_loop3A_1120, %parallel_loop3A_1116 : vector<16xf32>
        %parallel_loop3A_1122 = arith.index_cast %parallel_loop3A_138 : i32 to index
        %parallel_loop3A_1123 = arith.constant 592 : index
        %parallel_loop3A_1124 = tpu.vector_load %arg11[%parallel_loop3A_1122, %parallel_loop3A_1123] {strides = array<i32>} : memref<16x768xf32, #tpu.memory_space<vmem>>, vector<1x16xf32>,
        %parallel_loop3A_1125 = vector.shape_cast %parallel_loop3A_1124 : vector<1x16xf32> to vector<16xf32>
        %parallel_loop3A_1126 = vector.shape_cast %parallel_loop3A_1121 : vector<16xf32> to vector<1x16xf32>
        tpu.vector_store %arg11[%parallel_loop3A_1122, %parallel_loop3A_1123], %parallel_loop3A_1126 {strides = array<i32>} : memref<16x768xf32, #tpu.memory_space<vmem>>, vector<1x16xf32>,
        %parallel_loop3A_1127 = arith.constant 0 : i32
        %parallel_loop3A_1128 = arith.index_cast %parallel_loop3A_1127 : i32 to index
        %parallel_loop3A_1129 = arith.index_cast %parallel_loop3A_138 : i32 to index
        %parallel_loop3A_1130 = arith.constant 608 : index
        %parallel_loop3A_1131 = tpu.vector_load %arg7[%parallel_loop3A_1128, %parallel_loop3A_1129, %parallel_loop3A_1130] {strides = array<i32>} : memref<2x16x768xf32, #tpu.memory_space<vmem>>, vector<1x1x16xf32>,
        %parallel_loop3A_1132 = vector.shape_cast %parallel_loop3A_1131 : vector<1x1x16xf32> to vector<16xf32>
        %parallel_loop3A_1133 = arith.constant 1 : i32
        %parallel_loop3A_1134 = arith.index_cast %parallel_loop3A_1133 : i32 to index
        %parallel_loop3A_1135 = arith.index_cast %parallel_loop3A_138 : i32 to index
        %parallel_loop3A_1136 = arith.constant 608 : index
        %parallel_loop3A_1137 = tpu.vector_load %arg7[%parallel_loop3A_1134, %parallel_loop3A_1135, %parallel_loop3A_1136] {strides = array<i32>} : memref<2x16x768xf32, #tpu.memory_space<vmem>>, vector<1x1x16xf32>,
        %parallel_loop3A_1138 = vector.shape_cast %parallel_loop3A_1137 : vector<1x1x16xf32> to vector<16xf32>
        %parallel_loop3A_1139 = arith.index_cast %parallel_loop3A_138 : i32 to index
        %parallel_loop3A_1140 = arith.constant 608 : index
        %parallel_loop3A_1141 = tpu.vector_load %arg9[%parallel_loop3A_1139, %parallel_loop3A_1140] {strides = array<i32>} : memref<16x768xf32, #tpu.memory_space<vmem>>, vector<1x16xf32>,
        %parallel_loop3A_1142 = vector.shape_cast %parallel_loop3A_1141 : vector<1x16xf32> to vector<16xf32>
        %parallel_loop3A_1143 = arith.addf %parallel_loop3A_1132, %parallel_loop3A_1138 : vector<16xf32>
        %parallel_loop3A_1144 = arith.constant 5.000000e-01 : f32
        %parallel_loop3A_1145 = vector.broadcast %parallel_loop3A_1144 : f32 to vector<16xf32>
        %parallel_loop3A_1146 = arith.mulf %parallel_loop3A_1143, %parallel_loop3A_1145 : vector<16xf32>
        %parallel_loop3A_1147 = arith.addf %parallel_loop3A_1146, %parallel_loop3A_1142 : vector<16xf32>
        %parallel_loop3A_1148 = arith.index_cast %parallel_loop3A_138 : i32 to index
        %parallel_loop3A_1149 = arith.constant 608 : index
        %parallel_loop3A_1150 = tpu.vector_load %arg11[%parallel_loop3A_1148, %parallel_loop3A_1149] {strides = array<i32>} : memref<16x768xf32, #tpu.memory_space<vmem>>, vector<1x16xf32>,
        %parallel_loop3A_1151 = vector.shape_cast %parallel_loop3A_1150 : vector<1x16xf32> to vector<16xf32>
        %parallel_loop3A_1152 = vector.shape_cast %parallel_loop3A_1147 : vector<16xf32> to vector<1x16xf32>
        tpu.vector_store %arg11[%parallel_loop3A_1148, %parallel_loop3A_1149], %parallel_loop3A_1152 {strides = array<i32>} : memref<16x768xf32, #tpu.memory_space<vmem>>, vector<1x16xf32>,
        %parallel_loop3A_1153 = arith.constant 0 : i32
        %parallel_loop3A_1154 = arith.index_cast %parallel_loop3A_1153 : i32 to index
        %parallel_loop3A_1155 = arith.index_cast %parallel_loop3A_138 : i32 to index
        %parallel_loop3A_1156 = arith.constant 624 : index
        %parallel_loop3A_1157 = tpu.vector_load %arg7[%parallel_loop3A_1154, %parallel_loop3A_1155, %parallel_loop3A_1156] {strides = array<i32>} : memref<2x16x768xf32, #tpu.memory_space<vmem>>, vector<1x1x16xf32>,
        %parallel_loop3A_1158 = vector.shape_cast %parallel_loop3A_1157 : vector<1x1x16xf32> to vector<16xf32>
        %parallel_loop3A_1159 = arith.constant 1 : i32
        %parallel_loop3A_1160 = arith.index_cast %parallel_loop3A_1159 : i32 to index
        %parallel_loop3A_1161 = arith.index_cast %parallel_loop3A_138 : i32 to index
        %parallel_loop3A_1162 = arith.constant 624 : index
        %parallel_loop3A_1163 = tpu.vector_load %arg7[%parallel_loop3A_1160, %parallel_loop3A_1161, %parallel_loop3A_1162] {strides = array<i32>} : memref<2x16x768xf32, #tpu.memory_space<vmem>>, vector<1x1x16xf32>,
        %parallel_loop3A_1164 = vector.shape_cast %parallel_loop3A_1163 : vector<1x1x16xf32> to vector<16xf32>
        %parallel_loop3A_1165 = arith.index_cast %parallel_loop3A_138 : i32 to index
        %parallel_loop3A_1166 = arith.constant 624 : index
        %parallel_loop3A_1167 = tpu.vector_load %arg9[%parallel_loop3A_1165, %parallel_loop3A_1166] {strides = array<i32>} : memref<16x768xf32, #tpu.memory_space<vmem>>, vector<1x16xf32>,
        %parallel_loop3A_1168 = vector.shape_cast %parallel_loop3A_1167 : vector<1x16xf32> to vector<16xf32>
        %parallel_loop3A_1169 = arith.addf %parallel_loop3A_1158, %parallel_loop3A_1164 : vector<16xf32>
        %parallel_loop3A_1170 = arith.constant 5.000000e-01 : f32
        %parallel_loop3A_1171 = vector.broadcast %parallel_loop3A_1170 : f32 to vector<16xf32>
        %parallel_loop3A_1172 = arith.mulf %parallel_loop3A_1169, %parallel_loop3A_1171 : vector<16xf32>
        %parallel_loop3A_1173 = arith.addf %parallel_loop3A_1172, %parallel_loop3A_1168 : vector<16xf32>
        %parallel_loop3A_1174 = arith.index_cast %parallel_loop3A_138 : i32 to index
        %parallel_loop3A_1175 = arith.constant 624 : index
        %parallel_loop3A_1176 = tpu.vector_load %arg11[%parallel_loop3A_1174, %parallel_loop3A_1175] {strides = array<i32>} : memref<16x768xf32, #tpu.memory_space<vmem>>, vector<1x16xf32>,
        %parallel_loop3A_1177 = vector.shape_cast %parallel_loop3A_1176 : vector<1x16xf32> to vector<16xf32>
        %parallel_loop3A_1178 = vector.shape_cast %parallel_loop3A_1173 : vector<16xf32> to vector<1x16xf32>
        tpu.vector_store %arg11[%parallel_loop3A_1174, %parallel_loop3A_1175], %parallel_loop3A_1178 {strides = array<i32>} : memref<16x768xf32, #tpu.memory_space<vmem>>, vector<1x16xf32>,
        %parallel_loop3A_1179 = arith.constant 0 : i32
        %parallel_loop3A_1180 = arith.index_cast %parallel_loop3A_1179 : i32 to index
        %parallel_loop3A_1181 = arith.index_cast %parallel_loop3A_138 : i32 to index
        %parallel_loop3A_1182 = arith.constant 640 : index
        %parallel_loop3A_1183 = tpu.vector_load %arg7[%parallel_loop3A_1180, %parallel_loop3A_1181, %parallel_loop3A_1182] {strides = array<i32>} : memref<2x16x768xf32, #tpu.memory_space<vmem>>, vector<1x1x16xf32>,
        %parallel_loop3A_1184 = vector.shape_cast %parallel_loop3A_1183 : vector<1x1x16xf32> to vector<16xf32>
        %parallel_loop3A_1185 = arith.constant 1 : i32
        %parallel_loop3A_1186 = arith.index_cast %parallel_loop3A_1185 : i32 to index
        %parallel_loop3A_1187 = arith.index_cast %parallel_loop3A_138 : i32 to index
        %parallel_loop3A_1188 = arith.constant 640 : index
        %parallel_loop3A_1189 = tpu.vector_load %arg7[%parallel_loop3A_1186, %parallel_loop3A_1187, %parallel_loop3A_1188] {strides = array<i32>} : memref<2x16x768xf32, #tpu.memory_space<vmem>>, vector<1x1x16xf32>,
        %parallel_loop3A_1190 = vector.shape_cast %parallel_loop3A_1189 : vector<1x1x16xf32> to vector<16xf32>
        %parallel_loop3A_1191 = arith.index_cast %parallel_loop3A_138 : i32 to index
        %parallel_loop3A_1192 = arith.constant 640 : index
        %parallel_loop3A_1193 = tpu.vector_load %arg9[%parallel_loop3A_1191, %parallel_loop3A_1192] {strides = array<i32>} : memref<16x768xf32, #tpu.memory_space<vmem>>, vector<1x16xf32>,
        %parallel_loop3A_1194 = vector.shape_cast %parallel_loop3A_1193 : vector<1x16xf32> to vector<16xf32>
        %parallel_loop3A_1195 = arith.addf %parallel_loop3A_1184, %parallel_loop3A_1190 : vector<16xf32>
        %parallel_loop3A_1196 = arith.constant 5.000000e-01 : f32
        %parallel_loop3A_1197 = vector.broadcast %parallel_loop3A_1196 : f32 to vector<16xf32>
        %parallel_loop3A_1198 = arith.mulf %parallel_loop3A_1195, %parallel_loop3A_1197 : vector<16xf32>
        %parallel_loop3A_1199 = arith.addf %parallel_loop3A_1198, %parallel_loop3A_1194 : vector<16xf32>
        %parallel_loop3A_1200 = arith.index_cast %parallel_loop3A_138 : i32 to index
        %parallel_loop3A_1201 = arith.constant 640 : index
        %parallel_loop3A_1202 = tpu.vector_load %arg11[%parallel_loop3A_1200, %parallel_loop3A_1201] {strides = array<i32>} : memref<16x768xf32, #tpu.memory_space<vmem>>, vector<1x16xf32>,
        %parallel_loop3A_1203 = vector.shape_cast %parallel_loop3A_1202 : vector<1x16xf32> to vector<16xf32>
        %parallel_loop3A_1204 = vector.shape_cast %parallel_loop3A_1199 : vector<16xf32> to vector<1x16xf32>
        tpu.vector_store %arg11[%parallel_loop3A_1200, %parallel_loop3A_1201], %parallel_loop3A_1204 {strides = array<i32>} : memref<16x768xf32, #tpu.memory_space<vmem>>, vector<1x16xf32>,
        %parallel_loop3A_1205 = arith.constant 0 : i32
        %parallel_loop3A_1206 = arith.index_cast %parallel_loop3A_1205 : i32 to index
        %parallel_loop3A_1207 = arith.index_cast %parallel_loop3A_138 : i32 to index
        %parallel_loop3A_1208 = arith.constant 656 : index
        %parallel_loop3A_1209 = tpu.vector_load %arg7[%parallel_loop3A_1206, %parallel_loop3A_1207, %parallel_loop3A_1208] {strides = array<i32>} : memref<2x16x768xf32, #tpu.memory_space<vmem>>, vector<1x1x16xf32>,
        %parallel_loop3A_1210 = vector.shape_cast %parallel_loop3A_1209 : vector<1x1x16xf32> to vector<16xf32>
        %parallel_loop3A_1211 = arith.constant 1 : i32
        %parallel_loop3A_1212 = arith.index_cast %parallel_loop3A_1211 : i32 to index
        %parallel_loop3A_1213 = arith.index_cast %parallel_loop3A_138 : i32 to index
        %parallel_loop3A_1214 = arith.constant 656 : index
        %parallel_loop3A_1215 = tpu.vector_load %arg7[%parallel_loop3A_1212, %parallel_loop3A_1213, %parallel_loop3A_1214] {strides = array<i32>} : memref<2x16x768xf32, #tpu.memory_space<vmem>>, vector<1x1x16xf32>,
        %parallel_loop3A_1216 = vector.shape_cast %parallel_loop3A_1215 : vector<1x1x16xf32> to vector<16xf32>
        %parallel_loop3A_1217 = arith.index_cast %parallel_loop3A_138 : i32 to index
        %parallel_loop3A_1218 = arith.constant 656 : index
        %parallel_loop3A_1219 = tpu.vector_load %arg9[%parallel_loop3A_1217, %parallel_loop3A_1218] {strides = array<i32>} : memref<16x768xf32, #tpu.memory_space<vmem>>, vector<1x16xf32>,
        %parallel_loop3A_1220 = vector.shape_cast %parallel_loop3A_1219 : vector<1x16xf32> to vector<16xf32>
        %parallel_loop3A_1221 = arith.addf %parallel_loop3A_1210, %parallel_loop3A_1216 : vector<16xf32>
        %parallel_loop3A_1222 = arith.constant 5.000000e-01 : f32
        %parallel_loop3A_1223 = vector.broadcast %parallel_loop3A_1222 : f32 to vector<16xf32>
        %parallel_loop3A_1224 = arith.mulf %parallel_loop3A_1221, %parallel_loop3A_1223 : vector<16xf32>
        %parallel_loop3A_1225 = arith.addf %parallel_loop3A_1224, %parallel_loop3A_1220 : vector<16xf32>
        %parallel_loop3A_1226 = arith.index_cast %parallel_loop3A_138 : i32 to index
        %parallel_loop3A_1227 = arith.constant 656 : index
        %parallel_loop3A_1228 = tpu.vector_load %arg11[%parallel_loop3A_1226, %parallel_loop3A_1227] {strides = array<i32>} : memref<16x768xf32, #tpu.memory_space<vmem>>, vector<1x16xf32>,
        %parallel_loop3A_1229 = vector.shape_cast %parallel_loop3A_1228 : vector<1x16xf32> to vector<16xf32>
        %parallel_loop3A_1230 = vector.shape_cast %parallel_loop3A_1225 : vector<16xf32> to vector<1x16xf32>
        tpu.vector_store %arg11[%parallel_loop3A_1226, %parallel_loop3A_1227], %parallel_loop3A_1230 {strides = array<i32>} : memref<16x768xf32, #tpu.memory_space<vmem>>, vector<1x16xf32>,
        %parallel_loop3A_1231 = arith.constant 0 : i32
        %parallel_loop3A_1232 = arith.index_cast %parallel_loop3A_1231 : i32 to index
        %parallel_loop3A_1233 = arith.index_cast %parallel_loop3A_138 : i32 to index
        %parallel_loop3A_1234 = arith.constant 672 : index
        %parallel_loop3A_1235 = tpu.vector_load %arg7[%parallel_loop3A_1232, %parallel_loop3A_1233, %parallel_loop3A_1234] {strides = array<i32>} : memref<2x16x768xf32, #tpu.memory_space<vmem>>, vector<1x1x16xf32>,
        %parallel_loop3A_1236 = vector.shape_cast %parallel_loop3A_1235 : vector<1x1x16xf32> to vector<16xf32>
        %parallel_loop3A_1237 = arith.constant 1 : i32
        %parallel_loop3A_1238 = arith.index_cast %parallel_loop3A_1237 : i32 to index
        %parallel_loop3A_1239 = arith.index_cast %parallel_loop3A_138 : i32 to index
        %parallel_loop3A_1240 = arith.constant 672 : index
        %parallel_loop3A_1241 = tpu.vector_load %arg7[%parallel_loop3A_1238, %parallel_loop3A_1239, %parallel_loop3A_1240] {strides = array<i32>} : memref<2x16x768xf32, #tpu.memory_space<vmem>>, vector<1x1x16xf32>,
        %parallel_loop3A_1242 = vector.shape_cast %parallel_loop3A_1241 : vector<1x1x16xf32> to vector<16xf32>
        %parallel_loop3A_1243 = arith.index_cast %parallel_loop3A_138 : i32 to index
        %parallel_loop3A_1244 = arith.constant 672 : index
        %parallel_loop3A_1245 = tpu.vector_load %arg9[%parallel_loop3A_1243, %parallel_loop3A_1244] {strides = array<i32>} : memref<16x768xf32, #tpu.memory_space<vmem>>, vector<1x16xf32>,
        %parallel_loop3A_1246 = vector.shape_cast %parallel_loop3A_1245 : vector<1x16xf32> to vector<16xf32>
        %parallel_loop3A_1247 = arith.addf %parallel_loop3A_1236, %parallel_loop3A_1242 : vector<16xf32>
        %parallel_loop3A_1248 = arith.constant 5.000000e-01 : f32
        %parallel_loop3A_1249 = vector.broadcast %parallel_loop3A_1248 : f32 to vector<16xf32>
        %parallel_loop3A_1250 = arith.mulf %parallel_loop3A_1247, %parallel_loop3A_1249 : vector<16xf32>
        %parallel_loop3A_1251 = arith.addf %parallel_loop3A_1250, %parallel_loop3A_1246 : vector<16xf32>
        %parallel_loop3A_1252 = arith.index_cast %parallel_loop3A_138 : i32 to index
        %parallel_loop3A_1253 = arith.constant 672 : index
        %parallel_loop3A_1254 = tpu.vector_load %arg11[%parallel_loop3A_1252, %parallel_loop3A_1253] {strides = array<i32>} : memref<16x768xf32, #tpu.memory_space<vmem>>, vector<1x16xf32>,
        %parallel_loop3A_1255 = vector.shape_cast %parallel_loop3A_1254 : vector<1x16xf32> to vector<16xf32>
        %parallel_loop3A_1256 = vector.shape_cast %parallel_loop3A_1251 : vector<16xf32> to vector<1x16xf32>
        tpu.vector_store %arg11[%parallel_loop3A_1252, %parallel_loop3A_1253], %parallel_loop3A_1256 {strides = array<i32>} : memref<16x768xf32, #tpu.memory_space<vmem>>, vector<1x16xf32>,
        %parallel_loop3A_1257 = arith.constant 0 : i32
        %parallel_loop3A_1258 = arith.index_cast %parallel_loop3A_1257 : i32 to index
        %parallel_loop3A_1259 = arith.index_cast %parallel_loop3A_138 : i32 to index
        %parallel_loop3A_1260 = arith.constant 688 : index
        %parallel_loop3A_1261 = tpu.vector_load %arg7[%parallel_loop3A_1258, %parallel_loop3A_1259, %parallel_loop3A_1260] {strides = array<i32>} : memref<2x16x768xf32, #tpu.memory_space<vmem>>, vector<1x1x16xf32>,
        %parallel_loop3A_1262 = vector.shape_cast %parallel_loop3A_1261 : vector<1x1x16xf32> to vector<16xf32>
        %parallel_loop3A_1263 = arith.constant 1 : i32
        %parallel_loop3A_1264 = arith.index_cast %parallel_loop3A_1263 : i32 to index
        %parallel_loop3A_1265 = arith.index_cast %parallel_loop3A_138 : i32 to index
        %parallel_loop3A_1266 = arith.constant 688 : index
        %parallel_loop3A_1267 = tpu.vector_load %arg7[%parallel_loop3A_1264, %parallel_loop3A_1265, %parallel_loop3A_1266] {strides = array<i32>} : memref<2x16x768xf32, #tpu.memory_space<vmem>>, vector<1x1x16xf32>,
        %parallel_loop3A_1268 = vector.shape_cast %parallel_loop3A_1267 : vector<1x1x16xf32> to vector<16xf32>
        %parallel_loop3A_1269 = arith.index_cast %parallel_loop3A_138 : i32 to index
        %parallel_loop3A_1270 = arith.constant 688 : index
        %parallel_loop3A_1271 = tpu.vector_load %arg9[%parallel_loop3A_1269, %parallel_loop3A_1270] {strides = array<i32>} : memref<16x768xf32, #tpu.memory_space<vmem>>, vector<1x16xf32>,
        %parallel_loop3A_1272 = vector.shape_cast %parallel_loop3A_1271 : vector<1x16xf32> to vector<16xf32>
        %parallel_loop3A_1273 = arith.addf %parallel_loop3A_1262, %parallel_loop3A_1268 : vector<16xf32>
        %parallel_loop3A_1274 = arith.constant 5.000000e-01 : f32
        %parallel_loop3A_1275 = vector.broadcast %parallel_loop3A_1274 : f32 to vector<16xf32>
        %parallel_loop3A_1276 = arith.mulf %parallel_loop3A_1273, %parallel_loop3A_1275 : vector<16xf32>
        %parallel_loop3A_1277 = arith.addf %parallel_loop3A_1276, %parallel_loop3A_1272 : vector<16xf32>
        %parallel_loop3A_1278 = arith.index_cast %parallel_loop3A_138 : i32 to index
        %parallel_loop3A_1279 = arith.constant 688 : index
        %parallel_loop3A_1280 = tpu.vector_load %arg11[%parallel_loop3A_1278, %parallel_loop3A_1279] {strides = array<i32>} : memref<16x768xf32, #tpu.memory_space<vmem>>, vector<1x16xf32>,
        %parallel_loop3A_1281 = vector.shape_cast %parallel_loop3A_1280 : vector<1x16xf32> to vector<16xf32>
        %parallel_loop3A_1282 = vector.shape_cast %parallel_loop3A_1277 : vector<16xf32> to vector<1x16xf32>
        tpu.vector_store %arg11[%parallel_loop3A_1278, %parallel_loop3A_1279], %parallel_loop3A_1282 {strides = array<i32>} : memref<16x768xf32, #tpu.memory_space<vmem>>, vector<1x16xf32>,
        %parallel_loop3A_1283 = arith.constant 0 : i32
        %parallel_loop3A_1284 = arith.index_cast %parallel_loop3A_1283 : i32 to index
        %parallel_loop3A_1285 = arith.index_cast %parallel_loop3A_138 : i32 to index
        %parallel_loop3A_1286 = arith.constant 704 : index
        %parallel_loop3A_1287 = tpu.vector_load %arg7[%parallel_loop3A_1284, %parallel_loop3A_1285, %parallel_loop3A_1286] {strides = array<i32>} : memref<2x16x768xf32, #tpu.memory_space<vmem>>, vector<1x1x16xf32>,
        %parallel_loop3A_1288 = vector.shape_cast %parallel_loop3A_1287 : vector<1x1x16xf32> to vector<16xf32>
        %parallel_loop3A_1289 = arith.constant 1 : i32
        %parallel_loop3A_1290 = arith.index_cast %parallel_loop3A_1289 : i32 to index
        %parallel_loop3A_1291 = arith.index_cast %parallel_loop3A_138 : i32 to index
        %parallel_loop3A_1292 = arith.constant 704 : index
        %parallel_loop3A_1293 = tpu.vector_load %arg7[%parallel_loop3A_1290, %parallel_loop3A_1291, %parallel_loop3A_1292] {strides = array<i32>} : memref<2x16x768xf32, #tpu.memory_space<vmem>>, vector<1x1x16xf32>,
        %parallel_loop3A_1294 = vector.shape_cast %parallel_loop3A_1293 : vector<1x1x16xf32> to vector<16xf32>
        %parallel_loop3A_1295 = arith.index_cast %parallel_loop3A_138 : i32 to index
        %parallel_loop3A_1296 = arith.constant 704 : index
        %parallel_loop3A_1297 = tpu.vector_load %arg9[%parallel_loop3A_1295, %parallel_loop3A_1296] {strides = array<i32>} : memref<16x768xf32, #tpu.memory_space<vmem>>, vector<1x16xf32>,
        %parallel_loop3A_1298 = vector.shape_cast %parallel_loop3A_1297 : vector<1x16xf32> to vector<16xf32>
        %parallel_loop3A_1299 = arith.addf %parallel_loop3A_1288, %parallel_loop3A_1294 : vector<16xf32>
        %parallel_loop3A_1300 = arith.constant 5.000000e-01 : f32
        %parallel_loop3A_1301 = vector.broadcast %parallel_loop3A_1300 : f32 to vector<16xf32>
        %parallel_loop3A_1302 = arith.mulf %parallel_loop3A_1299, %parallel_loop3A_1301 : vector<16xf32>
        %parallel_loop3A_1303 = arith.addf %parallel_loop3A_1302, %parallel_loop3A_1298 : vector<16xf32>
        %parallel_loop3A_1304 = arith.index_cast %parallel_loop3A_138 : i32 to index
        %parallel_loop3A_1305 = arith.constant 704 : index
        %parallel_loop3A_1306 = tpu.vector_load %arg11[%parallel_loop3A_1304, %parallel_loop3A_1305] {strides = array<i32>} : memref<16x768xf32, #tpu.memory_space<vmem>>, vector<1x16xf32>,
        %parallel_loop3A_1307 = vector.shape_cast %parallel_loop3A_1306 : vector<1x16xf32> to vector<16xf32>
        %parallel_loop3A_1308 = vector.shape_cast %parallel_loop3A_1303 : vector<16xf32> to vector<1x16xf32>
        tpu.vector_store %arg11[%parallel_loop3A_1304, %parallel_loop3A_1305], %parallel_loop3A_1308 {strides = array<i32>} : memref<16x768xf32, #tpu.memory_space<vmem>>, vector<1x16xf32>,
        %parallel_loop3A_1309 = arith.constant 0 : i32
        %parallel_loop3A_1310 = arith.index_cast %parallel_loop3A_1309 : i32 to index
        %parallel_loop3A_1311 = arith.index_cast %parallel_loop3A_138 : i32 to index
        %parallel_loop3A_1312 = arith.constant 720 : index
        %parallel_loop3A_1313 = tpu.vector_load %arg7[%parallel_loop3A_1310, %parallel_loop3A_1311, %parallel_loop3A_1312] {strides = array<i32>} : memref<2x16x768xf32, #tpu.memory_space<vmem>>, vector<1x1x16xf32>,
        %parallel_loop3A_1314 = vector.shape_cast %parallel_loop3A_1313 : vector<1x1x16xf32> to vector<16xf32>
        %parallel_loop3A_1315 = arith.constant 1 : i32
        %parallel_loop3A_1316 = arith.index_cast %parallel_loop3A_1315 : i32 to index
        %parallel_loop3A_1317 = arith.index_cast %parallel_loop3A_138 : i32 to index
        %parallel_loop3A_1318 = arith.constant 720 : index
        %parallel_loop3A_1319 = tpu.vector_load %arg7[%parallel_loop3A_1316, %parallel_loop3A_1317, %parallel_loop3A_1318] {strides = array<i32>} : memref<2x16x768xf32, #tpu.memory_space<vmem>>, vector<1x1x16xf32>,
        %parallel_loop3A_1320 = vector.shape_cast %parallel_loop3A_1319 : vector<1x1x16xf32> to vector<16xf32>
        %parallel_loop3A_1321 = arith.index_cast %parallel_loop3A_138 : i32 to index
        %parallel_loop3A_1322 = arith.constant 720 : index
        %parallel_loop3A_1323 = tpu.vector_load %arg9[%parallel_loop3A_1321, %parallel_loop3A_1322] {strides = array<i32>} : memref<16x768xf32, #tpu.memory_space<vmem>>, vector<1x16xf32>,
        %parallel_loop3A_1324 = vector.shape_cast %parallel_loop3A_1323 : vector<1x16xf32> to vector<16xf32>
        %parallel_loop3A_1325 = arith.addf %parallel_loop3A_1314, %parallel_loop3A_1320 : vector<16xf32>
        %parallel_loop3A_1326 = arith.constant 5.000000e-01 : f32
        %parallel_loop3A_1327 = vector.broadcast %parallel_loop3A_1326 : f32 to vector<16xf32>
        %parallel_loop3A_1328 = arith.mulf %parallel_loop3A_1325, %parallel_loop3A_1327 : vector<16xf32>
        %parallel_loop3A_1329 = arith.addf %parallel_loop3A_1328, %parallel_loop3A_1324 : vector<16xf32>
        %parallel_loop3A_1330 = arith.index_cast %parallel_loop3A_138 : i32 to index
        %parallel_loop3A_1331 = arith.constant 720 : index
        %parallel_loop3A_1332 = tpu.vector_load %arg11[%parallel_loop3A_1330, %parallel_loop3A_1331] {strides = array<i32>} : memref<16x768xf32, #tpu.memory_space<vmem>>, vector<1x16xf32>,
        %parallel_loop3A_1333 = vector.shape_cast %parallel_loop3A_1332 : vector<1x16xf32> to vector<16xf32>
        %parallel_loop3A_1334 = vector.shape_cast %parallel_loop3A_1329 : vector<16xf32> to vector<1x16xf32>
        tpu.vector_store %arg11[%parallel_loop3A_1330, %parallel_loop3A_1331], %parallel_loop3A_1334 {strides = array<i32>} : memref<16x768xf32, #tpu.memory_space<vmem>>, vector<1x16xf32>,
        %parallel_loop3A_1335 = arith.constant 0 : i32
        %parallel_loop3A_1336 = arith.index_cast %parallel_loop3A_1335 : i32 to index
        %parallel_loop3A_1337 = arith.index_cast %parallel_loop3A_138 : i32 to index
        %parallel_loop3A_1338 = arith.constant 736 : index
        %parallel_loop3A_1339 = tpu.vector_load %arg7[%parallel_loop3A_1336, %parallel_loop3A_1337, %parallel_loop3A_1338] {strides = array<i32>} : memref<2x16x768xf32, #tpu.memory_space<vmem>>, vector<1x1x16xf32>,
        %parallel_loop3A_1340 = vector.shape_cast %parallel_loop3A_1339 : vector<1x1x16xf32> to vector<16xf32>
        %parallel_loop3A_1341 = arith.constant 1 : i32
        %parallel_loop3A_1342 = arith.index_cast %parallel_loop3A_1341 : i32 to index
        %parallel_loop3A_1343 = arith.index_cast %parallel_loop3A_138 : i32 to index
        %parallel_loop3A_1344 = arith.constant 736 : index
        %parallel_loop3A_1345 = tpu.vector_load %arg7[%parallel_loop3A_1342, %parallel_loop3A_1343, %parallel_loop3A_1344] {strides = array<i32>} : memref<2x16x768xf32, #tpu.memory_space<vmem>>, vector<1x1x16xf32>,
        %parallel_loop3A_1346 = vector.shape_cast %parallel_loop3A_1345 : vector<1x1x16xf32> to vector<16xf32>
        %parallel_loop3A_1347 = arith.index_cast %parallel_loop3A_138 : i32 to index
        %parallel_loop3A_1348 = arith.constant 736 : index
        %parallel_loop3A_1349 = tpu.vector_load %arg9[%parallel_loop3A_1347, %parallel_loop3A_1348] {strides = array<i32>} : memref<16x768xf32, #tpu.memory_space<vmem>>, vector<1x16xf32>,
        %parallel_loop3A_1350 = vector.shape_cast %parallel_loop3A_1349 : vector<1x16xf32> to vector<16xf32>
        %parallel_loop3A_1351 = arith.addf %parallel_loop3A_1340, %parallel_loop3A_1346 : vector<16xf32>
        %parallel_loop3A_1352 = arith.constant 5.000000e-01 : f32
        %parallel_loop3A_1353 = vector.broadcast %parallel_loop3A_1352 : f32 to vector<16xf32>
        %parallel_loop3A_1354 = arith.mulf %parallel_loop3A_1351, %parallel_loop3A_1353 : vector<16xf32>
        %parallel_loop3A_1355 = arith.addf %parallel_loop3A_1354, %parallel_loop3A_1350 : vector<16xf32>
        %parallel_loop3A_1356 = arith.index_cast %parallel_loop3A_138 : i32 to index
        %parallel_loop3A_1357 = arith.constant 736 : index
        %parallel_loop3A_1358 = tpu.vector_load %arg11[%parallel_loop3A_1356, %parallel_loop3A_1357] {strides = array<i32>} : memref<16x768xf32, #tpu.memory_space<vmem>>, vector<1x16xf32>,
        %parallel_loop3A_1359 = vector.shape_cast %parallel_loop3A_1358 : vector<1x16xf32> to vector<16xf32>
        %parallel_loop3A_1360 = vector.shape_cast %parallel_loop3A_1355 : vector<16xf32> to vector<1x16xf32>
        tpu.vector_store %arg11[%parallel_loop3A_1356, %parallel_loop3A_1357], %parallel_loop3A_1360 {strides = array<i32>} : memref<16x768xf32, #tpu.memory_space<vmem>>, vector<1x16xf32>,
        %parallel_loop3A_1361 = arith.constant 0 : i32
        %parallel_loop3A_1362 = arith.index_cast %parallel_loop3A_1361 : i32 to index
        %parallel_loop3A_1363 = arith.index_cast %parallel_loop3A_138 : i32 to index
        %parallel_loop3A_1364 = arith.constant 752 : index
        %parallel_loop3A_1365 = tpu.vector_load %arg7[%parallel_loop3A_1362, %parallel_loop3A_1363, %parallel_loop3A_1364] {strides = array<i32>} : memref<2x16x768xf32, #tpu.memory_space<vmem>>, vector<1x1x16xf32>,
        %parallel_loop3A_1366 = vector.shape_cast %parallel_loop3A_1365 : vector<1x1x16xf32> to vector<16xf32>
        %parallel_loop3A_1367 = arith.constant 1 : i32
        %parallel_loop3A_1368 = arith.index_cast %parallel_loop3A_1367 : i32 to index
        %parallel_loop3A_1369 = arith.index_cast %parallel_loop3A_138 : i32 to index
        %parallel_loop3A_1370 = arith.constant 752 : index
        %parallel_loop3A_1371 = tpu.vector_load %arg7[%parallel_loop3A_1368, %parallel_loop3A_1369, %parallel_loop3A_1370] {strides = array<i32>} : memref<2x16x768xf32, #tpu.memory_space<vmem>>, vector<1x1x16xf32>,
        %parallel_loop3A_1372 = vector.shape_cast %parallel_loop3A_1371 : vector<1x1x16xf32> to vector<16xf32>
        %parallel_loop3A_1373 = arith.index_cast %parallel_loop3A_138 : i32 to index
        %parallel_loop3A_1374 = arith.constant 752 : index
        %parallel_loop3A_1375 = tpu.vector_load %arg9[%parallel_loop3A_1373, %parallel_loop3A_1374] {strides = array<i32>} : memref<16x768xf32, #tpu.memory_space<vmem>>, vector<1x16xf32>,
        %parallel_loop3A_1376 = vector.shape_cast %parallel_loop3A_1375 : vector<1x16xf32> to vector<16xf32>
        %parallel_loop3A_1377 = arith.addf %parallel_loop3A_1366, %parallel_loop3A_1372 : vector<16xf32>
        %parallel_loop3A_1378 = arith.constant 5.000000e-01 : f32
        %parallel_loop3A_1379 = vector.broadcast %parallel_loop3A_1378 : f32 to vector<16xf32>
        %parallel_loop3A_1380 = arith.mulf %parallel_loop3A_1377, %parallel_loop3A_1379 : vector<16xf32>
        %parallel_loop3A_1381 = arith.addf %parallel_loop3A_1380, %parallel_loop3A_1376 : vector<16xf32>
        %parallel_loop3A_1382 = arith.index_cast %parallel_loop3A_138 : i32 to index
        %parallel_loop3A_1383 = arith.constant 752 : index
        %parallel_loop3A_1384 = tpu.vector_load %arg11[%parallel_loop3A_1382, %parallel_loop3A_1383] {strides = array<i32>} : memref<16x768xf32, #tpu.memory_space<vmem>>, vector<1x16xf32>,
        %parallel_loop3A_1385 = vector.shape_cast %parallel_loop3A_1384 : vector<1x16xf32> to vector<16xf32>
        %parallel_loop3A_1386 = vector.shape_cast %parallel_loop3A_1381 : vector<16xf32> to vector<1x16xf32>
        tpu.vector_store %arg11[%parallel_loop3A_1382, %parallel_loop3A_1383], %parallel_loop3A_1386 {strides = array<i32>} : memref<16x768xf32, #tpu.memory_space<vmem>>, vector<1x16xf32>,
      } {sc.loop_unroll_factor = 1 : i64, sc.parallel_access}
      %add3A_86 = arith.addi %mul3A_2, %mul3A_62 : i32
      %dma_start3A_87 = arith.constant 0 : i32
      %dma_start3A_88 = arith.constant 0 : i32
      %dma_start3A_89 = tpu.memref_slice %arg5[%add3A_86, %dma_start3A_87, %dma_start3A_88] : memref<1024x16x768xf32, #tpu.memory_space<hbm>> -> memref<1x16x768xf32, #tpu.memory_space<hbm>>
      %dma_start3A_90 = tpu.memref_squeeze %dma_start3A_89 : memref<1x16x768xf32, #tpu.memory_space<hbm>> -> memref<16x768xf32, #tpu.memory_space<hbm>>
      %dma_start3A_91 = arith.constant 0 : i32
      %dma_start3A_92 = arith.constant 0 : i32
      %dma_start3A_93 = tpu.memref_slice %arg5[%add3A_86, %dma_start3A_91, %dma_start3A_92] : memref<1024x16x768xf32, #tpu.memory_space<hbm>> -> memref<1x16x768xf32, #tpu.memory_space<hbm>>
      %dma_start3A_94 = tpu.memref_squeeze %dma_start3A_93 : memref<1x16x768xf32, #tpu.memory_space<hbm>> -> memref<16x768xf32, #tpu.memory_space<hbm>>
      tpu.enqueue_dma source(%arg11 : memref<16x768xf32, #tpu.memory_space<vmem>>) target(%dma_start3A_94 : memref<16x768xf32, #tpu.memory_space<hbm>>) target_semaphore(%arg17 : memref<!tpu.dma_semaphore, #tpu.memory_space<semaphore_mem>>)
      %lt3A = arith.constant 15 : i32
      %lt3A_95 = arith.cmpi slt, %scan3A_60, %lt3A : i32
      %convert_element_type3A_96 = arith.extui %lt3A_95 : i1 to i32
      %cond3A_97 = arith.constant 0 : i32
      %cond3A_98 = arith.cmpi ne, %convert_element_type3A_96, %cond3A_97 : i32
      scf.if %cond3A_98 {
        %add3A_138 = arith.constant 2 : i32
        %add3A_139 = arith.addi %mul3A_62, %add3A_138 : i32
        %dma_start3A_140 = arith.constant 0 : i32
        %dma_start3A_141 = tpu.memref_slice %arg6[%add3A_139, %dma_start3A_140] : memref<32x2xi32, #tpu.memory_space<vmem>> -> memref<1x2xi32, #tpu.memory_space<vmem>>
        %dma_start3A_142 = tpu.memref_squeeze %dma_start3A_141 : memref<1x2xi32, #tpu.memory_space<vmem>> -> memref<2xi32, #tpu.memory_space<vmem>>
        %dma_start3A_143 = arith.constant 0 : i32
        %dma_start3A_144 = arith.constant 0 : i32
        %dma_start3A_145 = arith.constant 0 : i32
        %dma_start3A_146 = tpu.memref_slice %arg2[%dma_start3A_143, %dma_start3A_144, %dma_start3A_145] : memref<64x16x768xf32, #tpu.memory_space<hbm>> -> memref<64x16x768xf32, #tpu.memory_space<hbm>>
        tpu.enqueue_indirect_dma source(%dma_start3A_146 : memref<64x16x768xf32, #tpu.memory_space<hbm>>) target(%arg7 : memref<2x16x768xf32, #tpu.memory_space<vmem>>) offsets(%dma_start3A_142 : memref<2xi32, #tpu.memory_space<vmem>>) semaphore(%arg13 : memref<!tpu.dma_semaphore, #tpu.memory_space<semaphore_mem>>)
        %add3A_147 = arith.addi %mul3A_2, %add3A_139 : i32
        %dma_start3A_148 = arith.constant 0 : i32
        %dma_start3A_149 = arith.constant 0 : i32
        %dma_start3A_150 = tpu.memref_slice %arg4[%add3A_147, %dma_start3A_148, %dma_start3A_149] : memref<1024x16x768xf32, #tpu.memory_space<hbm>> -> memref<1x16x768xf32, #tpu.memory_space<hbm>>
        %dma_start3A_151 = tpu.memref_squeeze %dma_start3A_150 : memref<1x16x768xf32, #tpu.memory_space<hbm>> -> memref<16x768xf32, #tpu.memory_space<hbm>>
        %dma_start3A_152 = arith.constant 0 : i32
        %dma_start3A_153 = arith.constant 0 : i32
        %dma_start3A_154 = tpu.memref_slice %arg4[%add3A_147, %dma_start3A_152, %dma_start3A_153] : memref<1024x16x768xf32, #tpu.memory_space<hbm>> -> memref<1x16x768xf32, #tpu.memory_space<hbm>>
        %dma_start3A_155 = tpu.memref_squeeze %dma_start3A_154 : memref<1x16x768xf32, #tpu.memory_space<hbm>> -> memref<16x768xf32, #tpu.memory_space<hbm>>
        tpu.enqueue_dma source(%dma_start3A_155 : memref<16x768xf32, #tpu.memory_space<hbm>>) target(%arg9 : memref<16x768xf32, #tpu.memory_space<vmem>>) target_semaphore(%arg15 : memref<!tpu.dma_semaphore, #tpu.memory_space<semaphore_mem>>)
      } else {
      }
      %dma_wait3A_99 = arith.constant 0 : i32
      %dma_wait3A_100 = arith.constant 0 : i32
      %dma_wait3A_101 = arith.constant 0 : i32
      %dma_wait3A_102 = tpu.memref_slice %arg2[%dma_wait3A_99, %dma_wait3A_100, %dma_wait3A_101] : memref<64x16x768xf32, #tpu.memory_space<hbm>> -> memref<2x16x768xf32, #tpu.memory_space<hbm>>
      %dma_wait3A_103 = arith.constant 0 : i32
      %dma_wait3A_104 = arith.constant 0 : i32
      %dma_wait3A_105 = arith.constant 0 : i32
      %dma_wait3A_106 = tpu.memref_slice %arg2[%dma_wait3A_103, %dma_wait3A_104, %dma_wait3A_105] : memref<64x16x768xf32, #tpu.memory_space<hbm>> -> memref<2x16x768xf32, #tpu.memory_space<hbm>>
      tpu.wait_dma2 semaphore(%arg14 : memref<!tpu.dma_semaphore, #tpu.memory_space<semaphore_mem>>) src(%dma_wait3A_106 : memref<2x16x768xf32, #tpu.memory_space<hbm>>) dst(%arg8 : memref<2x16x768xf32, #tpu.memory_space<vmem>>)
      %dma_wait3A_107 = arith.constant 0 : i32
      %dma_wait3A_108 = arith.constant 0 : i32
      %dma_wait3A_109 = arith.constant 0 : i32
      %dma_wait3A_110 = tpu.memref_slice %arg4[%dma_wait3A_107, %dma_wait3A_108, %dma_wait3A_109] : memref<1024x16x768xf32, #tpu.memory_space<hbm>> -> memref<1x16x768xf32, #tpu.memory_space<hbm>>
      %dma_wait3A_111 = tpu.memref_squeeze %dma_wait3A_110 : memref<1x16x768xf32, #tpu.memory_space<hbm>> -> memref<16x768xf32, #tpu.memory_space<hbm>>
      %dma_wait3A_112 = arith.constant 0 : i32
      %dma_wait3A_113 = arith.constant 0 : i32
      %dma_wait3A_114 = tpu.memref_slice %arg4[%dma_wait3A_107, %dma_wait3A_112, %dma_wait3A_113] : memref<1024x16x768xf32, #tpu.memory_space<hbm>> -> memref<1x16x768xf32, #tpu.memory_space<hbm>>
      %dma_wait3A_115 = tpu.memref_squeeze %dma_wait3A_114 : memref<1x16x768xf32, #tpu.memory_space<hbm>> -> memref<16x768xf32, #tpu.memory_space<hbm>>
      tpu.wait_dma2 semaphore(%arg16 : memref<!tpu.dma_semaphore, #tpu.memory_space<semaphore_mem>>) src(%dma_wait3A_115 : memref<16x768xf32, #tpu.memory_space<hbm>>) dst(%arg10 : memref<16x768xf32, #tpu.memory_space<vmem>>)
      %gt3A_116 = arith.constant 0 : i32
      %gt3A_117 = arith.cmpi sgt, %scan3A_60, %gt3A_116 : i32
      %convert_element_type3A_118 = arith.extui %gt3A_117 : i1 to i32
      %cond3A_119 = arith.constant 0 : i32
      %cond3A_120 = arith.cmpi ne, %convert_element_type3A_118, %cond3A_119 : i32
      scf.if %cond3A_120 {
        %dma_wait3A_138 = arith.constant 0 : i32
        %dma_wait3A_139 = arith.constant 0 : i32
        %dma_wait3A_140 = arith.constant 0 : i32
        %dma_wait3A_141 = tpu.memref_slice %arg4[%dma_wait3A_138, %dma_wait3A_139, %dma_wait3A_140] : memref<1024x16x768xf32, #tpu.memory_space<hbm>> -> memref<1x16x768xf32, #tpu.memory_space<hbm>>
        %dma_wait3A_142 = tpu.memref_squeeze %dma_wait3A_141 : memref<1x16x768xf32, #tpu.memory_space<hbm>> -> memref<16x768xf32, #tpu.memory_space<hbm>>
        %dma_wait3A_143 = arith.constant 0 : i32
        %dma_wait3A_144 = arith.constant 0 : i32
        %dma_wait3A_145 = tpu.memref_slice %arg4[%dma_wait3A_138, %dma_wait3A_143, %dma_wait3A_144] : memref<1024x16x768xf32, #tpu.memory_space<hbm>> -> memref<1x16x768xf32, #tpu.memory_space<hbm>>
        %dma_wait3A_146 = tpu.memref_squeeze %dma_wait3A_145 : memref<1x16x768xf32, #tpu.memory_space<hbm>> -> memref<16x768xf32, #tpu.memory_space<hbm>>
        tpu.wait_dma2 semaphore(%arg18 : memref<!tpu.dma_semaphore, #tpu.memory_space<semaphore_mem>>) src(%arg12 : memref<16x768xf32, #tpu.memory_space<vmem>>) dst(%dma_wait3A_146 : memref<16x768xf32, #tpu.memory_space<hbm>>)
      } else {
      }
      %parallel_loop3A_121 = arith.constant 0 : i32
      %parallel_loop3A_122 = arith.constant 16 : i32
      %parallel_loop3A_123 = arith.constant 1 : i32
      scf.for %parallel_loop3A_138 = %parallel_loop3A_121 to %parallel_loop3A_122 step %parallel_loop3A_123  : i32 {
        %parallel_loop3A_139 = arith.constant 0 : i32
        %parallel_loop3A_140 = arith.index_cast %parallel_loop3A_139 : i32 to index
        %parallel_loop3A_141 = arith.index_cast %parallel_loop3A_138 : i32 to index
        %parallel_loop3A_142 = arith.constant 0 : index
        %parallel_loop3A_143 = tpu.vector_load %arg8[%parallel_loop3A_140, %parallel_loop3A_141, %parallel_loop3A_142] {strides = array<i32>} : memref<2x16x768xf32, #tpu.memory_space<vmem>>, vector<1x1x16xf32>,
        %parallel_loop3A_144 = vector.shape_cast %parallel_loop3A_143 : vector<1x1x16xf32> to vector<16xf32>
        %parallel_loop3A_145 = arith.constant 1 : i32
        %parallel_loop3A_146 = arith.index_cast %parallel_loop3A_145 : i32 to index
        %parallel_loop3A_147 = arith.index_cast %parallel_loop3A_138 : i32 to index
        %parallel_loop3A_148 = arith.constant 0 : index
        %parallel_loop3A_149 = tpu.vector_load %arg8[%parallel_loop3A_146, %parallel_loop3A_147, %parallel_loop3A_148] {strides = array<i32>} : memref<2x16x768xf32, #tpu.memory_space<vmem>>, vector<1x1x16xf32>,
        %parallel_loop3A_150 = vector.shape_cast %parallel_loop3A_149 : vector<1x1x16xf32> to vector<16xf32>
        %parallel_loop3A_151 = arith.index_cast %parallel_loop3A_138 : i32 to index
        %parallel_loop3A_152 = arith.constant 0 : index
        %parallel_loop3A_153 = tpu.vector_load %arg10[%parallel_loop3A_151, %parallel_loop3A_152] {strides = array<i32>} : memref<16x768xf32, #tpu.memory_space<vmem>>, vector<1x16xf32>,
        %parallel_loop3A_154 = vector.shape_cast %parallel_loop3A_153 : vector<1x16xf32> to vector<16xf32>
        %parallel_loop3A_155 = arith.addf %parallel_loop3A_144, %parallel_loop3A_150 : vector<16xf32>
        %parallel_loop3A_156 = arith.constant 5.000000e-01 : f32
        %parallel_loop3A_157 = vector.broadcast %parallel_loop3A_156 : f32 to vector<16xf32>
        %parallel_loop3A_158 = arith.mulf %parallel_loop3A_155, %parallel_loop3A_157 : vector<16xf32>
        %parallel_loop3A_159 = arith.addf %parallel_loop3A_158, %parallel_loop3A_154 : vector<16xf32>
        %parallel_loop3A_160 = arith.index_cast %parallel_loop3A_138 : i32 to index
        %parallel_loop3A_161 = arith.constant 0 : index
        %parallel_loop3A_162 = tpu.vector_load %arg12[%parallel_loop3A_160, %parallel_loop3A_161] {strides = array<i32>} : memref<16x768xf32, #tpu.memory_space<vmem>>, vector<1x16xf32>,
        %parallel_loop3A_163 = vector.shape_cast %parallel_loop3A_162 : vector<1x16xf32> to vector<16xf32>
        %parallel_loop3A_164 = vector.shape_cast %parallel_loop3A_159 : vector<16xf32> to vector<1x16xf32>
        tpu.vector_store %arg12[%parallel_loop3A_160, %parallel_loop3A_161], %parallel_loop3A_164 {strides = array<i32>} : memref<16x768xf32, #tpu.memory_space<vmem>>, vector<1x16xf32>,
        %parallel_loop3A_165 = arith.constant 0 : i32
        %parallel_loop3A_166 = arith.index_cast %parallel_loop3A_165 : i32 to index
        %parallel_loop3A_167 = arith.index_cast %parallel_loop3A_138 : i32 to index
        %parallel_loop3A_168 = arith.constant 16 : index
        %parallel_loop3A_169 = tpu.vector_load %arg8[%parallel_loop3A_166, %parallel_loop3A_167, %parallel_loop3A_168] {strides = array<i32>} : memref<2x16x768xf32, #tpu.memory_space<vmem>>, vector<1x1x16xf32>,
        %parallel_loop3A_170 = vector.shape_cast %parallel_loop3A_169 : vector<1x1x16xf32> to vector<16xf32>
        %parallel_loop3A_171 = arith.constant 1 : i32
        %parallel_loop3A_172 = arith.index_cast %parallel_loop3A_171 : i32 to index
        %parallel_loop3A_173 = arith.index_cast %parallel_loop3A_138 : i32 to index
        %parallel_loop3A_174 = arith.constant 16 : index
        %parallel_loop3A_175 = tpu.vector_load %arg8[%parallel_loop3A_172, %parallel_loop3A_173, %parallel_loop3A_174] {strides = array<i32>} : memref<2x16x768xf32, #tpu.memory_space<vmem>>, vector<1x1x16xf32>,
        %parallel_loop3A_176 = vector.shape_cast %parallel_loop3A_175 : vector<1x1x16xf32> to vector<16xf32>
        %parallel_loop3A_177 = arith.index_cast %parallel_loop3A_138 : i32 to index
        %parallel_loop3A_178 = arith.constant 16 : index
        %parallel_loop3A_179 = tpu.vector_load %arg10[%parallel_loop3A_177, %parallel_loop3A_178] {strides = array<i32>} : memref<16x768xf32, #tpu.memory_space<vmem>>, vector<1x16xf32>,
        %parallel_loop3A_180 = vector.shape_cast %parallel_loop3A_179 : vector<1x16xf32> to vector<16xf32>
        %parallel_loop3A_181 = arith.addf %parallel_loop3A_170, %parallel_loop3A_176 : vector<16xf32>
        %parallel_loop3A_182 = arith.constant 5.000000e-01 : f32
        %parallel_loop3A_183 = vector.broadcast %parallel_loop3A_182 : f32 to vector<16xf32>
        %parallel_loop3A_184 = arith.mulf %parallel_loop3A_181, %parallel_loop3A_183 : vector<16xf32>
        %parallel_loop3A_185 = arith.addf %parallel_loop3A_184, %parallel_loop3A_180 : vector<16xf32>
        %parallel_loop3A_186 = arith.index_cast %parallel_loop3A_138 : i32 to index
        %parallel_loop3A_187 = arith.constant 16 : index
        %parallel_loop3A_188 = tpu.vector_load %arg12[%parallel_loop3A_186, %parallel_loop3A_187] {strides = array<i32>} : memref<16x768xf32, #tpu.memory_space<vmem>>, vector<1x16xf32>,
        %parallel_loop3A_189 = vector.shape_cast %parallel_loop3A_188 : vector<1x16xf32> to vector<16xf32>
        %parallel_loop3A_190 = vector.shape_cast %parallel_loop3A_185 : vector<16xf32> to vector<1x16xf32>
        tpu.vector_store %arg12[%parallel_loop3A_186, %parallel_loop3A_187], %parallel_loop3A_190 {strides = array<i32>} : memref<16x768xf32, #tpu.memory_space<vmem>>, vector<1x16xf32>,
        %parallel_loop3A_191 = arith.constant 0 : i32
        %parallel_loop3A_192 = arith.index_cast %parallel_loop3A_191 : i32 to index
        %parallel_loop3A_193 = arith.index_cast %parallel_loop3A_138 : i32 to index
        %parallel_loop3A_194 = arith.constant 32 : index
        %parallel_loop3A_195 = tpu.vector_load %arg8[%parallel_loop3A_192, %parallel_loop3A_193, %parallel_loop3A_194] {strides = array<i32>} : memref<2x16x768xf32, #tpu.memory_space<vmem>>, vector<1x1x16xf32>,
        %parallel_loop3A_196 = vector.shape_cast %parallel_loop3A_195 : vector<1x1x16xf32> to vector<16xf32>
        %parallel_loop3A_197 = arith.constant 1 : i32
        %parallel_loop3A_198 = arith.index_cast %parallel_loop3A_197 : i32 to index
        %parallel_loop3A_199 = arith.index_cast %parallel_loop3A_138 : i32 to index
        %parallel_loop3A_200 = arith.constant 32 : index
        %parallel_loop3A_201 = tpu.vector_load %arg8[%parallel_loop3A_198, %parallel_loop3A_199, %parallel_loop3A_200] {strides = array<i32>} : memref<2x16x768xf32, #tpu.memory_space<vmem>>, vector<1x1x16xf32>,
        %parallel_loop3A_202 = vector.shape_cast %parallel_loop3A_201 : vector<1x1x16xf32> to vector<16xf32>
        %parallel_loop3A_203 = arith.index_cast %parallel_loop3A_138 : i32 to index
        %parallel_loop3A_204 = arith.constant 32 : index
        %parallel_loop3A_205 = tpu.vector_load %arg10[%parallel_loop3A_203, %parallel_loop3A_204] {strides = array<i32>} : memref<16x768xf32, #tpu.memory_space<vmem>>, vector<1x16xf32>,
        %parallel_loop3A_206 = vector.shape_cast %parallel_loop3A_205 : vector<1x16xf32> to vector<16xf32>
        %parallel_loop3A_207 = arith.addf %parallel_loop3A_196, %parallel_loop3A_202 : vector<16xf32>
        %parallel_loop3A_208 = arith.constant 5.000000e-01 : f32
        %parallel_loop3A_209 = vector.broadcast %parallel_loop3A_208 : f32 to vector<16xf32>
        %parallel_loop3A_210 = arith.mulf %parallel_loop3A_207, %parallel_loop3A_209 : vector<16xf32>
        %parallel_loop3A_211 = arith.addf %parallel_loop3A_210, %parallel_loop3A_206 : vector<16xf32>
        %parallel_loop3A_212 = arith.index_cast %parallel_loop3A_138 : i32 to index
        %parallel_loop3A_213 = arith.constant 32 : index
        %parallel_loop3A_214 = tpu.vector_load %arg12[%parallel_loop3A_212, %parallel_loop3A_213] {strides = array<i32>} : memref<16x768xf32, #tpu.memory_space<vmem>>, vector<1x16xf32>,
        %parallel_loop3A_215 = vector.shape_cast %parallel_loop3A_214 : vector<1x16xf32> to vector<16xf32>
        %parallel_loop3A_216 = vector.shape_cast %parallel_loop3A_211 : vector<16xf32> to vector<1x16xf32>
        tpu.vector_store %arg12[%parallel_loop3A_212, %parallel_loop3A_213], %parallel_loop3A_216 {strides = array<i32>} : memref<16x768xf32, #tpu.memory_space<vmem>>, vector<1x16xf32>,
        %parallel_loop3A_217 = arith.constant 0 : i32
        %parallel_loop3A_218 = arith.index_cast %parallel_loop3A_217 : i32 to index
        %parallel_loop3A_219 = arith.index_cast %parallel_loop3A_138 : i32 to index
        %parallel_loop3A_220 = arith.constant 48 : index
        %parallel_loop3A_221 = tpu.vector_load %arg8[%parallel_loop3A_218, %parallel_loop3A_219, %parallel_loop3A_220] {strides = array<i32>} : memref<2x16x768xf32, #tpu.memory_space<vmem>>, vector<1x1x16xf32>,
        %parallel_loop3A_222 = vector.shape_cast %parallel_loop3A_221 : vector<1x1x16xf32> to vector<16xf32>
        %parallel_loop3A_223 = arith.constant 1 : i32
        %parallel_loop3A_224 = arith.index_cast %parallel_loop3A_223 : i32 to index
        %parallel_loop3A_225 = arith.index_cast %parallel_loop3A_138 : i32 to index
        %parallel_loop3A_226 = arith.constant 48 : index
        %parallel_loop3A_227 = tpu.vector_load %arg8[%parallel_loop3A_224, %parallel_loop3A_225, %parallel_loop3A_226] {strides = array<i32>} : memref<2x16x768xf32, #tpu.memory_space<vmem>>, vector<1x1x16xf32>,
        %parallel_loop3A_228 = vector.shape_cast %parallel_loop3A_227 : vector<1x1x16xf32> to vector<16xf32>
        %parallel_loop3A_229 = arith.index_cast %parallel_loop3A_138 : i32 to index
        %parallel_loop3A_230 = arith.constant 48 : index
        %parallel_loop3A_231 = tpu.vector_load %arg10[%parallel_loop3A_229, %parallel_loop3A_230] {strides = array<i32>} : memref<16x768xf32, #tpu.memory_space<vmem>>, vector<1x16xf32>,
        %parallel_loop3A_232 = vector.shape_cast %parallel_loop3A_231 : vector<1x16xf32> to vector<16xf32>
        %parallel_loop3A_233 = arith.addf %parallel_loop3A_222, %parallel_loop3A_228 : vector<16xf32>
        %parallel_loop3A_234 = arith.constant 5.000000e-01 : f32
        %parallel_loop3A_235 = vector.broadcast %parallel_loop3A_234 : f32 to vector<16xf32>
        %parallel_loop3A_236 = arith.mulf %parallel_loop3A_233, %parallel_loop3A_235 : vector<16xf32>
        %parallel_loop3A_237 = arith.addf %parallel_loop3A_236, %parallel_loop3A_232 : vector<16xf32>
        %parallel_loop3A_238 = arith.index_cast %parallel_loop3A_138 : i32 to index
        %parallel_loop3A_239 = arith.constant 48 : index
        %parallel_loop3A_240 = tpu.vector_load %arg12[%parallel_loop3A_238, %parallel_loop3A_239] {strides = array<i32>} : memref<16x768xf32, #tpu.memory_space<vmem>>, vector<1x16xf32>,
        %parallel_loop3A_241 = vector.shape_cast %parallel_loop3A_240 : vector<1x16xf32> to vector<16xf32>
        %parallel_loop3A_242 = vector.shape_cast %parallel_loop3A_237 : vector<16xf32> to vector<1x16xf32>
        tpu.vector_store %arg12[%parallel_loop3A_238, %parallel_loop3A_239], %parallel_loop3A_242 {strides = array<i32>} : memref<16x768xf32, #tpu.memory_space<vmem>>, vector<1x16xf32>,
        %parallel_loop3A_243 = arith.constant 0 : i32
        %parallel_loop3A_244 = arith.index_cast %parallel_loop3A_243 : i32 to index
        %parallel_loop3A_245 = arith.index_cast %parallel_loop3A_138 : i32 to index
        %parallel_loop3A_246 = arith.constant 64 : index
        %parallel_loop3A_247 = tpu.vector_load %arg8[%parallel_loop3A_244, %parallel_loop3A_245, %parallel_loop3A_246] {strides = array<i32>} : memref<2x16x768xf32, #tpu.memory_space<vmem>>, vector<1x1x16xf32>,
        %parallel_loop3A_248 = vector.shape_cast %parallel_loop3A_247 : vector<1x1x16xf32> to vector<16xf32>
        %parallel_loop3A_249 = arith.constant 1 : i32
        %parallel_loop3A_250 = arith.index_cast %parallel_loop3A_249 : i32 to index
        %parallel_loop3A_251 = arith.index_cast %parallel_loop3A_138 : i32 to index
        %parallel_loop3A_252 = arith.constant 64 : index
        %parallel_loop3A_253 = tpu.vector_load %arg8[%parallel_loop3A_250, %parallel_loop3A_251, %parallel_loop3A_252] {strides = array<i32>} : memref<2x16x768xf32, #tpu.memory_space<vmem>>, vector<1x1x16xf32>,
        %parallel_loop3A_254 = vector.shape_cast %parallel_loop3A_253 : vector<1x1x16xf32> to vector<16xf32>
        %parallel_loop3A_255 = arith.index_cast %parallel_loop3A_138 : i32 to index
        %parallel_loop3A_256 = arith.constant 64 : index
        %parallel_loop3A_257 = tpu.vector_load %arg10[%parallel_loop3A_255, %parallel_loop3A_256] {strides = array<i32>} : memref<16x768xf32, #tpu.memory_space<vmem>>, vector<1x16xf32>,
        %parallel_loop3A_258 = vector.shape_cast %parallel_loop3A_257 : vector<1x16xf32> to vector<16xf32>
        %parallel_loop3A_259 = arith.addf %parallel_loop3A_248, %parallel_loop3A_254 : vector<16xf32>
        %parallel_loop3A_260 = arith.constant 5.000000e-01 : f32
        %parallel_loop3A_261 = vector.broadcast %parallel_loop3A_260 : f32 to vector<16xf32>
        %parallel_loop3A_262 = arith.mulf %parallel_loop3A_259, %parallel_loop3A_261 : vector<16xf32>
        %parallel_loop3A_263 = arith.addf %parallel_loop3A_262, %parallel_loop3A_258 : vector<16xf32>
        %parallel_loop3A_264 = arith.index_cast %parallel_loop3A_138 : i32 to index
        %parallel_loop3A_265 = arith.constant 64 : index
        %parallel_loop3A_266 = tpu.vector_load %arg12[%parallel_loop3A_264, %parallel_loop3A_265] {strides = array<i32>} : memref<16x768xf32, #tpu.memory_space<vmem>>, vector<1x16xf32>,
        %parallel_loop3A_267 = vector.shape_cast %parallel_loop3A_266 : vector<1x16xf32> to vector<16xf32>
        %parallel_loop3A_268 = vector.shape_cast %parallel_loop3A_263 : vector<16xf32> to vector<1x16xf32>
        tpu.vector_store %arg12[%parallel_loop3A_264, %parallel_loop3A_265], %parallel_loop3A_268 {strides = array<i32>} : memref<16x768xf32, #tpu.memory_space<vmem>>, vector<1x16xf32>,
        %parallel_loop3A_269 = arith.constant 0 : i32
        %parallel_loop3A_270 = arith.index_cast %parallel_loop3A_269 : i32 to index
        %parallel_loop3A_271 = arith.index_cast %parallel_loop3A_138 : i32 to index
        %parallel_loop3A_272 = arith.constant 80 : index
        %parallel_loop3A_273 = tpu.vector_load %arg8[%parallel_loop3A_270, %parallel_loop3A_271, %parallel_loop3A_272] {strides = array<i32>} : memref<2x16x768xf32, #tpu.memory_space<vmem>>, vector<1x1x16xf32>,
        %parallel_loop3A_274 = vector.shape_cast %parallel_loop3A_273 : vector<1x1x16xf32> to vector<16xf32>
        %parallel_loop3A_275 = arith.constant 1 : i32
        %parallel_loop3A_276 = arith.index_cast %parallel_loop3A_275 : i32 to index
        %parallel_loop3A_277 = arith.index_cast %parallel_loop3A_138 : i32 to index
        %parallel_loop3A_278 = arith.constant 80 : index
        %parallel_loop3A_279 = tpu.vector_load %arg8[%parallel_loop3A_276, %parallel_loop3A_277, %parallel_loop3A_278] {strides = array<i32>} : memref<2x16x768xf32, #tpu.memory_space<vmem>>, vector<1x1x16xf32>,
        %parallel_loop3A_280 = vector.shape_cast %parallel_loop3A_279 : vector<1x1x16xf32> to vector<16xf32>
        %parallel_loop3A_281 = arith.index_cast %parallel_loop3A_138 : i32 to index
        %parallel_loop3A_282 = arith.constant 80 : index
        %parallel_loop3A_283 = tpu.vector_load %arg10[%parallel_loop3A_281, %parallel_loop3A_282] {strides = array<i32>} : memref<16x768xf32, #tpu.memory_space<vmem>>, vector<1x16xf32>,
        %parallel_loop3A_284 = vector.shape_cast %parallel_loop3A_283 : vector<1x16xf32> to vector<16xf32>
        %parallel_loop3A_285 = arith.addf %parallel_loop3A_274, %parallel_loop3A_280 : vector<16xf32>
        %parallel_loop3A_286 = arith.constant 5.000000e-01 : f32
        %parallel_loop3A_287 = vector.broadcast %parallel_loop3A_286 : f32 to vector<16xf32>
        %parallel_loop3A_288 = arith.mulf %parallel_loop3A_285, %parallel_loop3A_287 : vector<16xf32>
        %parallel_loop3A_289 = arith.addf %parallel_loop3A_288, %parallel_loop3A_284 : vector<16xf32>
        %parallel_loop3A_290 = arith.index_cast %parallel_loop3A_138 : i32 to index
        %parallel_loop3A_291 = arith.constant 80 : index
        %parallel_loop3A_292 = tpu.vector_load %arg12[%parallel_loop3A_290, %parallel_loop3A_291] {strides = array<i32>} : memref<16x768xf32, #tpu.memory_space<vmem>>, vector<1x16xf32>,
        %parallel_loop3A_293 = vector.shape_cast %parallel_loop3A_292 : vector<1x16xf32> to vector<16xf32>
        %parallel_loop3A_294 = vector.shape_cast %parallel_loop3A_289 : vector<16xf32> to vector<1x16xf32>
        tpu.vector_store %arg12[%parallel_loop3A_290, %parallel_loop3A_291], %parallel_loop3A_294 {strides = array<i32>} : memref<16x768xf32, #tpu.memory_space<vmem>>, vector<1x16xf32>,
        %parallel_loop3A_295 = arith.constant 0 : i32
        %parallel_loop3A_296 = arith.index_cast %parallel_loop3A_295 : i32 to index
        %parallel_loop3A_297 = arith.index_cast %parallel_loop3A_138 : i32 to index
        %parallel_loop3A_298 = arith.constant 96 : index
        %parallel_loop3A_299 = tpu.vector_load %arg8[%parallel_loop3A_296, %parallel_loop3A_297, %parallel_loop3A_298] {strides = array<i32>} : memref<2x16x768xf32, #tpu.memory_space<vmem>>, vector<1x1x16xf32>,
        %parallel_loop3A_300 = vector.shape_cast %parallel_loop3A_299 : vector<1x1x16xf32> to vector<16xf32>
        %parallel_loop3A_301 = arith.constant 1 : i32
        %parallel_loop3A_302 = arith.index_cast %parallel_loop3A_301 : i32 to index
        %parallel_loop3A_303 = arith.index_cast %parallel_loop3A_138 : i32 to index
        %parallel_loop3A_304 = arith.constant 96 : index
        %parallel_loop3A_305 = tpu.vector_load %arg8[%parallel_loop3A_302, %parallel_loop3A_303, %parallel_loop3A_304] {strides = array<i32>} : memref<2x16x768xf32, #tpu.memory_space<vmem>>, vector<1x1x16xf32>,
        %parallel_loop3A_306 = vector.shape_cast %parallel_loop3A_305 : vector<1x1x16xf32> to vector<16xf32>
        %parallel_loop3A_307 = arith.index_cast %parallel_loop3A_138 : i32 to index
        %parallel_loop3A_308 = arith.constant 96 : index
        %parallel_loop3A_309 = tpu.vector_load %arg10[%parallel_loop3A_307, %parallel_loop3A_308] {strides = array<i32>} : memref<16x768xf32, #tpu.memory_space<vmem>>, vector<1x16xf32>,
        %parallel_loop3A_310 = vector.shape_cast %parallel_loop3A_309 : vector<1x16xf32> to vector<16xf32>
        %parallel_loop3A_311 = arith.addf %parallel_loop3A_300, %parallel_loop3A_306 : vector<16xf32>
        %parallel_loop3A_312 = arith.constant 5.000000e-01 : f32
        %parallel_loop3A_313 = vector.broadcast %parallel_loop3A_312 : f32 to vector<16xf32>
        %parallel_loop3A_314 = arith.mulf %parallel_loop3A_311, %parallel_loop3A_313 : vector<16xf32>
        %parallel_loop3A_315 = arith.addf %parallel_loop3A_314, %parallel_loop3A_310 : vector<16xf32>
        %parallel_loop3A_316 = arith.index_cast %parallel_loop3A_138 : i32 to index
        %parallel_loop3A_317 = arith.constant 96 : index
        %parallel_loop3A_318 = tpu.vector_load %arg12[%parallel_loop3A_316, %parallel_loop3A_317] {strides = array<i32>} : memref<16x768xf32, #tpu.memory_space<vmem>>, vector<1x16xf32>,
        %parallel_loop3A_319 = vector.shape_cast %parallel_loop3A_318 : vector<1x16xf32> to vector<16xf32>
        %parallel_loop3A_320 = vector.shape_cast %parallel_loop3A_315 : vector<16xf32> to vector<1x16xf32>
        tpu.vector_store %arg12[%parallel_loop3A_316, %parallel_loop3A_317], %parallel_loop3A_320 {strides = array<i32>} : memref<16x768xf32, #tpu.memory_space<vmem>>, vector<1x16xf32>,
        %parallel_loop3A_321 = arith.constant 0 : i32
        %parallel_loop3A_322 = arith.index_cast %parallel_loop3A_321 : i32 to index
        %parallel_loop3A_323 = arith.index_cast %parallel_loop3A_138 : i32 to index
        %parallel_loop3A_324 = arith.constant 112 : index
        %parallel_loop3A_325 = tpu.vector_load %arg8[%parallel_loop3A_322, %parallel_loop3A_323, %parallel_loop3A_324] {strides = array<i32>} : memref<2x16x768xf32, #tpu.memory_space<vmem>>, vector<1x1x16xf32>,
        %parallel_loop3A_326 = vector.shape_cast %parallel_loop3A_325 : vector<1x1x16xf32> to vector<16xf32>
        %parallel_loop3A_327 = arith.constant 1 : i32
        %parallel_loop3A_328 = arith.index_cast %parallel_loop3A_327 : i32 to index
        %parallel_loop3A_329 = arith.index_cast %parallel_loop3A_138 : i32 to index
        %parallel_loop3A_330 = arith.constant 112 : index
        %parallel_loop3A_331 = tpu.vector_load %arg8[%parallel_loop3A_328, %parallel_loop3A_329, %parallel_loop3A_330] {strides = array<i32>} : memref<2x16x768xf32, #tpu.memory_space<vmem>>, vector<1x1x16xf32>,
        %parallel_loop3A_332 = vector.shape_cast %parallel_loop3A_331 : vector<1x1x16xf32> to vector<16xf32>
        %parallel_loop3A_333 = arith.index_cast %parallel_loop3A_138 : i32 to index
        %parallel_loop3A_334 = arith.constant 112 : index
        %parallel_loop3A_335 = tpu.vector_load %arg10[%parallel_loop3A_333, %parallel_loop3A_334] {strides = array<i32>} : memref<16x768xf32, #tpu.memory_space<vmem>>, vector<1x16xf32>,
        %parallel_loop3A_336 = vector.shape_cast %parallel_loop3A_335 : vector<1x16xf32> to vector<16xf32>
        %parallel_loop3A_337 = arith.addf %parallel_loop3A_326, %parallel_loop3A_332 : vector<16xf32>
        %parallel_loop3A_338 = arith.constant 5.000000e-01 : f32
        %parallel_loop3A_339 = vector.broadcast %parallel_loop3A_338 : f32 to vector<16xf32>
        %parallel_loop3A_340 = arith.mulf %parallel_loop3A_337, %parallel_loop3A_339 : vector<16xf32>
        %parallel_loop3A_341 = arith.addf %parallel_loop3A_340, %parallel_loop3A_336 : vector<16xf32>
        %parallel_loop3A_342 = arith.index_cast %parallel_loop3A_138 : i32 to index
        %parallel_loop3A_343 = arith.constant 112 : index
        %parallel_loop3A_344 = tpu.vector_load %arg12[%parallel_loop3A_342, %parallel_loop3A_343] {strides = array<i32>} : memref<16x768xf32, #tpu.memory_space<vmem>>, vector<1x16xf32>,
        %parallel_loop3A_345 = vector.shape_cast %parallel_loop3A_344 : vector<1x16xf32> to vector<16xf32>
        %parallel_loop3A_346 = vector.shape_cast %parallel_loop3A_341 : vector<16xf32> to vector<1x16xf32>
        tpu.vector_store %arg12[%parallel_loop3A_342, %parallel_loop3A_343], %parallel_loop3A_346 {strides = array<i32>} : memref<16x768xf32, #tpu.memory_space<vmem>>, vector<1x16xf32>,
        %parallel_loop3A_347 = arith.constant 0 : i32
        %parallel_loop3A_348 = arith.index_cast %parallel_loop3A_347 : i32 to index
        %parallel_loop3A_349 = arith.index_cast %parallel_loop3A_138 : i32 to index
        %parallel_loop3A_350 = arith.constant 128 : index
        %parallel_loop3A_351 = tpu.vector_load %arg8[%parallel_loop3A_348, %parallel_loop3A_349, %parallel_loop3A_350] {strides = array<i32>} : memref<2x16x768xf32, #tpu.memory_space<vmem>>, vector<1x1x16xf32>,
        %parallel_loop3A_352 = vector.shape_cast %parallel_loop3A_351 : vector<1x1x16xf32> to vector<16xf32>
        %parallel_loop3A_353 = arith.constant 1 : i32
        %parallel_loop3A_354 = arith.index_cast %parallel_loop3A_353 : i32 to index
        %parallel_loop3A_355 = arith.index_cast %parallel_loop3A_138 : i32 to index
        %parallel_loop3A_356 = arith.constant 128 : index
        %parallel_loop3A_357 = tpu.vector_load %arg8[%parallel_loop3A_354, %parallel_loop3A_355, %parallel_loop3A_356] {strides = array<i32>} : memref<2x16x768xf32, #tpu.memory_space<vmem>>, vector<1x1x16xf32>,
        %parallel_loop3A_358 = vector.shape_cast %parallel_loop3A_357 : vector<1x1x16xf32> to vector<16xf32>
        %parallel_loop3A_359 = arith.index_cast %parallel_loop3A_138 : i32 to index
        %parallel_loop3A_360 = arith.constant 128 : index
        %parallel_loop3A_361 = tpu.vector_load %arg10[%parallel_loop3A_359, %parallel_loop3A_360] {strides = array<i32>} : memref<16x768xf32, #tpu.memory_space<vmem>>, vector<1x16xf32>,
        %parallel_loop3A_362 = vector.shape_cast %parallel_loop3A_361 : vector<1x16xf32> to vector<16xf32>
        %parallel_loop3A_363 = arith.addf %parallel_loop3A_352, %parallel_loop3A_358 : vector<16xf32>
        %parallel_loop3A_364 = arith.constant 5.000000e-01 : f32
        %parallel_loop3A_365 = vector.broadcast %parallel_loop3A_364 : f32 to vector<16xf32>
        %parallel_loop3A_366 = arith.mulf %parallel_loop3A_363, %parallel_loop3A_365 : vector<16xf32>
        %parallel_loop3A_367 = arith.addf %parallel_loop3A_366, %parallel_loop3A_362 : vector<16xf32>
        %parallel_loop3A_368 = arith.index_cast %parallel_loop3A_138 : i32 to index
        %parallel_loop3A_369 = arith.constant 128 : index
        %parallel_loop3A_370 = tpu.vector_load %arg12[%parallel_loop3A_368, %parallel_loop3A_369] {strides = array<i32>} : memref<16x768xf32, #tpu.memory_space<vmem>>, vector<1x16xf32>,
        %parallel_loop3A_371 = vector.shape_cast %parallel_loop3A_370 : vector<1x16xf32> to vector<16xf32>
        %parallel_loop3A_372 = vector.shape_cast %parallel_loop3A_367 : vector<16xf32> to vector<1x16xf32>
        tpu.vector_store %arg12[%parallel_loop3A_368, %parallel_loop3A_369], %parallel_loop3A_372 {strides = array<i32>} : memref<16x768xf32, #tpu.memory_space<vmem>>, vector<1x16xf32>,
        %parallel_loop3A_373 = arith.constant 0 : i32
        %parallel_loop3A_374 = arith.index_cast %parallel_loop3A_373 : i32 to index
        %parallel_loop3A_375 = arith.index_cast %parallel_loop3A_138 : i32 to index
        %parallel_loop3A_376 = arith.constant 144 : index
        %parallel_loop3A_377 = tpu.vector_load %arg8[%parallel_loop3A_374, %parallel_loop3A_375, %parallel_loop3A_376] {strides = array<i32>} : memref<2x16x768xf32, #tpu.memory_space<vmem>>, vector<1x1x16xf32>,
        %parallel_loop3A_378 = vector.shape_cast %parallel_loop3A_377 : vector<1x1x16xf32> to vector<16xf32>
        %parallel_loop3A_379 = arith.constant 1 : i32
        %parallel_loop3A_380 = arith.index_cast %parallel_loop3A_379 : i32 to index
        %parallel_loop3A_381 = arith.index_cast %parallel_loop3A_138 : i32 to index
        %parallel_loop3A_382 = arith.constant 144 : index
        %parallel_loop3A_383 = tpu.vector_load %arg8[%parallel_loop3A_380, %parallel_loop3A_381, %parallel_loop3A_382] {strides = array<i32>} : memref<2x16x768xf32, #tpu.memory_space<vmem>>, vector<1x1x16xf32>,
        %parallel_loop3A_384 = vector.shape_cast %parallel_loop3A_383 : vector<1x1x16xf32> to vector<16xf32>
        %parallel_loop3A_385 = arith.index_cast %parallel_loop3A_138 : i32 to index
        %parallel_loop3A_386 = arith.constant 144 : index
        %parallel_loop3A_387 = tpu.vector_load %arg10[%parallel_loop3A_385, %parallel_loop3A_386] {strides = array<i32>} : memref<16x768xf32, #tpu.memory_space<vmem>>, vector<1x16xf32>,
        %parallel_loop3A_388 = vector.shape_cast %parallel_loop3A_387 : vector<1x16xf32> to vector<16xf32>
        %parallel_loop3A_389 = arith.addf %parallel_loop3A_378, %parallel_loop3A_384 : vector<16xf32>
        %parallel_loop3A_390 = arith.constant 5.000000e-01 : f32
        %parallel_loop3A_391 = vector.broadcast %parallel_loop3A_390 : f32 to vector<16xf32>
        %parallel_loop3A_392 = arith.mulf %parallel_loop3A_389, %parallel_loop3A_391 : vector<16xf32>
        %parallel_loop3A_393 = arith.addf %parallel_loop3A_392, %parallel_loop3A_388 : vector<16xf32>
        %parallel_loop3A_394 = arith.index_cast %parallel_loop3A_138 : i32 to index
        %parallel_loop3A_395 = arith.constant 144 : index
        %parallel_loop3A_396 = tpu.vector_load %arg12[%parallel_loop3A_394, %parallel_loop3A_395] {strides = array<i32>} : memref<16x768xf32, #tpu.memory_space<vmem>>, vector<1x16xf32>,
        %parallel_loop3A_397 = vector.shape_cast %parallel_loop3A_396 : vector<1x16xf32> to vector<16xf32>
        %parallel_loop3A_398 = vector.shape_cast %parallel_loop3A_393 : vector<16xf32> to vector<1x16xf32>
        tpu.vector_store %arg12[%parallel_loop3A_394, %parallel_loop3A_395], %parallel_loop3A_398 {strides = array<i32>} : memref<16x768xf32, #tpu.memory_space<vmem>>, vector<1x16xf32>,
        %parallel_loop3A_399 = arith.constant 0 : i32
        %parallel_loop3A_400 = arith.index_cast %parallel_loop3A_399 : i32 to index
        %parallel_loop3A_401 = arith.index_cast %parallel_loop3A_138 : i32 to index
        %parallel_loop3A_402 = arith.constant 160 : index
        %parallel_loop3A_403 = tpu.vector_load %arg8[%parallel_loop3A_400, %parallel_loop3A_401, %parallel_loop3A_402] {strides = array<i32>} : memref<2x16x768xf32, #tpu.memory_space<vmem>>, vector<1x1x16xf32>,
        %parallel_loop3A_404 = vector.shape_cast %parallel_loop3A_403 : vector<1x1x16xf32> to vector<16xf32>
        %parallel_loop3A_405 = arith.constant 1 : i32
        %parallel_loop3A_406 = arith.index_cast %parallel_loop3A_405 : i32 to index
        %parallel_loop3A_407 = arith.index_cast %parallel_loop3A_138 : i32 to index
        %parallel_loop3A_408 = arith.constant 160 : index
        %parallel_loop3A_409 = tpu.vector_load %arg8[%parallel_loop3A_406, %parallel_loop3A_407, %parallel_loop3A_408] {strides = array<i32>} : memref<2x16x768xf32, #tpu.memory_space<vmem>>, vector<1x1x16xf32>,
        %parallel_loop3A_410 = vector.shape_cast %parallel_loop3A_409 : vector<1x1x16xf32> to vector<16xf32>
        %parallel_loop3A_411 = arith.index_cast %parallel_loop3A_138 : i32 to index
        %parallel_loop3A_412 = arith.constant 160 : index
        %parallel_loop3A_413 = tpu.vector_load %arg10[%parallel_loop3A_411, %parallel_loop3A_412] {strides = array<i32>} : memref<16x768xf32, #tpu.memory_space<vmem>>, vector<1x16xf32>,
        %parallel_loop3A_414 = vector.shape_cast %parallel_loop3A_413 : vector<1x16xf32> to vector<16xf32>
        %parallel_loop3A_415 = arith.addf %parallel_loop3A_404, %parallel_loop3A_410 : vector<16xf32>
        %parallel_loop3A_416 = arith.constant 5.000000e-01 : f32
        %parallel_loop3A_417 = vector.broadcast %parallel_loop3A_416 : f32 to vector<16xf32>
        %parallel_loop3A_418 = arith.mulf %parallel_loop3A_415, %parallel_loop3A_417 : vector<16xf32>
        %parallel_loop3A_419 = arith.addf %parallel_loop3A_418, %parallel_loop3A_414 : vector<16xf32>
        %parallel_loop3A_420 = arith.index_cast %parallel_loop3A_138 : i32 to index
        %parallel_loop3A_421 = arith.constant 160 : index
        %parallel_loop3A_422 = tpu.vector_load %arg12[%parallel_loop3A_420, %parallel_loop3A_421] {strides = array<i32>} : memref<16x768xf32, #tpu.memory_space<vmem>>, vector<1x16xf32>,
        %parallel_loop3A_423 = vector.shape_cast %parallel_loop3A_422 : vector<1x16xf32> to vector<16xf32>
        %parallel_loop3A_424 = vector.shape_cast %parallel_loop3A_419 : vector<16xf32> to vector<1x16xf32>
        tpu.vector_store %arg12[%parallel_loop3A_420, %parallel_loop3A_421], %parallel_loop3A_424 {strides = array<i32>} : memref<16x768xf32, #tpu.memory_space<vmem>>, vector<1x16xf32>,
        %parallel_loop3A_425 = arith.constant 0 : i32
        %parallel_loop3A_426 = arith.index_cast %parallel_loop3A_425 : i32 to index
        %parallel_loop3A_427 = arith.index_cast %parallel_loop3A_138 : i32 to index
        %parallel_loop3A_428 = arith.constant 176 : index
        %parallel_loop3A_429 = tpu.vector_load %arg8[%parallel_loop3A_426, %parallel_loop3A_427, %parallel_loop3A_428] {strides = array<i32>} : memref<2x16x768xf32, #tpu.memory_space<vmem>>, vector<1x1x16xf32>,
        %parallel_loop3A_430 = vector.shape_cast %parallel_loop3A_429 : vector<1x1x16xf32> to vector<16xf32>
        %parallel_loop3A_431 = arith.constant 1 : i32
        %parallel_loop3A_432 = arith.index_cast %parallel_loop3A_431 : i32 to index
        %parallel_loop3A_433 = arith.index_cast %parallel_loop3A_138 : i32 to index
        %parallel_loop3A_434 = arith.constant 176 : index
        %parallel_loop3A_435 = tpu.vector_load %arg8[%parallel_loop3A_432, %parallel_loop3A_433, %parallel_loop3A_434] {strides = array<i32>} : memref<2x16x768xf32, #tpu.memory_space<vmem>>, vector<1x1x16xf32>,
        %parallel_loop3A_436 = vector.shape_cast %parallel_loop3A_435 : vector<1x1x16xf32> to vector<16xf32>
        %parallel_loop3A_437 = arith.index_cast %parallel_loop3A_138 : i32 to index
        %parallel_loop3A_438 = arith.constant 176 : index
        %parallel_loop3A_439 = tpu.vector_load %arg10[%parallel_loop3A_437, %parallel_loop3A_438] {strides = array<i32>} : memref<16x768xf32, #tpu.memory_space<vmem>>, vector<1x16xf32>,
        %parallel_loop3A_440 = vector.shape_cast %parallel_loop3A_439 : vector<1x16xf32> to vector<16xf32>
        %parallel_loop3A_441 = arith.addf %parallel_loop3A_430, %parallel_loop3A_436 : vector<16xf32>
        %parallel_loop3A_442 = arith.constant 5.000000e-01 : f32
        %parallel_loop3A_443 = vector.broadcast %parallel_loop3A_442 : f32 to vector<16xf32>
        %parallel_loop3A_444 = arith.mulf %parallel_loop3A_441, %parallel_loop3A_443 : vector<16xf32>
        %parallel_loop3A_445 = arith.addf %parallel_loop3A_444, %parallel_loop3A_440 : vector<16xf32>
        %parallel_loop3A_446 = arith.index_cast %parallel_loop3A_138 : i32 to index
        %parallel_loop3A_447 = arith.constant 176 : index
        %parallel_loop3A_448 = tpu.vector_load %arg12[%parallel_loop3A_446, %parallel_loop3A_447] {strides = array<i32>} : memref<16x768xf32, #tpu.memory_space<vmem>>, vector<1x16xf32>,
        %parallel_loop3A_449 = vector.shape_cast %parallel_loop3A_448 : vector<1x16xf32> to vector<16xf32>
        %parallel_loop3A_450 = vector.shape_cast %parallel_loop3A_445 : vector<16xf32> to vector<1x16xf32>
        tpu.vector_store %arg12[%parallel_loop3A_446, %parallel_loop3A_447], %parallel_loop3A_450 {strides = array<i32>} : memref<16x768xf32, #tpu.memory_space<vmem>>, vector<1x16xf32>,
        %parallel_loop3A_451 = arith.constant 0 : i32
        %parallel_loop3A_452 = arith.index_cast %parallel_loop3A_451 : i32 to index
        %parallel_loop3A_453 = arith.index_cast %parallel_loop3A_138 : i32 to index
        %parallel_loop3A_454 = arith.constant 192 : index
        %parallel_loop3A_455 = tpu.vector_load %arg8[%parallel_loop3A_452, %parallel_loop3A_453, %parallel_loop3A_454] {strides = array<i32>} : memref<2x16x768xf32, #tpu.memory_space<vmem>>, vector<1x1x16xf32>,
        %parallel_loop3A_456 = vector.shape_cast %parallel_loop3A_455 : vector<1x1x16xf32> to vector<16xf32>
        %parallel_loop3A_457 = arith.constant 1 : i32
        %parallel_loop3A_458 = arith.index_cast %parallel_loop3A_457 : i32 to index
        %parallel_loop3A_459 = arith.index_cast %parallel_loop3A_138 : i32 to index
        %parallel_loop3A_460 = arith.constant 192 : index
        %parallel_loop3A_461 = tpu.vector_load %arg8[%parallel_loop3A_458, %parallel_loop3A_459, %parallel_loop3A_460] {strides = array<i32>} : memref<2x16x768xf32, #tpu.memory_space<vmem>>, vector<1x1x16xf32>,
        %parallel_loop3A_462 = vector.shape_cast %parallel_loop3A_461 : vector<1x1x16xf32> to vector<16xf32>
        %parallel_loop3A_463 = arith.index_cast %parallel_loop3A_138 : i32 to index
        %parallel_loop3A_464 = arith.constant 192 : index
        %parallel_loop3A_465 = tpu.vector_load %arg10[%parallel_loop3A_463, %parallel_loop3A_464] {strides = array<i32>} : memref<16x768xf32, #tpu.memory_space<vmem>>, vector<1x16xf32>,
        %parallel_loop3A_466 = vector.shape_cast %parallel_loop3A_465 : vector<1x16xf32> to vector<16xf32>
        %parallel_loop3A_467 = arith.addf %parallel_loop3A_456, %parallel_loop3A_462 : vector<16xf32>
        %parallel_loop3A_468 = arith.constant 5.000000e-01 : f32
        %parallel_loop3A_469 = vector.broadcast %parallel_loop3A_468 : f32 to vector<16xf32>
        %parallel_loop3A_470 = arith.mulf %parallel_loop3A_467, %parallel_loop3A_469 : vector<16xf32>
        %parallel_loop3A_471 = arith.addf %parallel_loop3A_470, %parallel_loop3A_466 : vector<16xf32>
        %parallel_loop3A_472 = arith.index_cast %parallel_loop3A_138 : i32 to index
        %parallel_loop3A_473 = arith.constant 192 : index
        %parallel_loop3A_474 = tpu.vector_load %arg12[%parallel_loop3A_472, %parallel_loop3A_473] {strides = array<i32>} : memref<16x768xf32, #tpu.memory_space<vmem>>, vector<1x16xf32>,
        %parallel_loop3A_475 = vector.shape_cast %parallel_loop3A_474 : vector<1x16xf32> to vector<16xf32>
        %parallel_loop3A_476 = vector.shape_cast %parallel_loop3A_471 : vector<16xf32> to vector<1x16xf32>
        tpu.vector_store %arg12[%parallel_loop3A_472, %parallel_loop3A_473], %parallel_loop3A_476 {strides = array<i32>} : memref<16x768xf32, #tpu.memory_space<vmem>>, vector<1x16xf32>,
        %parallel_loop3A_477 = arith.constant 0 : i32
        %parallel_loop3A_478 = arith.index_cast %parallel_loop3A_477 : i32 to index
        %parallel_loop3A_479 = arith.index_cast %parallel_loop3A_138 : i32 to index
        %parallel_loop3A_480 = arith.constant 208 : index
        %parallel_loop3A_481 = tpu.vector_load %arg8[%parallel_loop3A_478, %parallel_loop3A_479, %parallel_loop3A_480] {strides = array<i32>} : memref<2x16x768xf32, #tpu.memory_space<vmem>>, vector<1x1x16xf32>,
        %parallel_loop3A_482 = vector.shape_cast %parallel_loop3A_481 : vector<1x1x16xf32> to vector<16xf32>
        %parallel_loop3A_483 = arith.constant 1 : i32
        %parallel_loop3A_484 = arith.index_cast %parallel_loop3A_483 : i32 to index
        %parallel_loop3A_485 = arith.index_cast %parallel_loop3A_138 : i32 to index
        %parallel_loop3A_486 = arith.constant 208 : index
        %parallel_loop3A_487 = tpu.vector_load %arg8[%parallel_loop3A_484, %parallel_loop3A_485, %parallel_loop3A_486] {strides = array<i32>} : memref<2x16x768xf32, #tpu.memory_space<vmem>>, vector<1x1x16xf32>,
        %parallel_loop3A_488 = vector.shape_cast %parallel_loop3A_487 : vector<1x1x16xf32> to vector<16xf32>
        %parallel_loop3A_489 = arith.index_cast %parallel_loop3A_138 : i32 to index
        %parallel_loop3A_490 = arith.constant 208 : index
        %parallel_loop3A_491 = tpu.vector_load %arg10[%parallel_loop3A_489, %parallel_loop3A_490] {strides = array<i32>} : memref<16x768xf32, #tpu.memory_space<vmem>>, vector<1x16xf32>,
        %parallel_loop3A_492 = vector.shape_cast %parallel_loop3A_491 : vector<1x16xf32> to vector<16xf32>
        %parallel_loop3A_493 = arith.addf %parallel_loop3A_482, %parallel_loop3A_488 : vector<16xf32>
        %parallel_loop3A_494 = arith.constant 5.000000e-01 : f32
        %parallel_loop3A_495 = vector.broadcast %parallel_loop3A_494 : f32 to vector<16xf32>
        %parallel_loop3A_496 = arith.mulf %parallel_loop3A_493, %parallel_loop3A_495 : vector<16xf32>
        %parallel_loop3A_497 = arith.addf %parallel_loop3A_496, %parallel_loop3A_492 : vector<16xf32>
        %parallel_loop3A_498 = arith.index_cast %parallel_loop3A_138 : i32 to index
        %parallel_loop3A_499 = arith.constant 208 : index
        %parallel_loop3A_500 = tpu.vector_load %arg12[%parallel_loop3A_498, %parallel_loop3A_499] {strides = array<i32>} : memref<16x768xf32, #tpu.memory_space<vmem>>, vector<1x16xf32>,
        %parallel_loop3A_501 = vector.shape_cast %parallel_loop3A_500 : vector<1x16xf32> to vector<16xf32>
        %parallel_loop3A_502 = vector.shape_cast %parallel_loop3A_497 : vector<16xf32> to vector<1x16xf32>
        tpu.vector_store %arg12[%parallel_loop3A_498, %parallel_loop3A_499], %parallel_loop3A_502 {strides = array<i32>} : memref<16x768xf32, #tpu.memory_space<vmem>>, vector<1x16xf32>,
        %parallel_loop3A_503 = arith.constant 0 : i32
        %parallel_loop3A_504 = arith.index_cast %parallel_loop3A_503 : i32 to index
        %parallel_loop3A_505 = arith.index_cast %parallel_loop3A_138 : i32 to index
        %parallel_loop3A_506 = arith.constant 224 : index
        %parallel_loop3A_507 = tpu.vector_load %arg8[%parallel_loop3A_504, %parallel_loop3A_505, %parallel_loop3A_506] {strides = array<i32>} : memref<2x16x768xf32, #tpu.memory_space<vmem>>, vector<1x1x16xf32>,
        %parallel_loop3A_508 = vector.shape_cast %parallel_loop3A_507 : vector<1x1x16xf32> to vector<16xf32>
        %parallel_loop3A_509 = arith.constant 1 : i32
        %parallel_loop3A_510 = arith.index_cast %parallel_loop3A_509 : i32 to index
        %parallel_loop3A_511 = arith.index_cast %parallel_loop3A_138 : i32 to index
        %parallel_loop3A_512 = arith.constant 224 : index
        %parallel_loop3A_513 = tpu.vector_load %arg8[%parallel_loop3A_510, %parallel_loop3A_511, %parallel_loop3A_512] {strides = array<i32>} : memref<2x16x768xf32, #tpu.memory_space<vmem>>, vector<1x1x16xf32>,
        %parallel_loop3A_514 = vector.shape_cast %parallel_loop3A_513 : vector<1x1x16xf32> to vector<16xf32>
        %parallel_loop3A_515 = arith.index_cast %parallel_loop3A_138 : i32 to index
        %parallel_loop3A_516 = arith.constant 224 : index
        %parallel_loop3A_517 = tpu.vector_load %arg10[%parallel_loop3A_515, %parallel_loop3A_516] {strides = array<i32>} : memref<16x768xf32, #tpu.memory_space<vmem>>, vector<1x16xf32>,
        %parallel_loop3A_518 = vector.shape_cast %parallel_loop3A_517 : vector<1x16xf32> to vector<16xf32>
        %parallel_loop3A_519 = arith.addf %parallel_loop3A_508, %parallel_loop3A_514 : vector<16xf32>
        %parallel_loop3A_520 = arith.constant 5.000000e-01 : f32
        %parallel_loop3A_521 = vector.broadcast %parallel_loop3A_520 : f32 to vector<16xf32>
        %parallel_loop3A_522 = arith.mulf %parallel_loop3A_519, %parallel_loop3A_521 : vector<16xf32>
        %parallel_loop3A_523 = arith.addf %parallel_loop3A_522, %parallel_loop3A_518 : vector<16xf32>
        %parallel_loop3A_524 = arith.index_cast %parallel_loop3A_138 : i32 to index
        %parallel_loop3A_525 = arith.constant 224 : index
        %parallel_loop3A_526 = tpu.vector_load %arg12[%parallel_loop3A_524, %parallel_loop3A_525] {strides = array<i32>} : memref<16x768xf32, #tpu.memory_space<vmem>>, vector<1x16xf32>,
        %parallel_loop3A_527 = vector.shape_cast %parallel_loop3A_526 : vector<1x16xf32> to vector<16xf32>
        %parallel_loop3A_528 = vector.shape_cast %parallel_loop3A_523 : vector<16xf32> to vector<1x16xf32>
        tpu.vector_store %arg12[%parallel_loop3A_524, %parallel_loop3A_525], %parallel_loop3A_528 {strides = array<i32>} : memref<16x768xf32, #tpu.memory_space<vmem>>, vector<1x16xf32>,
        %parallel_loop3A_529 = arith.constant 0 : i32
        %parallel_loop3A_530 = arith.index_cast %parallel_loop3A_529 : i32 to index
        %parallel_loop3A_531 = arith.index_cast %parallel_loop3A_138 : i32 to index
        %parallel_loop3A_532 = arith.constant 240 : index
        %parallel_loop3A_533 = tpu.vector_load %arg8[%parallel_loop3A_530, %parallel_loop3A_531, %parallel_loop3A_532] {strides = array<i32>} : memref<2x16x768xf32, #tpu.memory_space<vmem>>, vector<1x1x16xf32>,
        %parallel_loop3A_534 = vector.shape_cast %parallel_loop3A_533 : vector<1x1x16xf32> to vector<16xf32>
        %parallel_loop3A_535 = arith.constant 1 : i32
        %parallel_loop3A_536 = arith.index_cast %parallel_loop3A_535 : i32 to index
        %parallel_loop3A_537 = arith.index_cast %parallel_loop3A_138 : i32 to index
        %parallel_loop3A_538 = arith.constant 240 : index
        %parallel_loop3A_539 = tpu.vector_load %arg8[%parallel_loop3A_536, %parallel_loop3A_537, %parallel_loop3A_538] {strides = array<i32>} : memref<2x16x768xf32, #tpu.memory_space<vmem>>, vector<1x1x16xf32>,
        %parallel_loop3A_540 = vector.shape_cast %parallel_loop3A_539 : vector<1x1x16xf32> to vector<16xf32>
        %parallel_loop3A_541 = arith.index_cast %parallel_loop3A_138 : i32 to index
        %parallel_loop3A_542 = arith.constant 240 : index
        %parallel_loop3A_543 = tpu.vector_load %arg10[%parallel_loop3A_541, %parallel_loop3A_542] {strides = array<i32>} : memref<16x768xf32, #tpu.memory_space<vmem>>, vector<1x16xf32>,
        %parallel_loop3A_544 = vector.shape_cast %parallel_loop3A_543 : vector<1x16xf32> to vector<16xf32>
        %parallel_loop3A_545 = arith.addf %parallel_loop3A_534, %parallel_loop3A_540 : vector<16xf32>
        %parallel_loop3A_546 = arith.constant 5.000000e-01 : f32
        %parallel_loop3A_547 = vector.broadcast %parallel_loop3A_546 : f32 to vector<16xf32>
        %parallel_loop3A_548 = arith.mulf %parallel_loop3A_545, %parallel_loop3A_547 : vector<16xf32>
        %parallel_loop3A_549 = arith.addf %parallel_loop3A_548, %parallel_loop3A_544 : vector<16xf32>
        %parallel_loop3A_550 = arith.index_cast %parallel_loop3A_138 : i32 to index
        %parallel_loop3A_551 = arith.constant 240 : index
        %parallel_loop3A_552 = tpu.vector_load %arg12[%parallel_loop3A_550, %parallel_loop3A_551] {strides = array<i32>} : memref<16x768xf32, #tpu.memory_space<vmem>>, vector<1x16xf32>,
        %parallel_loop3A_553 = vector.shape_cast %parallel_loop3A_552 : vector<1x16xf32> to vector<16xf32>
        %parallel_loop3A_554 = vector.shape_cast %parallel_loop3A_549 : vector<16xf32> to vector<1x16xf32>
        tpu.vector_store %arg12[%parallel_loop3A_550, %parallel_loop3A_551], %parallel_loop3A_554 {strides = array<i32>} : memref<16x768xf32, #tpu.memory_space<vmem>>, vector<1x16xf32>,
        %parallel_loop3A_555 = arith.constant 0 : i32
        %parallel_loop3A_556 = arith.index_cast %parallel_loop3A_555 : i32 to index
        %parallel_loop3A_557 = arith.index_cast %parallel_loop3A_138 : i32 to index
        %parallel_loop3A_558 = arith.constant 256 : index
        %parallel_loop3A_559 = tpu.vector_load %arg8[%parallel_loop3A_556, %parallel_loop3A_557, %parallel_loop3A_558] {strides = array<i32>} : memref<2x16x768xf32, #tpu.memory_space<vmem>>, vector<1x1x16xf32>,
        %parallel_loop3A_560 = vector.shape_cast %parallel_loop3A_559 : vector<1x1x16xf32> to vector<16xf32>
        %parallel_loop3A_561 = arith.constant 1 : i32
        %parallel_loop3A_562 = arith.index_cast %parallel_loop3A_561 : i32 to index
        %parallel_loop3A_563 = arith.index_cast %parallel_loop3A_138 : i32 to index
        %parallel_loop3A_564 = arith.constant 256 : index
        %parallel_loop3A_565 = tpu.vector_load %arg8[%parallel_loop3A_562, %parallel_loop3A_563, %parallel_loop3A_564] {strides = array<i32>} : memref<2x16x768xf32, #tpu.memory_space<vmem>>, vector<1x1x16xf32>,
        %parallel_loop3A_566 = vector.shape_cast %parallel_loop3A_565 : vector<1x1x16xf32> to vector<16xf32>
        %parallel_loop3A_567 = arith.index_cast %parallel_loop3A_138 : i32 to index
        %parallel_loop3A_568 = arith.constant 256 : index
        %parallel_loop3A_569 = tpu.vector_load %arg10[%parallel_loop3A_567, %parallel_loop3A_568] {strides = array<i32>} : memref<16x768xf32, #tpu.memory_space<vmem>>, vector<1x16xf32>,
        %parallel_loop3A_570 = vector.shape_cast %parallel_loop3A_569 : vector<1x16xf32> to vector<16xf32>
        %parallel_loop3A_571 = arith.addf %parallel_loop3A_560, %parallel_loop3A_566 : vector<16xf32>
        %parallel_loop3A_572 = arith.constant 5.000000e-01 : f32
        %parallel_loop3A_573 = vector.broadcast %parallel_loop3A_572 : f32 to vector<16xf32>
        %parallel_loop3A_574 = arith.mulf %parallel_loop3A_571, %parallel_loop3A_573 : vector<16xf32>
        %parallel_loop3A_575 = arith.addf %parallel_loop3A_574, %parallel_loop3A_570 : vector<16xf32>
        %parallel_loop3A_576 = arith.index_cast %parallel_loop3A_138 : i32 to index
        %parallel_loop3A_577 = arith.constant 256 : index
        %parallel_loop3A_578 = tpu.vector_load %arg12[%parallel_loop3A_576, %parallel_loop3A_577] {strides = array<i32>} : memref<16x768xf32, #tpu.memory_space<vmem>>, vector<1x16xf32>,
        %parallel_loop3A_579 = vector.shape_cast %parallel_loop3A_578 : vector<1x16xf32> to vector<16xf32>
        %parallel_loop3A_580 = vector.shape_cast %parallel_loop3A_575 : vector<16xf32> to vector<1x16xf32>
        tpu.vector_store %arg12[%parallel_loop3A_576, %parallel_loop3A_577], %parallel_loop3A_580 {strides = array<i32>} : memref<16x768xf32, #tpu.memory_space<vmem>>, vector<1x16xf32>,
        %parallel_loop3A_581 = arith.constant 0 : i32
        %parallel_loop3A_582 = arith.index_cast %parallel_loop3A_581 : i32 to index
        %parallel_loop3A_583 = arith.index_cast %parallel_loop3A_138 : i32 to index
        %parallel_loop3A_584 = arith.constant 272 : index
        %parallel_loop3A_585 = tpu.vector_load %arg8[%parallel_loop3A_582, %parallel_loop3A_583, %parallel_loop3A_584] {strides = array<i32>} : memref<2x16x768xf32, #tpu.memory_space<vmem>>, vector<1x1x16xf32>,
        %parallel_loop3A_586 = vector.shape_cast %parallel_loop3A_585 : vector<1x1x16xf32> to vector<16xf32>
        %parallel_loop3A_587 = arith.constant 1 : i32
        %parallel_loop3A_588 = arith.index_cast %parallel_loop3A_587 : i32 to index
        %parallel_loop3A_589 = arith.index_cast %parallel_loop3A_138 : i32 to index
        %parallel_loop3A_590 = arith.constant 272 : index
        %parallel_loop3A_591 = tpu.vector_load %arg8[%parallel_loop3A_588, %parallel_loop3A_589, %parallel_loop3A_590] {strides = array<i32>} : memref<2x16x768xf32, #tpu.memory_space<vmem>>, vector<1x1x16xf32>,
        %parallel_loop3A_592 = vector.shape_cast %parallel_loop3A_591 : vector<1x1x16xf32> to vector<16xf32>
        %parallel_loop3A_593 = arith.index_cast %parallel_loop3A_138 : i32 to index
        %parallel_loop3A_594 = arith.constant 272 : index
        %parallel_loop3A_595 = tpu.vector_load %arg10[%parallel_loop3A_593, %parallel_loop3A_594] {strides = array<i32>} : memref<16x768xf32, #tpu.memory_space<vmem>>, vector<1x16xf32>,
        %parallel_loop3A_596 = vector.shape_cast %parallel_loop3A_595 : vector<1x16xf32> to vector<16xf32>
        %parallel_loop3A_597 = arith.addf %parallel_loop3A_586, %parallel_loop3A_592 : vector<16xf32>
        %parallel_loop3A_598 = arith.constant 5.000000e-01 : f32
        %parallel_loop3A_599 = vector.broadcast %parallel_loop3A_598 : f32 to vector<16xf32>
        %parallel_loop3A_600 = arith.mulf %parallel_loop3A_597, %parallel_loop3A_599 : vector<16xf32>
        %parallel_loop3A_601 = arith.addf %parallel_loop3A_600, %parallel_loop3A_596 : vector<16xf32>
        %parallel_loop3A_602 = arith.index_cast %parallel_loop3A_138 : i32 to index
        %parallel_loop3A_603 = arith.constant 272 : index
        %parallel_loop3A_604 = tpu.vector_load %arg12[%parallel_loop3A_602, %parallel_loop3A_603] {strides = array<i32>} : memref<16x768xf32, #tpu.memory_space<vmem>>, vector<1x16xf32>,
        %parallel_loop3A_605 = vector.shape_cast %parallel_loop3A_604 : vector<1x16xf32> to vector<16xf32>
        %parallel_loop3A_606 = vector.shape_cast %parallel_loop3A_601 : vector<16xf32> to vector<1x16xf32>
        tpu.vector_store %arg12[%parallel_loop3A_602, %parallel_loop3A_603], %parallel_loop3A_606 {strides = array<i32>} : memref<16x768xf32, #tpu.memory_space<vmem>>, vector<1x16xf32>,
        %parallel_loop3A_607 = arith.constant 0 : i32
        %parallel_loop3A_608 = arith.index_cast %parallel_loop3A_607 : i32 to index
        %parallel_loop3A_609 = arith.index_cast %parallel_loop3A_138 : i32 to index
        %parallel_loop3A_610 = arith.constant 288 : index
        %parallel_loop3A_611 = tpu.vector_load %arg8[%parallel_loop3A_608, %parallel_loop3A_609, %parallel_loop3A_610] {strides = array<i32>} : memref<2x16x768xf32, #tpu.memory_space<vmem>>, vector<1x1x16xf32>,
        %parallel_loop3A_612 = vector.shape_cast %parallel_loop3A_611 : vector<1x1x16xf32> to vector<16xf32>
        %parallel_loop3A_613 = arith.constant 1 : i32
        %parallel_loop3A_614 = arith.index_cast %parallel_loop3A_613 : i32 to index
        %parallel_loop3A_615 = arith.index_cast %parallel_loop3A_138 : i32 to index
        %parallel_loop3A_616 = arith.constant 288 : index
        %parallel_loop3A_617 = tpu.vector_load %arg8[%parallel_loop3A_614, %parallel_loop3A_615, %parallel_loop3A_616] {strides = array<i32>} : memref<2x16x768xf32, #tpu.memory_space<vmem>>, vector<1x1x16xf32>,
        %parallel_loop3A_618 = vector.shape_cast %parallel_loop3A_617 : vector<1x1x16xf32> to vector<16xf32>
        %parallel_loop3A_619 = arith.index_cast %parallel_loop3A_138 : i32 to index
        %parallel_loop3A_620 = arith.constant 288 : index
        %parallel_loop3A_621 = tpu.vector_load %arg10[%parallel_loop3A_619, %parallel_loop3A_620] {strides = array<i32>} : memref<16x768xf32, #tpu.memory_space<vmem>>, vector<1x16xf32>,
        %parallel_loop3A_622 = vector.shape_cast %parallel_loop3A_621 : vector<1x16xf32> to vector<16xf32>
        %parallel_loop3A_623 = arith.addf %parallel_loop3A_612, %parallel_loop3A_618 : vector<16xf32>
        %parallel_loop3A_624 = arith.constant 5.000000e-01 : f32
        %parallel_loop3A_625 = vector.broadcast %parallel_loop3A_624 : f32 to vector<16xf32>
        %parallel_loop3A_626 = arith.mulf %parallel_loop3A_623, %parallel_loop3A_625 : vector<16xf32>
        %parallel_loop3A_627 = arith.addf %parallel_loop3A_626, %parallel_loop3A_622 : vector<16xf32>
        %parallel_loop3A_628 = arith.index_cast %parallel_loop3A_138 : i32 to index
        %parallel_loop3A_629 = arith.constant 288 : index
        %parallel_loop3A_630 = tpu.vector_load %arg12[%parallel_loop3A_628, %parallel_loop3A_629] {strides = array<i32>} : memref<16x768xf32, #tpu.memory_space<vmem>>, vector<1x16xf32>,
        %parallel_loop3A_631 = vector.shape_cast %parallel_loop3A_630 : vector<1x16xf32> to vector<16xf32>
        %parallel_loop3A_632 = vector.shape_cast %parallel_loop3A_627 : vector<16xf32> to vector<1x16xf32>
        tpu.vector_store %arg12[%parallel_loop3A_628, %parallel_loop3A_629], %parallel_loop3A_632 {strides = array<i32>} : memref<16x768xf32, #tpu.memory_space<vmem>>, vector<1x16xf32>,
        %parallel_loop3A_633 = arith.constant 0 : i32
        %parallel_loop3A_634 = arith.index_cast %parallel_loop3A_633 : i32 to index
        %parallel_loop3A_635 = arith.index_cast %parallel_loop3A_138 : i32 to index
        %parallel_loop3A_636 = arith.constant 304 : index
        %parallel_loop3A_637 = tpu.vector_load %arg8[%parallel_loop3A_634, %parallel_loop3A_635, %parallel_loop3A_636] {strides = array<i32>} : memref<2x16x768xf32, #tpu.memory_space<vmem>>, vector<1x1x16xf32>,
        %parallel_loop3A_638 = vector.shape_cast %parallel_loop3A_637 : vector<1x1x16xf32> to vector<16xf32>
        %parallel_loop3A_639 = arith.constant 1 : i32
        %parallel_loop3A_640 = arith.index_cast %parallel_loop3A_639 : i32 to index
        %parallel_loop3A_641 = arith.index_cast %parallel_loop3A_138 : i32 to index
        %parallel_loop3A_642 = arith.constant 304 : index
        %parallel_loop3A_643 = tpu.vector_load %arg8[%parallel_loop3A_640, %parallel_loop3A_641, %parallel_loop3A_642] {strides = array<i32>} : memref<2x16x768xf32, #tpu.memory_space<vmem>>, vector<1x1x16xf32>,
        %parallel_loop3A_644 = vector.shape_cast %parallel_loop3A_643 : vector<1x1x16xf32> to vector<16xf32>
        %parallel_loop3A_645 = arith.index_cast %parallel_loop3A_138 : i32 to index
        %parallel_loop3A_646 = arith.constant 304 : index
        %parallel_loop3A_647 = tpu.vector_load %arg10[%parallel_loop3A_645, %parallel_loop3A_646] {strides = array<i32>} : memref<16x768xf32, #tpu.memory_space<vmem>>, vector<1x16xf32>,
        %parallel_loop3A_648 = vector.shape_cast %parallel_loop3A_647 : vector<1x16xf32> to vector<16xf32>
        %parallel_loop3A_649 = arith.addf %parallel_loop3A_638, %parallel_loop3A_644 : vector<16xf32>
        %parallel_loop3A_650 = arith.constant 5.000000e-01 : f32
        %parallel_loop3A_651 = vector.broadcast %parallel_loop3A_650 : f32 to vector<16xf32>
        %parallel_loop3A_652 = arith.mulf %parallel_loop3A_649, %parallel_loop3A_651 : vector<16xf32>
        %parallel_loop3A_653 = arith.addf %parallel_loop3A_652, %parallel_loop3A_648 : vector<16xf32>
        %parallel_loop3A_654 = arith.index_cast %parallel_loop3A_138 : i32 to index
        %parallel_loop3A_655 = arith.constant 304 : index
        %parallel_loop3A_656 = tpu.vector_load %arg12[%parallel_loop3A_654, %parallel_loop3A_655] {strides = array<i32>} : memref<16x768xf32, #tpu.memory_space<vmem>>, vector<1x16xf32>,
        %parallel_loop3A_657 = vector.shape_cast %parallel_loop3A_656 : vector<1x16xf32> to vector<16xf32>
        %parallel_loop3A_658 = vector.shape_cast %parallel_loop3A_653 : vector<16xf32> to vector<1x16xf32>
        tpu.vector_store %arg12[%parallel_loop3A_654, %parallel_loop3A_655], %parallel_loop3A_658 {strides = array<i32>} : memref<16x768xf32, #tpu.memory_space<vmem>>, vector<1x16xf32>,
        %parallel_loop3A_659 = arith.constant 0 : i32
        %parallel_loop3A_660 = arith.index_cast %parallel_loop3A_659 : i32 to index
        %parallel_loop3A_661 = arith.index_cast %parallel_loop3A_138 : i32 to index
        %parallel_loop3A_662 = arith.constant 320 : index
        %parallel_loop3A_663 = tpu.vector_load %arg8[%parallel_loop3A_660, %parallel_loop3A_661, %parallel_loop3A_662] {strides = array<i32>} : memref<2x16x768xf32, #tpu.memory_space<vmem>>, vector<1x1x16xf32>,
        %parallel_loop3A_664 = vector.shape_cast %parallel_loop3A_663 : vector<1x1x16xf32> to vector<16xf32>
        %parallel_loop3A_665 = arith.constant 1 : i32
        %parallel_loop3A_666 = arith.index_cast %parallel_loop3A_665 : i32 to index
        %parallel_loop3A_667 = arith.index_cast %parallel_loop3A_138 : i32 to index
        %parallel_loop3A_668 = arith.constant 320 : index
        %parallel_loop3A_669 = tpu.vector_load %arg8[%parallel_loop3A_666, %parallel_loop3A_667, %parallel_loop3A_668] {strides = array<i32>} : memref<2x16x768xf32, #tpu.memory_space<vmem>>, vector<1x1x16xf32>,
        %parallel_loop3A_670 = vector.shape_cast %parallel_loop3A_669 : vector<1x1x16xf32> to vector<16xf32>
        %parallel_loop3A_671 = arith.index_cast %parallel_loop3A_138 : i32 to index
        %parallel_loop3A_672 = arith.constant 320 : index
        %parallel_loop3A_673 = tpu.vector_load %arg10[%parallel_loop3A_671, %parallel_loop3A_672] {strides = array<i32>} : memref<16x768xf32, #tpu.memory_space<vmem>>, vector<1x16xf32>,
        %parallel_loop3A_674 = vector.shape_cast %parallel_loop3A_673 : vector<1x16xf32> to vector<16xf32>
        %parallel_loop3A_675 = arith.addf %parallel_loop3A_664, %parallel_loop3A_670 : vector<16xf32>
        %parallel_loop3A_676 = arith.constant 5.000000e-01 : f32
        %parallel_loop3A_677 = vector.broadcast %parallel_loop3A_676 : f32 to vector<16xf32>
        %parallel_loop3A_678 = arith.mulf %parallel_loop3A_675, %parallel_loop3A_677 : vector<16xf32>
        %parallel_loop3A_679 = arith.addf %parallel_loop3A_678, %parallel_loop3A_674 : vector<16xf32>
        %parallel_loop3A_680 = arith.index_cast %parallel_loop3A_138 : i32 to index
        %parallel_loop3A_681 = arith.constant 320 : index
        %parallel_loop3A_682 = tpu.vector_load %arg12[%parallel_loop3A_680, %parallel_loop3A_681] {strides = array<i32>} : memref<16x768xf32, #tpu.memory_space<vmem>>, vector<1x16xf32>,
        %parallel_loop3A_683 = vector.shape_cast %parallel_loop3A_682 : vector<1x16xf32> to vector<16xf32>
        %parallel_loop3A_684 = vector.shape_cast %parallel_loop3A_679 : vector<16xf32> to vector<1x16xf32>
        tpu.vector_store %arg12[%parallel_loop3A_680, %parallel_loop3A_681], %parallel_loop3A_684 {strides = array<i32>} : memref<16x768xf32, #tpu.memory_space<vmem>>, vector<1x16xf32>,
        %parallel_loop3A_685 = arith.constant 0 : i32
        %parallel_loop3A_686 = arith.index_cast %parallel_loop3A_685 : i32 to index
        %parallel_loop3A_687 = arith.index_cast %parallel_loop3A_138 : i32 to index
        %parallel_loop3A_688 = arith.constant 336 : index
        %parallel_loop3A_689 = tpu.vector_load %arg8[%parallel_loop3A_686, %parallel_loop3A_687, %parallel_loop3A_688] {strides = array<i32>} : memref<2x16x768xf32, #tpu.memory_space<vmem>>, vector<1x1x16xf32>,
        %parallel_loop3A_690 = vector.shape_cast %parallel_loop3A_689 : vector<1x1x16xf32> to vector<16xf32>
        %parallel_loop3A_691 = arith.constant 1 : i32
        %parallel_loop3A_692 = arith.index_cast %parallel_loop3A_691 : i32 to index
        %parallel_loop3A_693 = arith.index_cast %parallel_loop3A_138 : i32 to index
        %parallel_loop3A_694 = arith.constant 336 : index
        %parallel_loop3A_695 = tpu.vector_load %arg8[%parallel_loop3A_692, %parallel_loop3A_693, %parallel_loop3A_694] {strides = array<i32>} : memref<2x16x768xf32, #tpu.memory_space<vmem>>, vector<1x1x16xf32>,
        %parallel_loop3A_696 = vector.shape_cast %parallel_loop3A_695 : vector<1x1x16xf32> to vector<16xf32>
        %parallel_loop3A_697 = arith.index_cast %parallel_loop3A_138 : i32 to index
        %parallel_loop3A_698 = arith.constant 336 : index
        %parallel_loop3A_699 = tpu.vector_load %arg10[%parallel_loop3A_697, %parallel_loop3A_698] {strides = array<i32>} : memref<16x768xf32, #tpu.memory_space<vmem>>, vector<1x16xf32>,
        %parallel_loop3A_700 = vector.shape_cast %parallel_loop3A_699 : vector<1x16xf32> to vector<16xf32>
        %parallel_loop3A_701 = arith.addf %parallel_loop3A_690, %parallel_loop3A_696 : vector<16xf32>
        %parallel_loop3A_702 = arith.constant 5.000000e-01 : f32
        %parallel_loop3A_703 = vector.broadcast %parallel_loop3A_702 : f32 to vector<16xf32>
        %parallel_loop3A_704 = arith.mulf %parallel_loop3A_701, %parallel_loop3A_703 : vector<16xf32>
        %parallel_loop3A_705 = arith.addf %parallel_loop3A_704, %parallel_loop3A_700 : vector<16xf32>
        %parallel_loop3A_706 = arith.index_cast %parallel_loop3A_138 : i32 to index
        %parallel_loop3A_707 = arith.constant 336 : index
        %parallel_loop3A_708 = tpu.vector_load %arg12[%parallel_loop3A_706, %parallel_loop3A_707] {strides = array<i32>} : memref<16x768xf32, #tpu.memory_space<vmem>>, vector<1x16xf32>,
        %parallel_loop3A_709 = vector.shape_cast %parallel_loop3A_708 : vector<1x16xf32> to vector<16xf32>
        %parallel_loop3A_710 = vector.shape_cast %parallel_loop3A_705 : vector<16xf32> to vector<1x16xf32>
        tpu.vector_store %arg12[%parallel_loop3A_706, %parallel_loop3A_707], %parallel_loop3A_710 {strides = array<i32>} : memref<16x768xf32, #tpu.memory_space<vmem>>, vector<1x16xf32>,
        %parallel_loop3A_711 = arith.constant 0 : i32
        %parallel_loop3A_712 = arith.index_cast %parallel_loop3A_711 : i32 to index
        %parallel_loop3A_713 = arith.index_cast %parallel_loop3A_138 : i32 to index
        %parallel_loop3A_714 = arith.constant 352 : index
        %parallel_loop3A_715 = tpu.vector_load %arg8[%parallel_loop3A_712, %parallel_loop3A_713, %parallel_loop3A_714] {strides = array<i32>} : memref<2x16x768xf32, #tpu.memory_space<vmem>>, vector<1x1x16xf32>,
        %parallel_loop3A_716 = vector.shape_cast %parallel_loop3A_715 : vector<1x1x16xf32> to vector<16xf32>
        %parallel_loop3A_717 = arith.constant 1 : i32
        %parallel_loop3A_718 = arith.index_cast %parallel_loop3A_717 : i32 to index
        %parallel_loop3A_719 = arith.index_cast %parallel_loop3A_138 : i32 to index
        %parallel_loop3A_720 = arith.constant 352 : index
        %parallel_loop3A_721 = tpu.vector_load %arg8[%parallel_loop3A_718, %parallel_loop3A_719, %parallel_loop3A_720] {strides = array<i32>} : memref<2x16x768xf32, #tpu.memory_space<vmem>>, vector<1x1x16xf32>,
        %parallel_loop3A_722 = vector.shape_cast %parallel_loop3A_721 : vector<1x1x16xf32> to vector<16xf32>
        %parallel_loop3A_723 = arith.index_cast %parallel_loop3A_138 : i32 to index
        %parallel_loop3A_724 = arith.constant 352 : index
        %parallel_loop3A_725 = tpu.vector_load %arg10[%parallel_loop3A_723, %parallel_loop3A_724] {strides = array<i32>} : memref<16x768xf32, #tpu.memory_space<vmem>>, vector<1x16xf32>,
        %parallel_loop3A_726 = vector.shape_cast %parallel_loop3A_725 : vector<1x16xf32> to vector<16xf32>
        %parallel_loop3A_727 = arith.addf %parallel_loop3A_716, %parallel_loop3A_722 : vector<16xf32>
        %parallel_loop3A_728 = arith.constant 5.000000e-01 : f32
        %parallel_loop3A_729 = vector.broadcast %parallel_loop3A_728 : f32 to vector<16xf32>
        %parallel_loop3A_730 = arith.mulf %parallel_loop3A_727, %parallel_loop3A_729 : vector<16xf32>
        %parallel_loop3A_731 = arith.addf %parallel_loop3A_730, %parallel_loop3A_726 : vector<16xf32>
        %parallel_loop3A_732 = arith.index_cast %parallel_loop3A_138 : i32 to index
        %parallel_loop3A_733 = arith.constant 352 : index
        %parallel_loop3A_734 = tpu.vector_load %arg12[%parallel_loop3A_732, %parallel_loop3A_733] {strides = array<i32>} : memref<16x768xf32, #tpu.memory_space<vmem>>, vector<1x16xf32>,
        %parallel_loop3A_735 = vector.shape_cast %parallel_loop3A_734 : vector<1x16xf32> to vector<16xf32>
        %parallel_loop3A_736 = vector.shape_cast %parallel_loop3A_731 : vector<16xf32> to vector<1x16xf32>
        tpu.vector_store %arg12[%parallel_loop3A_732, %parallel_loop3A_733], %parallel_loop3A_736 {strides = array<i32>} : memref<16x768xf32, #tpu.memory_space<vmem>>, vector<1x16xf32>,
        %parallel_loop3A_737 = arith.constant 0 : i32
        %parallel_loop3A_738 = arith.index_cast %parallel_loop3A_737 : i32 to index
        %parallel_loop3A_739 = arith.index_cast %parallel_loop3A_138 : i32 to index
        %parallel_loop3A_740 = arith.constant 368 : index
        %parallel_loop3A_741 = tpu.vector_load %arg8[%parallel_loop3A_738, %parallel_loop3A_739, %parallel_loop3A_740] {strides = array<i32>} : memref<2x16x768xf32, #tpu.memory_space<vmem>>, vector<1x1x16xf32>,
        %parallel_loop3A_742 = vector.shape_cast %parallel_loop3A_741 : vector<1x1x16xf32> to vector<16xf32>
        %parallel_loop3A_743 = arith.constant 1 : i32
        %parallel_loop3A_744 = arith.index_cast %parallel_loop3A_743 : i32 to index
        %parallel_loop3A_745 = arith.index_cast %parallel_loop3A_138 : i32 to index
        %parallel_loop3A_746 = arith.constant 368 : index
        %parallel_loop3A_747 = tpu.vector_load %arg8[%parallel_loop3A_744, %parallel_loop3A_745, %parallel_loop3A_746] {strides = array<i32>} : memref<2x16x768xf32, #tpu.memory_space<vmem>>, vector<1x1x16xf32>,
        %parallel_loop3A_748 = vector.shape_cast %parallel_loop3A_747 : vector<1x1x16xf32> to vector<16xf32>
        %parallel_loop3A_749 = arith.index_cast %parallel_loop3A_138 : i32 to index
        %parallel_loop3A_750 = arith.constant 368 : index
        %parallel_loop3A_751 = tpu.vector_load %arg10[%parallel_loop3A_749, %parallel_loop3A_750] {strides = array<i32>} : memref<16x768xf32, #tpu.memory_space<vmem>>, vector<1x16xf32>,
        %parallel_loop3A_752 = vector.shape_cast %parallel_loop3A_751 : vector<1x16xf32> to vector<16xf32>
        %parallel_loop3A_753 = arith.addf %parallel_loop3A_742, %parallel_loop3A_748 : vector<16xf32>
        %parallel_loop3A_754 = arith.constant 5.000000e-01 : f32
        %parallel_loop3A_755 = vector.broadcast %parallel_loop3A_754 : f32 to vector<16xf32>
        %parallel_loop3A_756 = arith.mulf %parallel_loop3A_753, %parallel_loop3A_755 : vector<16xf32>
        %parallel_loop3A_757 = arith.addf %parallel_loop3A_756, %parallel_loop3A_752 : vector<16xf32>
        %parallel_loop3A_758 = arith.index_cast %parallel_loop3A_138 : i32 to index
        %parallel_loop3A_759 = arith.constant 368 : index
        %parallel_loop3A_760 = tpu.vector_load %arg12[%parallel_loop3A_758, %parallel_loop3A_759] {strides = array<i32>} : memref<16x768xf32, #tpu.memory_space<vmem>>, vector<1x16xf32>,
        %parallel_loop3A_761 = vector.shape_cast %parallel_loop3A_760 : vector<1x16xf32> to vector<16xf32>
        %parallel_loop3A_762 = vector.shape_cast %parallel_loop3A_757 : vector<16xf32> to vector<1x16xf32>
        tpu.vector_store %arg12[%parallel_loop3A_758, %parallel_loop3A_759], %parallel_loop3A_762 {strides = array<i32>} : memref<16x768xf32, #tpu.memory_space<vmem>>, vector<1x16xf32>,
        %parallel_loop3A_763 = arith.constant 0 : i32
        %parallel_loop3A_764 = arith.index_cast %parallel_loop3A_763 : i32 to index
        %parallel_loop3A_765 = arith.index_cast %parallel_loop3A_138 : i32 to index
        %parallel_loop3A_766 = arith.constant 384 : index
        %parallel_loop3A_767 = tpu.vector_load %arg8[%parallel_loop3A_764, %parallel_loop3A_765, %parallel_loop3A_766] {strides = array<i32>} : memref<2x16x768xf32, #tpu.memory_space<vmem>>, vector<1x1x16xf32>,
        %parallel_loop3A_768 = vector.shape_cast %parallel_loop3A_767 : vector<1x1x16xf32> to vector<16xf32>
        %parallel_loop3A_769 = arith.constant 1 : i32
        %parallel_loop3A_770 = arith.index_cast %parallel_loop3A_769 : i32 to index
        %parallel_loop3A_771 = arith.index_cast %parallel_loop3A_138 : i32 to index
        %parallel_loop3A_772 = arith.constant 384 : index
        %parallel_loop3A_773 = tpu.vector_load %arg8[%parallel_loop3A_770, %parallel_loop3A_771, %parallel_loop3A_772] {strides = array<i32>} : memref<2x16x768xf32, #tpu.memory_space<vmem>>, vector<1x1x16xf32>,
        %parallel_loop3A_774 = vector.shape_cast %parallel_loop3A_773 : vector<1x1x16xf32> to vector<16xf32>
        %parallel_loop3A_775 = arith.index_cast %parallel_loop3A_138 : i32 to index
        %parallel_loop3A_776 = arith.constant 384 : index
        %parallel_loop3A_777 = tpu.vector_load %arg10[%parallel_loop3A_775, %parallel_loop3A_776] {strides = array<i32>} : memref<16x768xf32, #tpu.memory_space<vmem>>, vector<1x16xf32>,
        %parallel_loop3A_778 = vector.shape_cast %parallel_loop3A_777 : vector<1x16xf32> to vector<16xf32>
        %parallel_loop3A_779 = arith.addf %parallel_loop3A_768, %parallel_loop3A_774 : vector<16xf32>
        %parallel_loop3A_780 = arith.constant 5.000000e-01 : f32
        %parallel_loop3A_781 = vector.broadcast %parallel_loop3A_780 : f32 to vector<16xf32>
        %parallel_loop3A_782 = arith.mulf %parallel_loop3A_779, %parallel_loop3A_781 : vector<16xf32>
        %parallel_loop3A_783 = arith.addf %parallel_loop3A_782, %parallel_loop3A_778 : vector<16xf32>
        %parallel_loop3A_784 = arith.index_cast %parallel_loop3A_138 : i32 to index
        %parallel_loop3A_785 = arith.constant 384 : index
        %parallel_loop3A_786 = tpu.vector_load %arg12[%parallel_loop3A_784, %parallel_loop3A_785] {strides = array<i32>} : memref<16x768xf32, #tpu.memory_space<vmem>>, vector<1x16xf32>,
        %parallel_loop3A_787 = vector.shape_cast %parallel_loop3A_786 : vector<1x16xf32> to vector<16xf32>
        %parallel_loop3A_788 = vector.shape_cast %parallel_loop3A_783 : vector<16xf32> to vector<1x16xf32>
        tpu.vector_store %arg12[%parallel_loop3A_784, %parallel_loop3A_785], %parallel_loop3A_788 {strides = array<i32>} : memref<16x768xf32, #tpu.memory_space<vmem>>, vector<1x16xf32>,
        %parallel_loop3A_789 = arith.constant 0 : i32
        %parallel_loop3A_790 = arith.index_cast %parallel_loop3A_789 : i32 to index
        %parallel_loop3A_791 = arith.index_cast %parallel_loop3A_138 : i32 to index
        %parallel_loop3A_792 = arith.constant 400 : index
        %parallel_loop3A_793 = tpu.vector_load %arg8[%parallel_loop3A_790, %parallel_loop3A_791, %parallel_loop3A_792] {strides = array<i32>} : memref<2x16x768xf32, #tpu.memory_space<vmem>>, vector<1x1x16xf32>,
        %parallel_loop3A_794 = vector.shape_cast %parallel_loop3A_793 : vector<1x1x16xf32> to vector<16xf32>
        %parallel_loop3A_795 = arith.constant 1 : i32
        %parallel_loop3A_796 = arith.index_cast %parallel_loop3A_795 : i32 to index
        %parallel_loop3A_797 = arith.index_cast %parallel_loop3A_138 : i32 to index
        %parallel_loop3A_798 = arith.constant 400 : index
        %parallel_loop3A_799 = tpu.vector_load %arg8[%parallel_loop3A_796, %parallel_loop3A_797, %parallel_loop3A_798] {strides = array<i32>} : memref<2x16x768xf32, #tpu.memory_space<vmem>>, vector<1x1x16xf32>,
        %parallel_loop3A_800 = vector.shape_cast %parallel_loop3A_799 : vector<1x1x16xf32> to vector<16xf32>
        %parallel_loop3A_801 = arith.index_cast %parallel_loop3A_138 : i32 to index
        %parallel_loop3A_802 = arith.constant 400 : index
        %parallel_loop3A_803 = tpu.vector_load %arg10[%parallel_loop3A_801, %parallel_loop3A_802] {strides = array<i32>} : memref<16x768xf32, #tpu.memory_space<vmem>>, vector<1x16xf32>,
        %parallel_loop3A_804 = vector.shape_cast %parallel_loop3A_803 : vector<1x16xf32> to vector<16xf32>
        %parallel_loop3A_805 = arith.addf %parallel_loop3A_794, %parallel_loop3A_800 : vector<16xf32>
        %parallel_loop3A_806 = arith.constant 5.000000e-01 : f32
        %parallel_loop3A_807 = vector.broadcast %parallel_loop3A_806 : f32 to vector<16xf32>
        %parallel_loop3A_808 = arith.mulf %parallel_loop3A_805, %parallel_loop3A_807 : vector<16xf32>
        %parallel_loop3A_809 = arith.addf %parallel_loop3A_808, %parallel_loop3A_804 : vector<16xf32>
        %parallel_loop3A_810 = arith.index_cast %parallel_loop3A_138 : i32 to index
        %parallel_loop3A_811 = arith.constant 400 : index
        %parallel_loop3A_812 = tpu.vector_load %arg12[%parallel_loop3A_810, %parallel_loop3A_811] {strides = array<i32>} : memref<16x768xf32, #tpu.memory_space<vmem>>, vector<1x16xf32>,
        %parallel_loop3A_813 = vector.shape_cast %parallel_loop3A_812 : vector<1x16xf32> to vector<16xf32>
        %parallel_loop3A_814 = vector.shape_cast %parallel_loop3A_809 : vector<16xf32> to vector<1x16xf32>
        tpu.vector_store %arg12[%parallel_loop3A_810, %parallel_loop3A_811], %parallel_loop3A_814 {strides = array<i32>} : memref<16x768xf32, #tpu.memory_space<vmem>>, vector<1x16xf32>,
        %parallel_loop3A_815 = arith.constant 0 : i32
        %parallel_loop3A_816 = arith.index_cast %parallel_loop3A_815 : i32 to index
        %parallel_loop3A_817 = arith.index_cast %parallel_loop3A_138 : i32 to index
        %parallel_loop3A_818 = arith.constant 416 : index
        %parallel_loop3A_819 = tpu.vector_load %arg8[%parallel_loop3A_816, %parallel_loop3A_817, %parallel_loop3A_818] {strides = array<i32>} : memref<2x16x768xf32, #tpu.memory_space<vmem>>, vector<1x1x16xf32>,
        %parallel_loop3A_820 = vector.shape_cast %parallel_loop3A_819 : vector<1x1x16xf32> to vector<16xf32>
        %parallel_loop3A_821 = arith.constant 1 : i32
        %parallel_loop3A_822 = arith.index_cast %parallel_loop3A_821 : i32 to index
        %parallel_loop3A_823 = arith.index_cast %parallel_loop3A_138 : i32 to index
        %parallel_loop3A_824 = arith.constant 416 : index
        %parallel_loop3A_825 = tpu.vector_load %arg8[%parallel_loop3A_822, %parallel_loop3A_823, %parallel_loop3A_824] {strides = array<i32>} : memref<2x16x768xf32, #tpu.memory_space<vmem>>, vector<1x1x16xf32>,
        %parallel_loop3A_826 = vector.shape_cast %parallel_loop3A_825 : vector<1x1x16xf32> to vector<16xf32>
        %parallel_loop3A_827 = arith.index_cast %parallel_loop3A_138 : i32 to index
        %parallel_loop3A_828 = arith.constant 416 : index
        %parallel_loop3A_829 = tpu.vector_load %arg10[%parallel_loop3A_827, %parallel_loop3A_828] {strides = array<i32>} : memref<16x768xf32, #tpu.memory_space<vmem>>, vector<1x16xf32>,
        %parallel_loop3A_830 = vector.shape_cast %parallel_loop3A_829 : vector<1x16xf32> to vector<16xf32>
        %parallel_loop3A_831 = arith.addf %parallel_loop3A_820, %parallel_loop3A_826 : vector<16xf32>
        %parallel_loop3A_832 = arith.constant 5.000000e-01 : f32
        %parallel_loop3A_833 = vector.broadcast %parallel_loop3A_832 : f32 to vector<16xf32>
        %parallel_loop3A_834 = arith.mulf %parallel_loop3A_831, %parallel_loop3A_833 : vector<16xf32>
        %parallel_loop3A_835 = arith.addf %parallel_loop3A_834, %parallel_loop3A_830 : vector<16xf32>
        %parallel_loop3A_836 = arith.index_cast %parallel_loop3A_138 : i32 to index
        %parallel_loop3A_837 = arith.constant 416 : index
        %parallel_loop3A_838 = tpu.vector_load %arg12[%parallel_loop3A_836, %parallel_loop3A_837] {strides = array<i32>} : memref<16x768xf32, #tpu.memory_space<vmem>>, vector<1x16xf32>,
        %parallel_loop3A_839 = vector.shape_cast %parallel_loop3A_838 : vector<1x16xf32> to vector<16xf32>
        %parallel_loop3A_840 = vector.shape_cast %parallel_loop3A_835 : vector<16xf32> to vector<1x16xf32>
        tpu.vector_store %arg12[%parallel_loop3A_836, %parallel_loop3A_837], %parallel_loop3A_840 {strides = array<i32>} : memref<16x768xf32, #tpu.memory_space<vmem>>, vector<1x16xf32>,
        %parallel_loop3A_841 = arith.constant 0 : i32
        %parallel_loop3A_842 = arith.index_cast %parallel_loop3A_841 : i32 to index
        %parallel_loop3A_843 = arith.index_cast %parallel_loop3A_138 : i32 to index
        %parallel_loop3A_844 = arith.constant 432 : index
        %parallel_loop3A_845 = tpu.vector_load %arg8[%parallel_loop3A_842, %parallel_loop3A_843, %parallel_loop3A_844] {strides = array<i32>} : memref<2x16x768xf32, #tpu.memory_space<vmem>>, vector<1x1x16xf32>,
        %parallel_loop3A_846 = vector.shape_cast %parallel_loop3A_845 : vector<1x1x16xf32> to vector<16xf32>
        %parallel_loop3A_847 = arith.constant 1 : i32
        %parallel_loop3A_848 = arith.index_cast %parallel_loop3A_847 : i32 to index
        %parallel_loop3A_849 = arith.index_cast %parallel_loop3A_138 : i32 to index
        %parallel_loop3A_850 = arith.constant 432 : index
        %parallel_loop3A_851 = tpu.vector_load %arg8[%parallel_loop3A_848, %parallel_loop3A_849, %parallel_loop3A_850] {strides = array<i32>} : memref<2x16x768xf32, #tpu.memory_space<vmem>>, vector<1x1x16xf32>,
        %parallel_loop3A_852 = vector.shape_cast %parallel_loop3A_851 : vector<1x1x16xf32> to vector<16xf32>
        %parallel_loop3A_853 = arith.index_cast %parallel_loop3A_138 : i32 to index
        %parallel_loop3A_854 = arith.constant 432 : index
        %parallel_loop3A_855 = tpu.vector_load %arg10[%parallel_loop3A_853, %parallel_loop3A_854] {strides = array<i32>} : memref<16x768xf32, #tpu.memory_space<vmem>>, vector<1x16xf32>,
        %parallel_loop3A_856 = vector.shape_cast %parallel_loop3A_855 : vector<1x16xf32> to vector<16xf32>
        %parallel_loop3A_857 = arith.addf %parallel_loop3A_846, %parallel_loop3A_852 : vector<16xf32>
        %parallel_loop3A_858 = arith.constant 5.000000e-01 : f32
        %parallel_loop3A_859 = vector.broadcast %parallel_loop3A_858 : f32 to vector<16xf32>
        %parallel_loop3A_860 = arith.mulf %parallel_loop3A_857, %parallel_loop3A_859 : vector<16xf32>
        %parallel_loop3A_861 = arith.addf %parallel_loop3A_860, %parallel_loop3A_856 : vector<16xf32>
        %parallel_loop3A_862 = arith.index_cast %parallel_loop3A_138 : i32 to index
        %parallel_loop3A_863 = arith.constant 432 : index
        %parallel_loop3A_864 = tpu.vector_load %arg12[%parallel_loop3A_862, %parallel_loop3A_863] {strides = array<i32>} : memref<16x768xf32, #tpu.memory_space<vmem>>, vector<1x16xf32>,
        %parallel_loop3A_865 = vector.shape_cast %parallel_loop3A_864 : vector<1x16xf32> to vector<16xf32>
        %parallel_loop3A_866 = vector.shape_cast %parallel_loop3A_861 : vector<16xf32> to vector<1x16xf32>
        tpu.vector_store %arg12[%parallel_loop3A_862, %parallel_loop3A_863], %parallel_loop3A_866 {strides = array<i32>} : memref<16x768xf32, #tpu.memory_space<vmem>>, vector<1x16xf32>,
        %parallel_loop3A_867 = arith.constant 0 : i32
        %parallel_loop3A_868 = arith.index_cast %parallel_loop3A_867 : i32 to index
        %parallel_loop3A_869 = arith.index_cast %parallel_loop3A_138 : i32 to index
        %parallel_loop3A_870 = arith.constant 448 : index
        %parallel_loop3A_871 = tpu.vector_load %arg8[%parallel_loop3A_868, %parallel_loop3A_869, %parallel_loop3A_870] {strides = array<i32>} : memref<2x16x768xf32, #tpu.memory_space<vmem>>, vector<1x1x16xf32>,
        %parallel_loop3A_872 = vector.shape_cast %parallel_loop3A_871 : vector<1x1x16xf32> to vector<16xf32>
        %parallel_loop3A_873 = arith.constant 1 : i32
        %parallel_loop3A_874 = arith.index_cast %parallel_loop3A_873 : i32 to index
        %parallel_loop3A_875 = arith.index_cast %parallel_loop3A_138 : i32 to index
        %parallel_loop3A_876 = arith.constant 448 : index
        %parallel_loop3A_877 = tpu.vector_load %arg8[%parallel_loop3A_874, %parallel_loop3A_875, %parallel_loop3A_876] {strides = array<i32>} : memref<2x16x768xf32, #tpu.memory_space<vmem>>, vector<1x1x16xf32>,
        %parallel_loop3A_878 = vector.shape_cast %parallel_loop3A_877 : vector<1x1x16xf32> to vector<16xf32>
        %parallel_loop3A_879 = arith.index_cast %parallel_loop3A_138 : i32 to index
        %parallel_loop3A_880 = arith.constant 448 : index
        %parallel_loop3A_881 = tpu.vector_load %arg10[%parallel_loop3A_879, %parallel_loop3A_880] {strides = array<i32>} : memref<16x768xf32, #tpu.memory_space<vmem>>, vector<1x16xf32>,
        %parallel_loop3A_882 = vector.shape_cast %parallel_loop3A_881 : vector<1x16xf32> to vector<16xf32>
        %parallel_loop3A_883 = arith.addf %parallel_loop3A_872, %parallel_loop3A_878 : vector<16xf32>
        %parallel_loop3A_884 = arith.constant 5.000000e-01 : f32
        %parallel_loop3A_885 = vector.broadcast %parallel_loop3A_884 : f32 to vector<16xf32>
        %parallel_loop3A_886 = arith.mulf %parallel_loop3A_883, %parallel_loop3A_885 : vector<16xf32>
        %parallel_loop3A_887 = arith.addf %parallel_loop3A_886, %parallel_loop3A_882 : vector<16xf32>
        %parallel_loop3A_888 = arith.index_cast %parallel_loop3A_138 : i32 to index
        %parallel_loop3A_889 = arith.constant 448 : index
        %parallel_loop3A_890 = tpu.vector_load %arg12[%parallel_loop3A_888, %parallel_loop3A_889] {strides = array<i32>} : memref<16x768xf32, #tpu.memory_space<vmem>>, vector<1x16xf32>,
        %parallel_loop3A_891 = vector.shape_cast %parallel_loop3A_890 : vector<1x16xf32> to vector<16xf32>
        %parallel_loop3A_892 = vector.shape_cast %parallel_loop3A_887 : vector<16xf32> to vector<1x16xf32>
        tpu.vector_store %arg12[%parallel_loop3A_888, %parallel_loop3A_889], %parallel_loop3A_892 {strides = array<i32>} : memref<16x768xf32, #tpu.memory_space<vmem>>, vector<1x16xf32>,
        %parallel_loop3A_893 = arith.constant 0 : i32
        %parallel_loop3A_894 = arith.index_cast %parallel_loop3A_893 : i32 to index
        %parallel_loop3A_895 = arith.index_cast %parallel_loop3A_138 : i32 to index
        %parallel_loop3A_896 = arith.constant 464 : index
        %parallel_loop3A_897 = tpu.vector_load %arg8[%parallel_loop3A_894, %parallel_loop3A_895, %parallel_loop3A_896] {strides = array<i32>} : memref<2x16x768xf32, #tpu.memory_space<vmem>>, vector<1x1x16xf32>,
        %parallel_loop3A_898 = vector.shape_cast %parallel_loop3A_897 : vector<1x1x16xf32> to vector<16xf32>
        %parallel_loop3A_899 = arith.constant 1 : i32
        %parallel_loop3A_900 = arith.index_cast %parallel_loop3A_899 : i32 to index
        %parallel_loop3A_901 = arith.index_cast %parallel_loop3A_138 : i32 to index
        %parallel_loop3A_902 = arith.constant 464 : index
        %parallel_loop3A_903 = tpu.vector_load %arg8[%parallel_loop3A_900, %parallel_loop3A_901, %parallel_loop3A_902] {strides = array<i32>} : memref<2x16x768xf32, #tpu.memory_space<vmem>>, vector<1x1x16xf32>,
        %parallel_loop3A_904 = vector.shape_cast %parallel_loop3A_903 : vector<1x1x16xf32> to vector<16xf32>
        %parallel_loop3A_905 = arith.index_cast %parallel_loop3A_138 : i32 to index
        %parallel_loop3A_906 = arith.constant 464 : index
        %parallel_loop3A_907 = tpu.vector_load %arg10[%parallel_loop3A_905, %parallel_loop3A_906] {strides = array<i32>} : memref<16x768xf32, #tpu.memory_space<vmem>>, vector<1x16xf32>,
        %parallel_loop3A_908 = vector.shape_cast %parallel_loop3A_907 : vector<1x16xf32> to vector<16xf32>
        %parallel_loop3A_909 = arith.addf %parallel_loop3A_898, %parallel_loop3A_904 : vector<16xf32>
        %parallel_loop3A_910 = arith.constant 5.000000e-01 : f32
        %parallel_loop3A_911 = vector.broadcast %parallel_loop3A_910 : f32 to vector<16xf32>
        %parallel_loop3A_912 = arith.mulf %parallel_loop3A_909, %parallel_loop3A_911 : vector<16xf32>
        %parallel_loop3A_913 = arith.addf %parallel_loop3A_912, %parallel_loop3A_908 : vector<16xf32>
        %parallel_loop3A_914 = arith.index_cast %parallel_loop3A_138 : i32 to index
        %parallel_loop3A_915 = arith.constant 464 : index
        %parallel_loop3A_916 = tpu.vector_load %arg12[%parallel_loop3A_914, %parallel_loop3A_915] {strides = array<i32>} : memref<16x768xf32, #tpu.memory_space<vmem>>, vector<1x16xf32>,
        %parallel_loop3A_917 = vector.shape_cast %parallel_loop3A_916 : vector<1x16xf32> to vector<16xf32>
        %parallel_loop3A_918 = vector.shape_cast %parallel_loop3A_913 : vector<16xf32> to vector<1x16xf32>
        tpu.vector_store %arg12[%parallel_loop3A_914, %parallel_loop3A_915], %parallel_loop3A_918 {strides = array<i32>} : memref<16x768xf32, #tpu.memory_space<vmem>>, vector<1x16xf32>,
        %parallel_loop3A_919 = arith.constant 0 : i32
        %parallel_loop3A_920 = arith.index_cast %parallel_loop3A_919 : i32 to index
        %parallel_loop3A_921 = arith.index_cast %parallel_loop3A_138 : i32 to index
        %parallel_loop3A_922 = arith.constant 480 : index
        %parallel_loop3A_923 = tpu.vector_load %arg8[%parallel_loop3A_920, %parallel_loop3A_921, %parallel_loop3A_922] {strides = array<i32>} : memref<2x16x768xf32, #tpu.memory_space<vmem>>, vector<1x1x16xf32>,
        %parallel_loop3A_924 = vector.shape_cast %parallel_loop3A_923 : vector<1x1x16xf32> to vector<16xf32>
        %parallel_loop3A_925 = arith.constant 1 : i32
        %parallel_loop3A_926 = arith.index_cast %parallel_loop3A_925 : i32 to index
        %parallel_loop3A_927 = arith.index_cast %parallel_loop3A_138 : i32 to index
        %parallel_loop3A_928 = arith.constant 480 : index
        %parallel_loop3A_929 = tpu.vector_load %arg8[%parallel_loop3A_926, %parallel_loop3A_927, %parallel_loop3A_928] {strides = array<i32>} : memref<2x16x768xf32, #tpu.memory_space<vmem>>, vector<1x1x16xf32>,
        %parallel_loop3A_930 = vector.shape_cast %parallel_loop3A_929 : vector<1x1x16xf32> to vector<16xf32>
        %parallel_loop3A_931 = arith.index_cast %parallel_loop3A_138 : i32 to index
        %parallel_loop3A_932 = arith.constant 480 : index
        %parallel_loop3A_933 = tpu.vector_load %arg10[%parallel_loop3A_931, %parallel_loop3A_932] {strides = array<i32>} : memref<16x768xf32, #tpu.memory_space<vmem>>, vector<1x16xf32>,
        %parallel_loop3A_934 = vector.shape_cast %parallel_loop3A_933 : vector<1x16xf32> to vector<16xf32>
        %parallel_loop3A_935 = arith.addf %parallel_loop3A_924, %parallel_loop3A_930 : vector<16xf32>
        %parallel_loop3A_936 = arith.constant 5.000000e-01 : f32
        %parallel_loop3A_937 = vector.broadcast %parallel_loop3A_936 : f32 to vector<16xf32>
        %parallel_loop3A_938 = arith.mulf %parallel_loop3A_935, %parallel_loop3A_937 : vector<16xf32>
        %parallel_loop3A_939 = arith.addf %parallel_loop3A_938, %parallel_loop3A_934 : vector<16xf32>
        %parallel_loop3A_940 = arith.index_cast %parallel_loop3A_138 : i32 to index
        %parallel_loop3A_941 = arith.constant 480 : index
        %parallel_loop3A_942 = tpu.vector_load %arg12[%parallel_loop3A_940, %parallel_loop3A_941] {strides = array<i32>} : memref<16x768xf32, #tpu.memory_space<vmem>>, vector<1x16xf32>,
        %parallel_loop3A_943 = vector.shape_cast %parallel_loop3A_942 : vector<1x16xf32> to vector<16xf32>
        %parallel_loop3A_944 = vector.shape_cast %parallel_loop3A_939 : vector<16xf32> to vector<1x16xf32>
        tpu.vector_store %arg12[%parallel_loop3A_940, %parallel_loop3A_941], %parallel_loop3A_944 {strides = array<i32>} : memref<16x768xf32, #tpu.memory_space<vmem>>, vector<1x16xf32>,
        %parallel_loop3A_945 = arith.constant 0 : i32
        %parallel_loop3A_946 = arith.index_cast %parallel_loop3A_945 : i32 to index
        %parallel_loop3A_947 = arith.index_cast %parallel_loop3A_138 : i32 to index
        %parallel_loop3A_948 = arith.constant 496 : index
        %parallel_loop3A_949 = tpu.vector_load %arg8[%parallel_loop3A_946, %parallel_loop3A_947, %parallel_loop3A_948] {strides = array<i32>} : memref<2x16x768xf32, #tpu.memory_space<vmem>>, vector<1x1x16xf32>,
        %parallel_loop3A_950 = vector.shape_cast %parallel_loop3A_949 : vector<1x1x16xf32> to vector<16xf32>
        %parallel_loop3A_951 = arith.constant 1 : i32
        %parallel_loop3A_952 = arith.index_cast %parallel_loop3A_951 : i32 to index
        %parallel_loop3A_953 = arith.index_cast %parallel_loop3A_138 : i32 to index
        %parallel_loop3A_954 = arith.constant 496 : index
        %parallel_loop3A_955 = tpu.vector_load %arg8[%parallel_loop3A_952, %parallel_loop3A_953, %parallel_loop3A_954] {strides = array<i32>} : memref<2x16x768xf32, #tpu.memory_space<vmem>>, vector<1x1x16xf32>,
        %parallel_loop3A_956 = vector.shape_cast %parallel_loop3A_955 : vector<1x1x16xf32> to vector<16xf32>
        %parallel_loop3A_957 = arith.index_cast %parallel_loop3A_138 : i32 to index
        %parallel_loop3A_958 = arith.constant 496 : index
        %parallel_loop3A_959 = tpu.vector_load %arg10[%parallel_loop3A_957, %parallel_loop3A_958] {strides = array<i32>} : memref<16x768xf32, #tpu.memory_space<vmem>>, vector<1x16xf32>,
        %parallel_loop3A_960 = vector.shape_cast %parallel_loop3A_959 : vector<1x16xf32> to vector<16xf32>
        %parallel_loop3A_961 = arith.addf %parallel_loop3A_950, %parallel_loop3A_956 : vector<16xf32>
        %parallel_loop3A_962 = arith.constant 5.000000e-01 : f32
        %parallel_loop3A_963 = vector.broadcast %parallel_loop3A_962 : f32 to vector<16xf32>
        %parallel_loop3A_964 = arith.mulf %parallel_loop3A_961, %parallel_loop3A_963 : vector<16xf32>
        %parallel_loop3A_965 = arith.addf %parallel_loop3A_964, %parallel_loop3A_960 : vector<16xf32>
        %parallel_loop3A_966 = arith.index_cast %parallel_loop3A_138 : i32 to index
        %parallel_loop3A_967 = arith.constant 496 : index
        %parallel_loop3A_968 = tpu.vector_load %arg12[%parallel_loop3A_966, %parallel_loop3A_967] {strides = array<i32>} : memref<16x768xf32, #tpu.memory_space<vmem>>, vector<1x16xf32>,
        %parallel_loop3A_969 = vector.shape_cast %parallel_loop3A_968 : vector<1x16xf32> to vector<16xf32>
        %parallel_loop3A_970 = vector.shape_cast %parallel_loop3A_965 : vector<16xf32> to vector<1x16xf32>
        tpu.vector_store %arg12[%parallel_loop3A_966, %parallel_loop3A_967], %parallel_loop3A_970 {strides = array<i32>} : memref<16x768xf32, #tpu.memory_space<vmem>>, vector<1x16xf32>,
        %parallel_loop3A_971 = arith.constant 0 : i32
        %parallel_loop3A_972 = arith.index_cast %parallel_loop3A_971 : i32 to index
        %parallel_loop3A_973 = arith.index_cast %parallel_loop3A_138 : i32 to index
        %parallel_loop3A_974 = arith.constant 512 : index
        %parallel_loop3A_975 = tpu.vector_load %arg8[%parallel_loop3A_972, %parallel_loop3A_973, %parallel_loop3A_974] {strides = array<i32>} : memref<2x16x768xf32, #tpu.memory_space<vmem>>, vector<1x1x16xf32>,
        %parallel_loop3A_976 = vector.shape_cast %parallel_loop3A_975 : vector<1x1x16xf32> to vector<16xf32>
        %parallel_loop3A_977 = arith.constant 1 : i32
        %parallel_loop3A_978 = arith.index_cast %parallel_loop3A_977 : i32 to index
        %parallel_loop3A_979 = arith.index_cast %parallel_loop3A_138 : i32 to index
        %parallel_loop3A_980 = arith.constant 512 : index
        %parallel_loop3A_981 = tpu.vector_load %arg8[%parallel_loop3A_978, %parallel_loop3A_979, %parallel_loop3A_980] {strides = array<i32>} : memref<2x16x768xf32, #tpu.memory_space<vmem>>, vector<1x1x16xf32>,
        %parallel_loop3A_982 = vector.shape_cast %parallel_loop3A_981 : vector<1x1x16xf32> to vector<16xf32>
        %parallel_loop3A_983 = arith.index_cast %parallel_loop3A_138 : i32 to index
        %parallel_loop3A_984 = arith.constant 512 : index
        %parallel_loop3A_985 = tpu.vector_load %arg10[%parallel_loop3A_983, %parallel_loop3A_984] {strides = array<i32>} : memref<16x768xf32, #tpu.memory_space<vmem>>, vector<1x16xf32>,
        %parallel_loop3A_986 = vector.shape_cast %parallel_loop3A_985 : vector<1x16xf32> to vector<16xf32>
        %parallel_loop3A_987 = arith.addf %parallel_loop3A_976, %parallel_loop3A_982 : vector<16xf32>
        %parallel_loop3A_988 = arith.constant 5.000000e-01 : f32
        %parallel_loop3A_989 = vector.broadcast %parallel_loop3A_988 : f32 to vector<16xf32>
        %parallel_loop3A_990 = arith.mulf %parallel_loop3A_987, %parallel_loop3A_989 : vector<16xf32>
        %parallel_loop3A_991 = arith.addf %parallel_loop3A_990, %parallel_loop3A_986 : vector<16xf32>
        %parallel_loop3A_992 = arith.index_cast %parallel_loop3A_138 : i32 to index
        %parallel_loop3A_993 = arith.constant 512 : index
        %parallel_loop3A_994 = tpu.vector_load %arg12[%parallel_loop3A_992, %parallel_loop3A_993] {strides = array<i32>} : memref<16x768xf32, #tpu.memory_space<vmem>>, vector<1x16xf32>,
        %parallel_loop3A_995 = vector.shape_cast %parallel_loop3A_994 : vector<1x16xf32> to vector<16xf32>
        %parallel_loop3A_996 = vector.shape_cast %parallel_loop3A_991 : vector<16xf32> to vector<1x16xf32>
        tpu.vector_store %arg12[%parallel_loop3A_992, %parallel_loop3A_993], %parallel_loop3A_996 {strides = array<i32>} : memref<16x768xf32, #tpu.memory_space<vmem>>, vector<1x16xf32>,
        %parallel_loop3A_997 = arith.constant 0 : i32
        %parallel_loop3A_998 = arith.index_cast %parallel_loop3A_997 : i32 to index
        %parallel_loop3A_999 = arith.index_cast %parallel_loop3A_138 : i32 to index
        %parallel_loop3A_1000 = arith.constant 528 : index
        %parallel_loop3A_1001 = tpu.vector_load %arg8[%parallel_loop3A_998, %parallel_loop3A_999, %parallel_loop3A_1000] {strides = array<i32>} : memref<2x16x768xf32, #tpu.memory_space<vmem>>, vector<1x1x16xf32>,
        %parallel_loop3A_1002 = vector.shape_cast %parallel_loop3A_1001 : vector<1x1x16xf32> to vector<16xf32>
        %parallel_loop3A_1003 = arith.constant 1 : i32
        %parallel_loop3A_1004 = arith.index_cast %parallel_loop3A_1003 : i32 to index
        %parallel_loop3A_1005 = arith.index_cast %parallel_loop3A_138 : i32 to index
        %parallel_loop3A_1006 = arith.constant 528 : index
        %parallel_loop3A_1007 = tpu.vector_load %arg8[%parallel_loop3A_1004, %parallel_loop3A_1005, %parallel_loop3A_1006] {strides = array<i32>} : memref<2x16x768xf32, #tpu.memory_space<vmem>>, vector<1x1x16xf32>,
        %parallel_loop3A_1008 = vector.shape_cast %parallel_loop3A_1007 : vector<1x1x16xf32> to vector<16xf32>
        %parallel_loop3A_1009 = arith.index_cast %parallel_loop3A_138 : i32 to index
        %parallel_loop3A_1010 = arith.constant 528 : index
        %parallel_loop3A_1011 = tpu.vector_load %arg10[%parallel_loop3A_1009, %parallel_loop3A_1010] {strides = array<i32>} : memref<16x768xf32, #tpu.memory_space<vmem>>, vector<1x16xf32>,
        %parallel_loop3A_1012 = vector.shape_cast %parallel_loop3A_1011 : vector<1x16xf32> to vector<16xf32>
        %parallel_loop3A_1013 = arith.addf %parallel_loop3A_1002, %parallel_loop3A_1008 : vector<16xf32>
        %parallel_loop3A_1014 = arith.constant 5.000000e-01 : f32
        %parallel_loop3A_1015 = vector.broadcast %parallel_loop3A_1014 : f32 to vector<16xf32>
        %parallel_loop3A_1016 = arith.mulf %parallel_loop3A_1013, %parallel_loop3A_1015 : vector<16xf32>
        %parallel_loop3A_1017 = arith.addf %parallel_loop3A_1016, %parallel_loop3A_1012 : vector<16xf32>
        %parallel_loop3A_1018 = arith.index_cast %parallel_loop3A_138 : i32 to index
        %parallel_loop3A_1019 = arith.constant 528 : index
        %parallel_loop3A_1020 = tpu.vector_load %arg12[%parallel_loop3A_1018, %parallel_loop3A_1019] {strides = array<i32>} : memref<16x768xf32, #tpu.memory_space<vmem>>, vector<1x16xf32>,
        %parallel_loop3A_1021 = vector.shape_cast %parallel_loop3A_1020 : vector<1x16xf32> to vector<16xf32>
        %parallel_loop3A_1022 = vector.shape_cast %parallel_loop3A_1017 : vector<16xf32> to vector<1x16xf32>
        tpu.vector_store %arg12[%parallel_loop3A_1018, %parallel_loop3A_1019], %parallel_loop3A_1022 {strides = array<i32>} : memref<16x768xf32, #tpu.memory_space<vmem>>, vector<1x16xf32>,
        %parallel_loop3A_1023 = arith.constant 0 : i32
        %parallel_loop3A_1024 = arith.index_cast %parallel_loop3A_1023 : i32 to index
        %parallel_loop3A_1025 = arith.index_cast %parallel_loop3A_138 : i32 to index
        %parallel_loop3A_1026 = arith.constant 544 : index
        %parallel_loop3A_1027 = tpu.vector_load %arg8[%parallel_loop3A_1024, %parallel_loop3A_1025, %parallel_loop3A_1026] {strides = array<i32>} : memref<2x16x768xf32, #tpu.memory_space<vmem>>, vector<1x1x16xf32>,
        %parallel_loop3A_1028 = vector.shape_cast %parallel_loop3A_1027 : vector<1x1x16xf32> to vector<16xf32>
        %parallel_loop3A_1029 = arith.constant 1 : i32
        %parallel_loop3A_1030 = arith.index_cast %parallel_loop3A_1029 : i32 to index
        %parallel_loop3A_1031 = arith.index_cast %parallel_loop3A_138 : i32 to index
        %parallel_loop3A_1032 = arith.constant 544 : index
        %parallel_loop3A_1033 = tpu.vector_load %arg8[%parallel_loop3A_1030, %parallel_loop3A_1031, %parallel_loop3A_1032] {strides = array<i32>} : memref<2x16x768xf32, #tpu.memory_space<vmem>>, vector<1x1x16xf32>,
        %parallel_loop3A_1034 = vector.shape_cast %parallel_loop3A_1033 : vector<1x1x16xf32> to vector<16xf32>
        %parallel_loop3A_1035 = arith.index_cast %parallel_loop3A_138 : i32 to index
        %parallel_loop3A_1036 = arith.constant 544 : index
        %parallel_loop3A_1037 = tpu.vector_load %arg10[%parallel_loop3A_1035, %parallel_loop3A_1036] {strides = array<i32>} : memref<16x768xf32, #tpu.memory_space<vmem>>, vector<1x16xf32>,
        %parallel_loop3A_1038 = vector.shape_cast %parallel_loop3A_1037 : vector<1x16xf32> to vector<16xf32>
        %parallel_loop3A_1039 = arith.addf %parallel_loop3A_1028, %parallel_loop3A_1034 : vector<16xf32>
        %parallel_loop3A_1040 = arith.constant 5.000000e-01 : f32
        %parallel_loop3A_1041 = vector.broadcast %parallel_loop3A_1040 : f32 to vector<16xf32>
        %parallel_loop3A_1042 = arith.mulf %parallel_loop3A_1039, %parallel_loop3A_1041 : vector<16xf32>
        %parallel_loop3A_1043 = arith.addf %parallel_loop3A_1042, %parallel_loop3A_1038 : vector<16xf32>
        %parallel_loop3A_1044 = arith.index_cast %parallel_loop3A_138 : i32 to index
        %parallel_loop3A_1045 = arith.constant 544 : index
        %parallel_loop3A_1046 = tpu.vector_load %arg12[%parallel_loop3A_1044, %parallel_loop3A_1045] {strides = array<i32>} : memref<16x768xf32, #tpu.memory_space<vmem>>, vector<1x16xf32>,
        %parallel_loop3A_1047 = vector.shape_cast %parallel_loop3A_1046 : vector<1x16xf32> to vector<16xf32>
        %parallel_loop3A_1048 = vector.shape_cast %parallel_loop3A_1043 : vector<16xf32> to vector<1x16xf32>
        tpu.vector_store %arg12[%parallel_loop3A_1044, %parallel_loop3A_1045], %parallel_loop3A_1048 {strides = array<i32>} : memref<16x768xf32, #tpu.memory_space<vmem>>, vector<1x16xf32>,
        %parallel_loop3A_1049 = arith.constant 0 : i32
        %parallel_loop3A_1050 = arith.index_cast %parallel_loop3A_1049 : i32 to index
        %parallel_loop3A_1051 = arith.index_cast %parallel_loop3A_138 : i32 to index
        %parallel_loop3A_1052 = arith.constant 560 : index
        %parallel_loop3A_1053 = tpu.vector_load %arg8[%parallel_loop3A_1050, %parallel_loop3A_1051, %parallel_loop3A_1052] {strides = array<i32>} : memref<2x16x768xf32, #tpu.memory_space<vmem>>, vector<1x1x16xf32>,
        %parallel_loop3A_1054 = vector.shape_cast %parallel_loop3A_1053 : vector<1x1x16xf32> to vector<16xf32>
        %parallel_loop3A_1055 = arith.constant 1 : i32
        %parallel_loop3A_1056 = arith.index_cast %parallel_loop3A_1055 : i32 to index
        %parallel_loop3A_1057 = arith.index_cast %parallel_loop3A_138 : i32 to index
        %parallel_loop3A_1058 = arith.constant 560 : index
        %parallel_loop3A_1059 = tpu.vector_load %arg8[%parallel_loop3A_1056, %parallel_loop3A_1057, %parallel_loop3A_1058] {strides = array<i32>} : memref<2x16x768xf32, #tpu.memory_space<vmem>>, vector<1x1x16xf32>,
        %parallel_loop3A_1060 = vector.shape_cast %parallel_loop3A_1059 : vector<1x1x16xf32> to vector<16xf32>
        %parallel_loop3A_1061 = arith.index_cast %parallel_loop3A_138 : i32 to index
        %parallel_loop3A_1062 = arith.constant 560 : index
        %parallel_loop3A_1063 = tpu.vector_load %arg10[%parallel_loop3A_1061, %parallel_loop3A_1062] {strides = array<i32>} : memref<16x768xf32, #tpu.memory_space<vmem>>, vector<1x16xf32>,
        %parallel_loop3A_1064 = vector.shape_cast %parallel_loop3A_1063 : vector<1x16xf32> to vector<16xf32>
        %parallel_loop3A_1065 = arith.addf %parallel_loop3A_1054, %parallel_loop3A_1060 : vector<16xf32>
        %parallel_loop3A_1066 = arith.constant 5.000000e-01 : f32
        %parallel_loop3A_1067 = vector.broadcast %parallel_loop3A_1066 : f32 to vector<16xf32>
        %parallel_loop3A_1068 = arith.mulf %parallel_loop3A_1065, %parallel_loop3A_1067 : vector<16xf32>
        %parallel_loop3A_1069 = arith.addf %parallel_loop3A_1068, %parallel_loop3A_1064 : vector<16xf32>
        %parallel_loop3A_1070 = arith.index_cast %parallel_loop3A_138 : i32 to index
        %parallel_loop3A_1071 = arith.constant 560 : index
        %parallel_loop3A_1072 = tpu.vector_load %arg12[%parallel_loop3A_1070, %parallel_loop3A_1071] {strides = array<i32>} : memref<16x768xf32, #tpu.memory_space<vmem>>, vector<1x16xf32>,
        %parallel_loop3A_1073 = vector.shape_cast %parallel_loop3A_1072 : vector<1x16xf32> to vector<16xf32>
        %parallel_loop3A_1074 = vector.shape_cast %parallel_loop3A_1069 : vector<16xf32> to vector<1x16xf32>
        tpu.vector_store %arg12[%parallel_loop3A_1070, %parallel_loop3A_1071], %parallel_loop3A_1074 {strides = array<i32>} : memref<16x768xf32, #tpu.memory_space<vmem>>, vector<1x16xf32>,
        %parallel_loop3A_1075 = arith.constant 0 : i32
        %parallel_loop3A_1076 = arith.index_cast %parallel_loop3A_1075 : i32 to index
        %parallel_loop3A_1077 = arith.index_cast %parallel_loop3A_138 : i32 to index
        %parallel_loop3A_1078 = arith.constant 576 : index
        %parallel_loop3A_1079 = tpu.vector_load %arg8[%parallel_loop3A_1076, %parallel_loop3A_1077, %parallel_loop3A_1078] {strides = array<i32>} : memref<2x16x768xf32, #tpu.memory_space<vmem>>, vector<1x1x16xf32>,
        %parallel_loop3A_1080 = vector.shape_cast %parallel_loop3A_1079 : vector<1x1x16xf32> to vector<16xf32>
        %parallel_loop3A_1081 = arith.constant 1 : i32
        %parallel_loop3A_1082 = arith.index_cast %parallel_loop3A_1081 : i32 to index
        %parallel_loop3A_1083 = arith.index_cast %parallel_loop3A_138 : i32 to index
        %parallel_loop3A_1084 = arith.constant 576 : index
        %parallel_loop3A_1085 = tpu.vector_load %arg8[%parallel_loop3A_1082, %parallel_loop3A_1083, %parallel_loop3A_1084] {strides = array<i32>} : memref<2x16x768xf32, #tpu.memory_space<vmem>>, vector<1x1x16xf32>,
        %parallel_loop3A_1086 = vector.shape_cast %parallel_loop3A_1085 : vector<1x1x16xf32> to vector<16xf32>
        %parallel_loop3A_1087 = arith.index_cast %parallel_loop3A_138 : i32 to index
        %parallel_loop3A_1088 = arith.constant 576 : index
        %parallel_loop3A_1089 = tpu.vector_load %arg10[%parallel_loop3A_1087, %parallel_loop3A_1088] {strides = array<i32>} : memref<16x768xf32, #tpu.memory_space<vmem>>, vector<1x16xf32>,
        %parallel_loop3A_1090 = vector.shape_cast %parallel_loop3A_1089 : vector<1x16xf32> to vector<16xf32>
        %parallel_loop3A_1091 = arith.addf %parallel_loop3A_1080, %parallel_loop3A_1086 : vector<16xf32>
        %parallel_loop3A_1092 = arith.constant 5.000000e-01 : f32
        %parallel_loop3A_1093 = vector.broadcast %parallel_loop3A_1092 : f32 to vector<16xf32>
        %parallel_loop3A_1094 = arith.mulf %parallel_loop3A_1091, %parallel_loop3A_1093 : vector<16xf32>
        %parallel_loop3A_1095 = arith.addf %parallel_loop3A_1094, %parallel_loop3A_1090 : vector<16xf32>
        %parallel_loop3A_1096 = arith.index_cast %parallel_loop3A_138 : i32 to index
        %parallel_loop3A_1097 = arith.constant 576 : index
        %parallel_loop3A_1098 = tpu.vector_load %arg12[%parallel_loop3A_1096, %parallel_loop3A_1097] {strides = array<i32>} : memref<16x768xf32, #tpu.memory_space<vmem>>, vector<1x16xf32>,
        %parallel_loop3A_1099 = vector.shape_cast %parallel_loop3A_1098 : vector<1x16xf32> to vector<16xf32>
        %parallel_loop3A_1100 = vector.shape_cast %parallel_loop3A_1095 : vector<16xf32> to vector<1x16xf32>
        tpu.vector_store %arg12[%parallel_loop3A_1096, %parallel_loop3A_1097], %parallel_loop3A_1100 {strides = array<i32>} : memref<16x768xf32, #tpu.memory_space<vmem>>, vector<1x16xf32>,
        %parallel_loop3A_1101 = arith.constant 0 : i32
        %parallel_loop3A_1102 = arith.index_cast %parallel_loop3A_1101 : i32 to index
        %parallel_loop3A_1103 = arith.index_cast %parallel_loop3A_138 : i32 to index
        %parallel_loop3A_1104 = arith.constant 592 : index
        %parallel_loop3A_1105 = tpu.vector_load %arg8[%parallel_loop3A_1102, %parallel_loop3A_1103, %parallel_loop3A_1104] {strides = array<i32>} : memref<2x16x768xf32, #tpu.memory_space<vmem>>, vector<1x1x16xf32>,
        %parallel_loop3A_1106 = vector.shape_cast %parallel_loop3A_1105 : vector<1x1x16xf32> to vector<16xf32>
        %parallel_loop3A_1107 = arith.constant 1 : i32
        %parallel_loop3A_1108 = arith.index_cast %parallel_loop3A_1107 : i32 to index
        %parallel_loop3A_1109 = arith.index_cast %parallel_loop3A_138 : i32 to index
        %parallel_loop3A_1110 = arith.constant 592 : index
        %parallel_loop3A_1111 = tpu.vector_load %arg8[%parallel_loop3A_1108, %parallel_loop3A_1109, %parallel_loop3A_1110] {strides = array<i32>} : memref<2x16x768xf32, #tpu.memory_space<vmem>>, vector<1x1x16xf32>,
        %parallel_loop3A_1112 = vector.shape_cast %parallel_loop3A_1111 : vector<1x1x16xf32> to vector<16xf32>
        %parallel_loop3A_1113 = arith.index_cast %parallel_loop3A_138 : i32 to index
        %parallel_loop3A_1114 = arith.constant 592 : index
        %parallel_loop3A_1115 = tpu.vector_load %arg10[%parallel_loop3A_1113, %parallel_loop3A_1114] {strides = array<i32>} : memref<16x768xf32, #tpu.memory_space<vmem>>, vector<1x16xf32>,
        %parallel_loop3A_1116 = vector.shape_cast %parallel_loop3A_1115 : vector<1x16xf32> to vector<16xf32>
        %parallel_loop3A_1117 = arith.addf %parallel_loop3A_1106, %parallel_loop3A_1112 : vector<16xf32>
        %parallel_loop3A_1118 = arith.constant 5.000000e-01 : f32
        %parallel_loop3A_1119 = vector.broadcast %parallel_loop3A_1118 : f32 to vector<16xf32>
        %parallel_loop3A_1120 = arith.mulf %parallel_loop3A_1117, %parallel_loop3A_1119 : vector<16xf32>
        %parallel_loop3A_1121 = arith.addf %parallel_loop3A_1120, %parallel_loop3A_1116 : vector<16xf32>
        %parallel_loop3A_1122 = arith.index_cast %parallel_loop3A_138 : i32 to index
        %parallel_loop3A_1123 = arith.constant 592 : index
        %parallel_loop3A_1124 = tpu.vector_load %arg12[%parallel_loop3A_1122, %parallel_loop3A_1123] {strides = array<i32>} : memref<16x768xf32, #tpu.memory_space<vmem>>, vector<1x16xf32>,
        %parallel_loop3A_1125 = vector.shape_cast %parallel_loop3A_1124 : vector<1x16xf32> to vector<16xf32>
        %parallel_loop3A_1126 = vector.shape_cast %parallel_loop3A_1121 : vector<16xf32> to vector<1x16xf32>
        tpu.vector_store %arg12[%parallel_loop3A_1122, %parallel_loop3A_1123], %parallel_loop3A_1126 {strides = array<i32>} : memref<16x768xf32, #tpu.memory_space<vmem>>, vector<1x16xf32>,
        %parallel_loop3A_1127 = arith.constant 0 : i32
        %parallel_loop3A_1128 = arith.index_cast %parallel_loop3A_1127 : i32 to index
        %parallel_loop3A_1129 = arith.index_cast %parallel_loop3A_138 : i32 to index
        %parallel_loop3A_1130 = arith.constant 608 : index
        %parallel_loop3A_1131 = tpu.vector_load %arg8[%parallel_loop3A_1128, %parallel_loop3A_1129, %parallel_loop3A_1130] {strides = array<i32>} : memref<2x16x768xf32, #tpu.memory_space<vmem>>, vector<1x1x16xf32>,
        %parallel_loop3A_1132 = vector.shape_cast %parallel_loop3A_1131 : vector<1x1x16xf32> to vector<16xf32>
        %parallel_loop3A_1133 = arith.constant 1 : i32
        %parallel_loop3A_1134 = arith.index_cast %parallel_loop3A_1133 : i32 to index
        %parallel_loop3A_1135 = arith.index_cast %parallel_loop3A_138 : i32 to index
        %parallel_loop3A_1136 = arith.constant 608 : index
        %parallel_loop3A_1137 = tpu.vector_load %arg8[%parallel_loop3A_1134, %parallel_loop3A_1135, %parallel_loop3A_1136] {strides = array<i32>} : memref<2x16x768xf32, #tpu.memory_space<vmem>>, vector<1x1x16xf32>,
        %parallel_loop3A_1138 = vector.shape_cast %parallel_loop3A_1137 : vector<1x1x16xf32> to vector<16xf32>
        %parallel_loop3A_1139 = arith.index_cast %parallel_loop3A_138 : i32 to index
        %parallel_loop3A_1140 = arith.constant 608 : index
        %parallel_loop3A_1141 = tpu.vector_load %arg10[%parallel_loop3A_1139, %parallel_loop3A_1140] {strides = array<i32>} : memref<16x768xf32, #tpu.memory_space<vmem>>, vector<1x16xf32>,
        %parallel_loop3A_1142 = vector.shape_cast %parallel_loop3A_1141 : vector<1x16xf32> to vector<16xf32>
        %parallel_loop3A_1143 = arith.addf %parallel_loop3A_1132, %parallel_loop3A_1138 : vector<16xf32>
        %parallel_loop3A_1144 = arith.constant 5.000000e-01 : f32
        %parallel_loop3A_1145 = vector.broadcast %parallel_loop3A_1144 : f32 to vector<16xf32>
        %parallel_loop3A_1146 = arith.mulf %parallel_loop3A_1143, %parallel_loop3A_1145 : vector<16xf32>
        %parallel_loop3A_1147 = arith.addf %parallel_loop3A_1146, %parallel_loop3A_1142 : vector<16xf32>
        %parallel_loop3A_1148 = arith.index_cast %parallel_loop3A_138 : i32 to index
        %parallel_loop3A_1149 = arith.constant 608 : index
        %parallel_loop3A_1150 = tpu.vector_load %arg12[%parallel_loop3A_1148, %parallel_loop3A_1149] {strides = array<i32>} : memref<16x768xf32, #tpu.memory_space<vmem>>, vector<1x16xf32>,
        %parallel_loop3A_1151 = vector.shape_cast %parallel_loop3A_1150 : vector<1x16xf32> to vector<16xf32>
        %parallel_loop3A_1152 = vector.shape_cast %parallel_loop3A_1147 : vector<16xf32> to vector<1x16xf32>
        tpu.vector_store %arg12[%parallel_loop3A_1148, %parallel_loop3A_1149], %parallel_loop3A_1152 {strides = array<i32>} : memref<16x768xf32, #tpu.memory_space<vmem>>, vector<1x16xf32>,
        %parallel_loop3A_1153 = arith.constant 0 : i32
        %parallel_loop3A_1154 = arith.index_cast %parallel_loop3A_1153 : i32 to index
        %parallel_loop3A_1155 = arith.index_cast %parallel_loop3A_138 : i32 to index
        %parallel_loop3A_1156 = arith.constant 624 : index
        %parallel_loop3A_1157 = tpu.vector_load %arg8[%parallel_loop3A_1154, %parallel_loop3A_1155, %parallel_loop3A_1156] {strides = array<i32>} : memref<2x16x768xf32, #tpu.memory_space<vmem>>, vector<1x1x16xf32>,
        %parallel_loop3A_1158 = vector.shape_cast %parallel_loop3A_1157 : vector<1x1x16xf32> to vector<16xf32>
        %parallel_loop3A_1159 = arith.constant 1 : i32
        %parallel_loop3A_1160 = arith.index_cast %parallel_loop3A_1159 : i32 to index
        %parallel_loop3A_1161 = arith.index_cast %parallel_loop3A_138 : i32 to index
        %parallel_loop3A_1162 = arith.constant 624 : index
        %parallel_loop3A_1163 = tpu.vector_load %arg8[%parallel_loop3A_1160, %parallel_loop3A_1161, %parallel_loop3A_1162] {strides = array<i32>} : memref<2x16x768xf32, #tpu.memory_space<vmem>>, vector<1x1x16xf32>,
        %parallel_loop3A_1164 = vector.shape_cast %parallel_loop3A_1163 : vector<1x1x16xf32> to vector<16xf32>
        %parallel_loop3A_1165 = arith.index_cast %parallel_loop3A_138 : i32 to index
        %parallel_loop3A_1166 = arith.constant 624 : index
        %parallel_loop3A_1167 = tpu.vector_load %arg10[%parallel_loop3A_1165, %parallel_loop3A_1166] {strides = array<i32>} : memref<16x768xf32, #tpu.memory_space<vmem>>, vector<1x16xf32>,
        %parallel_loop3A_1168 = vector.shape_cast %parallel_loop3A_1167 : vector<1x16xf32> to vector<16xf32>
        %parallel_loop3A_1169 = arith.addf %parallel_loop3A_1158, %parallel_loop3A_1164 : vector<16xf32>
        %parallel_loop3A_1170 = arith.constant 5.000000e-01 : f32
        %parallel_loop3A_1171 = vector.broadcast %parallel_loop3A_1170 : f32 to vector<16xf32>
        %parallel_loop3A_1172 = arith.mulf %parallel_loop3A_1169, %parallel_loop3A_1171 : vector<16xf32>
        %parallel_loop3A_1173 = arith.addf %parallel_loop3A_1172, %parallel_loop3A_1168 : vector<16xf32>
        %parallel_loop3A_1174 = arith.index_cast %parallel_loop3A_138 : i32 to index
        %parallel_loop3A_1175 = arith.constant 624 : index
        %parallel_loop3A_1176 = tpu.vector_load %arg12[%parallel_loop3A_1174, %parallel_loop3A_1175] {strides = array<i32>} : memref<16x768xf32, #tpu.memory_space<vmem>>, vector<1x16xf32>,
        %parallel_loop3A_1177 = vector.shape_cast %parallel_loop3A_1176 : vector<1x16xf32> to vector<16xf32>
        %parallel_loop3A_1178 = vector.shape_cast %parallel_loop3A_1173 : vector<16xf32> to vector<1x16xf32>
        tpu.vector_store %arg12[%parallel_loop3A_1174, %parallel_loop3A_1175], %parallel_loop3A_1178 {strides = array<i32>} : memref<16x768xf32, #tpu.memory_space<vmem>>, vector<1x16xf32>,
        %parallel_loop3A_1179 = arith.constant 0 : i32
        %parallel_loop3A_1180 = arith.index_cast %parallel_loop3A_1179 : i32 to index
        %parallel_loop3A_1181 = arith.index_cast %parallel_loop3A_138 : i32 to index
        %parallel_loop3A_1182 = arith.constant 640 : index
        %parallel_loop3A_1183 = tpu.vector_load %arg8[%parallel_loop3A_1180, %parallel_loop3A_1181, %parallel_loop3A_1182] {strides = array<i32>} : memref<2x16x768xf32, #tpu.memory_space<vmem>>, vector<1x1x16xf32>,
        %parallel_loop3A_1184 = vector.shape_cast %parallel_loop3A_1183 : vector<1x1x16xf32> to vector<16xf32>
        %parallel_loop3A_1185 = arith.constant 1 : i32
        %parallel_loop3A_1186 = arith.index_cast %parallel_loop3A_1185 : i32 to index
        %parallel_loop3A_1187 = arith.index_cast %parallel_loop3A_138 : i32 to index
        %parallel_loop3A_1188 = arith.constant 640 : index
        %parallel_loop3A_1189 = tpu.vector_load %arg8[%parallel_loop3A_1186, %parallel_loop3A_1187, %parallel_loop3A_1188] {strides = array<i32>} : memref<2x16x768xf32, #tpu.memory_space<vmem>>, vector<1x1x16xf32>,
        %parallel_loop3A_1190 = vector.shape_cast %parallel_loop3A_1189 : vector<1x1x16xf32> to vector<16xf32>
        %parallel_loop3A_1191 = arith.index_cast %parallel_loop3A_138 : i32 to index
        %parallel_loop3A_1192 = arith.constant 640 : index
        %parallel_loop3A_1193 = tpu.vector_load %arg10[%parallel_loop3A_1191, %parallel_loop3A_1192] {strides = array<i32>} : memref<16x768xf32, #tpu.memory_space<vmem>>, vector<1x16xf32>,
        %parallel_loop3A_1194 = vector.shape_cast %parallel_loop3A_1193 : vector<1x16xf32> to vector<16xf32>
        %parallel_loop3A_1195 = arith.addf %parallel_loop3A_1184, %parallel_loop3A_1190 : vector<16xf32>
        %parallel_loop3A_1196 = arith.constant 5.000000e-01 : f32
        %parallel_loop3A_1197 = vector.broadcast %parallel_loop3A_1196 : f32 to vector<16xf32>
        %parallel_loop3A_1198 = arith.mulf %parallel_loop3A_1195, %parallel_loop3A_1197 : vector<16xf32>
        %parallel_loop3A_1199 = arith.addf %parallel_loop3A_1198, %parallel_loop3A_1194 : vector<16xf32>
        %parallel_loop3A_1200 = arith.index_cast %parallel_loop3A_138 : i32 to index
        %parallel_loop3A_1201 = arith.constant 640 : index
        %parallel_loop3A_1202 = tpu.vector_load %arg12[%parallel_loop3A_1200, %parallel_loop3A_1201] {strides = array<i32>} : memref<16x768xf32, #tpu.memory_space<vmem>>, vector<1x16xf32>,
        %parallel_loop3A_1203 = vector.shape_cast %parallel_loop3A_1202 : vector<1x16xf32> to vector<16xf32>
        %parallel_loop3A_1204 = vector.shape_cast %parallel_loop3A_1199 : vector<16xf32> to vector<1x16xf32>
        tpu.vector_store %arg12[%parallel_loop3A_1200, %parallel_loop3A_1201], %parallel_loop3A_1204 {strides = array<i32>} : memref<16x768xf32, #tpu.memory_space<vmem>>, vector<1x16xf32>,
        %parallel_loop3A_1205 = arith.constant 0 : i32
        %parallel_loop3A_1206 = arith.index_cast %parallel_loop3A_1205 : i32 to index
        %parallel_loop3A_1207 = arith.index_cast %parallel_loop3A_138 : i32 to index
        %parallel_loop3A_1208 = arith.constant 656 : index
        %parallel_loop3A_1209 = tpu.vector_load %arg8[%parallel_loop3A_1206, %parallel_loop3A_1207, %parallel_loop3A_1208] {strides = array<i32>} : memref<2x16x768xf32, #tpu.memory_space<vmem>>, vector<1x1x16xf32>,
        %parallel_loop3A_1210 = vector.shape_cast %parallel_loop3A_1209 : vector<1x1x16xf32> to vector<16xf32>
        %parallel_loop3A_1211 = arith.constant 1 : i32
        %parallel_loop3A_1212 = arith.index_cast %parallel_loop3A_1211 : i32 to index
        %parallel_loop3A_1213 = arith.index_cast %parallel_loop3A_138 : i32 to index
        %parallel_loop3A_1214 = arith.constant 656 : index
        %parallel_loop3A_1215 = tpu.vector_load %arg8[%parallel_loop3A_1212, %parallel_loop3A_1213, %parallel_loop3A_1214] {strides = array<i32>} : memref<2x16x768xf32, #tpu.memory_space<vmem>>, vector<1x1x16xf32>,
        %parallel_loop3A_1216 = vector.shape_cast %parallel_loop3A_1215 : vector<1x1x16xf32> to vector<16xf32>
        %parallel_loop3A_1217 = arith.index_cast %parallel_loop3A_138 : i32 to index
        %parallel_loop3A_1218 = arith.constant 656 : index
        %parallel_loop3A_1219 = tpu.vector_load %arg10[%parallel_loop3A_1217, %parallel_loop3A_1218] {strides = array<i32>} : memref<16x768xf32, #tpu.memory_space<vmem>>, vector<1x16xf32>,
        %parallel_loop3A_1220 = vector.shape_cast %parallel_loop3A_1219 : vector<1x16xf32> to vector<16xf32>
        %parallel_loop3A_1221 = arith.addf %parallel_loop3A_1210, %parallel_loop3A_1216 : vector<16xf32>
        %parallel_loop3A_1222 = arith.constant 5.000000e-01 : f32
        %parallel_loop3A_1223 = vector.broadcast %parallel_loop3A_1222 : f32 to vector<16xf32>
        %parallel_loop3A_1224 = arith.mulf %parallel_loop3A_1221, %parallel_loop3A_1223 : vector<16xf32>
        %parallel_loop3A_1225 = arith.addf %parallel_loop3A_1224, %parallel_loop3A_1220 : vector<16xf32>
        %parallel_loop3A_1226 = arith.index_cast %parallel_loop3A_138 : i32 to index
        %parallel_loop3A_1227 = arith.constant 656 : index
        %parallel_loop3A_1228 = tpu.vector_load %arg12[%parallel_loop3A_1226, %parallel_loop3A_1227] {strides = array<i32>} : memref<16x768xf32, #tpu.memory_space<vmem>>, vector<1x16xf32>,
        %parallel_loop3A_1229 = vector.shape_cast %parallel_loop3A_1228 : vector<1x16xf32> to vector<16xf32>
        %parallel_loop3A_1230 = vector.shape_cast %parallel_loop3A_1225 : vector<16xf32> to vector<1x16xf32>
        tpu.vector_store %arg12[%parallel_loop3A_1226, %parallel_loop3A_1227], %parallel_loop3A_1230 {strides = array<i32>} : memref<16x768xf32, #tpu.memory_space<vmem>>, vector<1x16xf32>,
        %parallel_loop3A_1231 = arith.constant 0 : i32
        %parallel_loop3A_1232 = arith.index_cast %parallel_loop3A_1231 : i32 to index
        %parallel_loop3A_1233 = arith.index_cast %parallel_loop3A_138 : i32 to index
        %parallel_loop3A_1234 = arith.constant 672 : index
        %parallel_loop3A_1235 = tpu.vector_load %arg8[%parallel_loop3A_1232, %parallel_loop3A_1233, %parallel_loop3A_1234] {strides = array<i32>} : memref<2x16x768xf32, #tpu.memory_space<vmem>>, vector<1x1x16xf32>,
        %parallel_loop3A_1236 = vector.shape_cast %parallel_loop3A_1235 : vector<1x1x16xf32> to vector<16xf32>
        %parallel_loop3A_1237 = arith.constant 1 : i32
        %parallel_loop3A_1238 = arith.index_cast %parallel_loop3A_1237 : i32 to index
        %parallel_loop3A_1239 = arith.index_cast %parallel_loop3A_138 : i32 to index
        %parallel_loop3A_1240 = arith.constant 672 : index
        %parallel_loop3A_1241 = tpu.vector_load %arg8[%parallel_loop3A_1238, %parallel_loop3A_1239, %parallel_loop3A_1240] {strides = array<i32>} : memref<2x16x768xf32, #tpu.memory_space<vmem>>, vector<1x1x16xf32>,
        %parallel_loop3A_1242 = vector.shape_cast %parallel_loop3A_1241 : vector<1x1x16xf32> to vector<16xf32>
        %parallel_loop3A_1243 = arith.index_cast %parallel_loop3A_138 : i32 to index
        %parallel_loop3A_1244 = arith.constant 672 : index
        %parallel_loop3A_1245 = tpu.vector_load %arg10[%parallel_loop3A_1243, %parallel_loop3A_1244] {strides = array<i32>} : memref<16x768xf32, #tpu.memory_space<vmem>>, vector<1x16xf32>,
        %parallel_loop3A_1246 = vector.shape_cast %parallel_loop3A_1245 : vector<1x16xf32> to vector<16xf32>
        %parallel_loop3A_1247 = arith.addf %parallel_loop3A_1236, %parallel_loop3A_1242 : vector<16xf32>
        %parallel_loop3A_1248 = arith.constant 5.000000e-01 : f32
        %parallel_loop3A_1249 = vector.broadcast %parallel_loop3A_1248 : f32 to vector<16xf32>
        %parallel_loop3A_1250 = arith.mulf %parallel_loop3A_1247, %parallel_loop3A_1249 : vector<16xf32>
        %parallel_loop3A_1251 = arith.addf %parallel_loop3A_1250, %parallel_loop3A_1246 : vector<16xf32>
        %parallel_loop3A_1252 = arith.index_cast %parallel_loop3A_138 : i32 to index
        %parallel_loop3A_1253 = arith.constant 672 : index
        %parallel_loop3A_1254 = tpu.vector_load %arg12[%parallel_loop3A_1252, %parallel_loop3A_1253] {strides = array<i32>} : memref<16x768xf32, #tpu.memory_space<vmem>>, vector<1x16xf32>,
        %parallel_loop3A_1255 = vector.shape_cast %parallel_loop3A_1254 : vector<1x16xf32> to vector<16xf32>
        %parallel_loop3A_1256 = vector.shape_cast %parallel_loop3A_1251 : vector<16xf32> to vector<1x16xf32>
        tpu.vector_store %arg12[%parallel_loop3A_1252, %parallel_loop3A_1253], %parallel_loop3A_1256 {strides = array<i32>} : memref<16x768xf32, #tpu.memory_space<vmem>>, vector<1x16xf32>,
        %parallel_loop3A_1257 = arith.constant 0 : i32
        %parallel_loop3A_1258 = arith.index_cast %parallel_loop3A_1257 : i32 to index
        %parallel_loop3A_1259 = arith.index_cast %parallel_loop3A_138 : i32 to index
        %parallel_loop3A_1260 = arith.constant 688 : index
        %parallel_loop3A_1261 = tpu.vector_load %arg8[%parallel_loop3A_1258, %parallel_loop3A_1259, %parallel_loop3A_1260] {strides = array<i32>} : memref<2x16x768xf32, #tpu.memory_space<vmem>>, vector<1x1x16xf32>,
        %parallel_loop3A_1262 = vector.shape_cast %parallel_loop3A_1261 : vector<1x1x16xf32> to vector<16xf32>
        %parallel_loop3A_1263 = arith.constant 1 : i32
        %parallel_loop3A_1264 = arith.index_cast %parallel_loop3A_1263 : i32 to index
        %parallel_loop3A_1265 = arith.index_cast %parallel_loop3A_138 : i32 to index
        %parallel_loop3A_1266 = arith.constant 688 : index
        %parallel_loop3A_1267 = tpu.vector_load %arg8[%parallel_loop3A_1264, %parallel_loop3A_1265, %parallel_loop3A_1266] {strides = array<i32>} : memref<2x16x768xf32, #tpu.memory_space<vmem>>, vector<1x1x16xf32>,
        %parallel_loop3A_1268 = vector.shape_cast %parallel_loop3A_1267 : vector<1x1x16xf32> to vector<16xf32>
        %parallel_loop3A_1269 = arith.index_cast %parallel_loop3A_138 : i32 to index
        %parallel_loop3A_1270 = arith.constant 688 : index
        %parallel_loop3A_1271 = tpu.vector_load %arg10[%parallel_loop3A_1269, %parallel_loop3A_1270] {strides = array<i32>} : memref<16x768xf32, #tpu.memory_space<vmem>>, vector<1x16xf32>,
        %parallel_loop3A_1272 = vector.shape_cast %parallel_loop3A_1271 : vector<1x16xf32> to vector<16xf32>
        %parallel_loop3A_1273 = arith.addf %parallel_loop3A_1262, %parallel_loop3A_1268 : vector<16xf32>
        %parallel_loop3A_1274 = arith.constant 5.000000e-01 : f32
        %parallel_loop3A_1275 = vector.broadcast %parallel_loop3A_1274 : f32 to vector<16xf32>
        %parallel_loop3A_1276 = arith.mulf %parallel_loop3A_1273, %parallel_loop3A_1275 : vector<16xf32>
        %parallel_loop3A_1277 = arith.addf %parallel_loop3A_1276, %parallel_loop3A_1272 : vector<16xf32>
        %parallel_loop3A_1278 = arith.index_cast %parallel_loop3A_138 : i32 to index
        %parallel_loop3A_1279 = arith.constant 688 : index
        %parallel_loop3A_1280 = tpu.vector_load %arg12[%parallel_loop3A_1278, %parallel_loop3A_1279] {strides = array<i32>} : memref<16x768xf32, #tpu.memory_space<vmem>>, vector<1x16xf32>,
        %parallel_loop3A_1281 = vector.shape_cast %parallel_loop3A_1280 : vector<1x16xf32> to vector<16xf32>
        %parallel_loop3A_1282 = vector.shape_cast %parallel_loop3A_1277 : vector<16xf32> to vector<1x16xf32>
        tpu.vector_store %arg12[%parallel_loop3A_1278, %parallel_loop3A_1279], %parallel_loop3A_1282 {strides = array<i32>} : memref<16x768xf32, #tpu.memory_space<vmem>>, vector<1x16xf32>,
        %parallel_loop3A_1283 = arith.constant 0 : i32
        %parallel_loop3A_1284 = arith.index_cast %parallel_loop3A_1283 : i32 to index
        %parallel_loop3A_1285 = arith.index_cast %parallel_loop3A_138 : i32 to index
        %parallel_loop3A_1286 = arith.constant 704 : index
        %parallel_loop3A_1287 = tpu.vector_load %arg8[%parallel_loop3A_1284, %parallel_loop3A_1285, %parallel_loop3A_1286] {strides = array<i32>} : memref<2x16x768xf32, #tpu.memory_space<vmem>>, vector<1x1x16xf32>,
        %parallel_loop3A_1288 = vector.shape_cast %parallel_loop3A_1287 : vector<1x1x16xf32> to vector<16xf32>
        %parallel_loop3A_1289 = arith.constant 1 : i32
        %parallel_loop3A_1290 = arith.index_cast %parallel_loop3A_1289 : i32 to index
        %parallel_loop3A_1291 = arith.index_cast %parallel_loop3A_138 : i32 to index
        %parallel_loop3A_1292 = arith.constant 704 : index
        %parallel_loop3A_1293 = tpu.vector_load %arg8[%parallel_loop3A_1290, %parallel_loop3A_1291, %parallel_loop3A_1292] {strides = array<i32>} : memref<2x16x768xf32, #tpu.memory_space<vmem>>, vector<1x1x16xf32>,
        %parallel_loop3A_1294 = vector.shape_cast %parallel_loop3A_1293 : vector<1x1x16xf32> to vector<16xf32>
        %parallel_loop3A_1295 = arith.index_cast %parallel_loop3A_138 : i32 to index
        %parallel_loop3A_1296 = arith.constant 704 : index
        %parallel_loop3A_1297 = tpu.vector_load %arg10[%parallel_loop3A_1295, %parallel_loop3A_1296] {strides = array<i32>} : memref<16x768xf32, #tpu.memory_space<vmem>>, vector<1x16xf32>,
        %parallel_loop3A_1298 = vector.shape_cast %parallel_loop3A_1297 : vector<1x16xf32> to vector<16xf32>
        %parallel_loop3A_1299 = arith.addf %parallel_loop3A_1288, %parallel_loop3A_1294 : vector<16xf32>
        %parallel_loop3A_1300 = arith.constant 5.000000e-01 : f32
        %parallel_loop3A_1301 = vector.broadcast %parallel_loop3A_1300 : f32 to vector<16xf32>
        %parallel_loop3A_1302 = arith.mulf %parallel_loop3A_1299, %parallel_loop3A_1301 : vector<16xf32>
        %parallel_loop3A_1303 = arith.addf %parallel_loop3A_1302, %parallel_loop3A_1298 : vector<16xf32>
        %parallel_loop3A_1304 = arith.index_cast %parallel_loop3A_138 : i32 to index
        %parallel_loop3A_1305 = arith.constant 704 : index
        %parallel_loop3A_1306 = tpu.vector_load %arg12[%parallel_loop3A_1304, %parallel_loop3A_1305] {strides = array<i32>} : memref<16x768xf32, #tpu.memory_space<vmem>>, vector<1x16xf32>,
        %parallel_loop3A_1307 = vector.shape_cast %parallel_loop3A_1306 : vector<1x16xf32> to vector<16xf32>
        %parallel_loop3A_1308 = vector.shape_cast %parallel_loop3A_1303 : vector<16xf32> to vector<1x16xf32>
        tpu.vector_store %arg12[%parallel_loop3A_1304, %parallel_loop3A_1305], %parallel_loop3A_1308 {strides = array<i32>} : memref<16x768xf32, #tpu.memory_space<vmem>>, vector<1x16xf32>,
        %parallel_loop3A_1309 = arith.constant 0 : i32
        %parallel_loop3A_1310 = arith.index_cast %parallel_loop3A_1309 : i32 to index
        %parallel_loop3A_1311 = arith.index_cast %parallel_loop3A_138 : i32 to index
        %parallel_loop3A_1312 = arith.constant 720 : index
        %parallel_loop3A_1313 = tpu.vector_load %arg8[%parallel_loop3A_1310, %parallel_loop3A_1311, %parallel_loop3A_1312] {strides = array<i32>} : memref<2x16x768xf32, #tpu.memory_space<vmem>>, vector<1x1x16xf32>,
        %parallel_loop3A_1314 = vector.shape_cast %parallel_loop3A_1313 : vector<1x1x16xf32> to vector<16xf32>
        %parallel_loop3A_1315 = arith.constant 1 : i32
        %parallel_loop3A_1316 = arith.index_cast %parallel_loop3A_1315 : i32 to index
        %parallel_loop3A_1317 = arith.index_cast %parallel_loop3A_138 : i32 to index
        %parallel_loop3A_1318 = arith.constant 720 : index
        %parallel_loop3A_1319 = tpu.vector_load %arg8[%parallel_loop3A_1316, %parallel_loop3A_1317, %parallel_loop3A_1318] {strides = array<i32>} : memref<2x16x768xf32, #tpu.memory_space<vmem>>, vector<1x1x16xf32>,
        %parallel_loop3A_1320 = vector.shape_cast %parallel_loop3A_1319 : vector<1x1x16xf32> to vector<16xf32>
        %parallel_loop3A_1321 = arith.index_cast %parallel_loop3A_138 : i32 to index
        %parallel_loop3A_1322 = arith.constant 720 : index
        %parallel_loop3A_1323 = tpu.vector_load %arg10[%parallel_loop3A_1321, %parallel_loop3A_1322] {strides = array<i32>} : memref<16x768xf32, #tpu.memory_space<vmem>>, vector<1x16xf32>,
        %parallel_loop3A_1324 = vector.shape_cast %parallel_loop3A_1323 : vector<1x16xf32> to vector<16xf32>
        %parallel_loop3A_1325 = arith.addf %parallel_loop3A_1314, %parallel_loop3A_1320 : vector<16xf32>
        %parallel_loop3A_1326 = arith.constant 5.000000e-01 : f32
        %parallel_loop3A_1327 = vector.broadcast %parallel_loop3A_1326 : f32 to vector<16xf32>
        %parallel_loop3A_1328 = arith.mulf %parallel_loop3A_1325, %parallel_loop3A_1327 : vector<16xf32>
        %parallel_loop3A_1329 = arith.addf %parallel_loop3A_1328, %parallel_loop3A_1324 : vector<16xf32>
        %parallel_loop3A_1330 = arith.index_cast %parallel_loop3A_138 : i32 to index
        %parallel_loop3A_1331 = arith.constant 720 : index
        %parallel_loop3A_1332 = tpu.vector_load %arg12[%parallel_loop3A_1330, %parallel_loop3A_1331] {strides = array<i32>} : memref<16x768xf32, #tpu.memory_space<vmem>>, vector<1x16xf32>,
        %parallel_loop3A_1333 = vector.shape_cast %parallel_loop3A_1332 : vector<1x16xf32> to vector<16xf32>
        %parallel_loop3A_1334 = vector.shape_cast %parallel_loop3A_1329 : vector<16xf32> to vector<1x16xf32>
        tpu.vector_store %arg12[%parallel_loop3A_1330, %parallel_loop3A_1331], %parallel_loop3A_1334 {strides = array<i32>} : memref<16x768xf32, #tpu.memory_space<vmem>>, vector<1x16xf32>,
        %parallel_loop3A_1335 = arith.constant 0 : i32
        %parallel_loop3A_1336 = arith.index_cast %parallel_loop3A_1335 : i32 to index
        %parallel_loop3A_1337 = arith.index_cast %parallel_loop3A_138 : i32 to index
        %parallel_loop3A_1338 = arith.constant 736 : index
        %parallel_loop3A_1339 = tpu.vector_load %arg8[%parallel_loop3A_1336, %parallel_loop3A_1337, %parallel_loop3A_1338] {strides = array<i32>} : memref<2x16x768xf32, #tpu.memory_space<vmem>>, vector<1x1x16xf32>,
        %parallel_loop3A_1340 = vector.shape_cast %parallel_loop3A_1339 : vector<1x1x16xf32> to vector<16xf32>
        %parallel_loop3A_1341 = arith.constant 1 : i32
        %parallel_loop3A_1342 = arith.index_cast %parallel_loop3A_1341 : i32 to index
        %parallel_loop3A_1343 = arith.index_cast %parallel_loop3A_138 : i32 to index
        %parallel_loop3A_1344 = arith.constant 736 : index
        %parallel_loop3A_1345 = tpu.vector_load %arg8[%parallel_loop3A_1342, %parallel_loop3A_1343, %parallel_loop3A_1344] {strides = array<i32>} : memref<2x16x768xf32, #tpu.memory_space<vmem>>, vector<1x1x16xf32>,
        %parallel_loop3A_1346 = vector.shape_cast %parallel_loop3A_1345 : vector<1x1x16xf32> to vector<16xf32>
        %parallel_loop3A_1347 = arith.index_cast %parallel_loop3A_138 : i32 to index
        %parallel_loop3A_1348 = arith.constant 736 : index
        %parallel_loop3A_1349 = tpu.vector_load %arg10[%parallel_loop3A_1347, %parallel_loop3A_1348] {strides = array<i32>} : memref<16x768xf32, #tpu.memory_space<vmem>>, vector<1x16xf32>,
        %parallel_loop3A_1350 = vector.shape_cast %parallel_loop3A_1349 : vector<1x16xf32> to vector<16xf32>
        %parallel_loop3A_1351 = arith.addf %parallel_loop3A_1340, %parallel_loop3A_1346 : vector<16xf32>
        %parallel_loop3A_1352 = arith.constant 5.000000e-01 : f32
        %parallel_loop3A_1353 = vector.broadcast %parallel_loop3A_1352 : f32 to vector<16xf32>
        %parallel_loop3A_1354 = arith.mulf %parallel_loop3A_1351, %parallel_loop3A_1353 : vector<16xf32>
        %parallel_loop3A_1355 = arith.addf %parallel_loop3A_1354, %parallel_loop3A_1350 : vector<16xf32>
        %parallel_loop3A_1356 = arith.index_cast %parallel_loop3A_138 : i32 to index
        %parallel_loop3A_1357 = arith.constant 736 : index
        %parallel_loop3A_1358 = tpu.vector_load %arg12[%parallel_loop3A_1356, %parallel_loop3A_1357] {strides = array<i32>} : memref<16x768xf32, #tpu.memory_space<vmem>>, vector<1x16xf32>,
        %parallel_loop3A_1359 = vector.shape_cast %parallel_loop3A_1358 : vector<1x16xf32> to vector<16xf32>
        %parallel_loop3A_1360 = vector.shape_cast %parallel_loop3A_1355 : vector<16xf32> to vector<1x16xf32>
        tpu.vector_store %arg12[%parallel_loop3A_1356, %parallel_loop3A_1357], %parallel_loop3A_1360 {strides = array<i32>} : memref<16x768xf32, #tpu.memory_space<vmem>>, vector<1x16xf32>,
        %parallel_loop3A_1361 = arith.constant 0 : i32
        %parallel_loop3A_1362 = arith.index_cast %parallel_loop3A_1361 : i32 to index
        %parallel_loop3A_1363 = arith.index_cast %parallel_loop3A_138 : i32 to index
        %parallel_loop3A_1364 = arith.constant 752 : index
        %parallel_loop3A_1365 = tpu.vector_load %arg8[%parallel_loop3A_1362, %parallel_loop3A_1363, %parallel_loop3A_1364] {strides = array<i32>} : memref<2x16x768xf32, #tpu.memory_space<vmem>>, vector<1x1x16xf32>,
        %parallel_loop3A_1366 = vector.shape_cast %parallel_loop3A_1365 : vector<1x1x16xf32> to vector<16xf32>
        %parallel_loop3A_1367 = arith.constant 1 : i32
        %parallel_loop3A_1368 = arith.index_cast %parallel_loop3A_1367 : i32 to index
        %parallel_loop3A_1369 = arith.index_cast %parallel_loop3A_138 : i32 to index
        %parallel_loop3A_1370 = arith.constant 752 : index
        %parallel_loop3A_1371 = tpu.vector_load %arg8[%parallel_loop3A_1368, %parallel_loop3A_1369, %parallel_loop3A_1370] {strides = array<i32>} : memref<2x16x768xf32, #tpu.memory_space<vmem>>, vector<1x1x16xf32>,
        %parallel_loop3A_1372 = vector.shape_cast %parallel_loop3A_1371 : vector<1x1x16xf32> to vector<16xf32>
        %parallel_loop3A_1373 = arith.index_cast %parallel_loop3A_138 : i32 to index
        %parallel_loop3A_1374 = arith.constant 752 : index
        %parallel_loop3A_1375 = tpu.vector_load %arg10[%parallel_loop3A_1373, %parallel_loop3A_1374] {strides = array<i32>} : memref<16x768xf32, #tpu.memory_space<vmem>>, vector<1x16xf32>,
        %parallel_loop3A_1376 = vector.shape_cast %parallel_loop3A_1375 : vector<1x16xf32> to vector<16xf32>
        %parallel_loop3A_1377 = arith.addf %parallel_loop3A_1366, %parallel_loop3A_1372 : vector<16xf32>
        %parallel_loop3A_1378 = arith.constant 5.000000e-01 : f32
        %parallel_loop3A_1379 = vector.broadcast %parallel_loop3A_1378 : f32 to vector<16xf32>
        %parallel_loop3A_1380 = arith.mulf %parallel_loop3A_1377, %parallel_loop3A_1379 : vector<16xf32>
        %parallel_loop3A_1381 = arith.addf %parallel_loop3A_1380, %parallel_loop3A_1376 : vector<16xf32>
        %parallel_loop3A_1382 = arith.index_cast %parallel_loop3A_138 : i32 to index
        %parallel_loop3A_1383 = arith.constant 752 : index
        %parallel_loop3A_1384 = tpu.vector_load %arg12[%parallel_loop3A_1382, %parallel_loop3A_1383] {strides = array<i32>} : memref<16x768xf32, #tpu.memory_space<vmem>>, vector<1x16xf32>,
        %parallel_loop3A_1385 = vector.shape_cast %parallel_loop3A_1384 : vector<1x16xf32> to vector<16xf32>
        %parallel_loop3A_1386 = vector.shape_cast %parallel_loop3A_1381 : vector<16xf32> to vector<1x16xf32>
        tpu.vector_store %arg12[%parallel_loop3A_1382, %parallel_loop3A_1383], %parallel_loop3A_1386 {strides = array<i32>} : memref<16x768xf32, #tpu.memory_space<vmem>>, vector<1x16xf32>,
      } {sc.loop_unroll_factor = 1 : i64, sc.parallel_access}
      %add3A_124 = arith.addi %mul3A_2, %add3A_64 : i32
      %dma_start3A_125 = arith.constant 0 : i32
      %dma_start3A_126 = arith.constant 0 : i32
      %dma_start3A_127 = tpu.memref_slice %arg5[%add3A_124, %dma_start3A_125, %dma_start3A_126] : memref<1024x16x768xf32, #tpu.memory_space<hbm>> -> memref<1x16x768xf32, #tpu.memory_space<hbm>>
      %dma_start3A_128 = tpu.memref_squeeze %dma_start3A_127 : memref<1x16x768xf32, #tpu.memory_space<hbm>> -> memref<16x768xf32, #tpu.memory_space<hbm>>
      %dma_start3A_129 = arith.constant 0 : i32
      %dma_start3A_130 = arith.constant 0 : i32
      %dma_start3A_131 = tpu.memref_slice %arg5[%add3A_124, %dma_start3A_129, %dma_start3A_130] : memref<1024x16x768xf32, #tpu.memory_space<hbm>> -> memref<1x16x768xf32, #tpu.memory_space<hbm>>
      %dma_start3A_132 = tpu.memref_squeeze %dma_start3A_131 : memref<1x16x768xf32, #tpu.memory_space<hbm>> -> memref<16x768xf32, #tpu.memory_space<hbm>>
      tpu.enqueue_dma source(%arg12 : memref<16x768xf32, #tpu.memory_space<vmem>>) target(%dma_start3A_132 : memref<16x768xf32, #tpu.memory_space<hbm>>) target_semaphore(%arg18 : memref<!tpu.dma_semaphore, #tpu.memory_space<semaphore_mem>>)
      %lt3A_133 = arith.constant 15 : i32
      %lt3A_134 = arith.cmpi slt, %scan3A_60, %lt3A_133 : i32
      %convert_element_type3A_135 = arith.extui %lt3A_134 : i1 to i32
      %cond3A_136 = arith.constant 0 : i32
      %cond3A_137 = arith.cmpi ne, %convert_element_type3A_135, %cond3A_136 : i32
      scf.if %cond3A_137 {
        %add3A_138 = arith.constant 2 : i32
        %add3A_139 = arith.addi %add3A_64, %add3A_138 : i32
        %dma_start3A_140 = arith.constant 0 : i32
        %dma_start3A_141 = tpu.memref_slice %arg6[%add3A_139, %dma_start3A_140] : memref<32x2xi32, #tpu.memory_space<vmem>> -> memref<1x2xi32, #tpu.memory_space<vmem>>
        %dma_start3A_142 = tpu.memref_squeeze %dma_start3A_141 : memref<1x2xi32, #tpu.memory_space<vmem>> -> memref<2xi32, #tpu.memory_space<vmem>>
        %dma_start3A_143 = arith.constant 0 : i32
        %dma_start3A_144 = arith.constant 0 : i32
        %dma_start3A_145 = arith.constant 0 : i32
        %dma_start3A_146 = tpu.memref_slice %arg2[%dma_start3A_143, %dma_start3A_144, %dma_start3A_145] : memref<64x16x768xf32, #tpu.memory_space<hbm>> -> memref<64x16x768xf32, #tpu.memory_space<hbm>>
        tpu.enqueue_indirect_dma source(%dma_start3A_146 : memref<64x16x768xf32, #tpu.memory_space<hbm>>) target(%arg8 : memref<2x16x768xf32, #tpu.memory_space<vmem>>) offsets(%dma_start3A_142 : memref<2xi32, #tpu.memory_space<vmem>>) semaphore(%arg14 : memref<!tpu.dma_semaphore, #tpu.memory_space<semaphore_mem>>)
        %add3A_147 = arith.addi %mul3A_2, %add3A_139 : i32
        %dma_start3A_148 = arith.constant 0 : i32
        %dma_start3A_149 = arith.constant 0 : i32
        %dma_start3A_150 = tpu.memref_slice %arg4[%add3A_147, %dma_start3A_148, %dma_start3A_149] : memref<1024x16x768xf32, #tpu.memory_space<hbm>> -> memref<1x16x768xf32, #tpu.memory_space<hbm>>
        %dma_start3A_151 = tpu.memref_squeeze %dma_start3A_150 : memref<1x16x768xf32, #tpu.memory_space<hbm>> -> memref<16x768xf32, #tpu.memory_space<hbm>>
        %dma_start3A_152 = arith.constant 0 : i32
        %dma_start3A_153 = arith.constant 0 : i32
        %dma_start3A_154 = tpu.memref_slice %arg4[%add3A_147, %dma_start3A_152, %dma_start3A_153] : memref<1024x16x768xf32, #tpu.memory_space<hbm>> -> memref<1x16x768xf32, #tpu.memory_space<hbm>>
        %dma_start3A_155 = tpu.memref_squeeze %dma_start3A_154 : memref<1x16x768xf32, #tpu.memory_space<hbm>> -> memref<16x768xf32, #tpu.memory_space<hbm>>
        tpu.enqueue_dma source(%dma_start3A_155 : memref<16x768xf32, #tpu.memory_space<hbm>>) target(%arg10 : memref<16x768xf32, #tpu.memory_space<vmem>>) target_semaphore(%arg16 : memref<!tpu.dma_semaphore, #tpu.memory_space<semaphore_mem>>)
      } else {
      }
    }
    %scan3A_42 = arith.constant 16 : i32
    %dma_wait3A = arith.constant 0 : i32
    %dma_wait3A_43 = arith.constant 0 : i32
    %dma_wait3A_44 = arith.constant 0 : i32
    %dma_wait3A_45 = tpu.memref_slice %arg4[%dma_wait3A, %dma_wait3A_43, %dma_wait3A_44] : memref<1024x16x768xf32, #tpu.memory_space<hbm>> -> memref<1x16x768xf32, #tpu.memory_space<hbm>>
    %dma_wait3A_46 = tpu.memref_squeeze %dma_wait3A_45 : memref<1x16x768xf32, #tpu.memory_space<hbm>> -> memref<16x768xf32, #tpu.memory_space<hbm>>
    %dma_wait3A_47 = arith.constant 0 : i32
    %dma_wait3A_48 = arith.constant 0 : i32
    %dma_wait3A_49 = tpu.memref_slice %arg4[%dma_wait3A, %dma_wait3A_47, %dma_wait3A_48] : memref<1024x16x768xf32, #tpu.memory_space<hbm>> -> memref<1x16x768xf32, #tpu.memory_space<hbm>>
    %dma_wait3A_50 = tpu.memref_squeeze %dma_wait3A_49 : memref<1x16x768xf32, #tpu.memory_space<hbm>> -> memref<16x768xf32, #tpu.memory_space<hbm>>
    tpu.wait_dma2 semaphore(%arg17 : memref<!tpu.dma_semaphore, #tpu.memory_space<semaphore_mem>>) src(%arg11 : memref<16x768xf32, #tpu.memory_space<vmem>>) dst(%dma_wait3A_50 : memref<16x768xf32, #tpu.memory_space<hbm>>)
    %dma_wait3A_51 = arith.constant 0 : i32
    %dma_wait3A_52 = arith.constant 0 : i32
    %dma_wait3A_53 = arith.constant 0 : i32
    %dma_wait3A_54 = tpu.memref_slice %arg4[%dma_wait3A_51, %dma_wait3A_52, %dma_wait3A_53] : memref<1024x16x768xf32, #tpu.memory_space<hbm>> -> memref<1x16x768xf32, #tpu.memory_space<hbm>>
    %dma_wait3A_55 = tpu.memref_squeeze %dma_wait3A_54 : memref<1x16x768xf32, #tpu.memory_space<hbm>> -> memref<16x768xf32, #tpu.memory_space<hbm>>
    %dma_wait3A_56 = arith.constant 0 : i32
    %dma_wait3A_57 = arith.constant 0 : i32
    %dma_wait3A_58 = tpu.memref_slice %arg4[%dma_wait3A_51, %dma_wait3A_56, %dma_wait3A_57] : memref<1024x16x768xf32, #tpu.memory_space<hbm>> -> memref<1x16x768xf32, #tpu.memory_space<hbm>>
    %dma_wait3A_59 = tpu.memref_squeeze %dma_wait3A_58 : memref<1x16x768xf32, #tpu.memory_space<hbm>> -> memref<16x768xf32, #tpu.memory_space<hbm>>
    tpu.wait_dma2 semaphore(%arg18 : memref<!tpu.dma_semaphore, #tpu.memory_space<semaphore_mem>>) src(%arg12 : memref<16x768xf32, #tpu.memory_space<vmem>>) dst(%dma_wait3A_59 : memref<16x768xf32, #tpu.memory_space<hbm>>)
    return
  }
}

module attributes {stable_mosaic.version = 14 : i64} {
  func.func @_route_kernel(%arg0: memref<1024x768xf32, #tpu.memory_space<vmem>>, %arg1: memref<64x768xf32, #tpu.memory_space<vmem>>, %arg2: memref<1024x64xf32, #tpu.memory_space<vmem>>, %arg3: memref<1024x2xi32, #tpu.memory_space<vmem>>, %arg4: memref<1x1xf32, #tpu.memory_space<vmem>>) attributes {dimension_semantics = [], scalar_prefetch = 0 : i64, scratch_operands = 0 : i64, tpu.core_type = #tpu.core_type<tc>} {
    %get3A = arith.constant 0 : index
    %get3A_0 = arith.constant 0 : index
    %get3A_1 = vector.load %arg1[%get3A, %get3A_0] : memref<64x768xf32, #tpu.memory_space<vmem>>, vector<64x768xf32>
    %mul3A = arith.mulf %get3A_1, %get3A_1 : vector<64x768xf32>
    %reduce_sum3A = arith.constant dense<0.000000e+00> : vector<64xf32>
    %reduce_sum3A_2 = vector.multi_reduction <add>, %mul3A, %reduce_sum3A [1] : vector<64x768xf32> to vector<64xf32>
    %broadcast_in_dim3A = vector.shape_cast %reduce_sum3A_2 : vector<64xf32> to vector<64x1xf32>
    %max3A = arith.constant 9.99999996E-13 : f32
    %max3A_3 = vector.broadcast %max3A : f32 to vector<64x1xf32>
    %max3A_4 = arith.maximumf %broadcast_in_dim3A, %max3A_3 : vector<64x1xf32>
    %rsqrt3A = math.rsqrt %max3A_4 : vector<64x1xf32>
    %mul3A_5 = vector.broadcast %rsqrt3A : vector<64x1xf32> to vector<64x768xf32>
    %mul3A_6 = arith.mulf %get3A_1, %mul3A_5 : vector<64x768xf32>
    %get3A_7 = arith.constant 0 : index
    %get3A_8 = arith.constant 0 : index
    %get3A_9 = vector.load %arg0[%get3A_7, %get3A_8] : memref<1024x768xf32, #tpu.memory_space<vmem>>, vector<1024x768xf32>
    %mul3A_10 = arith.mulf %get3A_9, %get3A_9 : vector<1024x768xf32>
    %reduce_sum3A_11 = arith.constant dense<0.000000e+00> : vector<1024xf32>
    %reduce_sum3A_12 = vector.multi_reduction <add>, %mul3A_10, %reduce_sum3A_11 [1] : vector<1024x768xf32> to vector<1024xf32>
    %broadcast_in_dim3A_13 = vector.shape_cast %reduce_sum3A_12 : vector<1024xf32> to vector<1024x1xf32>
    %max3A_14 = arith.constant 9.99999996E-13 : f32
    %max3A_15 = vector.broadcast %max3A_14 : f32 to vector<1024x1xf32>
    %max3A_16 = arith.maximumf %broadcast_in_dim3A_13, %max3A_15 : vector<1024x1xf32>
    %rsqrt3A_17 = math.rsqrt %max3A_16 : vector<1024x1xf32>
    %mul3A_18 = vector.broadcast %rsqrt3A_17 : vector<1024x1xf32> to vector<1024x768xf32>
    %mul3A_19 = arith.mulf %get3A_9, %mul3A_18 : vector<1024x768xf32>
    %transpose3A = tpu.transpose %mul3A_6, [1, 0] : vector<64x768xf32> -> vector<768x64xf32>
    %dot_general3A = arith.constant dense<0.000000e+00> : vector<1024x64xf32>
    %dot_general3A_20 = tpu.matmul %mul3A_19, %transpose3A, %dot_general3A {dimension_numbers = #tpu.dot_dimension_numbers<[1], [0], [0], [1], [0, 0, 1, 1], [], []>, transpose_lhs_hint = false} : vector<1024x768xf32>, vector<768x64xf32>, vector<1024x64xf32> -> vector<1024x64xf32>
    %swap3A = arith.constant 0 : index
    %swap3A_21 = arith.constant 0 : index
    %swap3A_22 = vector.load %arg2[%swap3A, %swap3A_21] : memref<1024x64xf32, #tpu.memory_space<vmem>>, vector<1024x64xf32>
    tpu.vector_store %arg2[%swap3A, %swap3A_21], %dot_general3A_20 {strides = array<i32>} : memref<1024x64xf32, #tpu.memory_space<vmem>>, vector<1024x64xf32>,
    %iota3A = tpu.iota {dimensions = array<i32: 1>} : vector<1024x64xi32>
    %argmax3A = tpu.reduce_index %dot_general3A_20 {axis = 1 : i32, kind = #tpu.reduction_kind<arg_max>} : vector<1024x64xf32> -> vector<1024xi32>
    %reduce_max3A = arith.constant dense<0xFF800000> : vector<1024xf32>
    %reduce_max3A_23 = vector.multi_reduction <maximumf>, %dot_general3A_20, %reduce_max3A [1] : vector<1024x64xf32> to vector<1024xf32>
    %broadcast_in_dim3A_24 = vector.shape_cast %argmax3A : vector<1024xi32> to vector<1024x1xi32>
    %eq3A = vector.broadcast %broadcast_in_dim3A_24 : vector<1024x1xi32> to vector<1024x64xi32>
    %eq3A_25 = arith.cmpi eq, %iota3A, %eq3A : vector<1024x64xi32>
    %jit3A = arith.constant 0xFF800000 : f32
    %broadcast_in_dim3A_26 = vector.broadcast %jit3A : f32 to vector<1024x64xf32>
    %select_n3A = arith.select %eq3A_25, %broadcast_in_dim3A_26, %dot_general3A_20 : vector<1024x64xi1>, vector<1024x64xf32>
    %argmax3A_27 = tpu.reduce_index %select_n3A {axis = 1 : i32, kind = #tpu.reduction_kind<arg_max>} : vector<1024x64xf32> -> vector<1024xi32>
    %reduce_max3A_28 = arith.constant dense<0xFF800000> : vector<1024xf32>
    %reduce_max3A_29 = vector.multi_reduction <maximumf>, %select_n3A, %reduce_max3A_28 [1] : vector<1024x64xf32> to vector<1024xf32>
    %broadcast_in_dim3A_30 = vector.shape_cast %argmax3A : vector<1024xi32> to vector<1024x1xi32>
    %broadcast_in_dim3A_31 = vector.shape_cast %argmax3A_27 : vector<1024xi32> to vector<1024x1xi32>
    %concatenate3A = tpu.concatenate %broadcast_in_dim3A_30, %broadcast_in_dim3A_31 in 1 : vector<1024x1xi32>, vector<1024x1xi32> -> vector<1024x2xi32>
    %swap3A_32 = arith.constant 0 : index
    %swap3A_33 = arith.constant 0 : index
    %swap3A_34 = vector.load %arg3[%swap3A_32, %swap3A_33] : memref<1024x2xi32, #tpu.memory_space<vmem>>, vector<1024x2xi32>
    tpu.vector_store %arg3[%swap3A_32, %swap3A_33], %concatenate3A {strides = array<i32>} : memref<1024x2xi32, #tpu.memory_space<vmem>>, vector<1024x2xi32>,
    %add3A = arith.addf %reduce_max3A_23, %reduce_max3A_29 : vector<1024xf32>
    %reduce_sum3A_35 = vector.shape_cast %add3A : vector<1024xf32> to vector<1x1024xf32>
    %reduce_sum3A_36 = arith.constant dense<0.000000e+00> : vector<1xf32>
    %reduce_sum3A_37 = vector.multi_reduction <add>, %reduce_sum3A_35, %reduce_sum3A_36 [1] : vector<1x1024xf32> to vector<1xf32>
    %reduce_sum3A_38 = vector.shape_cast %reduce_sum3A_37 : vector<1xf32> to vector<1x1xf32>
    %reduce_sum3A_39 = vector.extract %reduce_sum3A_38[0, 0] : f32 from vector<1x1xf32>
    %div3A = arith.constant 1.024000e+03 : f32
    %div3A_40 = arith.divf %reduce_sum3A_39, %div3A : f32
    %reshape3A = vector.broadcast %div3A_40 : f32 to vector<1x1xf32>
    %swap3A_41 = arith.constant 0 : index
    %swap3A_42 = arith.constant 0 : index
    %swap3A_43 = vector.load %arg4[%swap3A_41, %swap3A_42] : memref<1x1xf32, #tpu.memory_space<vmem>>, vector<1x1xf32>
    tpu.vector_store %arg4[%swap3A_41, %swap3A_42], %reshape3A {strides = array<i32>} : memref<1x1xf32, #tpu.memory_space<vmem>>, vector<1x1xf32>,
    return
  }
}

</mosaic_0001>

<sc_bundles>
// kernel: kernel.4.cloned.1.call-start
scs
__scs_entry_jumppad:
0x0: {  	(pc) =	sbr.rel $0x88, $3  }
0x1: {  	(tag) =	ssettag $0x0;
	lr =	simm.s32 $0x1  }
0x2: {  	[smem:$0x3F9D] =	sst lr;
	_ =	strace $0xD0000000  }
0x3: {  	_ = 	snop  }
0x4: {  	_ = 	snop  }
0x5: {  	_ = 	snop  }
0x6: {  	_ = 	snop  }
0x7: {  	_ = 	snop  }
__scs_overlays_trampoline_lowered:
0x8: {  	[smem:$0x3FAC] =	sst s0  }
0x9: {  	[smem:$0x3FAD] =	sst s1  }
0xa: {  	[smem:$0x3FAE] =	sst s2  }
0xb: {  	[smem:$0x3FAF] =	sst s3  }
0xc: {  	[smem:$0x3FB0] =	sst s4  }
0xd: {  	[smem:$0x3FB1] =	sst s5  }
0xe: {  	[smem:$0x3FB2] =	sst s6  }
0xf: {  	[smem:$0x3FB3] =	sst s7  }
0x10: {  	[smem:$0x3FB4] =	sst s8  }
0x11: {  	[smem:$0x3FB5] =	sst s9;
	s0 =	simm.s32 @!p0 $0x0  }
0x12: {  	s1 =	sld [smem:$0x3F9B];
	s0 =	simm.s32 @p0 $0x1  }
0x13: {  	[smem:$0x3FB6] =	sst s0;
	s0 =	simm.s32 @!p1 $0x0  }
0x14: {  	s2 =	sld [smem:$0x3F9A];
	s0 =	simm.s32 @p1 $0x1  }
0x15: {  	[smem:$0x3FB7] =	sst s0;
	s0 =	simm.s32 @!p2 $0x0  }
0x16: {  	s3 =	sld [smem:$0x3FDB];
	s0 =	simm.s32 @p2 $0x1  }
0x17: {  	s4 =	simm.s32 $0x1BF5;
	[smem:$0x3FB9] =	sst s0  }
0x18: {  	s0 =	sld [smem:$0x3F9C];
	_ =	swait.ge [sflag:s4], $0x0  }
0x19: {  	s7 =	sld [smem:$0x3F9D]  }
0x1a: {  	s8 =	sadd.s32 $0xFFFFE003, lr  }
0x1b: {  	s9 =	sadd.s32 $0xFFFFFEF7, lr;
	s5 =	simm.s32 $0xFFFFFFFF;
	p2 =	slt.u32 s8, $0xFFFFF086  }
0x1c: {  	p1 =	slt.u32 s9, $0xF7A;
	s5 =	simm.s32 @!p2 $0x0  }
0x1d: {  	s5 =	simm.s32 @p1 $0x1;
	p0 =	seq.s32 s7, s2  }
0x1e: {  	s7 =	smul.u32 @!p0 $0xF7A, s2;
	p2 =	seq.s32 @!p0 s5, $0x0  }
0x1f: {  	s9 =	smul.u32 $0xF7A, s1;
	s8 =	simm.s32 @!p0 $0x1BF5;
	p2 =	por !p2, p0  }
0x20: {  	[sflag:s8] =	ssyncset.s32 @!p0 $0xFFFFF086;
	s6 =	sadd.s32 @!p0 s3, s7;
	s7 =	simm.s32 @!p0 $0x108  }
0x21: {  	s3 =	sadd.s32 s3, s9;
	s6 =	sadd.s32 @!p0 $0x88, s6;
	s7 =	simm.s32 @p2 $0x1082  }
0x22: {  	[simem:s7], [sflag:s8] =	dma.local @!p0 [hbm:s6], $0xF7A  }
0x23: {  	s9 =	sor.u32 $0xD0000000, s2;
	s6 =	simm.s32 $0x108;
	_ =	swait.ge @!p0 [sflag:s8], $0x0  }
0x24: {  	s3 =	sadd.s32 $0x88, s3;
	s6 =	simm.s32 @!p1 $0x1082;
	[sflag:s4] =	ssyncset.s32 $0xFFFFF086  }
0x25: {  	[simem:s6], [sflag:s4] =	dma.local [hbm:s3], $0xF7A  }
0x26: {  	[smem:$0x3F9D] =	sst s1;
	(tag) =	ssettag s2;
	_ =	strace s9  }
0x27: {  	s1 =	sld [smem:$0x3FAD]  }
0x28: {  	s2 =	sld [smem:$0x3FAE]  }
0x29: {  	s4 =	sld [smem:$0x3FB0]  }
0x2a: {  	p0 =	seq.s32 s5, $0x0;
	s5 =	sld [smem:$0x3FB1]  }
0x2b: {  	s6 =	sld [smem:$0x3FB2]  }
0x2c: {  	s7 =	sld [smem:$0x3FB3]  }
0x2d: {  	s3 =	simm.s32 $0x108;
	s8 =	sld [smem:$0x3FB4]  }
0x2e: {  	s3 =	simm.s32 @!p0 $0x1082;
	s9 =	sld [smem:$0x3FB5]  }
0x2f: {  	lr =	sadd.s32 s0, s3;
	s0 =	sld [smem:$0x3FAC]  }
0x30: {  	s3 =	sld [smem:$0x3FAF]  }
0x31: {  	[smem:$0x3FB8] =	sst s10  }
0x32: {  	s10 =	sld [smem:$0x3FB6];
	_ =	sdelay $0x3  }
0x33: {  	p0 =	seq.s32 s10, $0x1;
	s10 =	sld [smem:$0x3FB8];
	_ =	sdelay $0x3  }
0x34: {  	[smem:$0x3FB8] =	sst s10  }
0x35: {  	s10 =	sld [smem:$0x3FB7];
	_ =	sdelay $0x3  }
0x36: {  	p1 =	seq.s32 s10, $0x1;
	s10 =	sld [smem:$0x3FB8];
	_ =	sdelay $0x3  }
0x37: {  	[smem:$0x3FB8] =	sst s10  }
0x38: {  	s10 =	sld [smem:$0x3FB9]  }
0x39: {  	_ = 	snop;
	(pc) =	sbr.ind lr, $3  }
0x3a: {  	_ = 	snop  }
0x3b: {  	_ = 	snop  }
0x3c: {  	p2 =	seq.s32 s10, $0x1;
	s10 =	sld [smem:$0x3FB8]  }
0x3d: {  	_ =	shalt  }
0x3e: {  	_ =	shalt  }
0x3f: {  	_ =	shalt  }
0x40: {  	_ =	shalt  }
0x41: {  	_ =	shalt  }
0x42: {  	_ =	shalt  }
0x43: {  	_ =	shalt  }
0x44: {  	_ =	shalt  }
0x45: {  	_ =	shalt  }
0x46: {  	_ =	shalt  }
0x47: {  	_ =	shalt  }
0x48: {  	_ =	shalt  }
0x49: {  	_ =	shalt  }
0x4a: {  	_ =	shalt  }
0x4b: {  	_ =	shalt  }
0x4c: {  	_ =	shalt  }
0x4d: {  	_ =	shalt  }
0x4e: {  	_ =	shalt  }
0x4f: {  	_ =	shalt  }
0x50: {  	_ =	shalt  }
0x51: {  	_ =	shalt  }
0x52: {  	_ =	shalt  }
0x53: {  	_ =	shalt  }
0x54: {  	_ =	shalt  }
0x55: {  	_ =	shalt  }
0x56: {  	_ =	shalt  }
0x57: {  	_ =	shalt  }
0x58: {  	_ =	shalt  }
0x59: {  	_ =	shalt  }
0x5a: {  	_ =	shalt  }
0x5b: {  	_ =	shalt  }
0x5c: {  	_ =	shalt  }
0x5d: {  	_ =	shalt  }
0x5e: {  	_ =	shalt  }
0x5f: {  	_ =	shalt  }
0x60: {  	_ =	shalt  }
0x61: {  	_ =	shalt  }
0x62: {  	_ =	shalt  }
0x63: {  	_ =	shalt  }
0x64: {  	_ =	shalt  }
0x65: {  	_ =	shalt  }
0x66: {  	_ =	shalt  }
0x67: {  	_ =	shalt  }
0x68: {  	_ =	shalt  }
0x69: {  	_ =	shalt  }
0x6a: {  	_ =	shalt  }
0x6b: {  	_ =	shalt  }
0x6c: {  	_ =	shalt  }
0x6d: {  	_ =	shalt  }
0x6e: {  	_ =	shalt  }
0x6f: {  	_ =	shalt  }
0x70: {  	_ =	shalt  }
0x71: {  	_ =	shalt  }
0x72: {  	_ =	shalt  }
0x73: {  	_ =	shalt  }
0x74: {  	_ =	shalt  }
0x75: {  	_ =	shalt  }
0x76: {  	_ =	shalt  }
0x77: {  	_ =	shalt  }
0x78: {  	_ =	shalt  }
0x79: {  	_ =	shalt  }
0x7a: {  	_ =	shalt  }
0x7b: {  	_ =	shalt  }
0x7c: {  	_ =	shalt  }
0x7d: {  	_ =	shalt  }
0x7e: {  	_ =	shalt  }
0x7f: {  	_ =	shalt  }
0x80: {  	_ =	shalt  }
0x81: {  	_ =	shalt  }
0x82: {  	_ =	shalt  }
0x83: {  	_ =	shalt  }
0x84: {  	_ =	shalt  }
0x85: {  	_ =	shalt  }
0x86: {  	_ =	shalt  }
0x87: {  	_ =	shalt  }
.Lfunc_end0:
.L_simem_size_0:
called_computation_lowered:
.L_overlay_start_0:
0x88: {  	s2 =	sld [smem:$0x3FD9]  }
0x89: {  	s3 =	sld [smem:$0x3FFE];
	_ =	sdelay $0x1  }
0x8a: {  	s1 =	srdreg.scid  }
0x8b: {  	s0 =	sand.u32 $0x1, s1  }
0x8c: {  	s14 =	sshll.u32 s0, $0xA;
	s2 =	sadd.s32 s3, s2  }
0x8d: {  	s2 =	sadd.s32 s2, s14  }
0x8e: {  	[smem:$0x3FC4] =	sst s2  }
0x8f: {  	_ = 	snop  }
0x90: {  	s2 =	sld [smem:$0x3FD0];
	_ =	sdelay $0x1  }
0x91: {  	s15 =	sld [smem:$0x3FC9]  }
0x92: {  	s5 =	simm.s32 $0xA;
	s6 =	simm.s32 $0x10;
	s4 =	sld [smem:$0x3FC7]  }
0x93: {  	[smem:s6], [sflag:s5] =	dma.local [hbm:s2], $0x1  }
0x94: {  	_ =	swait.eq [sflag:s5], $0x1  }
0x95: {  	[sflag:s5] =	ssyncset.done $0x0  }
0x96: {  	[sflag:s5] =	ssyncadd.s32 $0xFFFFFFFF  }
0x97: {  	s16 =	sld [smem:$0x10];
	(tm) =	ssettm $0x1  }
0x98: {  	s17 =	sld [smem:$0x3FFB];
	_ =	sdelay $0x3  }
0x99: {  	_ =	strace s17  }
0x9a: {  	s5 =	sld [smem:$0x3FFC];
	_ =	sdelay $0x3  }
0x9b: {  	_ =	strace s5  }
0x9c: {  	s5 =	sld [smem:$0x3FFD];
	_ =	sdelay $0x3  }
0x9d: {  	_ =	strace s5  }
0x9e: {  	_ =	strace $0x8FFFFFFF  }
0x9f: {  	s18 =	sld [smem:$0x3FDB];
	_ =	sdelay $0x1  }
0xa0: {  	s19 =	simm.s32 $_scs_section_size  }
0xa1: {  	s7 =	simm.s32 $_size__tile_overlayer_lowered;
	s8 =	simm.s32 $_tile_overlayer_lowered  }
0xa2: {  	s22 =	simm.s32 $0x1BFF;
	s21 =	sshll.u32 s8, $0x1;
	s5 =	sadd.s32 s19, s18  }
0xa3: {  	s9 =	simm.s32 $0x0;
	s20 =	sshll.u32 s7, $0x1;
	s7 =	sadd.s32 s21, s5  }
0xa4: {  	[timem:s9], [sflag:s22] =	dma.local [hbm:s7], s20  }
0xa5: {  	_ =	swait.ge [sflag:s22], s20  }
0xa6: {  	s6 =	ssub.s32 $0x0, s20;
	[sflag:s22] =	ssyncset.done $0x0  }
0xa7: {  	[sflag:s22] =	ssyncadd.s32 s6;
	_ =	sdelay $0x1  }
0xa8: {  	s23 =	simm.s32 $0x1B8B  }
0xa9: {  	_ =	swait.ge [sflag:s23], $0x1  }
0xaa: {  	[sflag:s23] =	ssyncset.done $0x0  }
0xab: {  	s25 =	simm.s32 $0x1B8E;
	s24 =	sld [smem:$0x3FFE];
	[sflag:s23] =	ssyncadd.s32 $0xFFFFFFFF  }
0xac: {  	s26 =	simm.s32 $execute0_lowered;
	[smem:$0x3FD2] =	sst s25  }
0xad: {  	s7 =	sshll.u32 s26, $0x1;
	_ =	strace $0x80000046;
	[dreg:$0x1] =	wrdreg $0xFFFFFFFF  }
0xae: {  	s28 =	simm.s32 $_size_execute0_lowered;
	s5 =	sadd.s32 s5, s7;
	[dreg:$0x0] =	wrdreg $0x0  }
0xaf: {  	s7 =	sshll.u32 s28, $0x1;
	[dreg:$0x2] =	wrdreg s5  }
0xb0: {  	[dreg:$0x3] =	wrdreg s7  }
0xb1: {  	[dreg:$0x4] =	wrdreg $0xC0  }
0xb2: {  	_ =	task [dreg:s9], $0x5FFFF  }
0xb3: {  	[dreg:$0x1] =	wrdreg $0xFFFFFFFF  }
0xb4: {  	[dreg:$0x0] =	wrdreg $0x60  }
0xb5: {  	[dreg:$0x2] =	wrdreg s4  }
0xb6: {  	[dreg:$0x3] =	wrdreg s24  }
0xb7: {  	[dreg:$0x4] =	wrdreg s15  }
0xb8: {  	[dreg:$0x5] =	wrdreg s16  }
0xb9: {  	[dreg:$0x6] =	wrdreg $0x9  }
0xba: {  	_ =	task.clear_ibuf [dreg:s9], $0x7FFFF;
	_ =	strace $0x90000046  }
0xbb: {  	s29 =	simm.s32 $0x9;
	_ =	strace $0x80000048  }
0xbc: {  	_ =	swait.ge [sflag:s29], $0x1  }
0xbd: {  	[sflag:s29] =	ssyncadd.s32 $0xFFFFFFFF  }
0xbe: {  	_ =	strace $0x90000048  }
0xbf: {  	_ =	sfence  }
0xc0: {  	s30 =	sld [smem:$0x0];
	_ =	sdelay $0x2  }
0xc1: {  	s31 =	sshll.u32 s1, $0xD;
	s1 =	sshrl.u32 s1, $0x2  }
0xc2: {  	s3 =	sand.u32 $0x4000, s31;
	s1 =	sadd.s32 s1, s30  }
0xc3: {  	s0 =	sor.u32 s3, s0;
	s1 =	sshll.u32 s1, $0x11  }
0xc4: {  	s0 =	sor.u32 s1, s0  }
0xc5: {  	s0 =	sadd.s32 $0x8F2B, s0  }
0xc6: {  	[sflag:s0] =	ssyncadd.remote.s32 $0x1  }
0xc7: {  	_ =	sfence.sel $0xFFFF  }
0xc8: {  	[dreg:$0x0] =	wrdreg $0xFFFFFFFF;
	(pc) =	sbr.abs _section_cstart, $3  }
0xc9: {  	[dreg:$0x1] =	wrdreg $0xFFFFFFFF  }
0xca: {  	_ =	task.clear_ibuf [dreg:s9], $0x2FFFF;
	_ =	strace $0x9FFFFFFF  }
0xcb: {  	(tm) =	ssettm $0x7FFFFFFF  }
tec
execute0_lowered:
.L_overlay_start_1:
0x0: {  	(tag) =	ssettag $0x1  }
0x1: {  	s1 =	rddreg [dreg:$0x0]  }
0x2: {  	s0 =	rddreg [dreg:$0x1]  }
0x3: {  	s2 =	srdreg.scid;
	s3 =	rddreg [dreg:$0x2]  }
0x4: {  	s5 =	stileid.u32;
	s4 =	rddreg [dreg:$0x3];
	s11 =	simm.s32 $0x7  }
0x5: {  	s13 =	simm.s32 $0xD000;
	s14 =	simm.s32 $0x7000;
	s15 =	simm.s32 $0x10000  }
0x6: {  	s16 =	simm.s32 $0x1;
	s17 =	simm.s32 $0x3;
	s18 =	simm.s32 $0x13000  }
0x7: {  	s19 =	simm.s32 $0x2;
	s20 =	simm.s32 $0x4;
	s21 =	simm.s32 $0x16000  }
0x8: {  	s22 =	simm.s32 $0x5;
	s23 =	simm.s32 $0x6;
	s2 =	sand.u32 $0x1, s2  }
0x9: {  	s24 =	simm.s32 $0x0;
	s6 =	sshll.u32 s5, $0x6;
	s7 =	sshll.u32 s2, $0x5  }
.Ltmp0:
0xa: {  	s5 =	simm.s32 $0x0;
	s6 =	sor.u32 s7, s6;
	(pc) =	sbr.rel .LBB2_1-.Ltmp0, $4  }
0xb: {  	[smem:$0x7FF] =	sst s5;
	s2 =	ssub.s32 $0x2, s2;
	s7 =	smul.u32 $0x600, s6  }
0xc: {  	_ =	strace $0x80000047;
	s31 =	sshrl.u32 s2, $0x1;
	s8 =	sshll.u32 s6, $0x4  }
0xd: {  	s2 =	ssub.s32 s2, s31;
	s0 =	sadd.s32 s8, s0;
	s7 =	sadd.s32 s3, s7  }
0xe: {  	vm0 =	vmmov $0x3;
	s10 =	smax.u32 s2, $0x1;
	s8 =	sadd.s32 $0xE00, s0;
	s9 =	sadd.s32 $0x600, s7  }
.LBB2_8:
0xf: {  	s24 =	sadd.s32 $0x1, s24  }
0x10: {  	_ =	swait.ge [sflag:s22], $0x3000;
	p0 =	sne.s32 s24, s10  }
.Ltmp1:
0x11: {  	[sflag:s22] =	ssyncset.done $0x0;
	(pc) =	sbr.rel @!p0 .LBB2_9-.Ltmp1, $4  }
0x12: {  	[sflag:s22] =	ssyncadd.s32 $0xFFFFD000  }
0x13: {  	_ =	swait.ge [sflag:s23], $0x3000  }
0x14: {  	[sflag:s23] =	ssyncset.done $0x0  }
0x15: {  	[sflag:s23] =	ssyncadd.s32 $0xFFFFD000  }
.LBB2_1:
0x16: {  	[tilespmem:s5], [sflag:$0x7] =	stream.linear.gather [hbm4b:s8+s5], $0x1000, $0x38;
	[tilespmem:$0x19000] =	vst v63  }
0x17: {  	_ =	swait.ge [sflag:s11], $0x1000  }
0x18: {  	[sflag:s11] =	ssyncset.done $0x0  }
0x19: {  	[sflag:s11] =	ssyncadd.s32 $0xFFFFF000  }
0x1a: {  	v1 =	vld.msk [tilespmem:$0x0], $0x3;
	_ =	sdelay $0x4  }
0x1b: {  	v1 =	vmul.u32 $0x3000, v1  }
0x1c: {  	v0 =	vlaneseq.u32  }
0x1d: {  	v1 =	vperm.xlane v1, v0;
	_ =	sdelay $0x4  }
0x1e: {  	s0 =	simm.s32 $0x1000  }
0x1f: {  	[tilespmem:s0], [sflag:$0x1] =	stream.indirect_vreg.gather [hbm4b:s1+s5], $0x3000, v1, vm0, $0x38;
	[tilespmem:$0x19000] =	vst v63  }
0x20: {  	_ = 	snop  }
0x21: {  	[tilespmem:s13], [sflag:$0x3] =	stream.linear.gather [hbm4b:s7+s5], $0x3000, $0x38;
	[tilespmem:$0x19000] =	vst v63  }
0x22: {  	v1 =	vld.msk [tilespmem:$0x80], $0x3;
	_ =	sdelay $0x4  }
0x23: {  	v1 =	vmul.u32 $0x3000, v1;
	_ =	sdelay $0x1  }
0x24: {  	v1 =	vperm.xlane v1, v0;
	_ =	sdelay $0x5  }
0x25: {  	[tilespmem:s14], [sflag:$0x2] =	stream.indirect_vreg.gather [hbm4b:s1+s5], $0x3000, v1, vm0, $0x38;
	[tilespmem:$0x19000] =	vst v63  }
0x26: {  	s25 =	simm.s32 $0x0  }
0x27: {  	[tilespmem:s15], [sflag:$0x4] =	stream.linear.gather [hbm4b:s9+s5], $0x3000, $0x38;
	[tilespmem:$0x19000] =	vst v63  }
.LBB2_2:
0x28: {  	_ =	swait.ge [sflag:s16], $0x6000  }
0x29: {  	[sflag:s16] =	ssyncset.done $0x0  }
0x2a: {  	[sflag:s16] =	ssyncadd.s32 $0xFFFFA000  }
0x2b: {  	_ =	swait.ge [sflag:s17], $0x3000  }
0x2c: {  	p0 =	seq.s32 s25, $0x0;
	[sflag:s17] =	ssyncset.done $0x0  }
0x2d: {  	s2 =	simm.s32 $0x0;
	s0 =	simm.s32 @!p0 $0x5;
	[sflag:s17] =	ssyncadd.s32 $0xFFFFD000  }
0x2e: {  	s30 =	simm.s32 $0x0;
	s31 =	smul.u32 $0x1800, s2;
	_ =	swait.ge @!p0 [sflag:s0], $0x3000  }
0x2f: {  	s26 =	sand.u32 $0x380, s30;
	[sflag:s0] =	ssyncset.done @!p0 $0x0  }
0x30: {  	s29 =	sor.u32 s26, s31;
	[sflag:s0] =	ssyncadd.s32 @!p0 $0xFFFFD000  }
0x31: {  	v27 =	vld [tilespmem:s29+$0xD000]  }
0x32: {  	v28 =	vld [tilespmem:s29+$0xD010]  }
0x33: {  	v29 =	vld [tilespmem:s29+$0xD020]  }
0x34: {  	v30 =	vld [tilespmem:s29+$0xD030]  }
0x35: {  	v0 =	vld [tilespmem:s29+$0xD410]  }
0x36: {  	v20 =	vld [tilespmem:s29+$0xD040]  }
0x37: {  	v21 =	vld [tilespmem:s29+$0xD050]  }
0x38: {  	v22 =	vld [tilespmem:s29+$0xD060]  }
0x39: {  	v23 =	vld [tilespmem:s29+$0xD070]  }
0x3a: {  	v24 =	vld [tilespmem:s29+$0xD400];
	[tilespmem:$0x1FF20] =	vst v0  }
0x3b: {  	v0 =	vld [tilespmem:s29+$0xD420];
	_ =	sdelay $0x4  }
0x3c: {  	[tilespmem:$0x1FF30] =	vst v0  }
0x3d: {  	v0 =	vld [tilespmem:s29+$0xD430];
	_ =	sdelay $0x4  }
0x3e: {  	[tilespmem:$0x1FF40] =	vst v0  }
0x3f: {  	v0 =	vld [tilespmem:s29+$0xD440];
	_ =	sdelay $0x4  }
0x40: {  	[tilespmem:$0x1FF50] =	vst v0  }
0x41: {  	v0 =	vld [tilespmem:s29+$0xD450];
	_ =	sdelay $0x4  }
0x42: {  	[tilespmem:$0x1FF60] =	vst v0  }
0x43: {  	v0 =	vld [tilespmem:s29+$0xD460];
	_ =	sdelay $0x4  }
0x44: {  	[tilespmem:$0x1FF70] =	vst v0  }
0x45: {  	v0 =	vld [tilespmem:s29+$0xD470];
	_ =	sdelay $0x4  }
0x46: {  	[tilespmem:$0x1FF80] =	vst v0  }
0x47: {  	v0 =	vld [tilespmem:s29+$0xD800];
	_ =	sdelay $0x4  }
0x48: {  	[tilespmem:$0x1FF90] =	vst v0  }
0x49: {  	v0 =	vld [tilespmem:s29+$0xD810];
	_ =	sdelay $0x4  }
0x4a: {  	[tilespmem:$0x1FFA0] =	vst v0  }
0x4b: {  	v0 =	vld [tilespmem:s29+$0xD820];
	_ =	sdelay $0x4  }
0x4c: {  	[tilespmem:$0x1FFB0] =	vst v0  }
0x4d: {  	v0 =	vld [tilespmem:s29+$0xD830];
	_ =	sdelay $0x4  }
0x4e: {  	[tilespmem:$0x1FFC0] =	vst v0  }
0x4f: {  	v0 =	vld [tilespmem:s29+$0xD840];
	_ =	sdelay $0x4  }
0x50: {  	[tilespmem:$0x1FFD0] =	vst v0  }
0x51: {  	v0 =	vld [tilespmem:s29+$0xDC20]  }
0x52: {  	v9 =	vld [tilespmem:s29+$0xD850]  }
0x53: {  	v8 =	vld [tilespmem:s29+$0xD860]  }
0x54: {  	v6 =	vld [tilespmem:s29+$0xD870]  }
0x55: {  	v5 =	vld [tilespmem:s29+$0xDC00]  }
0x56: {  	v3 =	vld [tilespmem:s29+$0xDC10];
	[tilespmem:$0x1FFF0] =	vst v0  }
0x57: {  	v0 =	vld [tilespmem:s29+$0xDC60];
	_ =	sdelay $0x2  }
0x58: {  	v1 =	vld [tilespmem:s29+$0xDC30]  }
0x59: {  	v4 =	vld [tilespmem:s29+$0xDC40]  }
0x5a: {  	v7 =	vld [tilespmem:s29+$0xDC50];
	[tilespmem:$0x1FEC0] =	vst v0  }
0x5b: {  	v0 =	vld [tilespmem:s29+$0xDC70];
	_ =	sdelay $0x4  }
0x5c: {  	[tilespmem:$0x1FED0] =	vst v0  }
0x5d: {  	v0 =	vld [tilespmem:s29+$0xE000];
	_ =	sdelay $0x4  }
0x5e: {  	[tilespmem:$0x1FEE0] =	vst v0  }
0x5f: {  	v0 =	vld [tilespmem:s29+$0xE010];
	_ =	sdelay $0x4  }
0x60: {  	[tilespmem:$0x1FEF0] =	vst v0  }
0x61: {  	v0 =	vld [tilespmem:s29+$0xE020];
	_ =	sdelay $0x4  }
0x62: {  	[tilespmem:$0x1FF00] =	vst v0  }
0x63: {  	v0 =	vld [tilespmem:s29+$0xE030];
	_ =	sdelay $0x4  }
0x64: {  	[tilespmem:$0x1FF10] =	vst v0  }
0x65: {  	v37 =	vld [tilespmem:s29+$0x1000]  }
0x66: {  	v38 =	vld [tilespmem:s29+$0x4000]  }
0x67: {  	v39 =	vld [tilespmem:s29+$0x1010]  }
0x68: {  	v40 =	vld [tilespmem:s29+$0x4010]  }
0x69: {  	v41 =	vld [tilespmem:s29+$0x1020]  }
0x6a: {  	v42 =	vld [tilespmem:s29+$0x4020]  }
0x6b: {  	v43 =	vld [tilespmem:s29+$0x1030]  }
0x6c: {  	v44 =	vld [tilespmem:s29+$0x4030]  }
0x6d: {  	v45 =	vld [tilespmem:s29+$0x1040]  }
0x6e: {  	v46 =	vld [tilespmem:s29+$0x4040]  }
0x6f: {  	v47 =	vld [tilespmem:s29+$0x1050]  }
0x70: {  	v48 =	vld [tilespmem:s29+$0x4050]  }
0x71: {  	v49 =	vld [tilespmem:s29+$0x1060]  }
0x72: {  	v50 =	vld [tilespmem:s29+$0x4060]  }
0x73: {  	v51 =	vld [tilespmem:s29+$0x1070]  }
0x74: {  	v52 =	vld [tilespmem:s29+$0x4070]  }
0x75: {  	v53 =	vld [tilespmem:s29+$0x1400]  }
0x76: {  	v54 =	vld [tilespmem:s29+$0x4400]  }
0x77: {  	v55 =	vld [tilespmem:s29+$0x1410]  }
0x78: {  	v56 =	vld [tilespmem:s29+$0x4410]  }
0x79: {  	v57 =	vld [tilespmem:s29+$0x1420]  }
0x7a: {  	v58 =	vld [tilespmem:s29+$0x4420]  }
0x7b: {  	v59 =	vld [tilespmem:s29+$0x1430]  }
0x7c: {  	v60 =	vld [tilespmem:s29+$0x4430]  }
0x7d: {  	v61 =	vld [tilespmem:s29+$0x1440]  }
0x7e: {  	v62 =	vld [tilespmem:s29+$0x4440]  }
0x7f: {  	v63 =	vld [tilespmem:s29+$0x1450]  }
0x80: {  	v0 =	vld [tilespmem:s29+$0x4450]  }
0x81: {  	v11 =	vld [tilespmem:s29+$0x1460]  }
0x82: {  	v10 =	vld [tilespmem:s29+$0x4460]  }
0x83: {  	v13 =	vld [tilespmem:s29+$0x1470]  }
0x84: {  	v12 =	vld [tilespmem:s29+$0x4470]  }
0x85: {  	v15 =	vld [tilespmem:s29+$0x1800]  }
0x86: {  	v14 =	vld [tilespmem:s29+$0x4800]  }
0x87: {  	v17 =	vld [tilespmem:s29+$0x1810]  }
0x88: {  	v16 =	vld [tilespmem:s29+$0x4810]  }
0x89: {  	v19 =	vld [tilespmem:s29+$0x1820]  }
0x8a: {  	v18 =	vld [tilespmem:s29+$0x4820]  }
0x8b: {  	v26 =	vld [tilespmem:s29+$0x1830]  }
0x8c: {  	v25 =	vld [tilespmem:s29+$0x4830]  }
0x8d: {  	v32 =	vld [tilespmem:s29+$0x1840]  }
0x8e: {  	v31 =	vld [tilespmem:s29+$0x4840]  }
0x8f: {  	v34 =	vld [tilespmem:s29+$0x1850]  }
0x90: {  	v2 =	vld [tilespmem:s29+$0x1C00];
	v37 =	vadd.f32 v38, v37  }
0x91: {  	v33 =	vld [tilespmem:s29+$0x4850]  }
0x92: {  	v35 =	vld [tilespmem:s29+$0x1860];
	v37 =	vmul.f32 $5.000000000e-01, v37  }
0x93: {  	v36 =	vld [tilespmem:s29+$0x1870]  }
0x94: {  	v38 =	vld [tilespmem:s29+$0x4860];
	v41 =	vadd.f32 v42, v41;
	v27 =	vadd.f32 v37, v27  }
0x95: {  	v39 =	vadd.f32 v40, v39;
	v40 =	vld [tilespmem:s29+$0x4870];
	[tilespmem:$0x1FFE0] =	vst v2  }
0x96: {  	[tilespmem:s29+$0x13000] =	vst v27;
	v27 =	vmul.f32 $5.000000000e-01, v41;
	_ =	sdelay $0x1  }
0x97: {  	v46 =	vadd.f32 v46, v45;
	v27 =	vadd.f32 v27, v29;
	_ =	sdelay $0x1  }
0x98: {  	v48 =	vadd.f32 v48, v47;
	v37 =	vmul.f32 $5.000000000e-01, v39;
	[tilespmem:s29+$0x13020] =	vst v27;
	v27 =	vmul.f32 $5.000000000e-01, v46  }
0x99: {  	v43 =	vadd.f32 v44, v43  }
0x9a: {  	v28 =	vadd.f32 v37, v28;
	v20 =	vadd.f32 v27, v20;
	v27 =	vmul.f32 $5.000000000e-01, v48  }
0x9b: {  	v50 =	vadd.f32 v50, v49  }
0x9c: {  	v52 =	vadd.f32 v52, v51;
	[tilespmem:s29+$0x13010] =	vst v28;
	v28 =	vmul.f32 $5.000000000e-01, v43;
	v21 =	vadd.f32 v27, v21  }
0x9d: {  	[tilespmem:s29+$0x13040] =	vst v20;
	v20 =	vmul.f32 $5.000000000e-01, v50  }
0x9e: {  	v28 =	vadd.f32 v28, v30;
	[tilespmem:s29+$0x13050] =	vst v21;
	v21 =	vmul.f32 $5.000000000e-01, v52  }
0x9f: {  	v53 =	vadd.f32 v54, v53;
	v20 =	vadd.f32 v20, v22  }
0xa0: {  	[tilespmem:s29+$0x13030] =	vst v28;
	v21 =	vadd.f32 v21, v23  }
0xa1: {  	[tilespmem:s29+$0x13060] =	vst v20;
	v20 =	vmul.f32 $5.000000000e-01, v53  }
0xa2: {  	[tilespmem:s29+$0x13070] =	vst v21  }
0xa3: {  	v20 =	vadd.f32 v20, v24;
	v24 =	vld [tilespmem:$0x1FF20]  }
0xa4: {  	v22 =	vadd.f32 v56, v55;
	_ =	sdelay $0x1  }
0xa5: {  	v21 =	vmul.f32 $5.000000000e-01, v22  }
0xa6: {  	[tilespmem:s29+$0x13400] =	vst v20  }
0xa7: {  	v21 =	vadd.f32 v21, v24;
	v24 =	vld [tilespmem:$0x1FF30]  }
0xa8: {  	v23 =	vadd.f32 v58, v57  }
0xa9: {  	[tilespmem:s29+$0x13410] =	vst v21  }
0xaa: {  	v20 =	vmul.f32 $5.000000000e-01, v23;
	v21 =	vld [tilespmem:$0x1FF40]  }
0xab: {  	v22 =	vadd.f32 v60, v59  }
0xac: {  	v20 =	vadd.f32 v20, v24  }
0xad: {  	v22 =	vmul.f32 $5.000000000e-01, v22  }
0xae: {  	[tilespmem:s29+$0x13420] =	vst v20  }
0xaf: {  	v10 =	vadd.f32 v10, v11;
	v21 =	vadd.f32 v22, v21;
	v11 =	vld [tilespmem:$0x1FF50]  }
0xb0: {  	v23 =	vadd.f32 v62, v61  }
0xb1: {  	[tilespmem:s29+$0x13430] =	vst v21  }
0xb2: {  	v12 =	vadd.f32 v12, v13;
	v22 =	vmul.f32 $5.000000000e-01, v23;
	v13 =	vld [tilespmem:$0x1FF60]  }
0xb3: {  	v0 =	vadd.f32 v0, v63  }
0xb4: {  	v11 =	vadd.f32 v22, v11  }
0xb5: {  	v0 =	vmul.f32 $5.000000000e-01, v0  }
0xb6: {  	[tilespmem:s29+$0x13440] =	vst v11  }
0xb7: {  	v0 =	vadd.f32 v0, v13;
	v13 =	vld [tilespmem:$0x1FF70];
	_ =	sdelay $0x2  }
0xb8: {  	v10 =	vmul.f32 $5.000000000e-01, v10  }
0xb9: {  	[tilespmem:s29+$0x13450] =	vst v0  }
0xba: {  	v10 =	vadd.f32 v10, v13;
	v13 =	vld [tilespmem:$0x1FF80];
	_ =	sdelay $0x2  }
0xbb: {  	v12 =	vmul.f32 $5.000000000e-01, v12  }
0xbc: {  	[tilespmem:s29+$0x13460] =	vst v10  }
0xbd: {  	v12 =	vadd.f32 v12, v13;
	v13 =	vld [tilespmem:$0x1FF90]  }
0xbe: {  	v11 =	vadd.f32 v14, v15;
	_ =	sdelay $0x1  }
0xbf: {  	v11 =	vmul.f32 $5.000000000e-01, v11  }
0xc0: {  	[tilespmem:s29+$0x13470] =	vst v12  }
0xc1: {  	v11 =	vadd.f32 v11, v13;
	v13 =	vld [tilespmem:$0x1FFA0]  }
0xc2: {  	v0 =	vadd.f32 v16, v17;
	_ =	sdelay $0x1  }
0xc3: {  	v0 =	vmul.f32 $5.000000000e-01, v0  }
0xc4: {  	[tilespmem:s29+$0x13800] =	vst v11  }
0xc5: {  	v0 =	vadd.f32 v0, v13;
	v13 =	vld [tilespmem:$0x1FFB0]  }
0xc6: {  	v10 =	vadd.f32 v18, v19;
	_ =	sdelay $0x1  }
0xc7: {  	v10 =	vmul.f32 $5.000000000e-01, v10  }
0xc8: {  	[tilespmem:s29+$0x13810] =	vst v0  }
0xc9: {  	v10 =	vadd.f32 v10, v13;
	v13 =	vld [tilespmem:$0x1FFC0]  }
0xca: {  	v42 =	vld [tilespmem:s29+$0x1C10];
	v12 =	vadd.f32 v25, v26  }
0xcb: {  	v54 =	vld [tilespmem:s29+$0x1C40]  }
0xcc: {  	v63 =	vld [tilespmem:s29+$0x4C60];
	v12 =	vmul.f32 $5.000000000e-01, v12  }
0xcd: {  	v39 =	vld [tilespmem:s29+$0x4C00];
	[tilespmem:s29+$0x13820] =	vst v10  }
0xce: {  	v12 =	vadd.f32 v12, v13;
	v13 =	vld [tilespmem:$0x1FFD0]  }
0xcf: {  	v37 =	vld [tilespmem:s29+$0x4C10];
	v11 =	vadd.f32 v31, v32  }
0xd0: {  	v29 =	vld [tilespmem:s29+$0x1C20]  }
0xd1: {  	v30 =	vld [tilespmem:s29+$0x4C20];
	v11 =	vmul.f32 $5.000000000e-01, v11  }
0xd2: {  	v28 =	vld [tilespmem:s29+$0x1C30]  }
0xd3: {  	v27 =	vld [tilespmem:s29+$0x4C30];
	v11 =	vadd.f32 v11, v13  }
0xd4: {  	v56 =	vld [tilespmem:s29+$0x4C40];
	[tilespmem:s29+$0x13830] =	vst v12  }
0xd5: {  	v58 =	vld [tilespmem:s29+$0x1C50];
	[tilespmem:s29+$0x13840] =	vst v11  }
0xd6: {  	v0 =	vadd.f32 v33, v34;
	v2 =	vld [tilespmem:$0x1FFE0]  }
0xd7: {  	v60 =	vld [tilespmem:s29+$0x4C50]  }
0xd8: {  	v62 =	vld [tilespmem:s29+$0x1C60];
	v0 =	vmul.f32 $5.000000000e-01, v0  }
0xd9: {  	v24 =	vld [tilespmem:s29+$0x5000];
	v10 =	vadd.f32 v38, v35  }
0xda: {  	v20 =	vld [tilespmem:s29+$0x2010];
	v0 =	vadd.f32 v0, v9;
	v12 =	vadd.f32 v40, v36  }
0xdb: {  	v23 =	vld [tilespmem:s29+$0x1C70];
	v10 =	vmul.f32 $5.000000000e-01, v10;
	v11 =	vadd.f32 v39, v2  }
0xdc: {  	v21 =	vld [tilespmem:s29+$0x2000];
	[tilespmem:s29+$0x13850] =	vst v0;
	v0 =	vmul.f32 $5.000000000e-01, v12  }
0xdd: {  	v22 =	vld [tilespmem:s29+$0x4C70];
	v10 =	vadd.f32 v10, v8;
	v11 =	vmul.f32 $5.000000000e-01, v11  }
0xde: {  	v15 =	vld [tilespmem:s29+$0x5030];
	v0 =	vadd.f32 v0, v6  }
0xdf: {  	v28 =	vadd.f32 v27, v28;
	v14 =	vld [tilespmem:s29+$0x2040];
	[tilespmem:s29+$0x13860] =	vst v10;
	v27 =	vadd.f32 v11, v5  }
0xe0: {  	v17 =	vld [tilespmem:s29+$0x5020];
	[tilespmem:s29+$0x13870] =	vst v0  }
0xe1: {  	v16 =	vld [tilespmem:s29+$0x2030];
	[tilespmem:s29+$0x13C00] =	vst v27  }
0xe2: {  	v12 =	vadd.f32 v37, v42;
	v2 =	vld [tilespmem:$0x1FFF0]  }
0xe3: {  	v19 =	vld [tilespmem:s29+$0x5010];
	v25 =	vadd.f32 v30, v29  }
0xe4: {  	v18 =	vld [tilespmem:s29+$0x2020];
	v10 =	vmul.f32 $5.000000000e-01, v12  }
0xe5: {  	v13 =	vld [tilespmem:s29+$0x5040];
	v0 =	vmul.f32 $5.000000000e-01, v25;
	v25 =	vadd.f32 v56, v54  }
0xe6: {  	v29 =	vmul.f32 $5.000000000e-01, v28;
	v12 =	vadd.f32 v60, v58;
	v26 =	vadd.f32 v10, v3;
	v10 =	vld [tilespmem:s29+$0x5050]  }
0xe7: {  	s28 =	sshllo.u32 s25, $0x1;
	s2 =	simm.s32 $0x1;
	s26 =	sshll.u32 s25, $0x1;
	v28 =	vmul.f32 $5.000000000e-01, v25;
	v25 =	vadd.f32 v63, v62;
	v11 =	vld [tilespmem:s29+$0x2050];
	v27 =	vadd.f32 v0, v2  }
.LBB2_3:
0xe8: {  	_ =	sdelay $0x3  }
0xe9: {  	v9 =	vmul.f32 $5.000000000e-01, v12;
	v0 =	vadd.f32 v29, v1;
	_ =	sdelay $0x1  }
0xea: {  	[tilespmem:s29+$0x13C30] =	vst v0;
	v0 =	vadd.f32 v9, v7;
	_ =	sdelay $0x1  }
0xeb: {  	[tilespmem:s29+$0x13C50] =	vst v0;
	v0 =	vld [tilespmem:$0x1FED0]  }
0xec: {  	v12 =	vadd.f32 v22, v23;
	_ =	sdelay $0x1  }
0xed: {  	v1 =	vld [tilespmem:$0x1FEC0];
	v7 =	vmul.f32 $5.000000000e-01, v12;
	_ =	sdelay $0x1  }
0xee: {  	v0 =	vadd.f32 v7, v0  }
0xef: {  	v23 =	vmul.f32 $5.000000000e-01, v25  }
0xf0: {  	[tilespmem:s29+$0x13C70] =	vst v0;
	v0 =	vld [tilespmem:$0x1FEF0]  }
0xf1: {  	v9 =	vadd.f32 v19, v20;
	v6 =	vadd.f32 v23, v1;
	v1 =	vld [tilespmem:$0x1FEE0]  }
0xf2: {  	v22 =	vld [tilespmem:s29+$0x2060];
	v8 =	vadd.f32 v28, v4;
	v21 =	vadd.f32 v24, v21  }
0xf3: {  	v24 =	vld [tilespmem:s29+$0x5060];
	v5 =	vmul.f32 $5.000000000e-01, v9  }
0xf4: {  	v17 =	vadd.f32 v17, v18;
	v18 =	vld [tilespmem:s29+$0x5070];
	[tilespmem:s29+$0x13C40] =	vst v8;
	v8 =	vmul.f32 $5.000000000e-01, v21  }
0xf5: {  	v12 =	vld [tilespmem:s29+$0x2070];
	v0 =	vadd.f32 v5, v0  }
0xf6: {  	v4 =	vadd.f32 v8, v1;
	v1 =	vld [tilespmem:$0x1FF00]  }
0xf7: {  	[tilespmem:s29+$0x14010] =	vst v0;
	v0 =	vld [tilespmem:$0x1FF10]  }
0xf8: {  	v9 =	vld [tilespmem:s29+$0xE040];
	v7 =	vadd.f32 v15, v16  }
0xf9: {  	[tilespmem:s29+$0x13C60] =	vst v6;
	v6 =	vmul.f32 $5.000000000e-01, v17;
	v8 =	vadd.f32 v13, v14;
	v13 =	vld [tilespmem:s29+$0xE050]  }
0xfa: {  	[tilespmem:s29+$0x13C10] =	vst v26;
	v3 =	vmul.f32 $5.000000000e-01, v7;
	v7 =	vld [tilespmem:s29+$0xE060];
	v5 =	vadd.f32 v10, v11  }
0xfb: {  	[tilespmem:s29+$0x14000] =	vst v4;
	v4 =	vmul.f32 $5.000000000e-01, v8;
	v8 =	vld [tilespmem:s29+$0xE070];
	v2 =	vadd.f32 v6, v1;
	v6 =	vadd.f32 v24, v22  }
0xfc: {  	[tilespmem:s29+$0x13C20] =	vst v27;
	v1 =	vmul.f32 $5.000000000e-01, v5;
	v0 =	vadd.f32 v3, v0;
	v3 =	vadd.f32 v18, v12  }
0xfd: {  	[tilespmem:s29+$0x14020] =	vst v2;
	v2 =	vadd.f32 v4, v9;
	v4 =	vmul.f32 $5.000000000e-01, v6  }
0xfe: {  	[tilespmem:s29+$0x14030] =	vst v0;
	v0 =	vadd.f32 v1, v13;
	v1 =	vmul.f32 $5.000000000e-01, v3  }
0xff: {  	[tilespmem:s29+$0x14040] =	vst v2;
	v2 =	vadd.f32 v4, v7  }
0x100: {  	[tilespmem:s29+$0x14050] =	vst v0;
	v0 =	vadd.f32 v1, v8  }
0x101: {  	s0 =	sor.u32 s31, s30;
	[tilespmem:s29+$0x14060] =	vst v2  }
0x102: {  	s12 =	sor.u32 $0x4400, s0;
	[tilespmem:s29+$0x14070] =	vst v0;
	v0 =	vld [tilespmem:s29+$0x2400]  }
0x103: {  	v1 =	vld [tilespmem:s12+$0x1000];
	_ =	sdelay $0x3  }
0x104: {  	v3 =	vld [tilespmem:s29+$0xE400]  }
0x105: {  	s0 =	sshrl.u32 s2, $0x3;
	v0 =	vadd.f32 v1, v0  }
0x106: {  	s30 =	sadd.s32 $0x80, s30;
	s31 =	smul.u32 $0x1800, s0  }
0x107: {  	s0 =	sand.u32 $0x380, s30;
	v0 =	vmul.f32 $5.000000000e-01, v0  }
0x108: {  	s0 =	sor.u32 s0, s31;
	v6 =	vld [tilespmem:s29+$0xE410]  }
0x109: {  	v38 =	vld [tilespmem:s0+$0xD000];
	v0 =	vadd.f32 v0, v3  }
0x10a: {  	v37 =	vld [tilespmem:s0+$0xD010]  }
0x10b: {  	v3 =	vld [tilespmem:s29+$0x2410];
	[tilespmem:s29+$0x14400] =	vst v0  }
0x10c: {  	v0 =	vld [tilespmem:s12+$0x1010]  }
0x10d: {  	v36 =	vld [tilespmem:s0+$0xD020]  }
0x10e: {  	v35 =	vld [tilespmem:s0+$0xD030]  }
0x10f: {  	v34 =	vld [tilespmem:s0+$0xD040]  }
0x110: {  	v32 =	vld [tilespmem:s0+$0xD050]  }
0x111: {  	v31 =	vld [tilespmem:s0+$0xD060];
	v0 =	vadd.f32 v0, v3  }
0x112: {  	v30 =	vld [tilespmem:s0+$0xD070]  }
0x113: {  	v29 =	vld [tilespmem:s0+$0xD400];
	v0 =	vmul.f32 $5.000000000e-01, v0  }
0x114: {  	v27 =	vld [tilespmem:s0+$0xD410]  }
0x115: {  	v26 =	vld [tilespmem:s0+$0xD420];
	v0 =	vadd.f32 v0, v6  }
0x116: {  	v25 =	vld [tilespmem:s0+$0xD430]  }
0x117: {  	v24 =	vld [tilespmem:s0+$0xD440];
	[tilespmem:s29+$0x14410] =	vst v0  }
0x118: {  	v3 =	vld [tilespmem:s0+$0xD830];
	_ =	sdelay $0x4  }
0x119: {  	[tilespmem:$0x1FE10] =	vst v3;
	v3 =	vld [tilespmem:s0+$0xD840];
	_ =	sdelay $0x2  }
0x11a: {  	v5 =	vld [tilespmem:s29+$0x2420]  }
0x11b: {  	v0 =	vld [tilespmem:s12+$0x1020]  }
0x11c: {  	[tilespmem:$0x1FE20] =	vst v3;
	v3 =	vld [tilespmem:s0+$0xD850];
	_ =	sdelay $0x1  }
0x11d: {  	v4 =	vld [tilespmem:s29+$0xE420]  }
0x11e: {  	v1 =	vld [tilespmem:s29+$0x2430]  }
0x11f: {  	v23 =	vld [tilespmem:s0+$0xD450]  }
0x120: {  	v0 =	vadd.f32 v0, v5;
	[tilespmem:$0x1FE30] =	vst v3;
	v3 =	vld [tilespmem:s0+$0xD860]  }
0x121: {  	v22 =	vld [tilespmem:s0+$0xD460]  }
0x122: {  	v21 =	vld [tilespmem:s0+$0xD470];
	v0 =	vmul.f32 $5.000000000e-01, v0  }
0x123: {  	v20 =	vld [tilespmem:s0+$0xD800]  }
0x124: {  	v19 =	vld [tilespmem:s0+$0xD810];
	v0 =	vadd.f32 v0, v4  }
0x125: {  	v18 =	vld [tilespmem:s0+$0xD820];
	[tilespmem:$0x1FE40] =	vst v3  }
0x126: {  	v3 =	vld [tilespmem:s0+$0xD870];
	[tilespmem:s29+$0x14420] =	vst v0  }
0x127: {  	v0 =	vld [tilespmem:s12+$0x1030];
	_ =	sdelay $0x4  }
0x128: {  	v0 =	vadd.f32 v0, v1;
	v1 =	vld [tilespmem:s0+$0xDC50];
	_ =	sdelay $0x3  }
0x129: {  	[tilespmem:$0x1FE50] =	vst v3;
	v3 =	vld [tilespmem:s0+$0xDC00]  }
0x12a: {  	[tilespmem:$0x1FE70] =	vst v1;
	v1 =	vld [tilespmem:s0+$0xDC60];
	_ =	sdelay $0x3  }
0x12b: {  	[tilespmem:$0x1FE60] =	vst v3;
	v3 =	vld [tilespmem:s0+$0xDC10]  }
0x12c: {  	[tilespmem:$0x1FEC0] =	vst v1;
	v1 =	vld [tilespmem:s0+$0xDC70];
	_ =	sdelay $0x1  }
0x12d: {  	v33 =	vld [tilespmem:s29+$0x2470]  }
0x12e: {  	v39 =	vld [tilespmem:s29+$0xE460]  }
0x12f: {  	[tilespmem:$0x1FE80] =	vst v3;
	v3 =	vld [tilespmem:s0+$0xDC20]  }
0x130: {  	[tilespmem:$0x1FED0] =	vst v1;
	v1 =	vld [tilespmem:s0+$0xE000]  }
0x131: {  	v40 =	vld [tilespmem:s29+$0x2460]  }
0x132: {  	v41 =	vld [tilespmem:s29+$0xE450]  }
0x133: {  	v2 =	vld [tilespmem:s29+$0xE430]  }
0x134: {  	[tilespmem:$0x1FEB0] =	vst v3;
	v3 =	vld [tilespmem:s0+$0xDC30]  }
0x135: {  	[tilespmem:$0x1FEE0] =	vst v1;
	v1 =	vld [tilespmem:s0+$0xE010]  }
0x136: {  	v42 =	vld [tilespmem:s29+$0x2450]  }
0x137: {  	v43 =	vld [tilespmem:s29+$0xE440];
	v0 =	vmul.f32 $5.000000000e-01, v0  }
0x138: {  	v44 =	vld [tilespmem:s29+$0x2440]  }
0x139: {  	v28 =	vld [tilespmem:s29+$0xE470];
	v0 =	vadd.f32 v0, v2;
	[tilespmem:$0x1FE90] =	vst v3  }
0x13a: {  	v3 =	vld [tilespmem:s0+$0xDC40];
	[tilespmem:$0x1FEF0] =	vst v1  }
0x13b: {  	v1 =	vld [tilespmem:s0+$0xE020];
	[tilespmem:s29+$0x14430] =	vst v0  }
0x13c: {  	v0 =	vld [tilespmem:s12+$0x1040]  }
0x13d: {  	v45 =	vld [tilespmem:s0+$0x1000]  }
0x13e: {  	v46 =	vld [tilespmem:s0+$0x4000]  }
0x13f: {  	v47 =	vld [tilespmem:s0+$0x1010]  }
0x140: {  	v48 =	vld [tilespmem:s0+$0x4010]  }
0x141: {  	v49 =	vld [tilespmem:s0+$0x4020];
	v0 =	vadd.f32 v0, v44  }
0x142: {  	v50 =	vld [tilespmem:s0+$0x1030]  }
0x143: {  	v51 =	vld [tilespmem:s0+$0x4030];
	v0 =	vmul.f32 $5.000000000e-01, v0  }
0x144: {  	v52 =	vld [tilespmem:s0+$0x4040]  }
0x145: {  	[tilespmem:$0x1FF00] =	vst v1;
	v1 =	vld [tilespmem:s0+$0xE030];
	v0 =	vadd.f32 v0, v43  }
0x146: {  	v44 =	vld [tilespmem:s0+$0x1020]  }
0x147: {  	v43 =	vld [tilespmem:s0+$0x1040];
	[tilespmem:s29+$0x14440] =	vst v0  }
0x148: {  	v0 =	vld [tilespmem:s12+$0x1050]  }
0x149: {  	v53 =	vld [tilespmem:s0+$0x1050]  }
0x14a: {  	v54 =	vld [tilespmem:s0+$0x4050]  }
0x14b: {  	v55 =	vld [tilespmem:s0+$0x1060]  }
0x14c: {  	v56 =	vld [tilespmem:s0+$0x4060]  }
0x14d: {  	v57 =	vld [tilespmem:s0+$0x1070];
	v0 =	vadd.f32 v0, v42  }
0x14e: {  	v58 =	vld [tilespmem:s0+$0x1400]  }
0x14f: {  	v59 =	vld [tilespmem:s0+$0x4400];
	v0 =	vmul.f32 $5.000000000e-01, v0  }
0x150: {  	v60 =	vld [tilespmem:s0+$0x1410]  }
0x151: {  	v61 =	vld [tilespmem:s0+$0x1420];
	v0 =	vadd.f32 v0, v41  }
0x152: {  	v42 =	vld [tilespmem:s0+$0x4070]  }
0x153: {  	v41 =	vld [tilespmem:s0+$0x4410];
	[tilespmem:s29+$0x14450] =	vst v0  }
0x154: {  	v0 =	vld [tilespmem:s12+$0x1060]  }
0x155: {  	v62 =	vld [tilespmem:s0+$0x4420]  }
0x156: {  	v63 =	vld [tilespmem:s0+$0x1430]  }
0x157: {  	[tilespmem:$0x1FF10] =	vst v1;
	v1 =	vld [tilespmem:s0+$0x4430]  }
0x158: {  	v2 =	vld [tilespmem:s0+$0x1440]  }
0x159: {  	[tilespmem:$0x1FEA0] =	vst v3;
	v3 =	vld [tilespmem:s0+$0x4440];
	v0 =	vadd.f32 v0, v40  }
0x15a: {  	v4 =	vld [tilespmem:s0+$0x4450]  }
0x15b: {  	v5 =	vld [tilespmem:s0+$0x1460];
	v0 =	vmul.f32 $5.000000000e-01, v0  }
0x15c: {  	v6 =	vld [tilespmem:s0+$0x4460]  }
0x15d: {  	v7 =	vld [tilespmem:s0+$0x4470];
	v0 =	vadd.f32 v0, v39  }
0x15e: {  	v40 =	vld [tilespmem:s0+$0x1450]  }
0x15f: {  	v39 =	vld [tilespmem:s0+$0x1470];
	[tilespmem:s29+$0x14460] =	vst v0  }
0x160: {  	v0 =	vld [tilespmem:s12+$0x1070]  }
0x161: {  	v8 =	vld [tilespmem:s0+$0x1800]  }
0x162: {  	v9 =	vld [tilespmem:s0+$0x4800]  }
0x163: {  	v11 =	vld [tilespmem:s0+$0x1810]  }
0x164: {  	v10 =	vld [tilespmem:s0+$0x4810]  }
0x165: {  	v13 =	vld [tilespmem:s0+$0x1820];
	v0 =	vadd.f32 v0, v33  }
0x166: {  	v14 =	vld [tilespmem:s0+$0x1830]  }
0x167: {  	v12 =	vld [tilespmem:s0+$0x4830];
	v0 =	vmul.f32 $5.000000000e-01, v0  }
0x168: {  	v15 =	vld [tilespmem:s0+$0x1840]  }
0x169: {  	v16 =	vld [tilespmem:s0+$0x1850];
	v0 =	vadd.f32 v0, v28  }
0x16a: {  	v45 =	vadd.f32 v46, v45;
	v33 =	vld [tilespmem:s0+$0x4820]  }
0x16b: {  	v47 =	vadd.f32 v48, v47;
	v28 =	vld [tilespmem:s0+$0x4840];
	[tilespmem:s29+$0x14470] =	vst v0;
	s29 =	smov.u32 s0  }
0x16c: {  	v45 =	vmul.f32 $5.000000000e-01, v45;
	v1 =	vadd.f32 v1, v63;
	v0 =	vld [tilespmem:s29+$0x4850]  }
0x16d: {  	v50 =	vadd.f32 v51, v50;
	v47 =	vmul.f32 $5.000000000e-01, v47;
	v44 =	vadd.f32 v49, v44;
	v17 =	vld [tilespmem:s29+$0x1860]  }
0x16e: {  	v38 =	vadd.f32 v45, v38;
	v1 =	vmul.f32 $5.000000000e-01, v1;
	v4 =	vadd.f32 v4, v40;
	v46 =	vld [tilespmem:s29+$0x4860]  }
0x16f: {  	v37 =	vadd.f32 v47, v37;
	v44 =	vmul.f32 $5.000000000e-01, v44;
	v43 =	vadd.f32 v52, v43;
	v48 =	vld [tilespmem:s29+$0x1870]  }
0x170: {  	v1 =	vadd.f32 v1, v25;
	v4 =	vmul.f32 $5.000000000e-01, v4;
	v7 =	vadd.f32 v7, v39;
	v49 =	vld [tilespmem:s29+$0x4870]  }
0x171: {  	v47 =	vmul.f32 $5.000000000e-01, v50;
	v36 =	vadd.f32 v44, v36;
	v50 =	vadd.f32 v54, v53;
	v51 =	vld [tilespmem:s29+$0x1C00]  }
0x172: {  	v45 =	vld [tilespmem:s29+$0x4C00];
	[tilespmem:s29+$0x13430] =	vst v1;
	v1 =	vadd.f32 v4, v23;
	v4 =	vmul.f32 $5.000000000e-01, v7;
	v7 =	vadd.f32 v10, v11  }
0x173: {  	v54 =	vmul.f32 $5.000000000e-01, v43;
	v55 =	vadd.f32 v56, v55;
	v56 =	vmul.f32 $5.000000000e-01, v50;
	v52 =	vld [tilespmem:s29+$0x1C10]  }
0x174: {  	v42 =	vadd.f32 v42, v57;
	v44 =	vld [tilespmem:s29+$0x4C10];
	[tilespmem:s29+$0x13450] =	vst v1;
	v1 =	vadd.f32 v4, v21;
	v4 =	vmul.f32 $5.000000000e-01, v7  }
0x175: {  	v34 =	vadd.f32 v54, v34;
	v53 =	vmul.f32 $5.000000000e-01, v55;
	v32 =	vadd.f32 v56, v32;
	v50 =	vld [tilespmem:s29+$0x1C20]  }
0x176: {  	v56 =	vmul.f32 $5.000000000e-01, v42;
	v2 =	vadd.f32 v3, v2;
	v55 =	vld [tilespmem:s29+$0x4C20];
	[tilespmem:s29+$0x13470] =	vst v1;
	v1 =	vadd.f32 v4, v19  }
0x177: {  	v54 =	vadd.f32 v59, v58;
	v57 =	vadd.f32 v41, v60;
	v58 =	vld [tilespmem:s29+$0x1C30]  }
0x178: {  	v30 =	vadd.f32 v56, v30;
	v5 =	vadd.f32 v6, v5;
	v2 =	vmul.f32 $5.000000000e-01, v2;
	[tilespmem:s29+$0x13810] =	vst v1;
	v1 =	vld [tilespmem:$0x1FE10]  }
0x179: {  	v60 =	vadd.f32 v62, v61;
	v61 =	vld [tilespmem:s29+$0x4C30];
	v7 =	vadd.f32 v12, v14  }
0x17a: {  	v5 =	vmul.f32 $5.000000000e-01, v5;
	v2 =	vadd.f32 v2, v24;
	v8 =	vadd.f32 v9, v8;
	v63 =	vld [tilespmem:s29+$0x1C40]  }
0x17b: {  	v3 =	vld [tilespmem:s29+$0x4C40];
	[tilespmem:s29+$0x13070] =	vst v30;
	v4 =	vmul.f32 $5.000000000e-01, v7  }
0x17c: {  	v30 =	vld [tilespmem:s29+$0x1C50];
	[tilespmem:s29+$0x13440] =	vst v2;
	v2 =	vadd.f32 v5, v22;
	v5 =	vmul.f32 $5.000000000e-01, v8;
	v8 =	vadd.f32 v33, v13  }
0x17d: {  	v6 =	vld [tilespmem:s29+$0x4C50];
	v1 =	vadd.f32 v4, v1  }
0x17e: {  	v25 =	vld [tilespmem:s29+$0x1C60];
	[tilespmem:s29+$0x13460] =	vst v2;
	v2 =	vadd.f32 v5, v20;
	v5 =	vmul.f32 $5.000000000e-01, v8  }
0x17f: {  	[tilespmem:s29+$0x13830] =	vst v1;
	v1 =	vld [tilespmem:$0x1FE30]  }
0x180: {  	v9 =	vld [tilespmem:s29+$0x4C60];
	[tilespmem:s29+$0x13800] =	vst v2;
	v2 =	vadd.f32 v5, v18;
	v0 =	vadd.f32 v0, v16  }
0x181: {  	v23 =	vld [tilespmem:s29+$0x1C70]  }
0x182: {  	[tilespmem:s29+$0x13820] =	vst v2;
	v2 =	vld [tilespmem:$0x1FE20];
	v0 =	vmul.f32 $5.000000000e-01, v0  }
0x183: {  	v22 =	vld [tilespmem:s29+$0x4C70];
	v8 =	vadd.f32 v28, v15  }
0x184: {  	v24 =	vld [tilespmem:s29+$0x5000];
	v0 =	vadd.f32 v0, v1  }
0x185: {  	v13 =	vld [tilespmem:s29+$0x5040];
	v5 =	vmul.f32 $5.000000000e-01, v8  }
0x186: {  	[tilespmem:s29+$0x13850] =	vst v0;
	v0 =	vld [tilespmem:$0x1FE50]  }
0x187: {  	v11 =	vld [tilespmem:s29+$0x2050];
	v4 =	vadd.f32 v49, v48;
	v2 =	vadd.f32 v5, v2  }
0x188: {  	v10 =	vld [tilespmem:s29+$0x5050]  }
0x189: {  	[tilespmem:s29+$0x13840] =	vst v2;
	v2 =	vld [tilespmem:$0x1FE40];
	v1 =	vmul.f32 $5.000000000e-01, v4  }
0x18a: {  	v21 =	vld [tilespmem:s29+$0x2000];
	v7 =	vadd.f32 v46, v17  }
0x18b: {  	[tilespmem:s29+$0x13000] =	vst v38;
	v20 =	vld [tilespmem:s29+$0x2010];
	v0 =	vadd.f32 v1, v0  }
0x18c: {  	v31 =	vadd.f32 v53, v31;
	[tilespmem:s29+$0x13010] =	vst v37;
	v15 =	vld [tilespmem:s29+$0x5030];
	v5 =	vmul.f32 $5.000000000e-01, v7  }
0x18d: {  	[tilespmem:s29+$0x13870] =	vst v0;
	v0 =	vld [tilespmem:$0x1FE80]  }
0x18e: {  	[tilespmem:s29+$0x13060] =	vst v31;
	v31 =	vmul.f32 $5.000000000e-01, v60;
	v14 =	vld [tilespmem:s29+$0x2040];
	v4 =	vadd.f32 v44, v52;
	v2 =	vadd.f32 v5, v2  }
0x18f: {  	v35 =	vadd.f32 v47, v35;
	[tilespmem:s29+$0x13020] =	vst v36;
	v19 =	vld [tilespmem:s29+$0x5010]  }
0x190: {  	v26 =	vadd.f32 v31, v26;
	[tilespmem:s29+$0x13860] =	vst v2;
	v2 =	vld [tilespmem:$0x1FE60];
	v1 =	vmul.f32 $5.000000000e-01, v4  }
0x191: {  	v59 =	vmul.f32 $5.000000000e-01, v54;
	[tilespmem:s29+$0x13030] =	vst v35;
	v18 =	vld [tilespmem:s29+$0x2020];
	v7 =	vadd.f32 v45, v51  }
0x192: {  	p1 =	sne.s32 s2, $0xF;
	v62 =	vmul.f32 $5.000000000e-01, v57;
	[tilespmem:s29+$0x13420] =	vst v26;
	v26 =	vadd.f32 v1, v0;
	v0 =	vld [tilespmem:$0x1FEB0]  }
.Ltmp2:
0x193: {  	v29 =	vadd.f32 v59, v29;
	[tilespmem:s29+$0x13040] =	vst v34;
	v17 =	vld [tilespmem:s29+$0x5020];
	v5 =	vmul.f32 $5.000000000e-01, v7;
	v7 =	vadd.f32 v55, v50;
	(pc) =	sbr.rel @p1 .LBB2_3-.Ltmp2, $4  }
0x194: {  	v27 =	vadd.f32 v62, v27;
	[tilespmem:s29+$0x13050] =	vst v32;
	v16 =	vld [tilespmem:s29+$0x2030];
	v4 =	vadd.f32 v61, v58  }
0x195: {  	[tilespmem:s29+$0x13400] =	vst v29;
	v3 =	vadd.f32 v3, v63;
	v2 =	vadd.f32 v5, v2;
	v5 =	vmul.f32 $5.000000000e-01, v7;
	v7 =	vld [tilespmem:$0x1FE70]  }
0x196: {  	[tilespmem:s29+$0x13410] =	vst v27;
	v12 =	vadd.f32 v6, v30;
	v29 =	vmul.f32 $5.000000000e-01, v4;
	v4 =	vld [tilespmem:$0x1FEA0]  }
0x197: {  	s2 =	sadd.s32 $0x1, s2;
	v25 =	vadd.f32 v9, v25;
	v28 =	vmul.f32 $5.000000000e-01, v3;
	[tilespmem:s29+$0x13C00] =	vst v2;
	v1 =	vld [tilespmem:$0x1FE90];
	v27 =	vadd.f32 v5, v0  }
0x198: {  	_ =	sdelay $0x2  }
0x199: {  	[tilespmem:s29+$0x13C10] =	vst v26;
	v4 =	vadd.f32 v28, v4  }
0x19a: {  	[tilespmem:s29+$0x13C20] =	vst v27;
	v1 =	vadd.f32 v29, v1  }
0x19b: {  	[tilespmem:s29+$0x13C40] =	vst v4  }
0x19c: {  	[tilespmem:s29+$0x13C30] =	vst v1  }
0x19d: {  	v3 =	vmul.f32 $5.000000000e-01, v12;
	v8 =	vld [tilespmem:$0x1FEC0];
	_ =	sdelay $0x1  }
0x19e: {  	v3 =	vadd.f32 v3, v7  }
0x19f: {  	v6 =	vmul.f32 $5.000000000e-01, v25  }
0x1a0: {  	[tilespmem:s29+$0x13C50] =	vst v3  }
0x1a1: {  	v9 =	vld [tilespmem:$0x1FED0];
	v6 =	vadd.f32 v6, v8  }
0x1a2: {  	v5 =	vadd.f32 v22, v23  }
0x1a3: {  	[tilespmem:s29+$0x13C60] =	vst v6  }
0x1a4: {  	v5 =	vmul.f32 $5.000000000e-01, v5;
	v12 =	vld [tilespmem:$0x1FEE0]  }
0x1a5: {  	v7 =	vadd.f32 v24, v21  }
0x1a6: {  	v5 =	vadd.f32 v5, v9  }
0x1a7: {  	v0 =	vld [tilespmem:s29+$0x2060];
	v7 =	vmul.f32 $5.000000000e-01, v7  }
0x1a8: {  	v2 =	vld [tilespmem:s29+$0x5060];
	[tilespmem:s29+$0x13C70] =	vst v5  }
0x1a9: {  	v7 =	vadd.f32 v7, v12;
	v12 =	vadd.f32 v15, v16;
	v15 =	vld [tilespmem:$0x1FEF0]  }
0x1aa: {  	v4 =	vld [tilespmem:s29+$0x5070];
	v8 =	vadd.f32 v19, v20  }
0x1ab: {  	v1 =	vld [tilespmem:s29+$0x2070]  }
0x1ac: {  	v3 =	vld [tilespmem:s29+$0xE040];
	v8 =	vmul.f32 $5.000000000e-01, v8  }
0x1ad: {  	v13 =	vadd.f32 v13, v14;
	v6 =	vld [tilespmem:s29+$0xE050]  }
0x1ae: {  	v10 =	vadd.f32 v10, v11;
	v5 =	vld [tilespmem:s29+$0xE060];
	v8 =	vadd.f32 v8, v15  }
0x1af: {  	v11 =	vmul.f32 $5.000000000e-01, v13;
	v0 =	vadd.f32 v2, v0;
	[tilespmem:s29+$0x14000] =	vst v7;
	v7 =	vld [tilespmem:s29+$0xE070]  }
0x1b0: {  	v2 =	vmul.f32 $5.000000000e-01, v10;
	v1 =	vadd.f32 v4, v1;
	v14 =	vld [tilespmem:$0x1FF00];
	[tilespmem:s29+$0x14010] =	vst v8  }
0x1b1: {  	v0 =	vmul.f32 $5.000000000e-01, v0;
	v3 =	vadd.f32 v11, v3;
	v9 =	vadd.f32 v17, v18;
	v13 =	vld [tilespmem:$0x1FF10]  }
0x1b2: {  	v1 =	vmul.f32 $5.000000000e-01, v1;
	v2 =	vadd.f32 v2, v6  }
0x1b3: {  	v9 =	vmul.f32 $5.000000000e-01, v9;
	v0 =	vadd.f32 v0, v5;
	[tilespmem:s29+$0x14040] =	vst v3  }
0x1b4: {  	v12 =	vmul.f32 $5.000000000e-01, v12;
	v1 =	vadd.f32 v1, v7;
	[tilespmem:s29+$0x14050] =	vst v2  }
0x1b5: {  	v9 =	vadd.f32 v9, v14;
	[tilespmem:s29+$0x14060] =	vst v0  }
0x1b6: {  	[tilespmem:s29+$0x14070] =	vst v1;
	v12 =	vadd.f32 v12, v13  }
0x1b7: {  	s0 =	sor.u32 s31, s30;
	[tilespmem:s29+$0x14020] =	vst v9  }
0x1b8: {  	s0 =	sor.u32 $0x4400, s0;
	v1 =	vld [tilespmem:s29+$0x2400];
	[tilespmem:s29+$0x14030] =	vst v12  }
0x1b9: {  	v4 =	vld [tilespmem:s0+$0x1000];
	_ =	sdelay $0x3  }
0x1ba: {  	v7 =	vld [tilespmem:s29+$0xE400]  }
0x1bb: {  	v1 =	vadd.f32 v4, v1;
	_ =	sdelay $0x1  }
0x1bc: {  	v1 =	vmul.f32 $5.000000000e-01, v1;
	_ =	sdelay $0x1  }
0x1bd: {  	v1 =	vadd.f32 v1, v7;
	_ =	sdelay $0x1  }
0x1be: {  	v7 =	vld [tilespmem:s29+$0x2410];
	[tilespmem:s29+$0x14400] =	vst v1  }
0x1bf: {  	v1 =	vld [tilespmem:s0+$0x1010];
	_ =	sdelay $0x3  }
0x1c0: {  	v14 =	vld [tilespmem:s29+$0xE410]  }
0x1c1: {  	v1 =	vadd.f32 v1, v7;
	_ =	sdelay $0x1  }
0x1c2: {  	v1 =	vmul.f32 $5.000000000e-01, v1;
	_ =	sdelay $0x1  }
0x1c3: {  	v1 =	vadd.f32 v1, v14;
	_ =	sdelay $0x1  }
0x1c4: {  	v13 =	vld [tilespmem:s29+$0x2420];
	[tilespmem:s29+$0x14410] =	vst v1  }
0x1c5: {  	v1 =	vld [tilespmem:s0+$0x1020];
	_ =	sdelay $0x3  }
0x1c6: {  	v12 =	vld [tilespmem:s29+$0xE420]  }
0x1c7: {  	v1 =	vadd.f32 v1, v13;
	_ =	sdelay $0x1  }
0x1c8: {  	v1 =	vmul.f32 $5.000000000e-01, v1;
	_ =	sdelay $0x1  }
0x1c9: {  	v1 =	vadd.f32 v1, v12;
	_ =	sdelay $0x1  }
0x1ca: {  	v4 =	vld [tilespmem:s29+$0x2430];
	[tilespmem:s29+$0x14420] =	vst v1  }
0x1cb: {  	v1 =	vld [tilespmem:s0+$0x1030];
	_ =	sdelay $0x3  }
0x1cc: {  	v11 =	vld [tilespmem:s29+$0xE430]  }
0x1cd: {  	v1 =	vadd.f32 v1, v4;
	_ =	sdelay $0x1  }
0x1ce: {  	v1 =	vmul.f32 $5.000000000e-01, v1;
	_ =	sdelay $0x1  }
0x1cf: {  	v1 =	vadd.f32 v1, v11;
	_ =	sdelay $0x1  }
0x1d0: {  	v6 =	vld [tilespmem:s29+$0x2440];
	[tilespmem:s29+$0x14430] =	vst v1  }
0x1d1: {  	v1 =	vld [tilespmem:s0+$0x1040];
	_ =	sdelay $0x3  }
0x1d2: {  	v5 =	vld [tilespmem:s29+$0xE440]  }
0x1d3: {  	v1 =	vadd.f32 v1, v6;
	_ =	sdelay $0x1  }
0x1d4: {  	v1 =	vmul.f32 $5.000000000e-01, v1;
	_ =	sdelay $0x1  }
0x1d5: {  	v1 =	vadd.f32 v1, v5;
	_ =	sdelay $0x1  }
0x1d6: {  	v0 =	vld [tilespmem:s29+$0x2450];
	[tilespmem:s29+$0x14440] =	vst v1  }
0x1d7: {  	v1 =	vld [tilespmem:s0+$0x1050];
	_ =	sdelay $0x3  }
0x1d8: {  	v2 =	vld [tilespmem:s29+$0xE450]  }
0x1d9: {  	v0 =	vadd.f32 v1, v0;
	_ =	sdelay $0x1  }
0x1da: {  	v0 =	vmul.f32 $5.000000000e-01, v0;
	_ =	sdelay $0x1  }
0x1db: {  	v0 =	vadd.f32 v0, v2;
	_ =	sdelay $0x1  }
0x1dc: {  	v3 =	vld [tilespmem:s29+$0x2460];
	[tilespmem:s29+$0x14450] =	vst v0  }
0x1dd: {  	v0 =	vld [tilespmem:s0+$0x1060];
	_ =	sdelay $0x3  }
0x1de: {  	v10 =	vld [tilespmem:s29+$0xE460]  }
0x1df: {  	v0 =	vadd.f32 v0, v3;
	_ =	sdelay $0x1  }
0x1e0: {  	v0 =	vmul.f32 $5.000000000e-01, v0;
	_ =	sdelay $0x1  }
0x1e1: {  	v0 =	vadd.f32 v0, v10;
	_ =	sdelay $0x1  }
0x1e2: {  	v9 =	vld [tilespmem:s29+$0x2470];
	[tilespmem:s29+$0x14460] =	vst v0  }
0x1e3: {  	v0 =	vld [tilespmem:s0+$0x1070];
	_ =	sdelay $0x3  }
0x1e4: {  	v8 =	vld [tilespmem:s29+$0xE470]  }
0x1e5: {  	v0 =	vadd.f32 v0, v9;
	_ =	sdelay $0x1  }
0x1e6: {  	v0 =	vmul.f32 $5.000000000e-01, v0  }
0x1e7: {  	s2 =	sadd.s32 s6, s26  }
0x1e8: {  	s0 =	smul.u32 $0x600, s2;
	v0 =	vadd.f32 v0, v8;
	_ =	sdelay $0x1  }
0x1e9: {  	p1 =	seq.s32 s25, $0xF;
	s0 =	sadd.s32 s4, s0;
	[tilespmem:s29+$0x14470] =	vst v0  }
0x1ea: {  	[hbm4b:s0+s5] =	stream.linear.scatter [tilespmem:s18], [sflag:$0x5], $0x3000, $0x38;
	[tilespmem:$0x19000] =	vst v63  }
0x1eb: {  	s0 =	sadd.s32 @!p1 $0x2, s26  }
0x1ec: {  	s2 =	sshll.u32 @!p1 s0, $0x7  }
0x1ed: {  	s2 =	sand.u32 @!p1 $0x3FFFFF80, s2  }
0x1ee: {  	v0 =	vld.msk @!p1 [tilespmem:s2+$0x0], $0x3;
	_ =	sdelay $0x4  }
0x1ef: {  	v0 =	vmul.u32 @!p1 $0x3000, v0  }
0x1f0: {  	v1 =	vlaneseq.u32 @!p1  }
0x1f1: {  	v0 =	vperm.xlane @!p1 v0, v1;
	_ =	sdelay $0x3  }
0x1f2: {  	s0 =	sadd.s32 @!p1 s6, s0  }
0x1f3: {  	vm1 =	vmmov @!p1 $0x3;
	s12 =	simm.s32 @!p1 $0x1000;
	s0 =	smul.u32 @!p1 $0x600, s0;
	s2 =	simm.s32 @!p1 $0x0  }
0x1f4: {  	[tilespmem:s12], [sflag:$0x1] =	stream.indirect_vreg.gather @!p1 [hbm4b:s1+s2], $0x3000, v0, vm1, $0x38;
	[tilespmem:$0x19000] =	vst v63  }
0x1f5: {  	s0 =	sadd.s32 @!p1 s3, s0;
	s12 =	simm.s32 @!p1 $0xD000  }
0x1f6: {  	[tilespmem:s12], [sflag:$0x3] =	stream.linear.gather @!p1 [hbm4b:s0+s2], $0x3000, $0x38;
	[tilespmem:$0x19000] =	vst v63  }
0x1f7: {  	_ =	swait.ge [sflag:s19], $0x6000  }
0x1f8: {  	[sflag:s19] =	ssyncset.done $0x0  }
0x1f9: {  	[sflag:s19] =	ssyncadd.s32 $0xFFFFA000  }
0x1fa: {  	_ =	swait.ge [sflag:s20], $0x3000  }
0x1fb: {  	[sflag:s20] =	ssyncset.done $0x0  }
0x1fc: {  	s0 =	simm.s32 @!p0 $0x6;
	s12 =	simm.s32 $0x0;
	[sflag:s20] =	ssyncadd.s32 $0xFFFFD000  }
0x1fd: {  	s30 =	simm.s32 $0x0;
	s31 =	smul.u32 $0x1800, s12;
	_ =	swait.ge @!p0 [sflag:s0], $0x3000  }
0x1fe: {  	s12 =	sand.u32 $0x380, s30;
	[sflag:s0] =	ssyncset.done @!p0 $0x0  }
0x1ff: {  	s29 =	sor.u32 s12, s31;
	[sflag:s0] =	ssyncadd.s32 @!p0 $0xFFFFD000  }
0x200: {  	v13 =	vld [tilespmem:s29+$0x10000]  }
0x201: {  	v27 =	vld [tilespmem:s29+$0x10010]  }
0x202: {  	v28 =	vld [tilespmem:s29+$0x10020]  }
0x203: {  	v29 =	vld [tilespmem:s29+$0x10030]  }
0x204: {  	v0 =	vld [tilespmem:s29+$0x10410]  }
0x205: {  	v20 =	vld [tilespmem:s29+$0x10040]  }
0x206: {  	v21 =	vld [tilespmem:s29+$0x10050]  }
0x207: {  	v22 =	vld [tilespmem:s29+$0x10060]  }
0x208: {  	v23 =	vld [tilespmem:s29+$0x10070]  }
0x209: {  	v24 =	vld [tilespmem:s29+$0x10400];
	[tilespmem:$0x1FD30] =	vst v0  }
0x20a: {  	v0 =	vld [tilespmem:s29+$0x10420];
	_ =	sdelay $0x4  }
0x20b: {  	[tilespmem:$0x1FD40] =	vst v0  }
0x20c: {  	v0 =	vld [tilespmem:s29+$0x10430];
	_ =	sdelay $0x4  }
0x20d: {  	[tilespmem:$0x1FD50] =	vst v0  }
0x20e: {  	v0 =	vld [tilespmem:s29+$0x10440];
	_ =	sdelay $0x4  }
0x20f: {  	[tilespmem:$0x1FD60] =	vst v0  }
0x210: {  	v0 =	vld [tilespmem:s29+$0x10450];
	_ =	sdelay $0x4  }
0x211: {  	[tilespmem:$0x1FD70] =	vst v0  }
0x212: {  	v0 =	vld [tilespmem:s29+$0x10460];
	_ =	sdelay $0x4  }
0x213: {  	[tilespmem:$0x1FD80] =	vst v0  }
0x214: {  	v0 =	vld [tilespmem:s29+$0x10470];
	_ =	sdelay $0x4  }
0x215: {  	[tilespmem:$0x1FD90] =	vst v0  }
0x216: {  	v0 =	vld [tilespmem:s29+$0x10800];
	_ =	sdelay $0x4  }
0x217: {  	[tilespmem:$0x1FDA0] =	vst v0  }
0x218: {  	v0 =	vld [tilespmem:s29+$0x10810];
	_ =	sdelay $0x4  }
0x219: {  	[tilespmem:$0x1FDB0] =	vst v0  }
0x21a: {  	v0 =	vld [tilespmem:s29+$0x10820];
	_ =	sdelay $0x4  }
0x21b: {  	[tilespmem:$0x1FDC0] =	vst v0  }
0x21c: {  	v0 =	vld [tilespmem:s29+$0x10830];
	_ =	sdelay $0x4  }
0x21d: {  	[tilespmem:$0x1FDD0] =	vst v0  }
0x21e: {  	v0 =	vld [tilespmem:s29+$0x10840];
	_ =	sdelay $0x4  }
0x21f: {  	[tilespmem:$0x1FDE0] =	vst v0  }
0x220: {  	v0 =	vld [tilespmem:s29+$0x10C20]  }
0x221: {  	v9 =	vld [tilespmem:s29+$0x10850]  }
0x222: {  	v8 =	vld [tilespmem:s29+$0x10860]  }
0x223: {  	v6 =	vld [tilespmem:s29+$0x10870]  }
0x224: {  	v5 =	vld [tilespmem:s29+$0x10C00]  }
0x225: {  	v3 =	vld [tilespmem:s29+$0x10C10];
	[tilespmem:$0x1FE00] =	vst v0  }
0x226: {  	v0 =	vld [tilespmem:s29+$0x10C60];
	_ =	sdelay $0x2  }
0x227: {  	v1 =	vld [tilespmem:s29+$0x10C30]  }
0x228: {  	v4 =	vld [tilespmem:s29+$0x10C40]  }
0x229: {  	v7 =	vld [tilespmem:s29+$0x10C50];
	[tilespmem:$0x1FCD0] =	vst v0  }
0x22a: {  	v0 =	vld [tilespmem:s29+$0x10C70];
	_ =	sdelay $0x4  }
0x22b: {  	[tilespmem:$0x1FCE0] =	vst v0  }
0x22c: {  	v0 =	vld [tilespmem:s29+$0x11000];
	_ =	sdelay $0x4  }
0x22d: {  	[tilespmem:$0x1FCF0] =	vst v0  }
0x22e: {  	v0 =	vld [tilespmem:s29+$0x11010];
	_ =	sdelay $0x4  }
0x22f: {  	[tilespmem:$0x1FD00] =	vst v0  }
0x230: {  	v0 =	vld [tilespmem:s29+$0x11020];
	_ =	sdelay $0x4  }
0x231: {  	[tilespmem:$0x1FD10] =	vst v0  }
0x232: {  	v0 =	vld [tilespmem:s29+$0x11030];
	_ =	sdelay $0x4  }
0x233: {  	[tilespmem:$0x1FD20] =	vst v0  }
0x234: {  	v36 =	vld [tilespmem:s29+$0x7000]  }
0x235: {  	v37 =	vld [tilespmem:s29+$0xA000]  }
0x236: {  	v38 =	vld [tilespmem:s29+$0x7010]  }
0x237: {  	v39 =	vld [tilespmem:s29+$0xA010]  }
0x238: {  	v40 =	vld [tilespmem:s29+$0x7020]  }
0x239: {  	v41 =	vld [tilespmem:s29+$0xA020]  }
0x23a: {  	v42 =	vld [tilespmem:s29+$0x7030]  }
0x23b: {  	v43 =	vld [tilespmem:s29+$0xA030]  }
0x23c: {  	v44 =	vld [tilespmem:s29+$0x7040]  }
0x23d: {  	v45 =	vld [tilespmem:s29+$0xA040]  }
0x23e: {  	v46 =	vld [tilespmem:s29+$0x7050]  }
0x23f: {  	v47 =	vld [tilespmem:s29+$0xA050]  }
0x240: {  	v48 =	vld [tilespmem:s29+$0x7060]  }
0x241: {  	v49 =	vld [tilespmem:s29+$0xA060]  }
0x242: {  	v50 =	vld [tilespmem:s29+$0x7070]  }
0x243: {  	v51 =	vld [tilespmem:s29+$0xA070]  }
0x244: {  	v52 =	vld [tilespmem:s29+$0x7400]  }
0x245: {  	v53 =	vld [tilespmem:s29+$0xA400]  }
0x246: {  	v54 =	vld [tilespmem:s29+$0x7410]  }
0x247: {  	v55 =	vld [tilespmem:s29+$0xA410]  }
0x248: {  	v56 =	vld [tilespmem:s29+$0x7420]  }
0x249: {  	v57 =	vld [tilespmem:s29+$0xA420]  }
0x24a: {  	v58 =	vld [tilespmem:s29+$0x7430]  }
0x24b: {  	v59 =	vld [tilespmem:s29+$0xA430]  }
0x24c: {  	v60 =	vld [tilespmem:s29+$0x7440]  }
0x24d: {  	v61 =	vld [tilespmem:s29+$0xA440]  }
0x24e: {  	v62 =	vld [tilespmem:s29+$0x7450]  }
0x24f: {  	v63 =	vld [tilespmem:s29+$0xA450]  }
0x250: {  	v10 =	vld [tilespmem:s29+$0x7460]  }
0x251: {  	v0 =	vld [tilespmem:s29+$0xA460]  }
0x252: {  	v12 =	vld [tilespmem:s29+$0x7470]  }
0x253: {  	v11 =	vld [tilespmem:s29+$0xA470]  }
0x254: {  	v15 =	vld [tilespmem:s29+$0x7800]  }
0x255: {  	v14 =	vld [tilespmem:s29+$0xA800]  }
0x256: {  	v17 =	vld [tilespmem:s29+$0x7810]  }
0x257: {  	v16 =	vld [tilespmem:s29+$0xA810]  }
0x258: {  	v19 =	vld [tilespmem:s29+$0x7820]  }
0x259: {  	v18 =	vld [tilespmem:s29+$0xA820]  }
0x25a: {  	v26 =	vld [tilespmem:s29+$0x7830]  }
0x25b: {  	v25 =	vld [tilespmem:s29+$0xA830]  }
0x25c: {  	v31 =	vld [tilespmem:s29+$0x7840]  }
0x25d: {  	v30 =	vld [tilespmem:s29+$0xA840]  }
0x25e: {  	v33 =	vld [tilespmem:s29+$0x7850]  }
0x25f: {  	v2 =	vld [tilespmem:s29+$0x7C00];
	v36 =	vadd.f32 v37, v36  }
0x260: {  	v32 =	vld [tilespmem:s29+$0xA850]  }
0x261: {  	v34 =	vld [tilespmem:s29+$0x7860];
	v36 =	vmul.f32 $5.000000000e-01, v36  }
0x262: {  	v35 =	vld [tilespmem:s29+$0x7870]  }
0x263: {  	v37 =	vld [tilespmem:s29+$0xA860];
	v40 =	vadd.f32 v41, v40;
	v13 =	vadd.f32 v36, v13  }
0x264: {  	v38 =	vadd.f32 v39, v38;
	v39 =	vld [tilespmem:s29+$0xA870];
	[tilespmem:$0x1FDF0] =	vst v2  }
0x265: {  	[tilespmem:s29+$0x16000] =	vst v13;
	v13 =	vmul.f32 $5.000000000e-01, v40;
	_ =	sdelay $0x1  }
0x266: {  	v45 =	vadd.f32 v45, v44;
	v13 =	vadd.f32 v13, v28;
	_ =	sdelay $0x1  }
0x267: {  	v47 =	vadd.f32 v47, v46;
	v36 =	vmul.f32 $5.000000000e-01, v38;
	[tilespmem:s29+$0x16020] =	vst v13;
	v13 =	vmul.f32 $5.000000000e-01, v45  }
0x268: {  	v42 =	vadd.f32 v43, v42  }
0x269: {  	v27 =	vadd.f32 v36, v27;
	v13 =	vadd.f32 v13, v20;
	v20 =	vmul.f32 $5.000000000e-01, v47  }
0x26a: {  	v49 =	vadd.f32 v49, v48  }
0x26b: {  	v50 =	vadd.f32 v51, v50;
	[tilespmem:s29+$0x16010] =	vst v27;
	v27 =	vmul.f32 $5.000000000e-01, v42;
	v20 =	vadd.f32 v20, v21  }
0x26c: {  	[tilespmem:s29+$0x16040] =	vst v13;
	v13 =	vmul.f32 $5.000000000e-01, v49  }
0x26d: {  	v27 =	vadd.f32 v27, v29;
	[tilespmem:s29+$0x16050] =	vst v20;
	v20 =	vmul.f32 $5.000000000e-01, v50  }
0x26e: {  	v13 =	vadd.f32 v13, v22  }
0x26f: {  	[tilespmem:s29+$0x16030] =	vst v27;
	v20 =	vadd.f32 v20, v23  }
0x270: {  	v21 =	vadd.f32 v53, v52;
	[tilespmem:s29+$0x16060] =	vst v13  }
0x271: {  	[tilespmem:s29+$0x16070] =	vst v20  }
0x272: {  	v13 =	vmul.f32 $5.000000000e-01, v21;
	v23 =	vld [tilespmem:$0x1FD30]  }
0x273: {  	v22 =	vadd.f32 v55, v54  }
0x274: {  	v13 =	vadd.f32 v13, v24  }
0x275: {  	v20 =	vmul.f32 $5.000000000e-01, v22  }
0x276: {  	[tilespmem:s29+$0x16400] =	vst v13  }
0x277: {  	v20 =	vadd.f32 v20, v23;
	v23 =	vld [tilespmem:$0x1FD40]  }
0x278: {  	v21 =	vadd.f32 v57, v56;
	_ =	sdelay $0x1  }
0x279: {  	v13 =	vmul.f32 $5.000000000e-01, v21  }
0x27a: {  	[tilespmem:s29+$0x16410] =	vst v20  }
0x27b: {  	v13 =	vadd.f32 v13, v23;
	v23 =	vld [tilespmem:$0x1FD50]  }
0x27c: {  	v22 =	vadd.f32 v59, v58;
	_ =	sdelay $0x1  }
0x27d: {  	v22 =	vmul.f32 $5.000000000e-01, v22  }
0x27e: {  	[tilespmem:s29+$0x16420] =	vst v13  }
0x27f: {  	v0 =	vadd.f32 v0, v10;
	v10 =	vld [tilespmem:$0x1FD60];
	v22 =	vadd.f32 v22, v23  }
0x280: {  	v21 =	vadd.f32 v61, v60  }
0x281: {  	[tilespmem:s29+$0x16430] =	vst v22  }
0x282: {  	v11 =	vadd.f32 v11, v12;
	v21 =	vmul.f32 $5.000000000e-01, v21;
	v12 =	vld [tilespmem:$0x1FD70]  }
0x283: {  	v20 =	vadd.f32 v63, v62  }
0x284: {  	v10 =	vadd.f32 v21, v10  }
0x285: {  	v13 =	vmul.f32 $5.000000000e-01, v20  }
0x286: {  	[tilespmem:s29+$0x16440] =	vst v10  }
0x287: {  	v12 =	vadd.f32 v13, v12;
	v13 =	vld [tilespmem:$0x1FD80];
	_ =	sdelay $0x2  }
0x288: {  	v0 =	vmul.f32 $5.000000000e-01, v0  }
0x289: {  	[tilespmem:s29+$0x16450] =	vst v12  }
0x28a: {  	v0 =	vadd.f32 v0, v13;
	v13 =	vld [tilespmem:$0x1FD90];
	_ =	sdelay $0x2  }
0x28b: {  	v11 =	vmul.f32 $5.000000000e-01, v11  }
0x28c: {  	[tilespmem:s29+$0x16460] =	vst v0  }
0x28d: {  	v11 =	vadd.f32 v11, v13;
	v13 =	vld [tilespmem:$0x1FDA0]  }
0x28e: {  	v10 =	vadd.f32 v14, v15;
	_ =	sdelay $0x1  }
0x28f: {  	v10 =	vmul.f32 $5.000000000e-01, v10  }
0x290: {  	[tilespmem:s29+$0x16470] =	vst v11  }
0x291: {  	v10 =	vadd.f32 v10, v13;
	v13 =	vld [tilespmem:$0x1FDB0]  }
0x292: {  	v12 =	vadd.f32 v16, v17;
	_ =	sdelay $0x1  }
0x293: {  	v12 =	vmul.f32 $5.000000000e-01, v12  }
0x294: {  	[tilespmem:s29+$0x16800] =	vst v10  }
0x295: {  	v12 =	vadd.f32 v12, v13;
	v13 =	vld [tilespmem:$0x1FDC0]  }
0x296: {  	v0 =	vadd.f32 v18, v19;
	_ =	sdelay $0x1  }
0x297: {  	v0 =	vmul.f32 $5.000000000e-01, v0  }
0x298: {  	[tilespmem:s29+$0x16810] =	vst v12  }
0x299: {  	v0 =	vadd.f32 v0, v13;
	v13 =	vld [tilespmem:$0x1FDD0]  }
0x29a: {  	v41 =	vld [tilespmem:s29+$0x7C10];
	v11 =	vadd.f32 v25, v26  }
0x29b: {  	v51 =	vld [tilespmem:s29+$0xAC30]  }
0x29c: {  	v38 =	vld [tilespmem:s29+$0xAC00];
	v11 =	vmul.f32 $5.000000000e-01, v11  }
0x29d: {  	v36 =	vld [tilespmem:s29+$0xAC10];
	[tilespmem:s29+$0x16820] =	vst v0  }
0x29e: {  	v11 =	vadd.f32 v11, v13;
	v13 =	vld [tilespmem:$0x1FDE0]  }
0x29f: {  	v28 =	vld [tilespmem:s29+$0x7C20];
	v10 =	vadd.f32 v30, v31  }
0x2a0: {  	v29 =	vld [tilespmem:s29+$0xAC20]  }
0x2a1: {  	v27 =	vld [tilespmem:s29+$0x7C30];
	v10 =	vmul.f32 $5.000000000e-01, v10  }
0x2a2: {  	v53 =	vld [tilespmem:s29+$0x7C40]  }
0x2a3: {  	v55 =	vld [tilespmem:s29+$0xAC40];
	v10 =	vadd.f32 v10, v13  }
0x2a4: {  	v57 =	vld [tilespmem:s29+$0x7C50];
	[tilespmem:s29+$0x16830] =	vst v11  }
0x2a5: {  	v59 =	vld [tilespmem:s29+$0xAC50];
	[tilespmem:s29+$0x16840] =	vst v10  }
0x2a6: {  	v2 =	vld [tilespmem:$0x1FDF0]  }
0x2a7: {  	v24 =	vld [tilespmem:s29+$0xB000]  }
0x2a8: {  	v61 =	vld [tilespmem:s29+$0x7C60];
	v12 =	vadd.f32 v32, v33  }
0x2a9: {  	v63 =	vld [tilespmem:s29+$0xAC60];
	v0 =	vadd.f32 v37, v34  }
0x2aa: {  	v20 =	vld [tilespmem:s29+$0x8010];
	v12 =	vmul.f32 $5.000000000e-01, v12;
	v11 =	vadd.f32 v39, v35  }
0x2ab: {  	v23 =	vld [tilespmem:s29+$0x7C70];
	v0 =	vmul.f32 $5.000000000e-01, v0;
	v10 =	vadd.f32 v38, v2  }
0x2ac: {  	v22 =	vld [tilespmem:s29+$0xAC70];
	v12 =	vadd.f32 v12, v9;
	v11 =	vmul.f32 $5.000000000e-01, v11  }
0x2ad: {  	v21 =	vld [tilespmem:s29+$0x8000];
	v0 =	vadd.f32 v0, v8;
	v10 =	vmul.f32 $5.000000000e-01, v10  }
0x2ae: {  	v15 =	vld [tilespmem:s29+$0xB030];
	v11 =	vadd.f32 v11, v6;
	[tilespmem:s29+$0x16850] =	vst v12;
	v12 =	vadd.f32 v36, v41  }
0x2af: {  	v14 =	vld [tilespmem:s29+$0x8040];
	[tilespmem:s29+$0x16860] =	vst v0;
	v10 =	vadd.f32 v10, v5  }
0x2b0: {  	v17 =	vld [tilespmem:s29+$0xB020];
	[tilespmem:s29+$0x16870] =	vst v11;
	v0 =	vmul.f32 $5.000000000e-01, v12  }
0x2b1: {  	v16 =	vld [tilespmem:s29+$0x8030];
	[tilespmem:s29+$0x16C00] =	vst v10  }
0x2b2: {  	v26 =	vadd.f32 v0, v3;
	v0 =	vld [tilespmem:$0x1FE00]  }
0x2b3: {  	v19 =	vld [tilespmem:s29+$0xB010];
	v25 =	vadd.f32 v29, v28  }
0x2b4: {  	v27 =	vadd.f32 v51, v27;
	v18 =	vld [tilespmem:s29+$0x8020]  }
0x2b5: {  	v25 =	vmul.f32 $5.000000000e-01, v25;
	v30 =	vadd.f32 v55, v53;
	v13 =	vld [tilespmem:s29+$0xB040]  }
0x2b6: {  	v29 =	vmul.f32 $5.000000000e-01, v27;
	v11 =	vld [tilespmem:s29+$0x8050];
	v12 =	vadd.f32 v59, v57  }
0x2b7: {  	s2 =	simm.s32 $0x1;
	v27 =	vmul.f32 $5.000000000e-01, v30;
	v10 =	vld [tilespmem:s29+$0xB050];
	v28 =	vadd.f32 v25, v0;
	v25 =	vadd.f32 v63, v61  }
.LBB2_5:
0x2b8: {  	_ =	sdelay $0x3  }
0x2b9: {  	v9 =	vmul.f32 $5.000000000e-01, v12;
	v0 =	vadd.f32 v29, v1;
	_ =	sdelay $0x1  }
0x2ba: {  	[tilespmem:s29+$0x16C30] =	vst v0;
	v0 =	vadd.f32 v9, v7;
	_ =	sdelay $0x1  }
0x2bb: {  	[tilespmem:s29+$0x16C50] =	vst v0;
	v0 =	vld [tilespmem:$0x1FCE0]  }
0x2bc: {  	v12 =	vadd.f32 v22, v23;
	_ =	sdelay $0x1  }
0x2bd: {  	v1 =	vld [tilespmem:$0x1FCD0];
	v7 =	vmul.f32 $5.000000000e-01, v12;
	_ =	sdelay $0x1  }
0x2be: {  	v0 =	vadd.f32 v7, v0  }
0x2bf: {  	v23 =	vmul.f32 $5.000000000e-01, v25  }
0x2c0: {  	[tilespmem:s29+$0x16C70] =	vst v0;
	v0 =	vld [tilespmem:$0x1FD00]  }
0x2c1: {  	v9 =	vadd.f32 v19, v20;
	v6 =	vadd.f32 v23, v1;
	v1 =	vld [tilespmem:$0x1FCF0]  }
0x2c2: {  	v22 =	vld [tilespmem:s29+$0x8060];
	v8 =	vadd.f32 v27, v4;
	v21 =	vadd.f32 v24, v21  }
0x2c3: {  	v24 =	vld [tilespmem:s29+$0xB060];
	v5 =	vmul.f32 $5.000000000e-01, v9  }
0x2c4: {  	v17 =	vadd.f32 v17, v18;
	v18 =	vld [tilespmem:s29+$0xB070];
	[tilespmem:s29+$0x16C40] =	vst v8;
	v8 =	vmul.f32 $5.000000000e-01, v21  }
0x2c5: {  	v12 =	vld [tilespmem:s29+$0x8070];
	v0 =	vadd.f32 v5, v0  }
0x2c6: {  	v4 =	vadd.f32 v8, v1;
	v1 =	vld [tilespmem:$0x1FD10]  }
0x2c7: {  	[tilespmem:s29+$0x17010] =	vst v0;
	v0 =	vld [tilespmem:$0x1FD20]  }
0x2c8: {  	v9 =	vld [tilespmem:s29+$0x11040];
	v7 =	vadd.f32 v15, v16  }
0x2c9: {  	[tilespmem:s29+$0x16C60] =	vst v6;
	v6 =	vmul.f32 $5.000000000e-01, v17;
	v8 =	vadd.f32 v13, v14;
	v13 =	vld [tilespmem:s29+$0x11050]  }
0x2ca: {  	[tilespmem:s29+$0x16C10] =	vst v26;
	v3 =	vmul.f32 $5.000000000e-01, v7;
	v7 =	vld [tilespmem:s29+$0x11060];
	v5 =	vadd.f32 v10, v11  }
0x2cb: {  	[tilespmem:s29+$0x17000] =	vst v4;
	v4 =	vmul.f32 $5.000000000e-01, v8;
	v8 =	vld [tilespmem:s29+$0x11070];
	v2 =	vadd.f32 v6, v1;
	v6 =	vadd.f32 v24, v22  }
0x2cc: {  	[tilespmem:s29+$0x16C20] =	vst v28;
	v1 =	vmul.f32 $5.000000000e-01, v5;
	v0 =	vadd.f32 v3, v0;
	v3 =	vadd.f32 v18, v12  }
0x2cd: {  	[tilespmem:s29+$0x17020] =	vst v2;
	v2 =	vadd.f32 v4, v9;
	v4 =	vmul.f32 $5.000000000e-01, v6  }
0x2ce: {  	[tilespmem:s29+$0x17030] =	vst v0;
	v0 =	vadd.f32 v1, v13;
	v1 =	vmul.f32 $5.000000000e-01, v3  }
0x2cf: {  	[tilespmem:s29+$0x17040] =	vst v2;
	v2 =	vadd.f32 v4, v7  }
0x2d0: {  	[tilespmem:s29+$0x17050] =	vst v0;
	v0 =	vadd.f32 v1, v8  }
0x2d1: {  	s0 =	sor.u32 s31, s30;
	[tilespmem:s29+$0x17060] =	vst v2  }
0x2d2: {  	s12 =	sor.u32 $0x4400, s0;
	[tilespmem:s29+$0x17070] =	vst v0;
	v0 =	vld [tilespmem:s29+$0x8400]  }
0x2d3: {  	v1 =	vld [tilespmem:s12+$0x7000];
	_ =	sdelay $0x3  }
0x2d4: {  	v3 =	vld [tilespmem:s29+$0x11400]  }
0x2d5: {  	s0 =	sshrl.u32 s2, $0x3;
	v0 =	vadd.f32 v1, v0  }
0x2d6: {  	s30 =	sadd.s32 $0x80, s30;
	s31 =	smul.u32 $0x1800, s0  }
0x2d7: {  	s0 =	sand.u32 $0x380, s30;
	v0 =	vmul.f32 $5.000000000e-01, v0  }
0x2d8: {  	s0 =	sor.u32 s0, s31;
	v6 =	vld [tilespmem:s29+$0x11410]  }
0x2d9: {  	v38 =	vld [tilespmem:s0+$0x10000];
	v0 =	vadd.f32 v0, v3  }
0x2da: {  	v37 =	vld [tilespmem:s0+$0x10010]  }
0x2db: {  	v3 =	vld [tilespmem:s29+$0x8410];
	[tilespmem:s29+$0x17400] =	vst v0  }
0x2dc: {  	v0 =	vld [tilespmem:s12+$0x7010]  }
0x2dd: {  	v36 =	vld [tilespmem:s0+$0x10020]  }
0x2de: {  	v35 =	vld [tilespmem:s0+$0x10030]  }
0x2df: {  	v34 =	vld [tilespmem:s0+$0x10040]  }
0x2e0: {  	v32 =	vld [tilespmem:s0+$0x10050]  }
0x2e1: {  	v31 =	vld [tilespmem:s0+$0x10060];
	v0 =	vadd.f32 v0, v3  }
0x2e2: {  	v30 =	vld [tilespmem:s0+$0x10070]  }
0x2e3: {  	v29 =	vld [tilespmem:s0+$0x10400];
	v0 =	vmul.f32 $5.000000000e-01, v0  }
0x2e4: {  	v27 =	vld [tilespmem:s0+$0x10410]  }
0x2e5: {  	v26 =	vld [tilespmem:s0+$0x10420];
	v0 =	vadd.f32 v0, v6  }
0x2e6: {  	v25 =	vld [tilespmem:s0+$0x10430]  }
0x2e7: {  	v24 =	vld [tilespmem:s0+$0x10440];
	[tilespmem:s29+$0x17410] =	vst v0  }
0x2e8: {  	v3 =	vld [tilespmem:s0+$0x10830];
	_ =	sdelay $0x4  }
0x2e9: {  	[tilespmem:$0x1FC20] =	vst v3;
	v3 =	vld [tilespmem:s0+$0x10840];
	_ =	sdelay $0x2  }
0x2ea: {  	v5 =	vld [tilespmem:s29+$0x8420]  }
0x2eb: {  	v0 =	vld [tilespmem:s12+$0x7020]  }
0x2ec: {  	[tilespmem:$0x1FC30] =	vst v3;
	v3 =	vld [tilespmem:s0+$0x10850];
	_ =	sdelay $0x1  }
0x2ed: {  	v4 =	vld [tilespmem:s29+$0x11420]  }
0x2ee: {  	v1 =	vld [tilespmem:s29+$0x8430]  }
0x2ef: {  	v23 =	vld [tilespmem:s0+$0x10450]  }
0x2f0: {  	v0 =	vadd.f32 v0, v5;
	[tilespmem:$0x1FC40] =	vst v3;
	v3 =	vld [tilespmem:s0+$0x10860]  }
0x2f1: {  	v22 =	vld [tilespmem:s0+$0x10460]  }
0x2f2: {  	v21 =	vld [tilespmem:s0+$0x10470];
	v0 =	vmul.f32 $5.000000000e-01, v0  }
0x2f3: {  	v20 =	vld [tilespmem:s0+$0x10800]  }
0x2f4: {  	v19 =	vld [tilespmem:s0+$0x10810];
	v0 =	vadd.f32 v0, v4  }
0x2f5: {  	v18 =	vld [tilespmem:s0+$0x10820];
	[tilespmem:$0x1FC50] =	vst v3  }
0x2f6: {  	v3 =	vld [tilespmem:s0+$0x10870];
	[tilespmem:s29+$0x17420] =	vst v0  }
0x2f7: {  	v0 =	vld [tilespmem:s12+$0x7030];
	_ =	sdelay $0x4  }
0x2f8: {  	v0 =	vadd.f32 v0, v1;
	v1 =	vld [tilespmem:s0+$0x10C50];
	_ =	sdelay $0x3  }
0x2f9: {  	[tilespmem:$0x1FC60] =	vst v3;
	v3 =	vld [tilespmem:s0+$0x10C00]  }
0x2fa: {  	[tilespmem:$0x1FC80] =	vst v1;
	v1 =	vld [tilespmem:s0+$0x10C60];
	_ =	sdelay $0x3  }
0x2fb: {  	[tilespmem:$0x1FC70] =	vst v3;
	v3 =	vld [tilespmem:s0+$0x10C10]  }
0x2fc: {  	[tilespmem:$0x1FCD0] =	vst v1;
	v1 =	vld [tilespmem:s0+$0x10C70];
	_ =	sdelay $0x1  }
0x2fd: {  	v33 =	vld [tilespmem:s29+$0x8470]  }
0x2fe: {  	v39 =	vld [tilespmem:s29+$0x11460]  }
0x2ff: {  	[tilespmem:$0x1FC90] =	vst v3;
	v3 =	vld [tilespmem:s0+$0x10C20]  }
0x300: {  	[tilespmem:$0x1FCE0] =	vst v1;
	v1 =	vld [tilespmem:s0+$0x11000]  }
0x301: {  	v40 =	vld [tilespmem:s29+$0x8460]  }
0x302: {  	v41 =	vld [tilespmem:s29+$0x11450]  }
0x303: {  	v2 =	vld [tilespmem:s29+$0x11430]  }
0x304: {  	[tilespmem:$0x1FCC0] =	vst v3;
	v3 =	vld [tilespmem:s0+$0x10C30]  }
0x305: {  	[tilespmem:$0x1FCF0] =	vst v1;
	v1 =	vld [tilespmem:s0+$0x11010]  }
0x306: {  	v42 =	vld [tilespmem:s29+$0x8450]  }
0x307: {  	v43 =	vld [tilespmem:s29+$0x11440];
	v0 =	vmul.f32 $5.000000000e-01, v0  }
0x308: {  	v44 =	vld [tilespmem:s29+$0x8440]  }
0x309: {  	v28 =	vld [tilespmem:s29+$0x11470];
	v0 =	vadd.f32 v0, v2;
	[tilespmem:$0x1FCA0] =	vst v3  }
0x30a: {  	v3 =	vld [tilespmem:s0+$0x10C40];
	[tilespmem:$0x1FD00] =	vst v1  }
0x30b: {  	v1 =	vld [tilespmem:s0+$0x11020];
	[tilespmem:s29+$0x17430] =	vst v0  }
0x30c: {  	v0 =	vld [tilespmem:s12+$0x7040]  }
0x30d: {  	v45 =	vld [tilespmem:s0+$0x7000]  }
0x30e: {  	v46 =	vld [tilespmem:s0+$0xA000]  }
0x30f: {  	v47 =	vld [tilespmem:s0+$0x7010]  }
0x310: {  	v48 =	vld [tilespmem:s0+$0xA010]  }
0x311: {  	v49 =	vld [tilespmem:s0+$0xA020];
	v0 =	vadd.f32 v0, v44  }
0x312: {  	v50 =	vld [tilespmem:s0+$0x7030]  }
0x313: {  	v51 =	vld [tilespmem:s0+$0xA030];
	v0 =	vmul.f32 $5.000000000e-01, v0  }
0x314: {  	v52 =	vld [tilespmem:s0+$0xA040]  }
0x315: {  	[tilespmem:$0x1FD10] =	vst v1;
	v1 =	vld [tilespmem:s0+$0x11030];
	v0 =	vadd.f32 v0, v43  }
0x316: {  	v44 =	vld [tilespmem:s0+$0x7020]  }
0x317: {  	v43 =	vld [tilespmem:s0+$0x7040];
	[tilespmem:s29+$0x17440] =	vst v0  }
0x318: {  	v0 =	vld [tilespmem:s12+$0x7050]  }
0x319: {  	v53 =	vld [tilespmem:s0+$0x7050]  }
0x31a: {  	v54 =	vld [tilespmem:s0+$0xA050]  }
0x31b: {  	v55 =	vld [tilespmem:s0+$0x7060]  }
0x31c: {  	v56 =	vld [tilespmem:s0+$0xA060]  }
0x31d: {  	v57 =	vld [tilespmem:s0+$0x7070];
	v0 =	vadd.f32 v0, v42  }
0x31e: {  	v58 =	vld [tilespmem:s0+$0x7400]  }
0x31f: {  	v59 =	vld [tilespmem:s0+$0xA400];
	v0 =	vmul.f32 $5.000000000e-01, v0  }
0x320: {  	v60 =	vld [tilespmem:s0+$0x7410]  }
0x321: {  	v61 =	vld [tilespmem:s0+$0x7420];
	v0 =	vadd.f32 v0, v41  }
0x322: {  	v42 =	vld [tilespmem:s0+$0xA070]  }
0x323: {  	v41 =	vld [tilespmem:s0+$0xA410];
	[tilespmem:s29+$0x17450] =	vst v0  }
0x324: {  	v0 =	vld [tilespmem:s12+$0x7060]  }
0x325: {  	v62 =	vld [tilespmem:s0+$0xA420]  }
0x326: {  	v63 =	vld [tilespmem:s0+$0x7430]  }
0x327: {  	[tilespmem:$0x1FD20] =	vst v1;
	v1 =	vld [tilespmem:s0+$0xA430]  }
0x328: {  	v2 =	vld [tilespmem:s0+$0x7440]  }
0x329: {  	[tilespmem:$0x1FCB0] =	vst v3;
	v3 =	vld [tilespmem:s0+$0xA440];
	v0 =	vadd.f32 v0, v40  }
0x32a: {  	v4 =	vld [tilespmem:s0+$0xA450]  }
0x32b: {  	v5 =	vld [tilespmem:s0+$0x7460];
	v0 =	vmul.f32 $5.000000000e-01, v0  }
0x32c: {  	v6 =	vld [tilespmem:s0+$0xA460]  }
0x32d: {  	v7 =	vld [tilespmem:s0+$0xA470];
	v0 =	vadd.f32 v0, v39  }
0x32e: {  	v40 =	vld [tilespmem:s0+$0x7450]  }
0x32f: {  	v39 =	vld [tilespmem:s0+$0x7470];
	[tilespmem:s29+$0x17460] =	vst v0  }
0x330: {  	v0 =	vld [tilespmem:s12+$0x7070]  }
0x331: {  	v8 =	vld [tilespmem:s0+$0x7800]  }
0x332: {  	v9 =	vld [tilespmem:s0+$0xA800]  }
0x333: {  	v11 =	vld [tilespmem:s0+$0x7810]  }
0x334: {  	v10 =	vld [tilespmem:s0+$0xA810]  }
0x335: {  	v13 =	vld [tilespmem:s0+$0x7820];
	v0 =	vadd.f32 v0, v33  }
0x336: {  	v14 =	vld [tilespmem:s0+$0x7830]  }
0x337: {  	v12 =	vld [tilespmem:s0+$0xA830];
	v0 =	vmul.f32 $5.000000000e-01, v0  }
0x338: {  	v15 =	vld [tilespmem:s0+$0x7840]  }
0x339: {  	v16 =	vld [tilespmem:s0+$0x7850];
	v0 =	vadd.f32 v0, v28  }
0x33a: {  	v45 =	vadd.f32 v46, v45;
	v33 =	vld [tilespmem:s0+$0xA820]  }
0x33b: {  	v47 =	vadd.f32 v48, v47;
	v28 =	vld [tilespmem:s0+$0xA840];
	[tilespmem:s29+$0x17470] =	vst v0;
	s29 =	smov.u32 s0  }
0x33c: {  	v45 =	vmul.f32 $5.000000000e-01, v45;
	v1 =	vadd.f32 v1, v63;
	v0 =	vld [tilespmem:s29+$0xA850]  }
0x33d: {  	v50 =	vadd.f32 v51, v50;
	v47 =	vmul.f32 $5.000000000e-01, v47;
	v44 =	vadd.f32 v49, v44;
	v17 =	vld [tilespmem:s29+$0x7860]  }
0x33e: {  	v38 =	vadd.f32 v45, v38;
	v1 =	vmul.f32 $5.000000000e-01, v1;
	v4 =	vadd.f32 v4, v40;
	v46 =	vld [tilespmem:s29+$0xA860]  }
0x33f: {  	v37 =	vadd.f32 v47, v37;
	v44 =	vmul.f32 $5.000000000e-01, v44;
	v43 =	vadd.f32 v52, v43;
	v48 =	vld [tilespmem:s29+$0x7870]  }
0x340: {  	v1 =	vadd.f32 v1, v25;
	v4 =	vmul.f32 $5.000000000e-01, v4;
	v7 =	vadd.f32 v7, v39;
	v49 =	vld [tilespmem:s29+$0xA870]  }
0x341: {  	v47 =	vmul.f32 $5.000000000e-01, v50;
	v36 =	vadd.f32 v44, v36;
	v50 =	vadd.f32 v54, v53;
	v51 =	vld [tilespmem:s29+$0x7C00]  }
0x342: {  	v45 =	vld [tilespmem:s29+$0xAC00];
	[tilespmem:s29+$0x16430] =	vst v1;
	v1 =	vadd.f32 v4, v23;
	v4 =	vmul.f32 $5.000000000e-01, v7;
	v7 =	vadd.f32 v10, v11  }
0x343: {  	v54 =	vmul.f32 $5.000000000e-01, v43;
	v55 =	vadd.f32 v56, v55;
	v56 =	vmul.f32 $5.000000000e-01, v50;
	v52 =	vld [tilespmem:s29+$0x7C10]  }
0x344: {  	v42 =	vadd.f32 v42, v57;
	v44 =	vld [tilespmem:s29+$0xAC10];
	[tilespmem:s29+$0x16450] =	vst v1;
	v1 =	vadd.f32 v4, v21;
	v4 =	vmul.f32 $5.000000000e-01, v7  }
0x345: {  	v34 =	vadd.f32 v54, v34;
	v53 =	vmul.f32 $5.000000000e-01, v55;
	v32 =	vadd.f32 v56, v32;
	v50 =	vld [tilespmem:s29+$0x7C20]  }
0x346: {  	v56 =	vmul.f32 $5.000000000e-01, v42;
	v2 =	vadd.f32 v3, v2;
	v55 =	vld [tilespmem:s29+$0xAC20];
	[tilespmem:s29+$0x16470] =	vst v1;
	v1 =	vadd.f32 v4, v19  }
0x347: {  	v54 =	vadd.f32 v59, v58;
	v57 =	vadd.f32 v41, v60;
	v58 =	vld [tilespmem:s29+$0x7C30]  }
0x348: {  	v30 =	vadd.f32 v56, v30;
	v5 =	vadd.f32 v6, v5;
	v2 =	vmul.f32 $5.000000000e-01, v2;
	[tilespmem:s29+$0x16810] =	vst v1;
	v1 =	vld [tilespmem:$0x1FC20]  }
0x349: {  	v60 =	vadd.f32 v62, v61;
	v61 =	vld [tilespmem:s29+$0xAC30];
	v7 =	vadd.f32 v12, v14  }
0x34a: {  	v5 =	vmul.f32 $5.000000000e-01, v5;
	v2 =	vadd.f32 v2, v24;
	v8 =	vadd.f32 v9, v8;
	v63 =	vld [tilespmem:s29+$0x7C40]  }
0x34b: {  	v3 =	vld [tilespmem:s29+$0xAC40];
	[tilespmem:s29+$0x16070] =	vst v30;
	v4 =	vmul.f32 $5.000000000e-01, v7  }
0x34c: {  	v30 =	vld [tilespmem:s29+$0x7C50];
	[tilespmem:s29+$0x16440] =	vst v2;
	v2 =	vadd.f32 v5, v22;
	v5 =	vmul.f32 $5.000000000e-01, v8;
	v8 =	vadd.f32 v33, v13  }
0x34d: {  	v6 =	vld [tilespmem:s29+$0xAC50];
	v1 =	vadd.f32 v4, v1  }
0x34e: {  	v25 =	vld [tilespmem:s29+$0x7C60];
	[tilespmem:s29+$0x16460] =	vst v2;
	v2 =	vadd.f32 v5, v20;
	v5 =	vmul.f32 $5.000000000e-01, v8  }
0x34f: {  	[tilespmem:s29+$0x16830] =	vst v1;
	v1 =	vld [tilespmem:$0x1FC40]  }
0x350: {  	v9 =	vld [tilespmem:s29+$0xAC60];
	[tilespmem:s29+$0x16800] =	vst v2;
	v2 =	vadd.f32 v5, v18;
	v0 =	vadd.f32 v0, v16  }
0x351: {  	v23 =	vld [tilespmem:s29+$0x7C70]  }
0x352: {  	[tilespmem:s29+$0x16820] =	vst v2;
	v2 =	vld [tilespmem:$0x1FC30];
	v0 =	vmul.f32 $5.000000000e-01, v0  }
0x353: {  	v22 =	vld [tilespmem:s29+$0xAC70];
	v8 =	vadd.f32 v28, v15  }
0x354: {  	v24 =	vld [tilespmem:s29+$0xB000];
	v0 =	vadd.f32 v0, v1  }
0x355: {  	v13 =	vld [tilespmem:s29+$0xB040];
	v5 =	vmul.f32 $5.000000000e-01, v8  }
0x356: {  	[tilespmem:s29+$0x16850] =	vst v0;
	v0 =	vld [tilespmem:$0x1FC60]  }
0x357: {  	v11 =	vld [tilespmem:s29+$0x8050];
	v4 =	vadd.f32 v49, v48;
	v2 =	vadd.f32 v5, v2  }
0x358: {  	v10 =	vld [tilespmem:s29+$0xB050]  }
0x359: {  	[tilespmem:s29+$0x16840] =	vst v2;
	v2 =	vld [tilespmem:$0x1FC50];
	v1 =	vmul.f32 $5.000000000e-01, v4  }
0x35a: {  	v21 =	vld [tilespmem:s29+$0x8000];
	v7 =	vadd.f32 v46, v17  }
0x35b: {  	[tilespmem:s29+$0x16000] =	vst v38;
	v20 =	vld [tilespmem:s29+$0x8010];
	v0 =	vadd.f32 v1, v0  }
0x35c: {  	v31 =	vadd.f32 v53, v31;
	[tilespmem:s29+$0x16010] =	vst v37;
	v15 =	vld [tilespmem:s29+$0xB030];
	v5 =	vmul.f32 $5.000000000e-01, v7  }
0x35d: {  	[tilespmem:s29+$0x16870] =	vst v0;
	v0 =	vld [tilespmem:$0x1FC90]  }
0x35e: {  	[tilespmem:s29+$0x16060] =	vst v31;
	v31 =	vmul.f32 $5.000000000e-01, v60;
	v14 =	vld [tilespmem:s29+$0x8040];
	v4 =	vadd.f32 v44, v52;
	v2 =	vadd.f32 v5, v2  }
0x35f: {  	v35 =	vadd.f32 v47, v35;
	[tilespmem:s29+$0x16020] =	vst v36;
	v19 =	vld [tilespmem:s29+$0xB010]  }
0x360: {  	v26 =	vadd.f32 v31, v26;
	[tilespmem:s29+$0x16860] =	vst v2;
	v2 =	vld [tilespmem:$0x1FC70];
	v1 =	vmul.f32 $5.000000000e-01, v4  }
0x361: {  	v59 =	vmul.f32 $5.000000000e-01, v54;
	[tilespmem:s29+$0x16030] =	vst v35;
	v18 =	vld [tilespmem:s29+$0x8020];
	v7 =	vadd.f32 v45, v51  }
0x362: {  	p0 =	sne.s32 s2, $0xF;
	v62 =	vmul.f32 $5.000000000e-01, v57;
	[tilespmem:s29+$0x16420] =	vst v26;
	v26 =	vadd.f32 v1, v0;
	v0 =	vld [tilespmem:$0x1FCC0]  }
.Ltmp3:
0x363: {  	v29 =	vadd.f32 v59, v29;
	[tilespmem:s29+$0x16040] =	vst v34;
	v17 =	vld [tilespmem:s29+$0xB020];
	v5 =	vmul.f32 $5.000000000e-01, v7;
	v7 =	vadd.f32 v55, v50;
	(pc) =	sbr.rel @p0 .LBB2_5-.Ltmp3, $4  }
0x364: {  	v27 =	vadd.f32 v62, v27;
	[tilespmem:s29+$0x16050] =	vst v32;
	v16 =	vld [tilespmem:s29+$0x8030];
	v4 =	vadd.f32 v61, v58  }
0x365: {  	[tilespmem:s29+$0x16400] =	vst v29;
	v3 =	vadd.f32 v3, v63;
	v2 =	vadd.f32 v5, v2;
	v5 =	vmul.f32 $5.000000000e-01, v7;
	v7 =	vld [tilespmem:$0x1FC80]  }
0x366: {  	[tilespmem:s29+$0x16410] =	vst v27;
	v12 =	vadd.f32 v6, v30;
	v29 =	vmul.f32 $5.000000000e-01, v4;
	v4 =	vld [tilespmem:$0x1FCB0]  }
0x367: {  	s2 =	sadd.s32 $0x1, s2;
	v25 =	vadd.f32 v9, v25;
	v27 =	vmul.f32 $5.000000000e-01, v3;
	[tilespmem:s29+$0x16C00] =	vst v2;
	v1 =	vld [tilespmem:$0x1FCA0];
	v28 =	vadd.f32 v5, v0  }
0x368: {  	_ =	sdelay $0x2  }
0x369: {  	[tilespmem:s29+$0x16C10] =	vst v26;
	v3 =	vmul.f32 $5.000000000e-01, v12;
	v4 =	vadd.f32 v27, v4  }
0x36a: {  	[tilespmem:s29+$0x16C20] =	vst v28;
	v1 =	vadd.f32 v29, v1  }
0x36b: {  	v3 =	vadd.f32 v3, v7;
	[tilespmem:s29+$0x16C40] =	vst v4  }
0x36c: {  	[tilespmem:s29+$0x16C30] =	vst v1  }
0x36d: {  	v8 =	vld [tilespmem:$0x1FCD0];
	[tilespmem:s29+$0x16C50] =	vst v3  }
0x36e: {  	v9 =	vld [tilespmem:$0x1FCE0]  }
0x36f: {  	v5 =	vadd.f32 v22, v23  }
0x370: {  	v6 =	vmul.f32 $5.000000000e-01, v25  }
0x371: {  	v5 =	vmul.f32 $5.000000000e-01, v5  }
0x372: {  	v6 =	vadd.f32 v6, v8  }
0x373: {  	v0 =	vld [tilespmem:s29+$0x8060];
	v5 =	vadd.f32 v5, v9  }
0x374: {  	v2 =	vld [tilespmem:s29+$0xB060];
	[tilespmem:s29+$0x16C60] =	vst v6  }
0x375: {  	v38 =	vld [tilespmem:$0x1FCF0];
	[tilespmem:s29+$0x16C70] =	vst v5  }
0x376: {  	v33 =	vadd.f32 v24, v21;
	v41 =	vld [tilespmem:$0x1FD00]  }
0x377: {  	v31 =	vld [tilespmem:s29+$0x8070];
	v35 =	vadd.f32 v19, v20  }
0x378: {  	v32 =	vld [tilespmem:s29+$0xB070];
	v7 =	vmul.f32 $5.000000000e-01, v33  }
0x379: {  	v34 =	vld [tilespmem:s29+$0x11040];
	v8 =	vmul.f32 $5.000000000e-01, v35  }
0x37a: {  	v36 =	vld [tilespmem:s29+$0x11050];
	v13 =	vadd.f32 v13, v14;
	v7 =	vadd.f32 v7, v38  }
0x37b: {  	v39 =	vld [tilespmem:s29+$0x11060];
	v10 =	vadd.f32 v10, v11;
	v8 =	vadd.f32 v8, v41  }
0x37c: {  	v42 =	vld [tilespmem:s29+$0x11070];
	v45 =	vmul.f32 $5.000000000e-01, v13;
	v0 =	vadd.f32 v2, v0;
	[tilespmem:s29+$0x17000] =	vst v7  }
0x37d: {  	v48 =	vmul.f32 $5.000000000e-01, v10;
	v1 =	vadd.f32 v32, v31;
	v43 =	vld [tilespmem:$0x1FD10];
	[tilespmem:s29+$0x17010] =	vst v8  }
0x37e: {  	v37 =	vadd.f32 v17, v18;
	v3 =	vadd.f32 v45, v34;
	v0 =	vmul.f32 $5.000000000e-01, v0;
	v46 =	vld [tilespmem:$0x1FD20]  }
0x37f: {  	v40 =	vadd.f32 v15, v16;
	v2 =	vadd.f32 v48, v36;
	v1 =	vmul.f32 $5.000000000e-01, v1  }
0x380: {  	v0 =	vadd.f32 v0, v39;
	v9 =	vmul.f32 $5.000000000e-01, v37;
	[tilespmem:s29+$0x17040] =	vst v3  }
0x381: {  	v12 =	vmul.f32 $5.000000000e-01, v40;
	v1 =	vadd.f32 v1, v42;
	[tilespmem:s29+$0x17050] =	vst v2  }
0x382: {  	[tilespmem:s29+$0x17060] =	vst v0;
	v9 =	vadd.f32 v9, v43  }
0x383: {  	[tilespmem:s29+$0x17070] =	vst v1;
	v12 =	vadd.f32 v12, v46  }
0x384: {  	s0 =	sor.u32 s31, s30;
	[tilespmem:s29+$0x17020] =	vst v9  }
0x385: {  	v53 =	vld [tilespmem:s29+$0x8400];
	s0 =	sor.u32 $0x4400, s0;
	[tilespmem:s29+$0x17030] =	vst v12  }
0x386: {  	v54 =	vld [tilespmem:s0+$0x7000];
	_ =	sdelay $0x3  }
0x387: {  	v57 =	vld [tilespmem:s29+$0x11400]  }
0x388: {  	v1 =	vadd.f32 v54, v53;
	_ =	sdelay $0x1  }
0x389: {  	v1 =	vmul.f32 $5.000000000e-01, v1;
	_ =	sdelay $0x1  }
0x38a: {  	v1 =	vadd.f32 v1, v57;
	_ =	sdelay $0x1  }
0x38b: {  	v63 =	vld [tilespmem:s29+$0x8410];
	[tilespmem:s29+$0x17400] =	vst v1  }
0x38c: {  	v1 =	vld [tilespmem:s0+$0x7010];
	_ =	sdelay $0x3  }
0x38d: {  	v62 =	vld [tilespmem:s29+$0x11410]  }
0x38e: {  	v1 =	vadd.f32 v1, v63;
	_ =	sdelay $0x1  }
0x38f: {  	v1 =	vmul.f32 $5.000000000e-01, v1;
	_ =	sdelay $0x1  }
0x390: {  	v1 =	vadd.f32 v1, v62;
	_ =	sdelay $0x1  }
0x391: {  	v61 =	vld [tilespmem:s29+$0x8420];
	[tilespmem:s29+$0x17410] =	vst v1  }
0x392: {  	v1 =	vld [tilespmem:s0+$0x7020];
	_ =	sdelay $0x3  }
0x393: {  	v60 =	vld [tilespmem:s29+$0x11420]  }
0x394: {  	v1 =	vadd.f32 v1, v61;
	_ =	sdelay $0x1  }
0x395: {  	v1 =	vmul.f32 $5.000000000e-01, v1;
	_ =	sdelay $0x1  }
0x396: {  	v1 =	vadd.f32 v1, v60;
	_ =	sdelay $0x1  }
0x397: {  	v59 =	vld [tilespmem:s29+$0x8430];
	[tilespmem:s29+$0x17420] =	vst v1  }
0x398: {  	v1 =	vld [tilespmem:s0+$0x7030];
	_ =	sdelay $0x3  }
0x399: {  	v58 =	vld [tilespmem:s29+$0x11430]  }
0x39a: {  	v1 =	vadd.f32 v1, v59;
	_ =	sdelay $0x1  }
0x39b: {  	v1 =	vmul.f32 $5.000000000e-01, v1;
	_ =	sdelay $0x1  }
0x39c: {  	v1 =	vadd.f32 v1, v58;
	_ =	sdelay $0x1  }
0x39d: {  	v56 =	vld [tilespmem:s29+$0x8440];
	[tilespmem:s29+$0x17430] =	vst v1  }
0x39e: {  	v1 =	vld [tilespmem:s0+$0x7040];
	_ =	sdelay $0x3  }
0x39f: {  	v55 =	vld [tilespmem:s29+$0x11440]  }
0x3a0: {  	v1 =	vadd.f32 v1, v56;
	_ =	sdelay $0x1  }
0x3a1: {  	v1 =	vmul.f32 $5.000000000e-01, v1;
	_ =	sdelay $0x1  }
0x3a2: {  	v1 =	vadd.f32 v1, v55;
	_ =	sdelay $0x1  }
0x3a3: {  	v52 =	vld [tilespmem:s29+$0x8450];
	[tilespmem:s29+$0x17440] =	vst v1  }
0x3a4: {  	v1 =	vld [tilespmem:s0+$0x7050];
	_ =	sdelay $0x3  }
0x3a5: {  	v51 =	vld [tilespmem:s29+$0x11450]  }
0x3a6: {  	v0 =	vadd.f32 v1, v52;
	_ =	sdelay $0x1  }
0x3a7: {  	v0 =	vmul.f32 $5.000000000e-01, v0;
	_ =	sdelay $0x1  }
0x3a8: {  	v0 =	vadd.f32 v0, v51;
	_ =	sdelay $0x1  }
0x3a9: {  	v50 =	vld [tilespmem:s29+$0x8460];
	[tilespmem:s29+$0x17450] =	vst v0  }
0x3aa: {  	v0 =	vld [tilespmem:s0+$0x7060];
	_ =	sdelay $0x3  }
0x3ab: {  	v49 =	vld [tilespmem:s29+$0x11460]  }
0x3ac: {  	v0 =	vadd.f32 v0, v50;
	_ =	sdelay $0x1  }
0x3ad: {  	v0 =	vmul.f32 $5.000000000e-01, v0;
	_ =	sdelay $0x1  }
0x3ae: {  	v0 =	vadd.f32 v0, v49;
	_ =	sdelay $0x1  }
0x3af: {  	v47 =	vld [tilespmem:s29+$0x8470];
	[tilespmem:s29+$0x17460] =	vst v0  }
0x3b0: {  	v0 =	vld [tilespmem:s0+$0x7070];
	_ =	sdelay $0x3  }
0x3b1: {  	v44 =	vld [tilespmem:s29+$0x11470]  }
0x3b2: {  	v0 =	vadd.f32 v0, v47;
	_ =	sdelay $0x1  }
0x3b3: {  	v0 =	vmul.f32 $5.000000000e-01, v0  }
.Ltmp4:
0x3b4: {  	s31 =	sadd.s32 s6, s28;
	(pc) =	sbr.rel @p1 .LBB2_8-.Ltmp4, $3  }
0x3b5: {  	s0 =	smul.u32 $0x600, s31;
	v0 =	vadd.f32 v0, v44;
	_ =	sdelay $0x1  }
0x3b6: {  	s0 =	sadd.s32 s4, s0;
	[tilespmem:s29+$0x17470] =	vst v0  }
0x3b7: {  	[hbm4b:s0+s5] =	stream.linear.scatter [tilespmem:s21], [sflag:$0x6], $0x3000, $0x38;
	[tilespmem:$0x19000] =	vst v63  }
0x3b8: {  	s0 =	sadd.s32 $0x3, s26  }
0x3b9: {  	s2 =	sshll.u32 s0, $0x7  }
0x3ba: {  	s2 =	sand.u32 $0x3FFFFF80, s2  }
0x3bb: {  	v0 =	vld.msk [tilespmem:s2+$0x0], $0x3;
	_ =	sdelay $0x4  }
0x3bc: {  	v0 =	vmul.u32 $0x3000, v0  }
0x3bd: {  	v1 =	vlaneseq.u32  }
0x3be: {  	v0 =	vperm.xlane v0, v1;
	_ =	sdelay $0x3  }
.Ltmp5:
0x3bf: {  	s0 =	sadd.s32 s6, s0;
	(pc) =	sbr.rel .LBB2_2-.Ltmp5, $4  }
0x3c0: {  	s0 =	smul.u32 $0x600, s0  }
0x3c1: {  	[tilespmem:s14], [sflag:$0x2] =	stream.indirect_vreg.gather [hbm4b:s1+s5], $0x3000, v0, vm0, $0x38;
	[tilespmem:$0x19000] =	vst v63  }
0x3c2: {  	s25 =	sadd.s32 $0x1, s25;
	s0 =	sadd.s32 s3, s0  }
0x3c3: {  	[tilespmem:s15], [sflag:$0x4] =	stream.linear.gather [hbm4b:s0+s5], $0x3000, $0x38;
	[tilespmem:$0x19000] =	vst v63  }
.LBB2_9:
0x3c4: {  	_ =	sfence.sel $0x180000  }
0x3c5: {  	[bflag:$0x0] =	sbarrier.arrive $0xFFFF  }
0x3c6: {  	_ =	strace $0x90000047  }
0x3c7: {  	s0 =	stileid.u32;
	[bflag:$0x2] =	sbarrier.arrive $0xFFFF  }
0x3c8: {  	p0 =	sne.s32 s0, $0x0;
	s0 =	rddreg [dreg:$0x4]  }
0x3c9: {  	s0 =	sadd.s32 @!p0 $0x100000, s0  }
0x3ca: {  	[sflag:s0] =	ssyncadd.tile.s32 @!p0 $0x1;
	_ =	shalt  }
.Lfunc_end2:
_tile_overlayer_lowered:
.L_overlay_start_2:
0x3cb: {  	(tag) =	ssettag $0x2  }
0x3cc: {  	s0 =	rddreg [dreg:$0x0];
	s2 =	stileid.u32  }
0x3cd: {  	s1 =	rddreg [dreg:$0x1];
	p0 =	sne.s32 s2, $0x0  }
0x3ce: {  	s3 =	rddreg [dreg:$0x2];
	[bflag:$0x3] =	sbarrier.arrive $0xFFFF;
	s2 =	simm.s32 @!p0 $0x1C07  }
0x3cf: {  	[timem:s3], [sflag:s2] =	dma.local @!p0 [hbm:s0], s1  }
0x3d0: {  	s0 =	simm.s32 @!p0 $0x7  }
0x3d1: {  	_ =	swait.ge @!p0 [sflag:s0], s1  }
0x3d2: {  	s1 =	ssub.s32 @!p0 $0x0, s1;
	[sflag:s0] =	ssyncset.done @!p0 $0x0  }
0x3d3: {  	[sflag:s0] =	ssyncadd.s32 @!p0 s1  }
0x3d4: {  	[bflag:$0x3] =	sbarrier.arrive $0xFFFF  }
0x3d5: {  	_ =	shalt  }

</sc_bundles>
